<compile_context>
chip_gen: v7x
topology: tpu7x:2x2x1
jax: 0.10.2.dev20260603
libtpu: 0.0.44.dev20260713+nightly
codegen_flags: <defaults>
</compile_context>

<pallas_src>
import functools

import jax
import jax.numpy as jnp
from jax import lax
from jax.experimental import pallas as pl
from jax.experimental.pallas import tpu as pltpu, tpu_sc as plsc

N = 10000
E = 320000
HID = 128
HEADS = 8
HP = 16
CW = HID + HP
DH = 16
OUT = 64

NPAD = 10112
ROWS_PER_TILE = NPAD // 16
K = 48
TILES = 32
NBUF = 2
CHUNKS = 210
NOUTER = CHUNKS // NBUF
EPAD = TILES * K * CHUNKS
BLK = 1000
GRID = N // BLK



def _prologue_body(x_ref, w0_ref, b0_ref, wl_ref, wr_ref, att_ref, xl_ref, xrp_ref):
    h = jnp.dot(x_ref[...], w0_ref[...], preferred_element_type=jnp.float32) + b0_ref[...]
    xl_ref[...] = jnp.dot(h, wl_ref[...], preferred_element_type=jnp.float32)
    xrp_ref[...] = jnp.dot(h, wr_ref[...], preferred_element_type=jnp.float32) * att_ref[...]


_prologue = pl.pallas_call(
    _prologue_body,
    grid=(GRID,),
    in_specs=[
        pl.BlockSpec((BLK, HID), lambda i: (i, 0)),
        pl.BlockSpec((HID, HID), lambda i: (0, 0)),
        pl.BlockSpec((1, HID), lambda i: (0, 0)),
        pl.BlockSpec((HID, HID), lambda i: (0, 0)),
        pl.BlockSpec((HID, HID), lambda i: (0, 0)),
        pl.BlockSpec((1, HID), lambda i: (0, 0)),
    ],
    out_specs=[pl.BlockSpec((BLK, HID), lambda i: (i, 0)),
               pl.BlockSpec((BLK, HID), lambda i: (i, 0))],
    out_shape=[jax.ShapeDtypeStruct((N, HID), jnp.float32)] * 2,
)


def _elu(v):
    return jnp.where(v > 0, v, jnp.exp(jnp.minimum(v, 0.0)) - 1.0)


def _node_update(acc_ref, bmat_ref, b_ref):
    a = acc_ref[0] + acc_ref[1]
    msg = a[:, :HID]
    d = a[:, HID:]
    d128 = jnp.dot(d, bmat_ref[...], preferred_element_type=jnp.float32)
    return _elu(msg / (d128 + 1e-16) + b_ref[...])


def _mid_body(acc_ref, bmat_ref, b_ref, wl_ref, wr_ref, att_ref,
              xl_ref, xrp_ref):
    h = _node_update(acc_ref, bmat_ref, b_ref)
    xl_ref[...] = jnp.dot(h, wl_ref[...], preferred_element_type=jnp.float32)
    xrp_ref[...] = jnp.dot(h, wr_ref[...], preferred_element_type=jnp.float32) * att_ref[...]


_mid = pl.pallas_call(
    _mid_body,
    grid=(GRID,),
    in_specs=[
        pl.BlockSpec((2, BLK, CW), lambda i: (0, i, 0)),
        pl.BlockSpec((HP, HID), lambda i: (0, 0)),
        pl.BlockSpec((1, HID), lambda i: (0, 0)),
        pl.BlockSpec((HID, HID), lambda i: (0, 0)),
        pl.BlockSpec((HID, HID), lambda i: (0, 0)),
        pl.BlockSpec((1, HID), lambda i: (0, 0)),
    ],
    out_specs=[pl.BlockSpec((BLK, HID), lambda i: (i, 0)),
               pl.BlockSpec((BLK, HID), lambda i: (i, 0))],
    out_shape=[jax.ShapeDtypeStruct((N, HID), jnp.float32)] * 2,
)


def _epilogue_body(acc_ref, bmat_ref, b_ref, w1_ref, b1_ref, out_ref):
    h = _node_update(acc_ref, bmat_ref, b_ref)
    o = jnp.dot(h, w1_ref[...], preferred_element_type=jnp.float32) + b1_ref[...]
    m = jnp.max(o, axis=1, keepdims=True)
    s = o - m
    out_ref[...] = s - jnp.log(jnp.sum(jnp.exp(s), axis=1, keepdims=True))


_epilogue = pl.pallas_call(
    _epilogue_body,
    grid=(GRID,),
    in_specs=[
        pl.BlockSpec((2, BLK, CW), lambda i: (0, i, 0)),
        pl.BlockSpec((HP, HID), lambda i: (0, 0)),
        pl.BlockSpec((1, HID), lambda i: (0, 0)),
        pl.BlockSpec((HID, OUT), lambda i: (0, 0)),
        pl.BlockSpec((1, OUT), lambda i: (0, 0)),
    ],
    out_specs=pl.BlockSpec((BLK, OUT), lambda i: (i, 0)),
    out_shape=jax.ShapeDtypeStruct((N, OUT), jnp.float32),
)



def _edge_body(xl_hbm, xrp_hbm, src_hbm, dst_hbm, attv_hbm, cv_hbm,
               zc_hbm, acc_out,
               accum_sh, attv_v, cv_v,
               src_v0, dst_v0, xlr0, xrr0, cmb0,
               src_v1, dst_v1, xlr1, xrr1, cmb1,
               semg0, sems0, semg1, sems1):
    cid = lax.axis_index("c")
    sid = lax.axis_index("s")
    wid = cid * 16 + sid
    r0 = sid * ROWS_PER_TILE
    pltpu.sync_copy(zc_hbm.at[pl.ds(r0, ROWS_PER_TILE)],
                    accum_sh.at[pl.ds(r0, ROWS_PER_TILE)])
    pltpu.sync_copy(attv_hbm, attv_v)
    pltpu.sync_copy(cv_hbm, cv_v)
    plsc.subcore_barrier()

    att16 = [attv_v[pl.ds(16 * h, 16)] for h in range(HEADS)]
    c16 = [cv_v[pl.ds(16 * h, 16)] for h in range(HEADS)]
    lane = lax.iota(jnp.int32, 16)
    idxfix = (((lane & 1) << 2) | (lane & 2) | ((lane & 4) >> 2)) << 1
    ebase = wid * (CHUNKS * K)

    bufs = ((src_v0, dst_v0, xlr0, xrr0, cmb0, semg0, sems0),
            (src_v1, dst_v1, xlr1, xrr1, cmb1, semg1, sems1))

    def issue_gather(k, b):
        sv, dv, xl_b, xr_b, _, sg, _ = bufs[b]
        e0 = ebase + k * K
        pltpu.sync_copy(src_hbm.at[pl.ds(e0, K)], sv)
        pltpu.sync_copy(dst_hbm.at[pl.ds(e0, K)], dv)
        pltpu.async_copy(xl_hbm.at[sv], xl_b, sg)
        pltpu.async_copy(xrp_hbm.at[dv], xr_b, sg)

    def wait_gather(b):
        sv, dv, xl_b, xr_b, _, sg, _ = bufs[b]
        pltpu.make_async_copy(xl_hbm.at[sv], xl_b, sg).wait()
        pltpu.make_async_copy(xrp_hbm.at[dv], xr_b, sg).wait()

    def issue_scatter(b):
        _, dv, _, _, cmb_b, _, ss = bufs[b]
        pltpu.async_copy(cmb_b, accum_sh.at[dv], ss, add=True)

    def wait_scatter(b):
        _, dv, _, _, cmb_b, _, ss = bufs[b]
        pltpu.make_async_copy(cmb_b, accum_sh.at[dv], ss).wait()

    def compute(b):
        _, _, xlr, xrr, cmb, _, _ = bufs[b]

        @plsc.parallel_loop(0, K, unroll=2)
        def _(e):
            xlvs = []
            terms = []
            for h in range(HEADS):
                xlv = xlr[e, pl.ds(16 * h, 16)]
                xlvs.append(xlv)
                xrv = xrr[e, pl.ds(16 * h, 16)]
                zp = att16[h] * xlv + xrv
                terms.append(0.6 * zp + c16[h] * jnp.abs(zp))
            u = [t + t[lane ^ 8] for t in terms]
            m = [jnp.where(lane < 8, u[2 * p], u[2 * p + 1]) for p in range(4)]
            mr = [v + v[lane ^ 4] for v in m]
            w = [jnp.where(lane % 8 < 4, mr[0], mr[1]),
                 jnp.where(lane % 8 < 4, mr[2], mr[3])]
            wr = [v + v[lane ^ 2] for v in w]
            x = jnp.where(lane % 4 < 2, wr[0], wr[1])
            y = x + x[lane ^ 1]
            logit = y[idxfix]
            exvec = jnp.exp(logit)
            for h in range(HEADS):
                cmb[e, pl.ds(16 * h, 16)] = exvec[h] * xlvs[h]
            cmb[e, pl.ds(HID, 16)] = exvec

    issue_gather(0, 0)

    def outer(j, carry):
        for b in range(NBUF):
            nb = (b + 1) % NBUF
            if b == NBUF - 1:
                @pl.when(j < NOUTER - 1)
                def _():
                    wait_scatter(nb)
                    issue_gather(NBUF * j + b + 1, nb)
            else:
                @pl.when(j > 0)
                def _():
                    wait_scatter(nb)
                issue_gather(NBUF * j + b + 1, nb)
            wait_gather(b)
            compute(b)
            issue_scatter(b)
        return carry

    lax.fori_loop(0, NOUTER, outer, 0)
    for b in range(NBUF):
        wait_scatter(b)
    plsc.subcore_barrier()
    pltpu.sync_copy(accum_sh.at[pl.ds(r0, ROWS_PER_TILE)],
                    acc_out.at[cid, pl.ds(r0, ROWS_PER_TILE)])


_edge_sc = functools.partial(
    pl.kernel,
    mesh=plsc.VectorSubcoreMesh(core_axis_name="c", subcore_axis_name="s"),
    compiler_params=pltpu.CompilerParams(use_tc_tiling_on_sc=False),
    out_type=jax.ShapeDtypeStruct((2, NPAD, CW), jnp.float32),
    scratch_types=(
        [pltpu.VMEM_SHARED((NPAD, CW), jnp.float32),
         pltpu.VMEM((HID,), jnp.float32),
         pltpu.VMEM((HID,), jnp.float32)]
        + [pltpu.VMEM((K,), jnp.int32),
           pltpu.VMEM((K,), jnp.int32),
           pltpu.VMEM((K, HID), jnp.float32),
           pltpu.VMEM((K, HID), jnp.float32),
           pltpu.VMEM((K, CW), jnp.float32)] * NBUF
        + [pltpu.SemaphoreType.DMA] * (2 * NBUF)
    ),
)(_edge_body)



def kernel(x, edge_index, fc0_w, fc0_b, l0_wl, l0_wr, l0_att, l0_b,
           l1_wl, l1_wr, l1_att, l1_b, fc1_w, fc1_b):
    src = edge_index[0]
    dst = edge_index[1]
    npad_e = EPAD - E
    ar = jnp.arange(npad_e, dtype=jnp.int32)
    srcp = jnp.concatenate([src, (ar * 37) % N])
    dstp = jnp.concatenate([dst, N + (ar % 16)])
    zc = jnp.zeros((NPAD, CW), jnp.float32)
    att0 = l0_att.reshape(HID)
    att1 = l1_att.reshape(HID)
    c0 = 0.4 * jnp.sign(att0)
    c1 = 0.4 * jnp.sign(att1)
    bmat = (jnp.arange(HID)[None, :] // DH == jnp.arange(HP)[:, None]
            ).astype(jnp.float32)

    xl0, xrp0 = _prologue(x, fc0_w, fc0_b.reshape(1, HID), l0_wl, l0_wr,
                          att0.reshape(1, HID))
    xrp0p = jnp.pad(xrp0, ((0, NPAD - N), (0, 0)))
    acc0 = _edge_sc(xl0, xrp0p, srcp, dstp, att0, c0, zc)
    xl1, xrp1 = _mid(acc0, bmat, l0_b.reshape(1, HID), l1_wl, l1_wr,
                     att1.reshape(1, HID))
    xrp1p = jnp.pad(xrp1, ((0, NPAD - N), (0, 0)))
    acc1 = _edge_sc(xl1, xrp1p, srcp, dstp, att1, c1, zc)
    return _epilogue(acc1, bmat, l1_b.reshape(1, HID), fc1_w,
                     fc1_b.reshape(1, OUT))

# --- scband reference (transcript-rebuilt; emitter-appended) ---
"""Pipeline reference for scband-gatv2-64141041599030 (READ-ONLY COPY).

The authoritative reference and input builder live on the scoring server;
editing this copy changes nothing except your own understanding.
"""

import jax, jax.numpy as jnp
import numpy as np

N = 10000
E = 320000
D_IN = 128
HID = 128
HEADS = 8
DH = HID // HEADS
OUT = 64
N_LAYERS = 2


def setup_inputs(seed: int = 0) -> dict:
    key = jax.random.key(seed)
    ks = jax.random.split(key, 20)
    inp = {}
    inp['x'] = jax.random.normal(ks[0], (N, D_IN), dtype=jnp.float32)
    inp['edge_index'] = jax.random.randint(ks[1], (2, E), 0, N, dtype=jnp.int32)
    inp['fc0_w'] = jax.random.normal(ks[2], (D_IN, HID), dtype=jnp.float32) * (1.0 / np.sqrt(D_IN))
    inp['fc0_b'] = jnp.zeros((HID,), dtype=jnp.float32)
    for i in range(N_LAYERS):
        inp['l%d_wl' % i] = jax.random.normal(ks[3 + 4 * i], (HID, HID), dtype=jnp.float32) * (1.0 / np.sqrt(HID))
        inp['l%d_wr' % i] = jax.random.normal(ks[4 + 4 * i], (HID, HID), dtype=jnp.float32) * (1.0 / np.sqrt(HID))
        inp['l%d_att' % i] = jax.random.normal(ks[5 + 4 * i], (HEADS, DH), dtype=jnp.float32) * (1.0 / np.sqrt(DH))
        inp['l%d_b' % i] = jnp.zeros((HID,), dtype=jnp.float32)
    inp['fc1_w'] = jax.random.normal(ks[12], (HID, OUT), dtype=jnp.float32) * (1.0 / np.sqrt(HID))
    inp['fc1_b'] = jnp.zeros((OUT,), dtype=jnp.float32)
    return inp


def gatv2_conv(h, src, dst, wl, wr, att, b):
    # GATv2-style attention: a^T LeakyReLU(W_l x_j + W_r x_i), softmax over incoming edges per dst
    xl = (h @ wl).reshape(N, HEADS, DH)
    xr = (h @ wr).reshape(N, HEADS, DH)
    e = jax.nn.leaky_relu(xl[src] + xr[dst], negative_slope=0.2)  # [E, H, DH] (gather)
    logits = jnp.einsum('ehd,hd->eh', e, att)  # [E, H]
    m = jax.lax.stop_gradient(jax.ops.segment_max(logits, dst, num_segments=N))
    ex = jnp.exp(logits - m[dst])
    denom = jax.ops.segment_sum(ex, dst, num_segments=N)
    alpha = ex / (denom[dst] + 1e-16)  # [E, H]
    msg = xl[src] * alpha[:, :, None]  # [E, H, DH]
    out = jax.ops.segment_sum(msg, dst, num_segments=N)  # scatter-add
    return out.reshape(N, HID) + b


def reference(x, edge_index, fc0_w, fc0_b, l0_wl, l0_wr, l0_att, l0_b, l1_wl, l1_wr, l1_att, l1_b, fc1_w, fc1_b):
    # eval mode: all F.dropout calls are identity
    src = edge_index[0]
    dst = edge_index[1]
    h = x @ fc0_w + fc0_b
    last = h
    for (wl, wr, att, b) in ((l0_wl, l0_wr, l0_att, l0_b), (l1_wl, l1_wr, l1_att, l1_b)):
        last = jax.nn.elu(gatv2_conv(last, src, dst, wl, wr, att, b))
    out = last @ fc1_w + fc1_b
    return jax.nn.log_softmax(out, axis=1)

if __name__ == "__main__":
    import jax
    _d = setup_inputs()
    print(jax.jit(kernel)(*tuple(_d.values())))

</pallas_src>

<mosaic_0001>
#map = affine_map<(d0, d1) -> (0, 0)>
#map1 = affine_map<(d0, d1) -> (0)>
#map2 = affine_map<(d0, d1) -> (0, 0, 0)>
module attributes {stable_mosaic.version = 14 : i64} {
  func.func @_edge_body(%arg0: i32, %arg1: i32, %arg2: memref<10000x128xf32, #tpu.memory_space<hbm>>, %arg3: memref<10112x128xf32, #tpu.memory_space<hbm>>, %arg4: memref<322560xi32, #tpu.memory_space<hbm>>, %arg5: memref<322560xi32, #tpu.memory_space<hbm>>, %arg6: memref<128xf32, #tpu.memory_space<hbm>>, %arg7: memref<128xf32, #tpu.memory_space<hbm>>, %arg8: memref<10112x144xf32, #tpu.memory_space<hbm>>, %arg9: memref<2x10112x144xf32, #tpu.memory_space<hbm>>, %arg10: memref<10112x144xf32, #tpu.memory_space<vmem_shared>>, %arg11: memref<128xf32, #tpu.memory_space<vmem>>, %arg12: memref<128xf32, #tpu.memory_space<vmem>>, %arg13: memref<48xi32, #tpu.memory_space<vmem>>, %arg14: memref<48xi32, #tpu.memory_space<vmem>>, %arg15: memref<48x128xf32, #tpu.memory_space<vmem>>, %arg16: memref<48x128xf32, #tpu.memory_space<vmem>>, %arg17: memref<48x144xf32, #tpu.memory_space<vmem>>, %arg18: memref<48xi32, #tpu.memory_space<vmem>>, %arg19: memref<48xi32, #tpu.memory_space<vmem>>, %arg20: memref<48x128xf32, #tpu.memory_space<vmem>>, %arg21: memref<48x128xf32, #tpu.memory_space<vmem>>, %arg22: memref<48x144xf32, #tpu.memory_space<vmem>>, %arg23: memref<!tpu.dma_semaphore, #tpu.memory_space<semaphore_mem>>, %arg24: memref<!tpu.dma_semaphore, #tpu.memory_space<semaphore_mem>>, %arg25: memref<!tpu.dma_semaphore, #tpu.memory_space<semaphore_mem>>, %arg26: memref<!tpu.dma_semaphore, #tpu.memory_space<semaphore_mem>>) attributes {dimension_semantics = [#tpu.dimension_semantics<core_parallel>, #tpu.dimension_semantics<subcore_parallel>], iteration_bounds = array<i64: 2, 16>, scalar_prefetch = 0 : i64, scratch_operands = 17 : i64, tpu.core_type = #tpu.core_type<sc_vector_subcore>, window_params = [{transform_indices = #map}, {transform_indices = #map}, {transform_indices = #map1}, {transform_indices = #map1}, {transform_indices = #map1}, {transform_indices = #map1}, {transform_indices = #map}, {transform_indices = #map2}]} {
    %mul3A = arith.constant 16 : i32
    %mul3A_0 = arith.muli %arg0, %mul3A : i32
    %add3A = arith.addi %mul3A_0, %arg1 : i32
    %mul3A_1 = arith.constant 632 : i32
    %mul3A_2 = arith.muli %arg1, %mul3A_1 : i32
    "tpu.region"() ({
      %run_scoped3A = tpu.sem_alloc : memref<!tpu.dma_semaphore, #tpu.memory_space<semaphore_mem>>
      %dma_start3A_86 = arith.constant 0 : i32
      %dma_start3A_87 = tpu.memref_slice %arg10[%mul3A_2, %dma_start3A_86] : memref<10112x144xf32, #tpu.memory_space<vmem_shared>> -> memref<632x144xf32, #tpu.memory_space<vmem_shared>>
      %dma_start3A_88 = arith.constant 0 : i32
      %dma_start3A_89 = tpu.memref_slice %arg8[%mul3A_2, %dma_start3A_88] : memref<10112x144xf32, #tpu.memory_space<hbm>> -> memref<632x144xf32, #tpu.memory_space<hbm>>
      tpu.enqueue_dma source(%dma_start3A_89 : memref<632x144xf32, #tpu.memory_space<hbm>>) target(%dma_start3A_87 : memref<632x144xf32, #tpu.memory_space<vmem_shared>>) target_semaphore(%run_scoped3A : memref<!tpu.dma_semaphore, #tpu.memory_space<semaphore_mem>>)
      %dma_wait3A_90 = arith.constant 0 : i32
      %dma_wait3A_91 = tpu.memref_slice %arg10[%mul3A_2, %dma_wait3A_90] : memref<10112x144xf32, #tpu.memory_space<vmem_shared>> -> memref<632x144xf32, #tpu.memory_space<vmem_shared>>
      %dma_wait3A_92 = arith.constant 0 : i32
      %dma_wait3A_93 = tpu.memref_slice %arg8[%mul3A_2, %dma_wait3A_92] : memref<10112x144xf32, #tpu.memory_space<hbm>> -> memref<632x144xf32, #tpu.memory_space<hbm>>
      tpu.wait_dma2 semaphore(%run_scoped3A : memref<!tpu.dma_semaphore, #tpu.memory_space<semaphore_mem>>) src(%dma_wait3A_93 : memref<632x144xf32, #tpu.memory_space<hbm>>) dst(%dma_wait3A_91 : memref<632x144xf32, #tpu.memory_space<vmem_shared>>)
      tpu.yield
    }) : () -> ()
    "tpu.region"() ({
      %run_scoped3A = tpu.sem_alloc : memref<!tpu.dma_semaphore, #tpu.memory_space<semaphore_mem>>
      tpu.enqueue_dma source(%arg6 : memref<128xf32, #tpu.memory_space<hbm>>) target(%arg11 : memref<128xf32, #tpu.memory_space<vmem>>) target_semaphore(%run_scoped3A : memref<!tpu.dma_semaphore, #tpu.memory_space<semaphore_mem>>)
      tpu.wait_dma2 semaphore(%run_scoped3A : memref<!tpu.dma_semaphore, #tpu.memory_space<semaphore_mem>>) src(%arg6 : memref<128xf32, #tpu.memory_space<hbm>>) dst(%arg11 : memref<128xf32, #tpu.memory_space<vmem>>)
      tpu.yield
    }) : () -> ()
    "tpu.region"() ({
      %run_scoped3A = tpu.sem_alloc : memref<!tpu.dma_semaphore, #tpu.memory_space<semaphore_mem>>
      tpu.enqueue_dma source(%arg7 : memref<128xf32, #tpu.memory_space<hbm>>) target(%arg12 : memref<128xf32, #tpu.memory_space<vmem>>) target_semaphore(%run_scoped3A : memref<!tpu.dma_semaphore, #tpu.memory_space<semaphore_mem>>)
      tpu.wait_dma2 semaphore(%run_scoped3A : memref<!tpu.dma_semaphore, #tpu.memory_space<semaphore_mem>>) src(%arg7 : memref<128xf32, #tpu.memory_space<hbm>>) dst(%arg12 : memref<128xf32, #tpu.memory_space<vmem>>)
      tpu.yield
    }) : () -> ()
    %barrier3A = arith.constant 0 : index
    tpu.barrier barrier_id(%barrier3A)
    %get3A = arith.constant 0 : index
    %get3A_3 = tpu.vector_load %arg11[%get3A] {strides = array<i32>} : memref<128xf32, #tpu.memory_space<vmem>>, vector<16xf32>,
    %get3A_4 = vector.shape_cast %get3A_3 : vector<16xf32> to vector<16xf32>
    %get3A_5 = arith.constant 16 : index
    %get3A_6 = tpu.vector_load %arg11[%get3A_5] {strides = array<i32>} : memref<128xf32, #tpu.memory_space<vmem>>, vector<16xf32>,
    %get3A_7 = vector.shape_cast %get3A_6 : vector<16xf32> to vector<16xf32>
    %get3A_8 = arith.constant 32 : index
    %get3A_9 = tpu.vector_load %arg11[%get3A_8] {strides = array<i32>} : memref<128xf32, #tpu.memory_space<vmem>>, vector<16xf32>,
    %get3A_10 = vector.shape_cast %get3A_9 : vector<16xf32> to vector<16xf32>
    %get3A_11 = arith.constant 48 : index
    %get3A_12 = tpu.vector_load %arg11[%get3A_11] {strides = array<i32>} : memref<128xf32, #tpu.memory_space<vmem>>, vector<16xf32>,
    %get3A_13 = vector.shape_cast %get3A_12 : vector<16xf32> to vector<16xf32>
    %get3A_14 = arith.constant 64 : index
    %get3A_15 = tpu.vector_load %arg11[%get3A_14] {strides = array<i32>} : memref<128xf32, #tpu.memory_space<vmem>>, vector<16xf32>,
    %get3A_16 = vector.shape_cast %get3A_15 : vector<16xf32> to vector<16xf32>
    %get3A_17 = arith.constant 80 : index
    %get3A_18 = tpu.vector_load %arg11[%get3A_17] {strides = array<i32>} : memref<128xf32, #tpu.memory_space<vmem>>, vector<16xf32>,
    %get3A_19 = vector.shape_cast %get3A_18 : vector<16xf32> to vector<16xf32>
    %get3A_20 = arith.constant 96 : index
    %get3A_21 = tpu.vector_load %arg11[%get3A_20] {strides = array<i32>} : memref<128xf32, #tpu.memory_space<vmem>>, vector<16xf32>,
    %get3A_22 = vector.shape_cast %get3A_21 : vector<16xf32> to vector<16xf32>
    %get3A_23 = arith.constant 112 : index
    %get3A_24 = tpu.vector_load %arg11[%get3A_23] {strides = array<i32>} : memref<128xf32, #tpu.memory_space<vmem>>, vector<16xf32>,
    %get3A_25 = vector.shape_cast %get3A_24 : vector<16xf32> to vector<16xf32>
    %get3A_26 = arith.constant 0 : index
    %get3A_27 = tpu.vector_load %arg12[%get3A_26] {strides = array<i32>} : memref<128xf32, #tpu.memory_space<vmem>>, vector<16xf32>,
    %get3A_28 = vector.shape_cast %get3A_27 : vector<16xf32> to vector<16xf32>
    %get3A_29 = arith.constant 16 : index
    %get3A_30 = tpu.vector_load %arg12[%get3A_29] {strides = array<i32>} : memref<128xf32, #tpu.memory_space<vmem>>, vector<16xf32>,
    %get3A_31 = vector.shape_cast %get3A_30 : vector<16xf32> to vector<16xf32>
    %get3A_32 = arith.constant 32 : index
    %get3A_33 = tpu.vector_load %arg12[%get3A_32] {strides = array<i32>} : memref<128xf32, #tpu.memory_space<vmem>>, vector<16xf32>,
    %get3A_34 = vector.shape_cast %get3A_33 : vector<16xf32> to vector<16xf32>
    %get3A_35 = arith.constant 48 : index
    %get3A_36 = tpu.vector_load %arg12[%get3A_35] {strides = array<i32>} : memref<128xf32, #tpu.memory_space<vmem>>, vector<16xf32>,
    %get3A_37 = vector.shape_cast %get3A_36 : vector<16xf32> to vector<16xf32>
    %get3A_38 = arith.constant 64 : index
    %get3A_39 = tpu.vector_load %arg12[%get3A_38] {strides = array<i32>} : memref<128xf32, #tpu.memory_space<vmem>>, vector<16xf32>,
    %get3A_40 = vector.shape_cast %get3A_39 : vector<16xf32> to vector<16xf32>
    %get3A_41 = arith.constant 80 : index
    %get3A_42 = tpu.vector_load %arg12[%get3A_41] {strides = array<i32>} : memref<128xf32, #tpu.memory_space<vmem>>, vector<16xf32>,
    %get3A_43 = vector.shape_cast %get3A_42 : vector<16xf32> to vector<16xf32>
    %get3A_44 = arith.constant 96 : index
    %get3A_45 = tpu.vector_load %arg12[%get3A_44] {strides = array<i32>} : memref<128xf32, #tpu.memory_space<vmem>>, vector<16xf32>,
    %get3A_46 = vector.shape_cast %get3A_45 : vector<16xf32> to vector<16xf32>
    %get3A_47 = arith.constant 112 : index
    %get3A_48 = tpu.vector_load %arg12[%get3A_47] {strides = array<i32>} : memref<128xf32, #tpu.memory_space<vmem>>, vector<16xf32>,
    %get3A_49 = vector.shape_cast %get3A_48 : vector<16xf32> to vector<16xf32>
    %iota3A = tpu.iota {dimensions = array<i32: 0>} : vector<16xi32>
    %and3A = arith.constant 1 : i32
    %and3A_50 = vector.broadcast %and3A : i32 to vector<16xi32>
    %and3A_51 = arith.andi %iota3A, %and3A_50 : vector<16xi32>
    %shift_left3A = arith.constant 2 : i32
    %shift_left3A_52 = vector.broadcast %shift_left3A : i32 to vector<16xi32>
    %shift_left3A_53 = arith.shli %and3A_51, %shift_left3A_52 : vector<16xi32>
    %and3A_54 = arith.constant 2 : i32
    %and3A_55 = vector.broadcast %and3A_54 : i32 to vector<16xi32>
    %and3A_56 = arith.andi %iota3A, %and3A_55 : vector<16xi32>
    %or3A = arith.ori %shift_left3A_53, %and3A_56 : vector<16xi32>
    %and3A_57 = arith.constant 4 : i32
    %and3A_58 = vector.broadcast %and3A_57 : i32 to vector<16xi32>
    %and3A_59 = arith.andi %iota3A, %and3A_58 : vector<16xi32>
    %shift_right_arithmetic3A = arith.constant 2 : i32
    %shift_right_arithmetic3A_60 = vector.broadcast %shift_right_arithmetic3A : i32 to vector<16xi32>
    %shift_right_arithmetic3A_61 = arith.shrsi %and3A_59, %shift_right_arithmetic3A_60 : vector<16xi32>
    %or3A_62 = arith.ori %or3A, %shift_right_arithmetic3A_61 : vector<16xi32>
    %shift_left3A_63 = arith.constant 1 : i32
    %shift_left3A_64 = vector.broadcast %shift_left3A_63 : i32 to vector<16xi32>
    %shift_left3A_65 = arith.shli %or3A_62, %shift_left3A_64 : vector<16xi32>
    %mul3A_66 = arith.constant 10080 : i32
    %mul3A_67 = arith.muli %add3A, %mul3A_66 : i32
    %add3A_68 = arith.constant 0 : i32
    %add3A_69 = arith.addi %mul3A_67, %add3A_68 : i32
    "tpu.region"() ({
      %run_scoped3A = tpu.sem_alloc : memref<!tpu.dma_semaphore, #tpu.memory_space<semaphore_mem>>
      %dma_start3A_86 = tpu.memref_slice %arg4[%add3A_69] : memref<322560xi32, #tpu.memory_space<hbm>> -> memref<48xi32, #tpu.memory_space<hbm>>
      %dma_start3A_87 = tpu.memref_slice %arg4[%add3A_69] : memref<322560xi32, #tpu.memory_space<hbm>> -> memref<48xi32, #tpu.memory_space<hbm>>
      tpu.enqueue_dma source(%dma_start3A_87 : memref<48xi32, #tpu.memory_space<hbm>>) target(%arg13 : memref<48xi32, #tpu.memory_space<vmem>>) target_semaphore(%run_scoped3A : memref<!tpu.dma_semaphore, #tpu.memory_space<semaphore_mem>>)
      %dma_wait3A_88 = tpu.memref_slice %arg4[%add3A_69] : memref<322560xi32, #tpu.memory_space<hbm>> -> memref<48xi32, #tpu.memory_space<hbm>>
      %dma_wait3A_89 = tpu.memref_slice %arg4[%add3A_69] : memref<322560xi32, #tpu.memory_space<hbm>> -> memref<48xi32, #tpu.memory_space<hbm>>
      tpu.wait_dma2 semaphore(%run_scoped3A : memref<!tpu.dma_semaphore, #tpu.memory_space<semaphore_mem>>) src(%dma_wait3A_89 : memref<48xi32, #tpu.memory_space<hbm>>) dst(%arg13 : memref<48xi32, #tpu.memory_space<vmem>>)
      tpu.yield
    }) : () -> ()
    "tpu.region"() ({
      %run_scoped3A = tpu.sem_alloc : memref<!tpu.dma_semaphore, #tpu.memory_space<semaphore_mem>>
      %dma_start3A_86 = tpu.memref_slice %arg5[%add3A_69] : memref<322560xi32, #tpu.memory_space<hbm>> -> memref<48xi32, #tpu.memory_space<hbm>>
      %dma_start3A_87 = tpu.memref_slice %arg5[%add3A_69] : memref<322560xi32, #tpu.memory_space<hbm>> -> memref<48xi32, #tpu.memory_space<hbm>>
      tpu.enqueue_dma source(%dma_start3A_87 : memref<48xi32, #tpu.memory_space<hbm>>) target(%arg14 : memref<48xi32, #tpu.memory_space<vmem>>) target_semaphore(%run_scoped3A : memref<!tpu.dma_semaphore, #tpu.memory_space<semaphore_mem>>)
      %dma_wait3A_88 = tpu.memref_slice %arg5[%add3A_69] : memref<322560xi32, #tpu.memory_space<hbm>> -> memref<48xi32, #tpu.memory_space<hbm>>
      %dma_wait3A_89 = tpu.memref_slice %arg5[%add3A_69] : memref<322560xi32, #tpu.memory_space<hbm>> -> memref<48xi32, #tpu.memory_space<hbm>>
      tpu.wait_dma2 semaphore(%run_scoped3A : memref<!tpu.dma_semaphore, #tpu.memory_space<semaphore_mem>>) src(%dma_wait3A_89 : memref<48xi32, #tpu.memory_space<hbm>>) dst(%arg14 : memref<48xi32, #tpu.memory_space<vmem>>)
      tpu.yield
    }) : () -> ()
    %dma_start3A = arith.constant 0 : i32
    %dma_start3A_70 = arith.constant 0 : i32
    %dma_start3A_71 = tpu.memref_slice %arg2[%dma_start3A, %dma_start3A_70] : memref<10000x128xf32, #tpu.memory_space<hbm>> -> memref<10000x128xf32, #tpu.memory_space<hbm>>
    tpu.enqueue_indirect_dma source(%dma_start3A_71 : memref<10000x128xf32, #tpu.memory_space<hbm>>) target(%arg15 : memref<48x128xf32, #tpu.memory_space<vmem>>) offsets(%arg13 : memref<48xi32, #tpu.memory_space<vmem>>) semaphore(%arg23 : memref<!tpu.dma_semaphore, #tpu.memory_space<semaphore_mem>>)
    %dma_start3A_72 = arith.constant 0 : i32
    %dma_start3A_73 = arith.constant 0 : i32
    %dma_start3A_74 = tpu.memref_slice %arg3[%dma_start3A_72, %dma_start3A_73] : memref<10112x128xf32, #tpu.memory_space<hbm>> -> memref<10112x128xf32, #tpu.memory_space<hbm>>
    tpu.enqueue_indirect_dma source(%dma_start3A_74 : memref<10112x128xf32, #tpu.memory_space<hbm>>) target(%arg16 : memref<48x128xf32, #tpu.memory_space<vmem>>) offsets(%arg14 : memref<48xi32, #tpu.memory_space<vmem>>) semaphore(%arg23 : memref<!tpu.dma_semaphore, #tpu.memory_space<semaphore_mem>>)
    %scan3A = arith.constant 0 : i32
    %scan3A_75 = arith.constant 0 : i32
    %scan3A_76 = arith.constant 105 : i32
    %scan3A_77 = arith.addi %scan3A_75, %scan3A_76 : i32
    %scan3A_78 = arith.constant 1 : i32
    scf.for %scan3A_86 = %scan3A_75 to %scan3A_77 step %scan3A_78  : i32 {
      %gt3A = arith.constant 0 : i32
      %gt3A_87 = arith.cmpi sgt, %scan3A_86, %gt3A : i32
      %convert_element_type3A = arith.extui %gt3A_87 : i1 to i32
      %cond3A = arith.constant 0 : i32
      %cond3A_88 = arith.cmpi ne, %convert_element_type3A, %cond3A : i32
      scf.if %cond3A_88 {
        %dma_wait3A_131 = arith.constant 0 : i32
        %dma_wait3A_132 = arith.constant 0 : i32
        %dma_wait3A_133 = tpu.memref_slice %arg10[%dma_wait3A_131, %dma_wait3A_132] : memref<10112x144xf32, #tpu.memory_space<vmem_shared>> -> memref<10112x144xf32, #tpu.memory_space<vmem_shared>>
        tpu.wait_indirect_dma semaphore(%arg26 : memref<!tpu.dma_semaphore, #tpu.memory_space<semaphore_mem>>) src(%arg22 : memref<48x144xf32, #tpu.memory_space<vmem>>) dst(%dma_wait3A_133 : memref<10112x144xf32, #tpu.memory_space<vmem_shared>>)
      } else {
      }
      %mul3A_89 = arith.constant 2 : i32
      %mul3A_90 = arith.muli %mul3A_89, %scan3A_86 : i32
      %add3A_91 = arith.constant 0 : i32
      %add3A_92 = arith.addi %mul3A_90, %add3A_91 : i32
      %add3A_93 = arith.constant 1 : i32
      %add3A_94 = arith.addi %add3A_92, %add3A_93 : i32
      %mul3A_95 = arith.constant 48 : i32
      %mul3A_96 = arith.muli %add3A_94, %mul3A_95 : i32
      %add3A_97 = arith.addi %mul3A_67, %mul3A_96 : i32
      "tpu.region"() ({
        %run_scoped3A = tpu.sem_alloc : memref<!tpu.dma_semaphore, #tpu.memory_space<semaphore_mem>>
        %dma_start3A_131 = tpu.memref_slice %arg4[%add3A_97] : memref<322560xi32, #tpu.memory_space<hbm>> -> memref<48xi32, #tpu.memory_space<hbm>>
        %dma_start3A_132 = tpu.memref_slice %arg4[%add3A_97] : memref<322560xi32, #tpu.memory_space<hbm>> -> memref<48xi32, #tpu.memory_space<hbm>>
        tpu.enqueue_dma source(%dma_start3A_132 : memref<48xi32, #tpu.memory_space<hbm>>) target(%arg18 : memref<48xi32, #tpu.memory_space<vmem>>) target_semaphore(%run_scoped3A : memref<!tpu.dma_semaphore, #tpu.memory_space<semaphore_mem>>)
        %dma_wait3A_133 = tpu.memref_slice %arg4[%add3A_97] : memref<322560xi32, #tpu.memory_space<hbm>> -> memref<48xi32, #tpu.memory_space<hbm>>
        %dma_wait3A_134 = tpu.memref_slice %arg4[%add3A_97] : memref<322560xi32, #tpu.memory_space<hbm>> -> memref<48xi32, #tpu.memory_space<hbm>>
        tpu.wait_dma2 semaphore(%run_scoped3A : memref<!tpu.dma_semaphore, #tpu.memory_space<semaphore_mem>>) src(%dma_wait3A_134 : memref<48xi32, #tpu.memory_space<hbm>>) dst(%arg18 : memref<48xi32, #tpu.memory_space<vmem>>)
        tpu.yield
      }) : () -> ()
      "tpu.region"() ({
        %run_scoped3A = tpu.sem_alloc : memref<!tpu.dma_semaphore, #tpu.memory_space<semaphore_mem>>
        %dma_start3A_131 = tpu.memref_slice %arg5[%add3A_97] : memref<322560xi32, #tpu.memory_space<hbm>> -> memref<48xi32, #tpu.memory_space<hbm>>
        %dma_start3A_132 = tpu.memref_slice %arg5[%add3A_97] : memref<322560xi32, #tpu.memory_space<hbm>> -> memref<48xi32, #tpu.memory_space<hbm>>
        tpu.enqueue_dma source(%dma_start3A_132 : memref<48xi32, #tpu.memory_space<hbm>>) target(%arg19 : memref<48xi32, #tpu.memory_space<vmem>>) target_semaphore(%run_scoped3A : memref<!tpu.dma_semaphore, #tpu.memory_space<semaphore_mem>>)
        %dma_wait3A_133 = tpu.memref_slice %arg5[%add3A_97] : memref<322560xi32, #tpu.memory_space<hbm>> -> memref<48xi32, #tpu.memory_space<hbm>>
        %dma_wait3A_134 = tpu.memref_slice %arg5[%add3A_97] : memref<322560xi32, #tpu.memory_space<hbm>> -> memref<48xi32, #tpu.memory_space<hbm>>
        tpu.wait_dma2 semaphore(%run_scoped3A : memref<!tpu.dma_semaphore, #tpu.memory_space<semaphore_mem>>) src(%dma_wait3A_134 : memref<48xi32, #tpu.memory_space<hbm>>) dst(%arg19 : memref<48xi32, #tpu.memory_space<vmem>>)
        tpu.yield
      }) : () -> ()
      %dma_start3A_98 = arith.constant 0 : i32
      %dma_start3A_99 = arith.constant 0 : i32
      %dma_start3A_100 = tpu.memref_slice %arg2[%dma_start3A_98, %dma_start3A_99] : memref<10000x128xf32, #tpu.memory_space<hbm>> -> memref<10000x128xf32, #tpu.memory_space<hbm>>
      tpu.enqueue_indirect_dma source(%dma_start3A_100 : memref<10000x128xf32, #tpu.memory_space<hbm>>) target(%arg20 : memref<48x128xf32, #tpu.memory_space<vmem>>) offsets(%arg18 : memref<48xi32, #tpu.memory_space<vmem>>) semaphore(%arg25 : memref<!tpu.dma_semaphore, #tpu.memory_space<semaphore_mem>>)
      %dma_start3A_101 = arith.constant 0 : i32
      %dma_start3A_102 = arith.constant 0 : i32
      %dma_start3A_103 = tpu.memref_slice %arg3[%dma_start3A_101, %dma_start3A_102] : memref<10112x128xf32, #tpu.memory_space<hbm>> -> memref<10112x128xf32, #tpu.memory_space<hbm>>
      tpu.enqueue_indirect_dma source(%dma_start3A_103 : memref<10112x128xf32, #tpu.memory_space<hbm>>) target(%arg21 : memref<48x128xf32, #tpu.memory_space<vmem>>) offsets(%arg19 : memref<48xi32, #tpu.memory_space<vmem>>) semaphore(%arg25 : memref<!tpu.dma_semaphore, #tpu.memory_space<semaphore_mem>>)
      %dma_wait3A_104 = arith.constant 0 : i32
      %dma_wait3A_105 = arith.constant 0 : i32
      %dma_wait3A_106 = tpu.memref_slice %arg2[%dma_wait3A_104, %dma_wait3A_105] : memref<10000x128xf32, #tpu.memory_space<hbm>> -> memref<10000x128xf32, #tpu.memory_space<hbm>>
      tpu.wait_indirect_dma semaphore(%arg23 : memref<!tpu.dma_semaphore, #tpu.memory_space<semaphore_mem>>) src(%dma_wait3A_106 : memref<10000x128xf32, #tpu.memory_space<hbm>>) dst(%arg15 : memref<48x128xf32, #tpu.memory_space<vmem>>)
      %dma_wait3A_107 = arith.constant 0 : i32
      %dma_wait3A_108 = arith.constant 0 : i32
      %dma_wait3A_109 = tpu.memref_slice %arg3[%dma_wait3A_107, %dma_wait3A_108] : memref<10112x128xf32, #tpu.memory_space<hbm>> -> memref<10112x128xf32, #tpu.memory_space<hbm>>
      tpu.wait_indirect_dma semaphore(%arg23 : memref<!tpu.dma_semaphore, #tpu.memory_space<semaphore_mem>>) src(%dma_wait3A_109 : memref<10112x128xf32, #tpu.memory_space<hbm>>) dst(%arg16 : memref<48x128xf32, #tpu.memory_space<vmem>>)
      %parallel_loop3A = arith.constant 0 : i32
      %parallel_loop3A_110 = arith.constant 48 : i32
      %parallel_loop3A_111 = arith.constant 1 : i32
      scf.for %parallel_loop3A_131 = %parallel_loop3A to %parallel_loop3A_110 step %parallel_loop3A_111  : i32 {
        %parallel_loop3A_132 = arith.index_cast %parallel_loop3A_131 : i32 to index
        %parallel_loop3A_133 = arith.constant 0 : index
        %parallel_loop3A_134 = tpu.vector_load %arg15[%parallel_loop3A_132, %parallel_loop3A_133] {strides = array<i32>} : memref<48x128xf32, #tpu.memory_space<vmem>>, vector<1x16xf32>,
        %parallel_loop3A_135 = vector.shape_cast %parallel_loop3A_134 : vector<1x16xf32> to vector<16xf32>
        %parallel_loop3A_136 = arith.index_cast %parallel_loop3A_131 : i32 to index
        %parallel_loop3A_137 = arith.constant 0 : index
        %parallel_loop3A_138 = tpu.vector_load %arg16[%parallel_loop3A_136, %parallel_loop3A_137] {strides = array<i32>} : memref<48x128xf32, #tpu.memory_space<vmem>>, vector<1x16xf32>,
        %parallel_loop3A_139 = vector.shape_cast %parallel_loop3A_138 : vector<1x16xf32> to vector<16xf32>
        %parallel_loop3A_140 = arith.mulf %get3A_4, %parallel_loop3A_135 : vector<16xf32>
        %parallel_loop3A_141 = arith.addf %parallel_loop3A_140, %parallel_loop3A_139 : vector<16xf32>
        %parallel_loop3A_142 = arith.constant 6.000000e-01 : f32
        %parallel_loop3A_143 = vector.broadcast %parallel_loop3A_142 : f32 to vector<16xf32>
        %parallel_loop3A_144 = arith.mulf %parallel_loop3A_143, %parallel_loop3A_141 : vector<16xf32>
        %parallel_loop3A_145 = math.absf %parallel_loop3A_141 : vector<16xf32>
        %parallel_loop3A_146 = arith.mulf %get3A_28, %parallel_loop3A_145 : vector<16xf32>
        %parallel_loop3A_147 = arith.addf %parallel_loop3A_144, %parallel_loop3A_146 : vector<16xf32>
        %parallel_loop3A_148 = arith.index_cast %parallel_loop3A_131 : i32 to index
        %parallel_loop3A_149 = arith.constant 16 : index
        %parallel_loop3A_150 = tpu.vector_load %arg15[%parallel_loop3A_148, %parallel_loop3A_149] {strides = array<i32>} : memref<48x128xf32, #tpu.memory_space<vmem>>, vector<1x16xf32>,
        %parallel_loop3A_151 = vector.shape_cast %parallel_loop3A_150 : vector<1x16xf32> to vector<16xf32>
        %parallel_loop3A_152 = arith.index_cast %parallel_loop3A_131 : i32 to index
        %parallel_loop3A_153 = arith.constant 16 : index
        %parallel_loop3A_154 = tpu.vector_load %arg16[%parallel_loop3A_152, %parallel_loop3A_153] {strides = array<i32>} : memref<48x128xf32, #tpu.memory_space<vmem>>, vector<1x16xf32>,
        %parallel_loop3A_155 = vector.shape_cast %parallel_loop3A_154 : vector<1x16xf32> to vector<16xf32>
        %parallel_loop3A_156 = arith.mulf %get3A_7, %parallel_loop3A_151 : vector<16xf32>
        %parallel_loop3A_157 = arith.addf %parallel_loop3A_156, %parallel_loop3A_155 : vector<16xf32>
        %parallel_loop3A_158 = arith.constant 6.000000e-01 : f32
        %parallel_loop3A_159 = vector.broadcast %parallel_loop3A_158 : f32 to vector<16xf32>
        %parallel_loop3A_160 = arith.mulf %parallel_loop3A_159, %parallel_loop3A_157 : vector<16xf32>
        %parallel_loop3A_161 = math.absf %parallel_loop3A_157 : vector<16xf32>
        %parallel_loop3A_162 = arith.mulf %get3A_31, %parallel_loop3A_161 : vector<16xf32>
        %parallel_loop3A_163 = arith.addf %parallel_loop3A_160, %parallel_loop3A_162 : vector<16xf32>
        %parallel_loop3A_164 = arith.index_cast %parallel_loop3A_131 : i32 to index
        %parallel_loop3A_165 = arith.constant 32 : index
        %parallel_loop3A_166 = tpu.vector_load %arg15[%parallel_loop3A_164, %parallel_loop3A_165] {strides = array<i32>} : memref<48x128xf32, #tpu.memory_space<vmem>>, vector<1x16xf32>,
        %parallel_loop3A_167 = vector.shape_cast %parallel_loop3A_166 : vector<1x16xf32> to vector<16xf32>
        %parallel_loop3A_168 = arith.index_cast %parallel_loop3A_131 : i32 to index
        %parallel_loop3A_169 = arith.constant 32 : index
        %parallel_loop3A_170 = tpu.vector_load %arg16[%parallel_loop3A_168, %parallel_loop3A_169] {strides = array<i32>} : memref<48x128xf32, #tpu.memory_space<vmem>>, vector<1x16xf32>,
        %parallel_loop3A_171 = vector.shape_cast %parallel_loop3A_170 : vector<1x16xf32> to vector<16xf32>
        %parallel_loop3A_172 = arith.mulf %get3A_10, %parallel_loop3A_167 : vector<16xf32>
        %parallel_loop3A_173 = arith.addf %parallel_loop3A_172, %parallel_loop3A_171 : vector<16xf32>
        %parallel_loop3A_174 = arith.constant 6.000000e-01 : f32
        %parallel_loop3A_175 = vector.broadcast %parallel_loop3A_174 : f32 to vector<16xf32>
        %parallel_loop3A_176 = arith.mulf %parallel_loop3A_175, %parallel_loop3A_173 : vector<16xf32>
        %parallel_loop3A_177 = math.absf %parallel_loop3A_173 : vector<16xf32>
        %parallel_loop3A_178 = arith.mulf %get3A_34, %parallel_loop3A_177 : vector<16xf32>
        %parallel_loop3A_179 = arith.addf %parallel_loop3A_176, %parallel_loop3A_178 : vector<16xf32>
        %parallel_loop3A_180 = arith.index_cast %parallel_loop3A_131 : i32 to index
        %parallel_loop3A_181 = arith.constant 48 : index
        %parallel_loop3A_182 = tpu.vector_load %arg15[%parallel_loop3A_180, %parallel_loop3A_181] {strides = array<i32>} : memref<48x128xf32, #tpu.memory_space<vmem>>, vector<1x16xf32>,
        %parallel_loop3A_183 = vector.shape_cast %parallel_loop3A_182 : vector<1x16xf32> to vector<16xf32>
        %parallel_loop3A_184 = arith.index_cast %parallel_loop3A_131 : i32 to index
        %parallel_loop3A_185 = arith.constant 48 : index
        %parallel_loop3A_186 = tpu.vector_load %arg16[%parallel_loop3A_184, %parallel_loop3A_185] {strides = array<i32>} : memref<48x128xf32, #tpu.memory_space<vmem>>, vector<1x16xf32>,
        %parallel_loop3A_187 = vector.shape_cast %parallel_loop3A_186 : vector<1x16xf32> to vector<16xf32>
        %parallel_loop3A_188 = arith.mulf %get3A_13, %parallel_loop3A_183 : vector<16xf32>
        %parallel_loop3A_189 = arith.addf %parallel_loop3A_188, %parallel_loop3A_187 : vector<16xf32>
        %parallel_loop3A_190 = arith.constant 6.000000e-01 : f32
        %parallel_loop3A_191 = vector.broadcast %parallel_loop3A_190 : f32 to vector<16xf32>
        %parallel_loop3A_192 = arith.mulf %parallel_loop3A_191, %parallel_loop3A_189 : vector<16xf32>
        %parallel_loop3A_193 = math.absf %parallel_loop3A_189 : vector<16xf32>
        %parallel_loop3A_194 = arith.mulf %get3A_37, %parallel_loop3A_193 : vector<16xf32>
        %parallel_loop3A_195 = arith.addf %parallel_loop3A_192, %parallel_loop3A_194 : vector<16xf32>
        %parallel_loop3A_196 = arith.index_cast %parallel_loop3A_131 : i32 to index
        %parallel_loop3A_197 = arith.constant 64 : index
        %parallel_loop3A_198 = tpu.vector_load %arg15[%parallel_loop3A_196, %parallel_loop3A_197] {strides = array<i32>} : memref<48x128xf32, #tpu.memory_space<vmem>>, vector<1x16xf32>,
        %parallel_loop3A_199 = vector.shape_cast %parallel_loop3A_198 : vector<1x16xf32> to vector<16xf32>
        %parallel_loop3A_200 = arith.index_cast %parallel_loop3A_131 : i32 to index
        %parallel_loop3A_201 = arith.constant 64 : index
        %parallel_loop3A_202 = tpu.vector_load %arg16[%parallel_loop3A_200, %parallel_loop3A_201] {strides = array<i32>} : memref<48x128xf32, #tpu.memory_space<vmem>>, vector<1x16xf32>,
        %parallel_loop3A_203 = vector.shape_cast %parallel_loop3A_202 : vector<1x16xf32> to vector<16xf32>
        %parallel_loop3A_204 = arith.mulf %get3A_16, %parallel_loop3A_199 : vector<16xf32>
        %parallel_loop3A_205 = arith.addf %parallel_loop3A_204, %parallel_loop3A_203 : vector<16xf32>
        %parallel_loop3A_206 = arith.constant 6.000000e-01 : f32
        %parallel_loop3A_207 = vector.broadcast %parallel_loop3A_206 : f32 to vector<16xf32>
        %parallel_loop3A_208 = arith.mulf %parallel_loop3A_207, %parallel_loop3A_205 : vector<16xf32>
        %parallel_loop3A_209 = math.absf %parallel_loop3A_205 : vector<16xf32>
        %parallel_loop3A_210 = arith.mulf %get3A_40, %parallel_loop3A_209 : vector<16xf32>
        %parallel_loop3A_211 = arith.addf %parallel_loop3A_208, %parallel_loop3A_210 : vector<16xf32>
        %parallel_loop3A_212 = arith.index_cast %parallel_loop3A_131 : i32 to index
        %parallel_loop3A_213 = arith.constant 80 : index
        %parallel_loop3A_214 = tpu.vector_load %arg15[%parallel_loop3A_212, %parallel_loop3A_213] {strides = array<i32>} : memref<48x128xf32, #tpu.memory_space<vmem>>, vector<1x16xf32>,
        %parallel_loop3A_215 = vector.shape_cast %parallel_loop3A_214 : vector<1x16xf32> to vector<16xf32>
        %parallel_loop3A_216 = arith.index_cast %parallel_loop3A_131 : i32 to index
        %parallel_loop3A_217 = arith.constant 80 : index
        %parallel_loop3A_218 = tpu.vector_load %arg16[%parallel_loop3A_216, %parallel_loop3A_217] {strides = array<i32>} : memref<48x128xf32, #tpu.memory_space<vmem>>, vector<1x16xf32>,
        %parallel_loop3A_219 = vector.shape_cast %parallel_loop3A_218 : vector<1x16xf32> to vector<16xf32>
        %parallel_loop3A_220 = arith.mulf %get3A_19, %parallel_loop3A_215 : vector<16xf32>
        %parallel_loop3A_221 = arith.addf %parallel_loop3A_220, %parallel_loop3A_219 : vector<16xf32>
        %parallel_loop3A_222 = arith.constant 6.000000e-01 : f32
        %parallel_loop3A_223 = vector.broadcast %parallel_loop3A_222 : f32 to vector<16xf32>
        %parallel_loop3A_224 = arith.mulf %parallel_loop3A_223, %parallel_loop3A_221 : vector<16xf32>
        %parallel_loop3A_225 = math.absf %parallel_loop3A_221 : vector<16xf32>
        %parallel_loop3A_226 = arith.mulf %get3A_43, %parallel_loop3A_225 : vector<16xf32>
        %parallel_loop3A_227 = arith.addf %parallel_loop3A_224, %parallel_loop3A_226 : vector<16xf32>
        %parallel_loop3A_228 = arith.index_cast %parallel_loop3A_131 : i32 to index
        %parallel_loop3A_229 = arith.constant 96 : index
        %parallel_loop3A_230 = tpu.vector_load %arg15[%parallel_loop3A_228, %parallel_loop3A_229] {strides = array<i32>} : memref<48x128xf32, #tpu.memory_space<vmem>>, vector<1x16xf32>,
        %parallel_loop3A_231 = vector.shape_cast %parallel_loop3A_230 : vector<1x16xf32> to vector<16xf32>
        %parallel_loop3A_232 = arith.index_cast %parallel_loop3A_131 : i32 to index
        %parallel_loop3A_233 = arith.constant 96 : index
        %parallel_loop3A_234 = tpu.vector_load %arg16[%parallel_loop3A_232, %parallel_loop3A_233] {strides = array<i32>} : memref<48x128xf32, #tpu.memory_space<vmem>>, vector<1x16xf32>,
        %parallel_loop3A_235 = vector.shape_cast %parallel_loop3A_234 : vector<1x16xf32> to vector<16xf32>
        %parallel_loop3A_236 = arith.mulf %get3A_22, %parallel_loop3A_231 : vector<16xf32>
        %parallel_loop3A_237 = arith.addf %parallel_loop3A_236, %parallel_loop3A_235 : vector<16xf32>
        %parallel_loop3A_238 = arith.constant 6.000000e-01 : f32
        %parallel_loop3A_239 = vector.broadcast %parallel_loop3A_238 : f32 to vector<16xf32>
        %parallel_loop3A_240 = arith.mulf %parallel_loop3A_239, %parallel_loop3A_237 : vector<16xf32>
        %parallel_loop3A_241 = math.absf %parallel_loop3A_237 : vector<16xf32>
        %parallel_loop3A_242 = arith.mulf %get3A_46, %parallel_loop3A_241 : vector<16xf32>
        %parallel_loop3A_243 = arith.addf %parallel_loop3A_240, %parallel_loop3A_242 : vector<16xf32>
        %parallel_loop3A_244 = arith.index_cast %parallel_loop3A_131 : i32 to index
        %parallel_loop3A_245 = arith.constant 112 : index
        %parallel_loop3A_246 = tpu.vector_load %arg15[%parallel_loop3A_244, %parallel_loop3A_245] {strides = array<i32>} : memref<48x128xf32, #tpu.memory_space<vmem>>, vector<1x16xf32>,
        %parallel_loop3A_247 = vector.shape_cast %parallel_loop3A_246 : vector<1x16xf32> to vector<16xf32>
        %parallel_loop3A_248 = arith.index_cast %parallel_loop3A_131 : i32 to index
        %parallel_loop3A_249 = arith.constant 112 : index
        %parallel_loop3A_250 = tpu.vector_load %arg16[%parallel_loop3A_248, %parallel_loop3A_249] {strides = array<i32>} : memref<48x128xf32, #tpu.memory_space<vmem>>, vector<1x16xf32>,
        %parallel_loop3A_251 = vector.shape_cast %parallel_loop3A_250 : vector<1x16xf32> to vector<16xf32>
        %parallel_loop3A_252 = arith.mulf %get3A_25, %parallel_loop3A_247 : vector<16xf32>
        %parallel_loop3A_253 = arith.addf %parallel_loop3A_252, %parallel_loop3A_251 : vector<16xf32>
        %parallel_loop3A_254 = arith.constant 6.000000e-01 : f32
        %parallel_loop3A_255 = vector.broadcast %parallel_loop3A_254 : f32 to vector<16xf32>
        %parallel_loop3A_256 = arith.mulf %parallel_loop3A_255, %parallel_loop3A_253 : vector<16xf32>
        %parallel_loop3A_257 = math.absf %parallel_loop3A_253 : vector<16xf32>
        %parallel_loop3A_258 = arith.mulf %get3A_49, %parallel_loop3A_257 : vector<16xf32>
        %parallel_loop3A_259 = arith.addf %parallel_loop3A_256, %parallel_loop3A_258 : vector<16xf32>
        %parallel_loop3A_260 = arith.constant 8 : i32
        %parallel_loop3A_261 = vector.broadcast %parallel_loop3A_260 : i32 to vector<16xi32>
        %parallel_loop3A_262 = arith.xori %iota3A, %parallel_loop3A_261 : vector<16xi32>
        %parallel_loop3A_263 = arith.constant 0 : i32
        %parallel_loop3A_264 = vector.broadcast %parallel_loop3A_263 : i32 to vector<16xi32>
        %parallel_loop3A_265 = arith.cmpi slt, %parallel_loop3A_262, %parallel_loop3A_264 : vector<16xi32>
        %parallel_loop3A_266 = arith.constant 16 : i32
        %parallel_loop3A_267 = vector.broadcast %parallel_loop3A_266 : i32 to vector<16xi32>
        %parallel_loop3A_268 = arith.addi %parallel_loop3A_262, %parallel_loop3A_267 : vector<16xi32>
        %parallel_loop3A_269 = arith.select %parallel_loop3A_265, %parallel_loop3A_268, %parallel_loop3A_262 : vector<16xi1>, vector<16xi32>
        %parallel_loop3A_270 = vector.shape_cast %parallel_loop3A_269 : vector<16xi32> to vector<16x1xi32>
        %parallel_loop3A_271 = vector.shape_cast %parallel_loop3A_270 : vector<16x1xi32> to vector<16xi32>
        %parallel_loop3A_272 = tpu.dynamic_gather %parallel_loop3A_147[%parallel_loop3A_271] in [0] : vector<16xf32>, vector<16xi32> -> vector<16xf32>
        %parallel_loop3A_273 = arith.addf %parallel_loop3A_147, %parallel_loop3A_272 : vector<16xf32>
        %parallel_loop3A_274 = arith.constant 8 : i32
        %parallel_loop3A_275 = vector.broadcast %parallel_loop3A_274 : i32 to vector<16xi32>
        %parallel_loop3A_276 = arith.xori %iota3A, %parallel_loop3A_275 : vector<16xi32>
        %parallel_loop3A_277 = arith.constant 0 : i32
        %parallel_loop3A_278 = vector.broadcast %parallel_loop3A_277 : i32 to vector<16xi32>
        %parallel_loop3A_279 = arith.cmpi slt, %parallel_loop3A_276, %parallel_loop3A_278 : vector<16xi32>
        %parallel_loop3A_280 = arith.constant 16 : i32
        %parallel_loop3A_281 = vector.broadcast %parallel_loop3A_280 : i32 to vector<16xi32>
        %parallel_loop3A_282 = arith.addi %parallel_loop3A_276, %parallel_loop3A_281 : vector<16xi32>
        %parallel_loop3A_283 = arith.select %parallel_loop3A_279, %parallel_loop3A_282, %parallel_loop3A_276 : vector<16xi1>, vector<16xi32>
        %parallel_loop3A_284 = vector.shape_cast %parallel_loop3A_283 : vector<16xi32> to vector<16x1xi32>
        %parallel_loop3A_285 = vector.shape_cast %parallel_loop3A_284 : vector<16x1xi32> to vector<16xi32>
        %parallel_loop3A_286 = tpu.dynamic_gather %parallel_loop3A_163[%parallel_loop3A_285] in [0] : vector<16xf32>, vector<16xi32> -> vector<16xf32>
        %parallel_loop3A_287 = arith.addf %parallel_loop3A_163, %parallel_loop3A_286 : vector<16xf32>
        %parallel_loop3A_288 = arith.constant 8 : i32
        %parallel_loop3A_289 = vector.broadcast %parallel_loop3A_288 : i32 to vector<16xi32>
        %parallel_loop3A_290 = arith.xori %iota3A, %parallel_loop3A_289 : vector<16xi32>
        %parallel_loop3A_291 = arith.constant 0 : i32
        %parallel_loop3A_292 = vector.broadcast %parallel_loop3A_291 : i32 to vector<16xi32>
        %parallel_loop3A_293 = arith.cmpi slt, %parallel_loop3A_290, %parallel_loop3A_292 : vector<16xi32>
        %parallel_loop3A_294 = arith.constant 16 : i32
        %parallel_loop3A_295 = vector.broadcast %parallel_loop3A_294 : i32 to vector<16xi32>
        %parallel_loop3A_296 = arith.addi %parallel_loop3A_290, %parallel_loop3A_295 : vector<16xi32>
        %parallel_loop3A_297 = arith.select %parallel_loop3A_293, %parallel_loop3A_296, %parallel_loop3A_290 : vector<16xi1>, vector<16xi32>
        %parallel_loop3A_298 = vector.shape_cast %parallel_loop3A_297 : vector<16xi32> to vector<16x1xi32>
        %parallel_loop3A_299 = vector.shape_cast %parallel_loop3A_298 : vector<16x1xi32> to vector<16xi32>
        %parallel_loop3A_300 = tpu.dynamic_gather %parallel_loop3A_179[%parallel_loop3A_299] in [0] : vector<16xf32>, vector<16xi32> -> vector<16xf32>
        %parallel_loop3A_301 = arith.addf %parallel_loop3A_179, %parallel_loop3A_300 : vector<16xf32>
        %parallel_loop3A_302 = arith.constant 8 : i32
        %parallel_loop3A_303 = vector.broadcast %parallel_loop3A_302 : i32 to vector<16xi32>
        %parallel_loop3A_304 = arith.xori %iota3A, %parallel_loop3A_303 : vector<16xi32>
        %parallel_loop3A_305 = arith.constant 0 : i32
        %parallel_loop3A_306 = vector.broadcast %parallel_loop3A_305 : i32 to vector<16xi32>
        %parallel_loop3A_307 = arith.cmpi slt, %parallel_loop3A_304, %parallel_loop3A_306 : vector<16xi32>
        %parallel_loop3A_308 = arith.constant 16 : i32
        %parallel_loop3A_309 = vector.broadcast %parallel_loop3A_308 : i32 to vector<16xi32>
        %parallel_loop3A_310 = arith.addi %parallel_loop3A_304, %parallel_loop3A_309 : vector<16xi32>
        %parallel_loop3A_311 = arith.select %parallel_loop3A_307, %parallel_loop3A_310, %parallel_loop3A_304 : vector<16xi1>, vector<16xi32>
        %parallel_loop3A_312 = vector.shape_cast %parallel_loop3A_311 : vector<16xi32> to vector<16x1xi32>
        %parallel_loop3A_313 = vector.shape_cast %parallel_loop3A_312 : vector<16x1xi32> to vector<16xi32>
        %parallel_loop3A_314 = tpu.dynamic_gather %parallel_loop3A_195[%parallel_loop3A_313] in [0] : vector<16xf32>, vector<16xi32> -> vector<16xf32>
        %parallel_loop3A_315 = arith.addf %parallel_loop3A_195, %parallel_loop3A_314 : vector<16xf32>
        %parallel_loop3A_316 = arith.constant 8 : i32
        %parallel_loop3A_317 = vector.broadcast %parallel_loop3A_316 : i32 to vector<16xi32>
        %parallel_loop3A_318 = arith.xori %iota3A, %parallel_loop3A_317 : vector<16xi32>
        %parallel_loop3A_319 = arith.constant 0 : i32
        %parallel_loop3A_320 = vector.broadcast %parallel_loop3A_319 : i32 to vector<16xi32>
        %parallel_loop3A_321 = arith.cmpi slt, %parallel_loop3A_318, %parallel_loop3A_320 : vector<16xi32>
        %parallel_loop3A_322 = arith.constant 16 : i32
        %parallel_loop3A_323 = vector.broadcast %parallel_loop3A_322 : i32 to vector<16xi32>
        %parallel_loop3A_324 = arith.addi %parallel_loop3A_318, %parallel_loop3A_323 : vector<16xi32>
        %parallel_loop3A_325 = arith.select %parallel_loop3A_321, %parallel_loop3A_324, %parallel_loop3A_318 : vector<16xi1>, vector<16xi32>
        %parallel_loop3A_326 = vector.shape_cast %parallel_loop3A_325 : vector<16xi32> to vector<16x1xi32>
        %parallel_loop3A_327 = vector.shape_cast %parallel_loop3A_326 : vector<16x1xi32> to vector<16xi32>
        %parallel_loop3A_328 = tpu.dynamic_gather %parallel_loop3A_211[%parallel_loop3A_327] in [0] : vector<16xf32>, vector<16xi32> -> vector<16xf32>
        %parallel_loop3A_329 = arith.addf %parallel_loop3A_211, %parallel_loop3A_328 : vector<16xf32>
        %parallel_loop3A_330 = arith.constant 8 : i32
        %parallel_loop3A_331 = vector.broadcast %parallel_loop3A_330 : i32 to vector<16xi32>
        %parallel_loop3A_332 = arith.xori %iota3A, %parallel_loop3A_331 : vector<16xi32>
        %parallel_loop3A_333 = arith.constant 0 : i32
        %parallel_loop3A_334 = vector.broadcast %parallel_loop3A_333 : i32 to vector<16xi32>
        %parallel_loop3A_335 = arith.cmpi slt, %parallel_loop3A_332, %parallel_loop3A_334 : vector<16xi32>
        %parallel_loop3A_336 = arith.constant 16 : i32
        %parallel_loop3A_337 = vector.broadcast %parallel_loop3A_336 : i32 to vector<16xi32>
        %parallel_loop3A_338 = arith.addi %parallel_loop3A_332, %parallel_loop3A_337 : vector<16xi32>
        %parallel_loop3A_339 = arith.select %parallel_loop3A_335, %parallel_loop3A_338, %parallel_loop3A_332 : vector<16xi1>, vector<16xi32>
        %parallel_loop3A_340 = vector.shape_cast %parallel_loop3A_339 : vector<16xi32> to vector<16x1xi32>
        %parallel_loop3A_341 = vector.shape_cast %parallel_loop3A_340 : vector<16x1xi32> to vector<16xi32>
        %parallel_loop3A_342 = tpu.dynamic_gather %parallel_loop3A_227[%parallel_loop3A_341] in [0] : vector<16xf32>, vector<16xi32> -> vector<16xf32>
        %parallel_loop3A_343 = arith.addf %parallel_loop3A_227, %parallel_loop3A_342 : vector<16xf32>
        %parallel_loop3A_344 = arith.constant 8 : i32
        %parallel_loop3A_345 = vector.broadcast %parallel_loop3A_344 : i32 to vector<16xi32>
        %parallel_loop3A_346 = arith.xori %iota3A, %parallel_loop3A_345 : vector<16xi32>
        %parallel_loop3A_347 = arith.constant 0 : i32
        %parallel_loop3A_348 = vector.broadcast %parallel_loop3A_347 : i32 to vector<16xi32>
        %parallel_loop3A_349 = arith.cmpi slt, %parallel_loop3A_346, %parallel_loop3A_348 : vector<16xi32>
        %parallel_loop3A_350 = arith.constant 16 : i32
        %parallel_loop3A_351 = vector.broadcast %parallel_loop3A_350 : i32 to vector<16xi32>
        %parallel_loop3A_352 = arith.addi %parallel_loop3A_346, %parallel_loop3A_351 : vector<16xi32>
        %parallel_loop3A_353 = arith.select %parallel_loop3A_349, %parallel_loop3A_352, %parallel_loop3A_346 : vector<16xi1>, vector<16xi32>
        %parallel_loop3A_354 = vector.shape_cast %parallel_loop3A_353 : vector<16xi32> to vector<16x1xi32>
        %parallel_loop3A_355 = vector.shape_cast %parallel_loop3A_354 : vector<16x1xi32> to vector<16xi32>
        %parallel_loop3A_356 = tpu.dynamic_gather %parallel_loop3A_243[%parallel_loop3A_355] in [0] : vector<16xf32>, vector<16xi32> -> vector<16xf32>
        %parallel_loop3A_357 = arith.addf %parallel_loop3A_243, %parallel_loop3A_356 : vector<16xf32>
        %parallel_loop3A_358 = arith.constant 8 : i32
        %parallel_loop3A_359 = vector.broadcast %parallel_loop3A_358 : i32 to vector<16xi32>
        %parallel_loop3A_360 = arith.xori %iota3A, %parallel_loop3A_359 : vector<16xi32>
        %parallel_loop3A_361 = arith.constant 0 : i32
        %parallel_loop3A_362 = vector.broadcast %parallel_loop3A_361 : i32 to vector<16xi32>
        %parallel_loop3A_363 = arith.cmpi slt, %parallel_loop3A_360, %parallel_loop3A_362 : vector<16xi32>
        %parallel_loop3A_364 = arith.constant 16 : i32
        %parallel_loop3A_365 = vector.broadcast %parallel_loop3A_364 : i32 to vector<16xi32>
        %parallel_loop3A_366 = arith.addi %parallel_loop3A_360, %parallel_loop3A_365 : vector<16xi32>
        %parallel_loop3A_367 = arith.select %parallel_loop3A_363, %parallel_loop3A_366, %parallel_loop3A_360 : vector<16xi1>, vector<16xi32>
        %parallel_loop3A_368 = vector.shape_cast %parallel_loop3A_367 : vector<16xi32> to vector<16x1xi32>
        %parallel_loop3A_369 = vector.shape_cast %parallel_loop3A_368 : vector<16x1xi32> to vector<16xi32>
        %parallel_loop3A_370 = tpu.dynamic_gather %parallel_loop3A_259[%parallel_loop3A_369] in [0] : vector<16xf32>, vector<16xi32> -> vector<16xf32>
        %parallel_loop3A_371 = arith.addf %parallel_loop3A_259, %parallel_loop3A_370 : vector<16xf32>
        %parallel_loop3A_372 = arith.constant 8 : i32
        %parallel_loop3A_373 = vector.broadcast %parallel_loop3A_372 : i32 to vector<16xi32>
        %parallel_loop3A_374 = arith.cmpi slt, %iota3A, %parallel_loop3A_373 : vector<16xi32>
        %parallel_loop3A_375 = arith.select %parallel_loop3A_374, %parallel_loop3A_273, %parallel_loop3A_287 : vector<16xi1>, vector<16xf32>
        %parallel_loop3A_376 = arith.constant 8 : i32
        %parallel_loop3A_377 = vector.broadcast %parallel_loop3A_376 : i32 to vector<16xi32>
        %parallel_loop3A_378 = arith.cmpi slt, %iota3A, %parallel_loop3A_377 : vector<16xi32>
        %parallel_loop3A_379 = arith.select %parallel_loop3A_378, %parallel_loop3A_301, %parallel_loop3A_315 : vector<16xi1>, vector<16xf32>
        %parallel_loop3A_380 = arith.constant 8 : i32
        %parallel_loop3A_381 = vector.broadcast %parallel_loop3A_380 : i32 to vector<16xi32>
        %parallel_loop3A_382 = arith.cmpi slt, %iota3A, %parallel_loop3A_381 : vector<16xi32>
        %parallel_loop3A_383 = arith.select %parallel_loop3A_382, %parallel_loop3A_329, %parallel_loop3A_343 : vector<16xi1>, vector<16xf32>
        %parallel_loop3A_384 = arith.constant 8 : i32
        %parallel_loop3A_385 = vector.broadcast %parallel_loop3A_384 : i32 to vector<16xi32>
        %parallel_loop3A_386 = arith.cmpi slt, %iota3A, %parallel_loop3A_385 : vector<16xi32>
        %parallel_loop3A_387 = arith.select %parallel_loop3A_386, %parallel_loop3A_357, %parallel_loop3A_371 : vector<16xi1>, vector<16xf32>
        %parallel_loop3A_388 = arith.constant 4 : i32
        %parallel_loop3A_389 = vector.broadcast %parallel_loop3A_388 : i32 to vector<16xi32>
        %parallel_loop3A_390 = arith.xori %iota3A, %parallel_loop3A_389 : vector<16xi32>
        %parallel_loop3A_391 = arith.constant 0 : i32
        %parallel_loop3A_392 = vector.broadcast %parallel_loop3A_391 : i32 to vector<16xi32>
        %parallel_loop3A_393 = arith.cmpi slt, %parallel_loop3A_390, %parallel_loop3A_392 : vector<16xi32>
        %parallel_loop3A_394 = arith.constant 16 : i32
        %parallel_loop3A_395 = vector.broadcast %parallel_loop3A_394 : i32 to vector<16xi32>
        %parallel_loop3A_396 = arith.addi %parallel_loop3A_390, %parallel_loop3A_395 : vector<16xi32>
        %parallel_loop3A_397 = arith.select %parallel_loop3A_393, %parallel_loop3A_396, %parallel_loop3A_390 : vector<16xi1>, vector<16xi32>
        %parallel_loop3A_398 = vector.shape_cast %parallel_loop3A_397 : vector<16xi32> to vector<16x1xi32>
        %parallel_loop3A_399 = vector.shape_cast %parallel_loop3A_398 : vector<16x1xi32> to vector<16xi32>
        %parallel_loop3A_400 = tpu.dynamic_gather %parallel_loop3A_375[%parallel_loop3A_399] in [0] : vector<16xf32>, vector<16xi32> -> vector<16xf32>
        %parallel_loop3A_401 = arith.addf %parallel_loop3A_375, %parallel_loop3A_400 : vector<16xf32>
        %parallel_loop3A_402 = arith.constant 4 : i32
        %parallel_loop3A_403 = vector.broadcast %parallel_loop3A_402 : i32 to vector<16xi32>
        %parallel_loop3A_404 = arith.xori %iota3A, %parallel_loop3A_403 : vector<16xi32>
        %parallel_loop3A_405 = arith.constant 0 : i32
        %parallel_loop3A_406 = vector.broadcast %parallel_loop3A_405 : i32 to vector<16xi32>
        %parallel_loop3A_407 = arith.cmpi slt, %parallel_loop3A_404, %parallel_loop3A_406 : vector<16xi32>
        %parallel_loop3A_408 = arith.constant 16 : i32
        %parallel_loop3A_409 = vector.broadcast %parallel_loop3A_408 : i32 to vector<16xi32>
        %parallel_loop3A_410 = arith.addi %parallel_loop3A_404, %parallel_loop3A_409 : vector<16xi32>
        %parallel_loop3A_411 = arith.select %parallel_loop3A_407, %parallel_loop3A_410, %parallel_loop3A_404 : vector<16xi1>, vector<16xi32>
        %parallel_loop3A_412 = vector.shape_cast %parallel_loop3A_411 : vector<16xi32> to vector<16x1xi32>
        %parallel_loop3A_413 = vector.shape_cast %parallel_loop3A_412 : vector<16x1xi32> to vector<16xi32>
        %parallel_loop3A_414 = tpu.dynamic_gather %parallel_loop3A_379[%parallel_loop3A_413] in [0] : vector<16xf32>, vector<16xi32> -> vector<16xf32>
        %parallel_loop3A_415 = arith.addf %parallel_loop3A_379, %parallel_loop3A_414 : vector<16xf32>
        %parallel_loop3A_416 = arith.constant 4 : i32
        %parallel_loop3A_417 = vector.broadcast %parallel_loop3A_416 : i32 to vector<16xi32>
        %parallel_loop3A_418 = arith.xori %iota3A, %parallel_loop3A_417 : vector<16xi32>
        %parallel_loop3A_419 = arith.constant 0 : i32
        %parallel_loop3A_420 = vector.broadcast %parallel_loop3A_419 : i32 to vector<16xi32>
        %parallel_loop3A_421 = arith.cmpi slt, %parallel_loop3A_418, %parallel_loop3A_420 : vector<16xi32>
        %parallel_loop3A_422 = arith.constant 16 : i32
        %parallel_loop3A_423 = vector.broadcast %parallel_loop3A_422 : i32 to vector<16xi32>
        %parallel_loop3A_424 = arith.addi %parallel_loop3A_418, %parallel_loop3A_423 : vector<16xi32>
        %parallel_loop3A_425 = arith.select %parallel_loop3A_421, %parallel_loop3A_424, %parallel_loop3A_418 : vector<16xi1>, vector<16xi32>
        %parallel_loop3A_426 = vector.shape_cast %parallel_loop3A_425 : vector<16xi32> to vector<16x1xi32>
        %parallel_loop3A_427 = vector.shape_cast %parallel_loop3A_426 : vector<16x1xi32> to vector<16xi32>
        %parallel_loop3A_428 = tpu.dynamic_gather %parallel_loop3A_383[%parallel_loop3A_427] in [0] : vector<16xf32>, vector<16xi32> -> vector<16xf32>
        %parallel_loop3A_429 = arith.addf %parallel_loop3A_383, %parallel_loop3A_428 : vector<16xf32>
        %parallel_loop3A_430 = arith.constant 4 : i32
        %parallel_loop3A_431 = vector.broadcast %parallel_loop3A_430 : i32 to vector<16xi32>
        %parallel_loop3A_432 = arith.xori %iota3A, %parallel_loop3A_431 : vector<16xi32>
        %parallel_loop3A_433 = arith.constant 0 : i32
        %parallel_loop3A_434 = vector.broadcast %parallel_loop3A_433 : i32 to vector<16xi32>
        %parallel_loop3A_435 = arith.cmpi slt, %parallel_loop3A_432, %parallel_loop3A_434 : vector<16xi32>
        %parallel_loop3A_436 = arith.constant 16 : i32
        %parallel_loop3A_437 = vector.broadcast %parallel_loop3A_436 : i32 to vector<16xi32>
        %parallel_loop3A_438 = arith.addi %parallel_loop3A_432, %parallel_loop3A_437 : vector<16xi32>
        %parallel_loop3A_439 = arith.select %parallel_loop3A_435, %parallel_loop3A_438, %parallel_loop3A_432 : vector<16xi1>, vector<16xi32>
        %parallel_loop3A_440 = vector.shape_cast %parallel_loop3A_439 : vector<16xi32> to vector<16x1xi32>
        %parallel_loop3A_441 = vector.shape_cast %parallel_loop3A_440 : vector<16x1xi32> to vector<16xi32>
        %parallel_loop3A_442 = tpu.dynamic_gather %parallel_loop3A_387[%parallel_loop3A_441] in [0] : vector<16xf32>, vector<16xi32> -> vector<16xf32>
        %parallel_loop3A_443 = arith.addf %parallel_loop3A_387, %parallel_loop3A_442 : vector<16xf32>
        %parallel_loop3A_444 = arith.constant 8 : i32
        %parallel_loop3A_445 = arith.constant 0 : i32
        %parallel_loop3A_446 = arith.cmpi eq, %parallel_loop3A_444, %parallel_loop3A_445 : i32
        %parallel_loop3A_447 = arith.constant 1 : i32
        %parallel_loop3A_448 = arith.select %parallel_loop3A_446, %parallel_loop3A_447, %parallel_loop3A_444 : i32
        %parallel_loop3A_449 = vector.broadcast %parallel_loop3A_448 : i32 to vector<16xi32>
        %parallel_loop3A_450 = arith.remsi %iota3A, %parallel_loop3A_449 : vector<16xi32>
        %parallel_loop3A_451 = arith.constant 0 : i32
        %parallel_loop3A_452 = vector.broadcast %parallel_loop3A_451 : i32 to vector<16xi32>
        %parallel_loop3A_453 = arith.cmpi ne, %parallel_loop3A_450, %parallel_loop3A_452 : vector<16xi32>
        %parallel_loop3A_454 = arith.constant 0 : i32
        %parallel_loop3A_455 = vector.broadcast %parallel_loop3A_454 : i32 to vector<16xi32>
        %parallel_loop3A_456 = arith.cmpi slt, %parallel_loop3A_450, %parallel_loop3A_455 : vector<16xi32>
        %parallel_loop3A_457 = arith.constant 0 : i32
        %parallel_loop3A_458 = arith.cmpi slt, %parallel_loop3A_448, %parallel_loop3A_457 : i32
        %parallel_loop3A_459 = vector.broadcast %parallel_loop3A_458 : i1 to vector<16xi1>
        %parallel_loop3A_460 = vector.broadcast %parallel_loop3A_459 : vector<16xi1> to vector<16xi1>
        %parallel_loop3A_461 = arith.xori %parallel_loop3A_456, %parallel_loop3A_460 : vector<16xi1>
        %parallel_loop3A_462 = arith.andi %parallel_loop3A_461, %parallel_loop3A_453 : vector<16xi1>
        %parallel_loop3A_463 = vector.broadcast %parallel_loop3A_448 : i32 to vector<16xi32>
        %parallel_loop3A_464 = arith.addi %parallel_loop3A_450, %parallel_loop3A_463 : vector<16xi32>
        %parallel_loop3A_465 = arith.select %parallel_loop3A_462, %parallel_loop3A_464, %parallel_loop3A_450 : vector<16xi1>, vector<16xi32>
        %parallel_loop3A_466 = arith.constant 4 : i32
        %parallel_loop3A_467 = vector.broadcast %parallel_loop3A_466 : i32 to vector<16xi32>
        %parallel_loop3A_468 = arith.cmpi slt, %parallel_loop3A_465, %parallel_loop3A_467 : vector<16xi32>
        %parallel_loop3A_469 = arith.select %parallel_loop3A_468, %parallel_loop3A_401, %parallel_loop3A_415 : vector<16xi1>, vector<16xf32>
        %parallel_loop3A_470 = arith.constant 8 : i32
        %parallel_loop3A_471 = arith.constant 0 : i32
        %parallel_loop3A_472 = arith.cmpi eq, %parallel_loop3A_470, %parallel_loop3A_471 : i32
        %parallel_loop3A_473 = arith.constant 1 : i32
        %parallel_loop3A_474 = arith.select %parallel_loop3A_472, %parallel_loop3A_473, %parallel_loop3A_470 : i32
        %parallel_loop3A_475 = vector.broadcast %parallel_loop3A_474 : i32 to vector<16xi32>
        %parallel_loop3A_476 = arith.remsi %iota3A, %parallel_loop3A_475 : vector<16xi32>
        %parallel_loop3A_477 = arith.constant 0 : i32
        %parallel_loop3A_478 = vector.broadcast %parallel_loop3A_477 : i32 to vector<16xi32>
        %parallel_loop3A_479 = arith.cmpi ne, %parallel_loop3A_476, %parallel_loop3A_478 : vector<16xi32>
        %parallel_loop3A_480 = arith.constant 0 : i32
        %parallel_loop3A_481 = vector.broadcast %parallel_loop3A_480 : i32 to vector<16xi32>
        %parallel_loop3A_482 = arith.cmpi slt, %parallel_loop3A_476, %parallel_loop3A_481 : vector<16xi32>
        %parallel_loop3A_483 = arith.constant 0 : i32
        %parallel_loop3A_484 = arith.cmpi slt, %parallel_loop3A_474, %parallel_loop3A_483 : i32
        %parallel_loop3A_485 = vector.broadcast %parallel_loop3A_484 : i1 to vector<16xi1>
        %parallel_loop3A_486 = vector.broadcast %parallel_loop3A_485 : vector<16xi1> to vector<16xi1>
        %parallel_loop3A_487 = arith.xori %parallel_loop3A_482, %parallel_loop3A_486 : vector<16xi1>
        %parallel_loop3A_488 = arith.andi %parallel_loop3A_487, %parallel_loop3A_479 : vector<16xi1>
        %parallel_loop3A_489 = vector.broadcast %parallel_loop3A_474 : i32 to vector<16xi32>
        %parallel_loop3A_490 = arith.addi %parallel_loop3A_476, %parallel_loop3A_489 : vector<16xi32>
        %parallel_loop3A_491 = arith.select %parallel_loop3A_488, %parallel_loop3A_490, %parallel_loop3A_476 : vector<16xi1>, vector<16xi32>
        %parallel_loop3A_492 = arith.constant 4 : i32
        %parallel_loop3A_493 = vector.broadcast %parallel_loop3A_492 : i32 to vector<16xi32>
        %parallel_loop3A_494 = arith.cmpi slt, %parallel_loop3A_491, %parallel_loop3A_493 : vector<16xi32>
        %parallel_loop3A_495 = arith.select %parallel_loop3A_494, %parallel_loop3A_429, %parallel_loop3A_443 : vector<16xi1>, vector<16xf32>
        %parallel_loop3A_496 = arith.constant 2 : i32
        %parallel_loop3A_497 = vector.broadcast %parallel_loop3A_496 : i32 to vector<16xi32>
        %parallel_loop3A_498 = arith.xori %iota3A, %parallel_loop3A_497 : vector<16xi32>
        %parallel_loop3A_499 = arith.constant 0 : i32
        %parallel_loop3A_500 = vector.broadcast %parallel_loop3A_499 : i32 to vector<16xi32>
        %parallel_loop3A_501 = arith.cmpi slt, %parallel_loop3A_498, %parallel_loop3A_500 : vector<16xi32>
        %parallel_loop3A_502 = arith.constant 16 : i32
        %parallel_loop3A_503 = vector.broadcast %parallel_loop3A_502 : i32 to vector<16xi32>
        %parallel_loop3A_504 = arith.addi %parallel_loop3A_498, %parallel_loop3A_503 : vector<16xi32>
        %parallel_loop3A_505 = arith.select %parallel_loop3A_501, %parallel_loop3A_504, %parallel_loop3A_498 : vector<16xi1>, vector<16xi32>
        %parallel_loop3A_506 = vector.shape_cast %parallel_loop3A_505 : vector<16xi32> to vector<16x1xi32>
        %parallel_loop3A_507 = vector.shape_cast %parallel_loop3A_506 : vector<16x1xi32> to vector<16xi32>
        %parallel_loop3A_508 = tpu.dynamic_gather %parallel_loop3A_469[%parallel_loop3A_507] in [0] : vector<16xf32>, vector<16xi32> -> vector<16xf32>
        %parallel_loop3A_509 = arith.addf %parallel_loop3A_469, %parallel_loop3A_508 : vector<16xf32>
        %parallel_loop3A_510 = arith.constant 2 : i32
        %parallel_loop3A_511 = vector.broadcast %parallel_loop3A_510 : i32 to vector<16xi32>
        %parallel_loop3A_512 = arith.xori %iota3A, %parallel_loop3A_511 : vector<16xi32>
        %parallel_loop3A_513 = arith.constant 0 : i32
        %parallel_loop3A_514 = vector.broadcast %parallel_loop3A_513 : i32 to vector<16xi32>
        %parallel_loop3A_515 = arith.cmpi slt, %parallel_loop3A_512, %parallel_loop3A_514 : vector<16xi32>
        %parallel_loop3A_516 = arith.constant 16 : i32
        %parallel_loop3A_517 = vector.broadcast %parallel_loop3A_516 : i32 to vector<16xi32>
        %parallel_loop3A_518 = arith.addi %parallel_loop3A_512, %parallel_loop3A_517 : vector<16xi32>
        %parallel_loop3A_519 = arith.select %parallel_loop3A_515, %parallel_loop3A_518, %parallel_loop3A_512 : vector<16xi1>, vector<16xi32>
        %parallel_loop3A_520 = vector.shape_cast %parallel_loop3A_519 : vector<16xi32> to vector<16x1xi32>
        %parallel_loop3A_521 = vector.shape_cast %parallel_loop3A_520 : vector<16x1xi32> to vector<16xi32>
        %parallel_loop3A_522 = tpu.dynamic_gather %parallel_loop3A_495[%parallel_loop3A_521] in [0] : vector<16xf32>, vector<16xi32> -> vector<16xf32>
        %parallel_loop3A_523 = arith.addf %parallel_loop3A_495, %parallel_loop3A_522 : vector<16xf32>
        %parallel_loop3A_524 = arith.constant 4 : i32
        %parallel_loop3A_525 = arith.constant 0 : i32
        %parallel_loop3A_526 = arith.cmpi eq, %parallel_loop3A_524, %parallel_loop3A_525 : i32
        %parallel_loop3A_527 = arith.constant 1 : i32
        %parallel_loop3A_528 = arith.select %parallel_loop3A_526, %parallel_loop3A_527, %parallel_loop3A_524 : i32
        %parallel_loop3A_529 = vector.broadcast %parallel_loop3A_528 : i32 to vector<16xi32>
        %parallel_loop3A_530 = arith.remsi %iota3A, %parallel_loop3A_529 : vector<16xi32>
        %parallel_loop3A_531 = arith.constant 0 : i32
        %parallel_loop3A_532 = vector.broadcast %parallel_loop3A_531 : i32 to vector<16xi32>
        %parallel_loop3A_533 = arith.cmpi ne, %parallel_loop3A_530, %parallel_loop3A_532 : vector<16xi32>
        %parallel_loop3A_534 = arith.constant 0 : i32
        %parallel_loop3A_535 = vector.broadcast %parallel_loop3A_534 : i32 to vector<16xi32>
        %parallel_loop3A_536 = arith.cmpi slt, %parallel_loop3A_530, %parallel_loop3A_535 : vector<16xi32>
        %parallel_loop3A_537 = arith.constant 0 : i32
        %parallel_loop3A_538 = arith.cmpi slt, %parallel_loop3A_528, %parallel_loop3A_537 : i32
        %parallel_loop3A_539 = vector.broadcast %parallel_loop3A_538 : i1 to vector<16xi1>
        %parallel_loop3A_540 = vector.broadcast %parallel_loop3A_539 : vector<16xi1> to vector<16xi1>
        %parallel_loop3A_541 = arith.xori %parallel_loop3A_536, %parallel_loop3A_540 : vector<16xi1>
        %parallel_loop3A_542 = arith.andi %parallel_loop3A_541, %parallel_loop3A_533 : vector<16xi1>
        %parallel_loop3A_543 = vector.broadcast %parallel_loop3A_528 : i32 to vector<16xi32>
        %parallel_loop3A_544 = arith.addi %parallel_loop3A_530, %parallel_loop3A_543 : vector<16xi32>
        %parallel_loop3A_545 = arith.select %parallel_loop3A_542, %parallel_loop3A_544, %parallel_loop3A_530 : vector<16xi1>, vector<16xi32>
        %parallel_loop3A_546 = arith.constant 2 : i32
        %parallel_loop3A_547 = vector.broadcast %parallel_loop3A_546 : i32 to vector<16xi32>
        %parallel_loop3A_548 = arith.cmpi slt, %parallel_loop3A_545, %parallel_loop3A_547 : vector<16xi32>
        %parallel_loop3A_549 = arith.select %parallel_loop3A_548, %parallel_loop3A_509, %parallel_loop3A_523 : vector<16xi1>, vector<16xf32>
        %parallel_loop3A_550 = arith.constant 1 : i32
        %parallel_loop3A_551 = vector.broadcast %parallel_loop3A_550 : i32 to vector<16xi32>
        %parallel_loop3A_552 = arith.xori %iota3A, %parallel_loop3A_551 : vector<16xi32>
        %parallel_loop3A_553 = arith.constant 0 : i32
        %parallel_loop3A_554 = vector.broadcast %parallel_loop3A_553 : i32 to vector<16xi32>
        %parallel_loop3A_555 = arith.cmpi slt, %parallel_loop3A_552, %parallel_loop3A_554 : vector<16xi32>
        %parallel_loop3A_556 = arith.constant 16 : i32
        %parallel_loop3A_557 = vector.broadcast %parallel_loop3A_556 : i32 to vector<16xi32>
        %parallel_loop3A_558 = arith.addi %parallel_loop3A_552, %parallel_loop3A_557 : vector<16xi32>
        %parallel_loop3A_559 = arith.select %parallel_loop3A_555, %parallel_loop3A_558, %parallel_loop3A_552 : vector<16xi1>, vector<16xi32>
        %parallel_loop3A_560 = vector.shape_cast %parallel_loop3A_559 : vector<16xi32> to vector<16x1xi32>
        %parallel_loop3A_561 = vector.shape_cast %parallel_loop3A_560 : vector<16x1xi32> to vector<16xi32>
        %parallel_loop3A_562 = tpu.dynamic_gather %parallel_loop3A_549[%parallel_loop3A_561] in [0] : vector<16xf32>, vector<16xi32> -> vector<16xf32>
        %parallel_loop3A_563 = arith.addf %parallel_loop3A_549, %parallel_loop3A_562 : vector<16xf32>
        %parallel_loop3A_564 = arith.constant 0 : i32
        %parallel_loop3A_565 = vector.broadcast %parallel_loop3A_564 : i32 to vector<16xi32>
        %parallel_loop3A_566 = arith.cmpi slt, %shift_left3A_65, %parallel_loop3A_565 : vector<16xi32>
        %parallel_loop3A_567 = arith.constant 16 : i32
        %parallel_loop3A_568 = vector.broadcast %parallel_loop3A_567 : i32 to vector<16xi32>
        %parallel_loop3A_569 = arith.addi %shift_left3A_65, %parallel_loop3A_568 : vector<16xi32>
        %parallel_loop3A_570 = arith.select %parallel_loop3A_566, %parallel_loop3A_569, %shift_left3A_65 : vector<16xi1>, vector<16xi32>
        %parallel_loop3A_571 = vector.shape_cast %parallel_loop3A_570 : vector<16xi32> to vector<16x1xi32>
        %parallel_loop3A_572 = vector.shape_cast %parallel_loop3A_571 : vector<16x1xi32> to vector<16xi32>
        %parallel_loop3A_573 = tpu.dynamic_gather %parallel_loop3A_563[%parallel_loop3A_572] in [0] : vector<16xf32>, vector<16xi32> -> vector<16xf32>
        %parallel_loop3A_574 = math.exp %parallel_loop3A_573 : vector<16xf32>
        %parallel_loop3A_575 = vector.extract_strided_slice %parallel_loop3A_574 {offsets = [0], sizes = [1], strides = [1]} : vector<16xf32> to vector<1xf32>
        %parallel_loop3A_576 = vector.extract %parallel_loop3A_575[0] : f32 from vector<1xf32>
        %parallel_loop3A_577 = vector.broadcast %parallel_loop3A_576 : f32 to vector<16xf32>
        %parallel_loop3A_578 = arith.mulf %parallel_loop3A_577, %parallel_loop3A_135 : vector<16xf32>
        %parallel_loop3A_579 = arith.index_cast %parallel_loop3A_131 : i32 to index
        %parallel_loop3A_580 = arith.constant 0 : index
        %parallel_loop3A_581 = tpu.vector_load %arg17[%parallel_loop3A_579, %parallel_loop3A_580] {strides = array<i32>} : memref<48x144xf32, #tpu.memory_space<vmem>>, vector<1x16xf32>,
        %parallel_loop3A_582 = vector.shape_cast %parallel_loop3A_581 : vector<1x16xf32> to vector<16xf32>
        %parallel_loop3A_583 = vector.shape_cast %parallel_loop3A_578 : vector<16xf32> to vector<1x16xf32>
        tpu.vector_store %arg17[%parallel_loop3A_579, %parallel_loop3A_580], %parallel_loop3A_583 {strides = array<i32>} : memref<48x144xf32, #tpu.memory_space<vmem>>, vector<1x16xf32>,
        %parallel_loop3A_584 = vector.extract_strided_slice %parallel_loop3A_574 {offsets = [1], sizes = [1], strides = [1]} : vector<16xf32> to vector<1xf32>
        %parallel_loop3A_585 = vector.extract %parallel_loop3A_584[0] : f32 from vector<1xf32>
        %parallel_loop3A_586 = vector.broadcast %parallel_loop3A_585 : f32 to vector<16xf32>
        %parallel_loop3A_587 = arith.mulf %parallel_loop3A_586, %parallel_loop3A_151 : vector<16xf32>
        %parallel_loop3A_588 = arith.index_cast %parallel_loop3A_131 : i32 to index
        %parallel_loop3A_589 = arith.constant 16 : index
        %parallel_loop3A_590 = tpu.vector_load %arg17[%parallel_loop3A_588, %parallel_loop3A_589] {strides = array<i32>} : memref<48x144xf32, #tpu.memory_space<vmem>>, vector<1x16xf32>,
        %parallel_loop3A_591 = vector.shape_cast %parallel_loop3A_590 : vector<1x16xf32> to vector<16xf32>
        %parallel_loop3A_592 = vector.shape_cast %parallel_loop3A_587 : vector<16xf32> to vector<1x16xf32>
        tpu.vector_store %arg17[%parallel_loop3A_588, %parallel_loop3A_589], %parallel_loop3A_592 {strides = array<i32>} : memref<48x144xf32, #tpu.memory_space<vmem>>, vector<1x16xf32>,
        %parallel_loop3A_593 = vector.extract_strided_slice %parallel_loop3A_574 {offsets = [2], sizes = [1], strides = [1]} : vector<16xf32> to vector<1xf32>
        %parallel_loop3A_594 = vector.extract %parallel_loop3A_593[0] : f32 from vector<1xf32>
        %parallel_loop3A_595 = vector.broadcast %parallel_loop3A_594 : f32 to vector<16xf32>
        %parallel_loop3A_596 = arith.mulf %parallel_loop3A_595, %parallel_loop3A_167 : vector<16xf32>
        %parallel_loop3A_597 = arith.index_cast %parallel_loop3A_131 : i32 to index
        %parallel_loop3A_598 = arith.constant 32 : index
        %parallel_loop3A_599 = tpu.vector_load %arg17[%parallel_loop3A_597, %parallel_loop3A_598] {strides = array<i32>} : memref<48x144xf32, #tpu.memory_space<vmem>>, vector<1x16xf32>,
        %parallel_loop3A_600 = vector.shape_cast %parallel_loop3A_599 : vector<1x16xf32> to vector<16xf32>
        %parallel_loop3A_601 = vector.shape_cast %parallel_loop3A_596 : vector<16xf32> to vector<1x16xf32>
        tpu.vector_store %arg17[%parallel_loop3A_597, %parallel_loop3A_598], %parallel_loop3A_601 {strides = array<i32>} : memref<48x144xf32, #tpu.memory_space<vmem>>, vector<1x16xf32>,
        %parallel_loop3A_602 = vector.extract_strided_slice %parallel_loop3A_574 {offsets = [3], sizes = [1], strides = [1]} : vector<16xf32> to vector<1xf32>
        %parallel_loop3A_603 = vector.extract %parallel_loop3A_602[0] : f32 from vector<1xf32>
        %parallel_loop3A_604 = vector.broadcast %parallel_loop3A_603 : f32 to vector<16xf32>
        %parallel_loop3A_605 = arith.mulf %parallel_loop3A_604, %parallel_loop3A_183 : vector<16xf32>
        %parallel_loop3A_606 = arith.index_cast %parallel_loop3A_131 : i32 to index
        %parallel_loop3A_607 = arith.constant 48 : index
        %parallel_loop3A_608 = tpu.vector_load %arg17[%parallel_loop3A_606, %parallel_loop3A_607] {strides = array<i32>} : memref<48x144xf32, #tpu.memory_space<vmem>>, vector<1x16xf32>,
        %parallel_loop3A_609 = vector.shape_cast %parallel_loop3A_608 : vector<1x16xf32> to vector<16xf32>
        %parallel_loop3A_610 = vector.shape_cast %parallel_loop3A_605 : vector<16xf32> to vector<1x16xf32>
        tpu.vector_store %arg17[%parallel_loop3A_606, %parallel_loop3A_607], %parallel_loop3A_610 {strides = array<i32>} : memref<48x144xf32, #tpu.memory_space<vmem>>, vector<1x16xf32>,
        %parallel_loop3A_611 = vector.extract_strided_slice %parallel_loop3A_574 {offsets = [4], sizes = [1], strides = [1]} : vector<16xf32> to vector<1xf32>
        %parallel_loop3A_612 = vector.extract %parallel_loop3A_611[0] : f32 from vector<1xf32>
        %parallel_loop3A_613 = vector.broadcast %parallel_loop3A_612 : f32 to vector<16xf32>
        %parallel_loop3A_614 = arith.mulf %parallel_loop3A_613, %parallel_loop3A_199 : vector<16xf32>
        %parallel_loop3A_615 = arith.index_cast %parallel_loop3A_131 : i32 to index
        %parallel_loop3A_616 = arith.constant 64 : index
        %parallel_loop3A_617 = tpu.vector_load %arg17[%parallel_loop3A_615, %parallel_loop3A_616] {strides = array<i32>} : memref<48x144xf32, #tpu.memory_space<vmem>>, vector<1x16xf32>,
        %parallel_loop3A_618 = vector.shape_cast %parallel_loop3A_617 : vector<1x16xf32> to vector<16xf32>
        %parallel_loop3A_619 = vector.shape_cast %parallel_loop3A_614 : vector<16xf32> to vector<1x16xf32>
        tpu.vector_store %arg17[%parallel_loop3A_615, %parallel_loop3A_616], %parallel_loop3A_619 {strides = array<i32>} : memref<48x144xf32, #tpu.memory_space<vmem>>, vector<1x16xf32>,
        %parallel_loop3A_620 = vector.extract_strided_slice %parallel_loop3A_574 {offsets = [5], sizes = [1], strides = [1]} : vector<16xf32> to vector<1xf32>
        %parallel_loop3A_621 = vector.extract %parallel_loop3A_620[0] : f32 from vector<1xf32>
        %parallel_loop3A_622 = vector.broadcast %parallel_loop3A_621 : f32 to vector<16xf32>
        %parallel_loop3A_623 = arith.mulf %parallel_loop3A_622, %parallel_loop3A_215 : vector<16xf32>
        %parallel_loop3A_624 = arith.index_cast %parallel_loop3A_131 : i32 to index
        %parallel_loop3A_625 = arith.constant 80 : index
        %parallel_loop3A_626 = tpu.vector_load %arg17[%parallel_loop3A_624, %parallel_loop3A_625] {strides = array<i32>} : memref<48x144xf32, #tpu.memory_space<vmem>>, vector<1x16xf32>,
        %parallel_loop3A_627 = vector.shape_cast %parallel_loop3A_626 : vector<1x16xf32> to vector<16xf32>
        %parallel_loop3A_628 = vector.shape_cast %parallel_loop3A_623 : vector<16xf32> to vector<1x16xf32>
        tpu.vector_store %arg17[%parallel_loop3A_624, %parallel_loop3A_625], %parallel_loop3A_628 {strides = array<i32>} : memref<48x144xf32, #tpu.memory_space<vmem>>, vector<1x16xf32>,
        %parallel_loop3A_629 = vector.extract_strided_slice %parallel_loop3A_574 {offsets = [6], sizes = [1], strides = [1]} : vector<16xf32> to vector<1xf32>
        %parallel_loop3A_630 = vector.extract %parallel_loop3A_629[0] : f32 from vector<1xf32>
        %parallel_loop3A_631 = vector.broadcast %parallel_loop3A_630 : f32 to vector<16xf32>
        %parallel_loop3A_632 = arith.mulf %parallel_loop3A_631, %parallel_loop3A_231 : vector<16xf32>
        %parallel_loop3A_633 = arith.index_cast %parallel_loop3A_131 : i32 to index
        %parallel_loop3A_634 = arith.constant 96 : index
        %parallel_loop3A_635 = tpu.vector_load %arg17[%parallel_loop3A_633, %parallel_loop3A_634] {strides = array<i32>} : memref<48x144xf32, #tpu.memory_space<vmem>>, vector<1x16xf32>,
        %parallel_loop3A_636 = vector.shape_cast %parallel_loop3A_635 : vector<1x16xf32> to vector<16xf32>
        %parallel_loop3A_637 = vector.shape_cast %parallel_loop3A_632 : vector<16xf32> to vector<1x16xf32>
        tpu.vector_store %arg17[%parallel_loop3A_633, %parallel_loop3A_634], %parallel_loop3A_637 {strides = array<i32>} : memref<48x144xf32, #tpu.memory_space<vmem>>, vector<1x16xf32>,
        %parallel_loop3A_638 = vector.extract_strided_slice %parallel_loop3A_574 {offsets = [7], sizes = [1], strides = [1]} : vector<16xf32> to vector<1xf32>
        %parallel_loop3A_639 = vector.extract %parallel_loop3A_638[0] : f32 from vector<1xf32>
        %parallel_loop3A_640 = vector.broadcast %parallel_loop3A_639 : f32 to vector<16xf32>
        %parallel_loop3A_641 = arith.mulf %parallel_loop3A_640, %parallel_loop3A_247 : vector<16xf32>
        %parallel_loop3A_642 = arith.index_cast %parallel_loop3A_131 : i32 to index
        %parallel_loop3A_643 = arith.constant 112 : index
        %parallel_loop3A_644 = tpu.vector_load %arg17[%parallel_loop3A_642, %parallel_loop3A_643] {strides = array<i32>} : memref<48x144xf32, #tpu.memory_space<vmem>>, vector<1x16xf32>,
        %parallel_loop3A_645 = vector.shape_cast %parallel_loop3A_644 : vector<1x16xf32> to vector<16xf32>
        %parallel_loop3A_646 = vector.shape_cast %parallel_loop3A_641 : vector<16xf32> to vector<1x16xf32>
        tpu.vector_store %arg17[%parallel_loop3A_642, %parallel_loop3A_643], %parallel_loop3A_646 {strides = array<i32>} : memref<48x144xf32, #tpu.memory_space<vmem>>, vector<1x16xf32>,
        %parallel_loop3A_647 = arith.index_cast %parallel_loop3A_131 : i32 to index
        %parallel_loop3A_648 = arith.constant 128 : index
        %parallel_loop3A_649 = tpu.vector_load %arg17[%parallel_loop3A_647, %parallel_loop3A_648] {strides = array<i32>} : memref<48x144xf32, #tpu.memory_space<vmem>>, vector<1x16xf32>,
        %parallel_loop3A_650 = vector.shape_cast %parallel_loop3A_649 : vector<1x16xf32> to vector<16xf32>
        %parallel_loop3A_651 = vector.shape_cast %parallel_loop3A_574 : vector<16xf32> to vector<1x16xf32>
        tpu.vector_store %arg17[%parallel_loop3A_647, %parallel_loop3A_648], %parallel_loop3A_651 {strides = array<i32>} : memref<48x144xf32, #tpu.memory_space<vmem>>, vector<1x16xf32>,
      } {sc.loop_unroll_factor = 2 : i64, sc.parallel_access}
      %dma_start3A_112 = arith.constant 0 : i32
      %dma_start3A_113 = arith.constant 0 : i32
      %dma_start3A_114 = tpu.memref_slice %arg10[%dma_start3A_112, %dma_start3A_113] : memref<10112x144xf32, #tpu.memory_space<vmem_shared>> -> memref<10112x144xf32, #tpu.memory_space<vmem_shared>>
      tpu.enqueue_indirect_dma source(%arg17 : memref<48x144xf32, #tpu.memory_space<vmem>>) target(%dma_start3A_114 : memref<10112x144xf32, #tpu.memory_space<vmem_shared>>) offsets(%arg14 : memref<48xi32, #tpu.memory_space<vmem>>) semaphore(%arg24 : memref<!tpu.dma_semaphore, #tpu.memory_space<semaphore_mem>>) {add = true}
      %lt3A = arith.constant 104 : i32
      %lt3A_115 = arith.cmpi slt, %scan3A_86, %lt3A : i32
      %convert_element_type3A_116 = arith.extui %lt3A_115 : i1 to i32
      %cond3A_117 = arith.constant 0 : i32
      %cond3A_118 = arith.cmpi ne, %convert_element_type3A_116, %cond3A_117 : i32
      scf.if %cond3A_118 {
        %dma_wait3A_131 = arith.constant 0 : i32
        %dma_wait3A_132 = arith.constant 0 : i32
        %dma_wait3A_133 = tpu.memref_slice %arg10[%dma_wait3A_131, %dma_wait3A_132] : memref<10112x144xf32, #tpu.memory_space<vmem_shared>> -> memref<10112x144xf32, #tpu.memory_space<vmem_shared>>
        tpu.wait_indirect_dma semaphore(%arg24 : memref<!tpu.dma_semaphore, #tpu.memory_space<semaphore_mem>>) src(%arg17 : memref<48x144xf32, #tpu.memory_space<vmem>>) dst(%dma_wait3A_133 : memref<10112x144xf32, #tpu.memory_space<vmem_shared>>)
        %mul3A_134 = arith.constant 2 : i32
        %mul3A_135 = arith.muli %mul3A_134, %scan3A_86 : i32
        %add3A_136 = arith.constant 1 : i32
        %add3A_137 = arith.addi %mul3A_135, %add3A_136 : i32
        %add3A_138 = arith.constant 1 : i32
        %add3A_139 = arith.addi %add3A_137, %add3A_138 : i32
        %mul3A_140 = arith.constant 48 : i32
        %mul3A_141 = arith.muli %add3A_139, %mul3A_140 : i32
        %add3A_142 = arith.addi %mul3A_67, %mul3A_141 : i32
        "tpu.region"() ({
          %run_scoped3A = tpu.sem_alloc : memref<!tpu.dma_semaphore, #tpu.memory_space<semaphore_mem>>
          %dma_start3A_149 = tpu.memref_slice %arg4[%add3A_142] : memref<322560xi32, #tpu.memory_space<hbm>> -> memref<48xi32, #tpu.memory_space<hbm>>
          %dma_start3A_150 = tpu.memref_slice %arg4[%add3A_142] : memref<322560xi32, #tpu.memory_space<hbm>> -> memref<48xi32, #tpu.memory_space<hbm>>
          tpu.enqueue_dma source(%dma_start3A_150 : memref<48xi32, #tpu.memory_space<hbm>>) target(%arg13 : memref<48xi32, #tpu.memory_space<vmem>>) target_semaphore(%run_scoped3A : memref<!tpu.dma_semaphore, #tpu.memory_space<semaphore_mem>>)
          %dma_wait3A_151 = tpu.memref_slice %arg4[%add3A_142] : memref<322560xi32, #tpu.memory_space<hbm>> -> memref<48xi32, #tpu.memory_space<hbm>>
          %dma_wait3A_152 = tpu.memref_slice %arg4[%add3A_142] : memref<322560xi32, #tpu.memory_space<hbm>> -> memref<48xi32, #tpu.memory_space<hbm>>
          tpu.wait_dma2 semaphore(%run_scoped3A : memref<!tpu.dma_semaphore, #tpu.memory_space<semaphore_mem>>) src(%dma_wait3A_152 : memref<48xi32, #tpu.memory_space<hbm>>) dst(%arg13 : memref<48xi32, #tpu.memory_space<vmem>>)
          tpu.yield
        }) : () -> ()
        "tpu.region"() ({
          %run_scoped3A = tpu.sem_alloc : memref<!tpu.dma_semaphore, #tpu.memory_space<semaphore_mem>>
          %dma_start3A_149 = tpu.memref_slice %arg5[%add3A_142] : memref<322560xi32, #tpu.memory_space<hbm>> -> memref<48xi32, #tpu.memory_space<hbm>>
          %dma_start3A_150 = tpu.memref_slice %arg5[%add3A_142] : memref<322560xi32, #tpu.memory_space<hbm>> -> memref<48xi32, #tpu.memory_space<hbm>>
          tpu.enqueue_dma source(%dma_start3A_150 : memref<48xi32, #tpu.memory_space<hbm>>) target(%arg14 : memref<48xi32, #tpu.memory_space<vmem>>) target_semaphore(%run_scoped3A : memref<!tpu.dma_semaphore, #tpu.memory_space<semaphore_mem>>)
          %dma_wait3A_151 = tpu.memref_slice %arg5[%add3A_142] : memref<322560xi32, #tpu.memory_space<hbm>> -> memref<48xi32, #tpu.memory_space<hbm>>
          %dma_wait3A_152 = tpu.memref_slice %arg5[%add3A_142] : memref<322560xi32, #tpu.memory_space<hbm>> -> memref<48xi32, #tpu.memory_space<hbm>>
          tpu.wait_dma2 semaphore(%run_scoped3A : memref<!tpu.dma_semaphore, #tpu.memory_space<semaphore_mem>>) src(%dma_wait3A_152 : memref<48xi32, #tpu.memory_space<hbm>>) dst(%arg14 : memref<48xi32, #tpu.memory_space<vmem>>)
          tpu.yield
        }) : () -> ()
        %dma_start3A_143 = arith.constant 0 : i32
        %dma_start3A_144 = arith.constant 0 : i32
        %dma_start3A_145 = tpu.memref_slice %arg2[%dma_start3A_143, %dma_start3A_144] : memref<10000x128xf32, #tpu.memory_space<hbm>> -> memref<10000x128xf32, #tpu.memory_space<hbm>>
        tpu.enqueue_indirect_dma source(%dma_start3A_145 : memref<10000x128xf32, #tpu.memory_space<hbm>>) target(%arg15 : memref<48x128xf32, #tpu.memory_space<vmem>>) offsets(%arg13 : memref<48xi32, #tpu.memory_space<vmem>>) semaphore(%arg23 : memref<!tpu.dma_semaphore, #tpu.memory_space<semaphore_mem>>)
        %dma_start3A_146 = arith.constant 0 : i32
        %dma_start3A_147 = arith.constant 0 : i32
        %dma_start3A_148 = tpu.memref_slice %arg3[%dma_start3A_146, %dma_start3A_147] : memref<10112x128xf32, #tpu.memory_space<hbm>> -> memref<10112x128xf32, #tpu.memory_space<hbm>>
        tpu.enqueue_indirect_dma source(%dma_start3A_148 : memref<10112x128xf32, #tpu.memory_space<hbm>>) target(%arg16 : memref<48x128xf32, #tpu.memory_space<vmem>>) offsets(%arg14 : memref<48xi32, #tpu.memory_space<vmem>>) semaphore(%arg23 : memref<!tpu.dma_semaphore, #tpu.memory_space<semaphore_mem>>)
      } else {
      }
      %dma_wait3A_119 = arith.constant 0 : i32
      %dma_wait3A_120 = arith.constant 0 : i32
      %dma_wait3A_121 = tpu.memref_slice %arg2[%dma_wait3A_119, %dma_wait3A_120] : memref<10000x128xf32, #tpu.memory_space<hbm>> -> memref<10000x128xf32, #tpu.memory_space<hbm>>
      tpu.wait_indirect_dma semaphore(%arg25 : memref<!tpu.dma_semaphore, #tpu.memory_space<semaphore_mem>>) src(%dma_wait3A_121 : memref<10000x128xf32, #tpu.memory_space<hbm>>) dst(%arg20 : memref<48x128xf32, #tpu.memory_space<vmem>>)
      %dma_wait3A_122 = arith.constant 0 : i32
      %dma_wait3A_123 = arith.constant 0 : i32
      %dma_wait3A_124 = tpu.memref_slice %arg3[%dma_wait3A_122, %dma_wait3A_123] : memref<10112x128xf32, #tpu.memory_space<hbm>> -> memref<10112x128xf32, #tpu.memory_space<hbm>>
      tpu.wait_indirect_dma semaphore(%arg25 : memref<!tpu.dma_semaphore, #tpu.memory_space<semaphore_mem>>) src(%dma_wait3A_124 : memref<10112x128xf32, #tpu.memory_space<hbm>>) dst(%arg21 : memref<48x128xf32, #tpu.memory_space<vmem>>)
      %parallel_loop3A_125 = arith.constant 0 : i32
      %parallel_loop3A_126 = arith.constant 48 : i32
      %parallel_loop3A_127 = arith.constant 1 : i32
      scf.for %parallel_loop3A_131 = %parallel_loop3A_125 to %parallel_loop3A_126 step %parallel_loop3A_127  : i32 {
        %parallel_loop3A_132 = arith.index_cast %parallel_loop3A_131 : i32 to index
        %parallel_loop3A_133 = arith.constant 0 : index
        %parallel_loop3A_134 = tpu.vector_load %arg20[%parallel_loop3A_132, %parallel_loop3A_133] {strides = array<i32>} : memref<48x128xf32, #tpu.memory_space<vmem>>, vector<1x16xf32>,
        %parallel_loop3A_135 = vector.shape_cast %parallel_loop3A_134 : vector<1x16xf32> to vector<16xf32>
        %parallel_loop3A_136 = arith.index_cast %parallel_loop3A_131 : i32 to index
        %parallel_loop3A_137 = arith.constant 0 : index
        %parallel_loop3A_138 = tpu.vector_load %arg21[%parallel_loop3A_136, %parallel_loop3A_137] {strides = array<i32>} : memref<48x128xf32, #tpu.memory_space<vmem>>, vector<1x16xf32>,
        %parallel_loop3A_139 = vector.shape_cast %parallel_loop3A_138 : vector<1x16xf32> to vector<16xf32>
        %parallel_loop3A_140 = arith.mulf %get3A_4, %parallel_loop3A_135 : vector<16xf32>
        %parallel_loop3A_141 = arith.addf %parallel_loop3A_140, %parallel_loop3A_139 : vector<16xf32>
        %parallel_loop3A_142 = arith.constant 6.000000e-01 : f32
        %parallel_loop3A_143 = vector.broadcast %parallel_loop3A_142 : f32 to vector<16xf32>
        %parallel_loop3A_144 = arith.mulf %parallel_loop3A_143, %parallel_loop3A_141 : vector<16xf32>
        %parallel_loop3A_145 = math.absf %parallel_loop3A_141 : vector<16xf32>
        %parallel_loop3A_146 = arith.mulf %get3A_28, %parallel_loop3A_145 : vector<16xf32>
        %parallel_loop3A_147 = arith.addf %parallel_loop3A_144, %parallel_loop3A_146 : vector<16xf32>
        %parallel_loop3A_148 = arith.index_cast %parallel_loop3A_131 : i32 to index
        %parallel_loop3A_149 = arith.constant 16 : index
        %parallel_loop3A_150 = tpu.vector_load %arg20[%parallel_loop3A_148, %parallel_loop3A_149] {strides = array<i32>} : memref<48x128xf32, #tpu.memory_space<vmem>>, vector<1x16xf32>,
        %parallel_loop3A_151 = vector.shape_cast %parallel_loop3A_150 : vector<1x16xf32> to vector<16xf32>
        %parallel_loop3A_152 = arith.index_cast %parallel_loop3A_131 : i32 to index
        %parallel_loop3A_153 = arith.constant 16 : index
        %parallel_loop3A_154 = tpu.vector_load %arg21[%parallel_loop3A_152, %parallel_loop3A_153] {strides = array<i32>} : memref<48x128xf32, #tpu.memory_space<vmem>>, vector<1x16xf32>,
        %parallel_loop3A_155 = vector.shape_cast %parallel_loop3A_154 : vector<1x16xf32> to vector<16xf32>
        %parallel_loop3A_156 = arith.mulf %get3A_7, %parallel_loop3A_151 : vector<16xf32>
        %parallel_loop3A_157 = arith.addf %parallel_loop3A_156, %parallel_loop3A_155 : vector<16xf32>
        %parallel_loop3A_158 = arith.constant 6.000000e-01 : f32
        %parallel_loop3A_159 = vector.broadcast %parallel_loop3A_158 : f32 to vector<16xf32>
        %parallel_loop3A_160 = arith.mulf %parallel_loop3A_159, %parallel_loop3A_157 : vector<16xf32>
        %parallel_loop3A_161 = math.absf %parallel_loop3A_157 : vector<16xf32>
        %parallel_loop3A_162 = arith.mulf %get3A_31, %parallel_loop3A_161 : vector<16xf32>
        %parallel_loop3A_163 = arith.addf %parallel_loop3A_160, %parallel_loop3A_162 : vector<16xf32>
        %parallel_loop3A_164 = arith.index_cast %parallel_loop3A_131 : i32 to index
        %parallel_loop3A_165 = arith.constant 32 : index
        %parallel_loop3A_166 = tpu.vector_load %arg20[%parallel_loop3A_164, %parallel_loop3A_165] {strides = array<i32>} : memref<48x128xf32, #tpu.memory_space<vmem>>, vector<1x16xf32>,
        %parallel_loop3A_167 = vector.shape_cast %parallel_loop3A_166 : vector<1x16xf32> to vector<16xf32>
        %parallel_loop3A_168 = arith.index_cast %parallel_loop3A_131 : i32 to index
        %parallel_loop3A_169 = arith.constant 32 : index
        %parallel_loop3A_170 = tpu.vector_load %arg21[%parallel_loop3A_168, %parallel_loop3A_169] {strides = array<i32>} : memref<48x128xf32, #tpu.memory_space<vmem>>, vector<1x16xf32>,
        %parallel_loop3A_171 = vector.shape_cast %parallel_loop3A_170 : vector<1x16xf32> to vector<16xf32>
        %parallel_loop3A_172 = arith.mulf %get3A_10, %parallel_loop3A_167 : vector<16xf32>
        %parallel_loop3A_173 = arith.addf %parallel_loop3A_172, %parallel_loop3A_171 : vector<16xf32>
        %parallel_loop3A_174 = arith.constant 6.000000e-01 : f32
        %parallel_loop3A_175 = vector.broadcast %parallel_loop3A_174 : f32 to vector<16xf32>
        %parallel_loop3A_176 = arith.mulf %parallel_loop3A_175, %parallel_loop3A_173 : vector<16xf32>
        %parallel_loop3A_177 = math.absf %parallel_loop3A_173 : vector<16xf32>
        %parallel_loop3A_178 = arith.mulf %get3A_34, %parallel_loop3A_177 : vector<16xf32>
        %parallel_loop3A_179 = arith.addf %parallel_loop3A_176, %parallel_loop3A_178 : vector<16xf32>
        %parallel_loop3A_180 = arith.index_cast %parallel_loop3A_131 : i32 to index
        %parallel_loop3A_181 = arith.constant 48 : index
        %parallel_loop3A_182 = tpu.vector_load %arg20[%parallel_loop3A_180, %parallel_loop3A_181] {strides = array<i32>} : memref<48x128xf32, #tpu.memory_space<vmem>>, vector<1x16xf32>,
        %parallel_loop3A_183 = vector.shape_cast %parallel_loop3A_182 : vector<1x16xf32> to vector<16xf32>
        %parallel_loop3A_184 = arith.index_cast %parallel_loop3A_131 : i32 to index
        %parallel_loop3A_185 = arith.constant 48 : index
        %parallel_loop3A_186 = tpu.vector_load %arg21[%parallel_loop3A_184, %parallel_loop3A_185] {strides = array<i32>} : memref<48x128xf32, #tpu.memory_space<vmem>>, vector<1x16xf32>,
        %parallel_loop3A_187 = vector.shape_cast %parallel_loop3A_186 : vector<1x16xf32> to vector<16xf32>
        %parallel_loop3A_188 = arith.mulf %get3A_13, %parallel_loop3A_183 : vector<16xf32>
        %parallel_loop3A_189 = arith.addf %parallel_loop3A_188, %parallel_loop3A_187 : vector<16xf32>
        %parallel_loop3A_190 = arith.constant 6.000000e-01 : f32
        %parallel_loop3A_191 = vector.broadcast %parallel_loop3A_190 : f32 to vector<16xf32>
        %parallel_loop3A_192 = arith.mulf %parallel_loop3A_191, %parallel_loop3A_189 : vector<16xf32>
        %parallel_loop3A_193 = math.absf %parallel_loop3A_189 : vector<16xf32>
        %parallel_loop3A_194 = arith.mulf %get3A_37, %parallel_loop3A_193 : vector<16xf32>
        %parallel_loop3A_195 = arith.addf %parallel_loop3A_192, %parallel_loop3A_194 : vector<16xf32>
        %parallel_loop3A_196 = arith.index_cast %parallel_loop3A_131 : i32 to index
        %parallel_loop3A_197 = arith.constant 64 : index
        %parallel_loop3A_198 = tpu.vector_load %arg20[%parallel_loop3A_196, %parallel_loop3A_197] {strides = array<i32>} : memref<48x128xf32, #tpu.memory_space<vmem>>, vector<1x16xf32>,
        %parallel_loop3A_199 = vector.shape_cast %parallel_loop3A_198 : vector<1x16xf32> to vector<16xf32>
        %parallel_loop3A_200 = arith.index_cast %parallel_loop3A_131 : i32 to index
        %parallel_loop3A_201 = arith.constant 64 : index
        %parallel_loop3A_202 = tpu.vector_load %arg21[%parallel_loop3A_200, %parallel_loop3A_201] {strides = array<i32>} : memref<48x128xf32, #tpu.memory_space<vmem>>, vector<1x16xf32>,
        %parallel_loop3A_203 = vector.shape_cast %parallel_loop3A_202 : vector<1x16xf32> to vector<16xf32>
        %parallel_loop3A_204 = arith.mulf %get3A_16, %parallel_loop3A_199 : vector<16xf32>
        %parallel_loop3A_205 = arith.addf %parallel_loop3A_204, %parallel_loop3A_203 : vector<16xf32>
        %parallel_loop3A_206 = arith.constant 6.000000e-01 : f32
        %parallel_loop3A_207 = vector.broadcast %parallel_loop3A_206 : f32 to vector<16xf32>
        %parallel_loop3A_208 = arith.mulf %parallel_loop3A_207, %parallel_loop3A_205 : vector<16xf32>
        %parallel_loop3A_209 = math.absf %parallel_loop3A_205 : vector<16xf32>
        %parallel_loop3A_210 = arith.mulf %get3A_40, %parallel_loop3A_209 : vector<16xf32>
        %parallel_loop3A_211 = arith.addf %parallel_loop3A_208, %parallel_loop3A_210 : vector<16xf32>
        %parallel_loop3A_212 = arith.index_cast %parallel_loop3A_131 : i32 to index
        %parallel_loop3A_213 = arith.constant 80 : index
        %parallel_loop3A_214 = tpu.vector_load %arg20[%parallel_loop3A_212, %parallel_loop3A_213] {strides = array<i32>} : memref<48x128xf32, #tpu.memory_space<vmem>>, vector<1x16xf32>,
        %parallel_loop3A_215 = vector.shape_cast %parallel_loop3A_214 : vector<1x16xf32> to vector<16xf32>
        %parallel_loop3A_216 = arith.index_cast %parallel_loop3A_131 : i32 to index
        %parallel_loop3A_217 = arith.constant 80 : index
        %parallel_loop3A_218 = tpu.vector_load %arg21[%parallel_loop3A_216, %parallel_loop3A_217] {strides = array<i32>} : memref<48x128xf32, #tpu.memory_space<vmem>>, vector<1x16xf32>,
        %parallel_loop3A_219 = vector.shape_cast %parallel_loop3A_218 : vector<1x16xf32> to vector<16xf32>
        %parallel_loop3A_220 = arith.mulf %get3A_19, %parallel_loop3A_215 : vector<16xf32>
        %parallel_loop3A_221 = arith.addf %parallel_loop3A_220, %parallel_loop3A_219 : vector<16xf32>
        %parallel_loop3A_222 = arith.constant 6.000000e-01 : f32
        %parallel_loop3A_223 = vector.broadcast %parallel_loop3A_222 : f32 to vector<16xf32>
        %parallel_loop3A_224 = arith.mulf %parallel_loop3A_223, %parallel_loop3A_221 : vector<16xf32>
        %parallel_loop3A_225 = math.absf %parallel_loop3A_221 : vector<16xf32>
        %parallel_loop3A_226 = arith.mulf %get3A_43, %parallel_loop3A_225 : vector<16xf32>
        %parallel_loop3A_227 = arith.addf %parallel_loop3A_224, %parallel_loop3A_226 : vector<16xf32>
        %parallel_loop3A_228 = arith.index_cast %parallel_loop3A_131 : i32 to index
        %parallel_loop3A_229 = arith.constant 96 : index
        %parallel_loop3A_230 = tpu.vector_load %arg20[%parallel_loop3A_228, %parallel_loop3A_229] {strides = array<i32>} : memref<48x128xf32, #tpu.memory_space<vmem>>, vector<1x16xf32>,
        %parallel_loop3A_231 = vector.shape_cast %parallel_loop3A_230 : vector<1x16xf32> to vector<16xf32>
        %parallel_loop3A_232 = arith.index_cast %parallel_loop3A_131 : i32 to index
        %parallel_loop3A_233 = arith.constant 96 : index
        %parallel_loop3A_234 = tpu.vector_load %arg21[%parallel_loop3A_232, %parallel_loop3A_233] {strides = array<i32>} : memref<48x128xf32, #tpu.memory_space<vmem>>, vector<1x16xf32>,
        %parallel_loop3A_235 = vector.shape_cast %parallel_loop3A_234 : vector<1x16xf32> to vector<16xf32>
        %parallel_loop3A_236 = arith.mulf %get3A_22, %parallel_loop3A_231 : vector<16xf32>
        %parallel_loop3A_237 = arith.addf %parallel_loop3A_236, %parallel_loop3A_235 : vector<16xf32>
        %parallel_loop3A_238 = arith.constant 6.000000e-01 : f32
        %parallel_loop3A_239 = vector.broadcast %parallel_loop3A_238 : f32 to vector<16xf32>
        %parallel_loop3A_240 = arith.mulf %parallel_loop3A_239, %parallel_loop3A_237 : vector<16xf32>
        %parallel_loop3A_241 = math.absf %parallel_loop3A_237 : vector<16xf32>
        %parallel_loop3A_242 = arith.mulf %get3A_46, %parallel_loop3A_241 : vector<16xf32>
        %parallel_loop3A_243 = arith.addf %parallel_loop3A_240, %parallel_loop3A_242 : vector<16xf32>
        %parallel_loop3A_244 = arith.index_cast %parallel_loop3A_131 : i32 to index
        %parallel_loop3A_245 = arith.constant 112 : index
        %parallel_loop3A_246 = tpu.vector_load %arg20[%parallel_loop3A_244, %parallel_loop3A_245] {strides = array<i32>} : memref<48x128xf32, #tpu.memory_space<vmem>>, vector<1x16xf32>,
        %parallel_loop3A_247 = vector.shape_cast %parallel_loop3A_246 : vector<1x16xf32> to vector<16xf32>
        %parallel_loop3A_248 = arith.index_cast %parallel_loop3A_131 : i32 to index
        %parallel_loop3A_249 = arith.constant 112 : index
        %parallel_loop3A_250 = tpu.vector_load %arg21[%parallel_loop3A_248, %parallel_loop3A_249] {strides = array<i32>} : memref<48x128xf32, #tpu.memory_space<vmem>>, vector<1x16xf32>,
        %parallel_loop3A_251 = vector.shape_cast %parallel_loop3A_250 : vector<1x16xf32> to vector<16xf32>
        %parallel_loop3A_252 = arith.mulf %get3A_25, %parallel_loop3A_247 : vector<16xf32>
        %parallel_loop3A_253 = arith.addf %parallel_loop3A_252, %parallel_loop3A_251 : vector<16xf32>
        %parallel_loop3A_254 = arith.constant 6.000000e-01 : f32
        %parallel_loop3A_255 = vector.broadcast %parallel_loop3A_254 : f32 to vector<16xf32>
        %parallel_loop3A_256 = arith.mulf %parallel_loop3A_255, %parallel_loop3A_253 : vector<16xf32>
        %parallel_loop3A_257 = math.absf %parallel_loop3A_253 : vector<16xf32>
        %parallel_loop3A_258 = arith.mulf %get3A_49, %parallel_loop3A_257 : vector<16xf32>
        %parallel_loop3A_259 = arith.addf %parallel_loop3A_256, %parallel_loop3A_258 : vector<16xf32>
        %parallel_loop3A_260 = arith.constant 8 : i32
        %parallel_loop3A_261 = vector.broadcast %parallel_loop3A_260 : i32 to vector<16xi32>
        %parallel_loop3A_262 = arith.xori %iota3A, %parallel_loop3A_261 : vector<16xi32>
        %parallel_loop3A_263 = arith.constant 0 : i32
        %parallel_loop3A_264 = vector.broadcast %parallel_loop3A_263 : i32 to vector<16xi32>
        %parallel_loop3A_265 = arith.cmpi slt, %parallel_loop3A_262, %parallel_loop3A_264 : vector<16xi32>
        %parallel_loop3A_266 = arith.constant 16 : i32
        %parallel_loop3A_267 = vector.broadcast %parallel_loop3A_266 : i32 to vector<16xi32>
        %parallel_loop3A_268 = arith.addi %parallel_loop3A_262, %parallel_loop3A_267 : vector<16xi32>
        %parallel_loop3A_269 = arith.select %parallel_loop3A_265, %parallel_loop3A_268, %parallel_loop3A_262 : vector<16xi1>, vector<16xi32>
        %parallel_loop3A_270 = vector.shape_cast %parallel_loop3A_269 : vector<16xi32> to vector<16x1xi32>
        %parallel_loop3A_271 = vector.shape_cast %parallel_loop3A_270 : vector<16x1xi32> to vector<16xi32>
        %parallel_loop3A_272 = tpu.dynamic_gather %parallel_loop3A_147[%parallel_loop3A_271] in [0] : vector<16xf32>, vector<16xi32> -> vector<16xf32>
        %parallel_loop3A_273 = arith.addf %parallel_loop3A_147, %parallel_loop3A_272 : vector<16xf32>
        %parallel_loop3A_274 = arith.constant 8 : i32
        %parallel_loop3A_275 = vector.broadcast %parallel_loop3A_274 : i32 to vector<16xi32>
        %parallel_loop3A_276 = arith.xori %iota3A, %parallel_loop3A_275 : vector<16xi32>
        %parallel_loop3A_277 = arith.constant 0 : i32
        %parallel_loop3A_278 = vector.broadcast %parallel_loop3A_277 : i32 to vector<16xi32>
        %parallel_loop3A_279 = arith.cmpi slt, %parallel_loop3A_276, %parallel_loop3A_278 : vector<16xi32>
        %parallel_loop3A_280 = arith.constant 16 : i32
        %parallel_loop3A_281 = vector.broadcast %parallel_loop3A_280 : i32 to vector<16xi32>
        %parallel_loop3A_282 = arith.addi %parallel_loop3A_276, %parallel_loop3A_281 : vector<16xi32>
        %parallel_loop3A_283 = arith.select %parallel_loop3A_279, %parallel_loop3A_282, %parallel_loop3A_276 : vector<16xi1>, vector<16xi32>
        %parallel_loop3A_284 = vector.shape_cast %parallel_loop3A_283 : vector<16xi32> to vector<16x1xi32>
        %parallel_loop3A_285 = vector.shape_cast %parallel_loop3A_284 : vector<16x1xi32> to vector<16xi32>
        %parallel_loop3A_286 = tpu.dynamic_gather %parallel_loop3A_163[%parallel_loop3A_285] in [0] : vector<16xf32>, vector<16xi32> -> vector<16xf32>
        %parallel_loop3A_287 = arith.addf %parallel_loop3A_163, %parallel_loop3A_286 : vector<16xf32>
        %parallel_loop3A_288 = arith.constant 8 : i32
        %parallel_loop3A_289 = vector.broadcast %parallel_loop3A_288 : i32 to vector<16xi32>
        %parallel_loop3A_290 = arith.xori %iota3A, %parallel_loop3A_289 : vector<16xi32>
        %parallel_loop3A_291 = arith.constant 0 : i32
        %parallel_loop3A_292 = vector.broadcast %parallel_loop3A_291 : i32 to vector<16xi32>
        %parallel_loop3A_293 = arith.cmpi slt, %parallel_loop3A_290, %parallel_loop3A_292 : vector<16xi32>
        %parallel_loop3A_294 = arith.constant 16 : i32
        %parallel_loop3A_295 = vector.broadcast %parallel_loop3A_294 : i32 to vector<16xi32>
        %parallel_loop3A_296 = arith.addi %parallel_loop3A_290, %parallel_loop3A_295 : vector<16xi32>
        %parallel_loop3A_297 = arith.select %parallel_loop3A_293, %parallel_loop3A_296, %parallel_loop3A_290 : vector<16xi1>, vector<16xi32>
        %parallel_loop3A_298 = vector.shape_cast %parallel_loop3A_297 : vector<16xi32> to vector<16x1xi32>
        %parallel_loop3A_299 = vector.shape_cast %parallel_loop3A_298 : vector<16x1xi32> to vector<16xi32>
        %parallel_loop3A_300 = tpu.dynamic_gather %parallel_loop3A_179[%parallel_loop3A_299] in [0] : vector<16xf32>, vector<16xi32> -> vector<16xf32>
        %parallel_loop3A_301 = arith.addf %parallel_loop3A_179, %parallel_loop3A_300 : vector<16xf32>
        %parallel_loop3A_302 = arith.constant 8 : i32
        %parallel_loop3A_303 = vector.broadcast %parallel_loop3A_302 : i32 to vector<16xi32>
        %parallel_loop3A_304 = arith.xori %iota3A, %parallel_loop3A_303 : vector<16xi32>
        %parallel_loop3A_305 = arith.constant 0 : i32
        %parallel_loop3A_306 = vector.broadcast %parallel_loop3A_305 : i32 to vector<16xi32>
        %parallel_loop3A_307 = arith.cmpi slt, %parallel_loop3A_304, %parallel_loop3A_306 : vector<16xi32>
        %parallel_loop3A_308 = arith.constant 16 : i32
        %parallel_loop3A_309 = vector.broadcast %parallel_loop3A_308 : i32 to vector<16xi32>
        %parallel_loop3A_310 = arith.addi %parallel_loop3A_304, %parallel_loop3A_309 : vector<16xi32>
        %parallel_loop3A_311 = arith.select %parallel_loop3A_307, %parallel_loop3A_310, %parallel_loop3A_304 : vector<16xi1>, vector<16xi32>
        %parallel_loop3A_312 = vector.shape_cast %parallel_loop3A_311 : vector<16xi32> to vector<16x1xi32>
        %parallel_loop3A_313 = vector.shape_cast %parallel_loop3A_312 : vector<16x1xi32> to vector<16xi32>
        %parallel_loop3A_314 = tpu.dynamic_gather %parallel_loop3A_195[%parallel_loop3A_313] in [0] : vector<16xf32>, vector<16xi32> -> vector<16xf32>
        %parallel_loop3A_315 = arith.addf %parallel_loop3A_195, %parallel_loop3A_314 : vector<16xf32>
        %parallel_loop3A_316 = arith.constant 8 : i32
        %parallel_loop3A_317 = vector.broadcast %parallel_loop3A_316 : i32 to vector<16xi32>
        %parallel_loop3A_318 = arith.xori %iota3A, %parallel_loop3A_317 : vector<16xi32>
        %parallel_loop3A_319 = arith.constant 0 : i32
        %parallel_loop3A_320 = vector.broadcast %parallel_loop3A_319 : i32 to vector<16xi32>
        %parallel_loop3A_321 = arith.cmpi slt, %parallel_loop3A_318, %parallel_loop3A_320 : vector<16xi32>
        %parallel_loop3A_322 = arith.constant 16 : i32
        %parallel_loop3A_323 = vector.broadcast %parallel_loop3A_322 : i32 to vector<16xi32>
        %parallel_loop3A_324 = arith.addi %parallel_loop3A_318, %parallel_loop3A_323 : vector<16xi32>
        %parallel_loop3A_325 = arith.select %parallel_loop3A_321, %parallel_loop3A_324, %parallel_loop3A_318 : vector<16xi1>, vector<16xi32>
        %parallel_loop3A_326 = vector.shape_cast %parallel_loop3A_325 : vector<16xi32> to vector<16x1xi32>
        %parallel_loop3A_327 = vector.shape_cast %parallel_loop3A_326 : vector<16x1xi32> to vector<16xi32>
        %parallel_loop3A_328 = tpu.dynamic_gather %parallel_loop3A_211[%parallel_loop3A_327] in [0] : vector<16xf32>, vector<16xi32> -> vector<16xf32>
        %parallel_loop3A_329 = arith.addf %parallel_loop3A_211, %parallel_loop3A_328 : vector<16xf32>
        %parallel_loop3A_330 = arith.constant 8 : i32
        %parallel_loop3A_331 = vector.broadcast %parallel_loop3A_330 : i32 to vector<16xi32>
        %parallel_loop3A_332 = arith.xori %iota3A, %parallel_loop3A_331 : vector<16xi32>
        %parallel_loop3A_333 = arith.constant 0 : i32
        %parallel_loop3A_334 = vector.broadcast %parallel_loop3A_333 : i32 to vector<16xi32>
        %parallel_loop3A_335 = arith.cmpi slt, %parallel_loop3A_332, %parallel_loop3A_334 : vector<16xi32>
        %parallel_loop3A_336 = arith.constant 16 : i32
        %parallel_loop3A_337 = vector.broadcast %parallel_loop3A_336 : i32 to vector<16xi32>
        %parallel_loop3A_338 = arith.addi %parallel_loop3A_332, %parallel_loop3A_337 : vector<16xi32>
        %parallel_loop3A_339 = arith.select %parallel_loop3A_335, %parallel_loop3A_338, %parallel_loop3A_332 : vector<16xi1>, vector<16xi32>
        %parallel_loop3A_340 = vector.shape_cast %parallel_loop3A_339 : vector<16xi32> to vector<16x1xi32>
        %parallel_loop3A_341 = vector.shape_cast %parallel_loop3A_340 : vector<16x1xi32> to vector<16xi32>
        %parallel_loop3A_342 = tpu.dynamic_gather %parallel_loop3A_227[%parallel_loop3A_341] in [0] : vector<16xf32>, vector<16xi32> -> vector<16xf32>
        %parallel_loop3A_343 = arith.addf %parallel_loop3A_227, %parallel_loop3A_342 : vector<16xf32>
        %parallel_loop3A_344 = arith.constant 8 : i32
        %parallel_loop3A_345 = vector.broadcast %parallel_loop3A_344 : i32 to vector<16xi32>
        %parallel_loop3A_346 = arith.xori %iota3A, %parallel_loop3A_345 : vector<16xi32>
        %parallel_loop3A_347 = arith.constant 0 : i32
        %parallel_loop3A_348 = vector.broadcast %parallel_loop3A_347 : i32 to vector<16xi32>
        %parallel_loop3A_349 = arith.cmpi slt, %parallel_loop3A_346, %parallel_loop3A_348 : vector<16xi32>
        %parallel_loop3A_350 = arith.constant 16 : i32
        %parallel_loop3A_351 = vector.broadcast %parallel_loop3A_350 : i32 to vector<16xi32>
        %parallel_loop3A_352 = arith.addi %parallel_loop3A_346, %parallel_loop3A_351 : vector<16xi32>
        %parallel_loop3A_353 = arith.select %parallel_loop3A_349, %parallel_loop3A_352, %parallel_loop3A_346 : vector<16xi1>, vector<16xi32>
        %parallel_loop3A_354 = vector.shape_cast %parallel_loop3A_353 : vector<16xi32> to vector<16x1xi32>
        %parallel_loop3A_355 = vector.shape_cast %parallel_loop3A_354 : vector<16x1xi32> to vector<16xi32>
        %parallel_loop3A_356 = tpu.dynamic_gather %parallel_loop3A_243[%parallel_loop3A_355] in [0] : vector<16xf32>, vector<16xi32> -> vector<16xf32>
        %parallel_loop3A_357 = arith.addf %parallel_loop3A_243, %parallel_loop3A_356 : vector<16xf32>
        %parallel_loop3A_358 = arith.constant 8 : i32
        %parallel_loop3A_359 = vector.broadcast %parallel_loop3A_358 : i32 to vector<16xi32>
        %parallel_loop3A_360 = arith.xori %iota3A, %parallel_loop3A_359 : vector<16xi32>
        %parallel_loop3A_361 = arith.constant 0 : i32
        %parallel_loop3A_362 = vector.broadcast %parallel_loop3A_361 : i32 to vector<16xi32>
        %parallel_loop3A_363 = arith.cmpi slt, %parallel_loop3A_360, %parallel_loop3A_362 : vector<16xi32>
        %parallel_loop3A_364 = arith.constant 16 : i32
        %parallel_loop3A_365 = vector.broadcast %parallel_loop3A_364 : i32 to vector<16xi32>
        %parallel_loop3A_366 = arith.addi %parallel_loop3A_360, %parallel_loop3A_365 : vector<16xi32>
        %parallel_loop3A_367 = arith.select %parallel_loop3A_363, %parallel_loop3A_366, %parallel_loop3A_360 : vector<16xi1>, vector<16xi32>
        %parallel_loop3A_368 = vector.shape_cast %parallel_loop3A_367 : vector<16xi32> to vector<16x1xi32>
        %parallel_loop3A_369 = vector.shape_cast %parallel_loop3A_368 : vector<16x1xi32> to vector<16xi32>
        %parallel_loop3A_370 = tpu.dynamic_gather %parallel_loop3A_259[%parallel_loop3A_369] in [0] : vector<16xf32>, vector<16xi32> -> vector<16xf32>
        %parallel_loop3A_371 = arith.addf %parallel_loop3A_259, %parallel_loop3A_370 : vector<16xf32>
        %parallel_loop3A_372 = arith.constant 8 : i32
        %parallel_loop3A_373 = vector.broadcast %parallel_loop3A_372 : i32 to vector<16xi32>
        %parallel_loop3A_374 = arith.cmpi slt, %iota3A, %parallel_loop3A_373 : vector<16xi32>
        %parallel_loop3A_375 = arith.select %parallel_loop3A_374, %parallel_loop3A_273, %parallel_loop3A_287 : vector<16xi1>, vector<16xf32>
        %parallel_loop3A_376 = arith.constant 8 : i32
        %parallel_loop3A_377 = vector.broadcast %parallel_loop3A_376 : i32 to vector<16xi32>
        %parallel_loop3A_378 = arith.cmpi slt, %iota3A, %parallel_loop3A_377 : vector<16xi32>
        %parallel_loop3A_379 = arith.select %parallel_loop3A_378, %parallel_loop3A_301, %parallel_loop3A_315 : vector<16xi1>, vector<16xf32>
        %parallel_loop3A_380 = arith.constant 8 : i32
        %parallel_loop3A_381 = vector.broadcast %parallel_loop3A_380 : i32 to vector<16xi32>
        %parallel_loop3A_382 = arith.cmpi slt, %iota3A, %parallel_loop3A_381 : vector<16xi32>
        %parallel_loop3A_383 = arith.select %parallel_loop3A_382, %parallel_loop3A_329, %parallel_loop3A_343 : vector<16xi1>, vector<16xf32>
        %parallel_loop3A_384 = arith.constant 8 : i32
        %parallel_loop3A_385 = vector.broadcast %parallel_loop3A_384 : i32 to vector<16xi32>
        %parallel_loop3A_386 = arith.cmpi slt, %iota3A, %parallel_loop3A_385 : vector<16xi32>
        %parallel_loop3A_387 = arith.select %parallel_loop3A_386, %parallel_loop3A_357, %parallel_loop3A_371 : vector<16xi1>, vector<16xf32>
        %parallel_loop3A_388 = arith.constant 4 : i32
        %parallel_loop3A_389 = vector.broadcast %parallel_loop3A_388 : i32 to vector<16xi32>
        %parallel_loop3A_390 = arith.xori %iota3A, %parallel_loop3A_389 : vector<16xi32>
        %parallel_loop3A_391 = arith.constant 0 : i32
        %parallel_loop3A_392 = vector.broadcast %parallel_loop3A_391 : i32 to vector<16xi32>
        %parallel_loop3A_393 = arith.cmpi slt, %parallel_loop3A_390, %parallel_loop3A_392 : vector<16xi32>
        %parallel_loop3A_394 = arith.constant 16 : i32
        %parallel_loop3A_395 = vector.broadcast %parallel_loop3A_394 : i32 to vector<16xi32>
        %parallel_loop3A_396 = arith.addi %parallel_loop3A_390, %parallel_loop3A_395 : vector<16xi32>
        %parallel_loop3A_397 = arith.select %parallel_loop3A_393, %parallel_loop3A_396, %parallel_loop3A_390 : vector<16xi1>, vector<16xi32>
        %parallel_loop3A_398 = vector.shape_cast %parallel_loop3A_397 : vector<16xi32> to vector<16x1xi32>
        %parallel_loop3A_399 = vector.shape_cast %parallel_loop3A_398 : vector<16x1xi32> to vector<16xi32>
        %parallel_loop3A_400 = tpu.dynamic_gather %parallel_loop3A_375[%parallel_loop3A_399] in [0] : vector<16xf32>, vector<16xi32> -> vector<16xf32>
        %parallel_loop3A_401 = arith.addf %parallel_loop3A_375, %parallel_loop3A_400 : vector<16xf32>
        %parallel_loop3A_402 = arith.constant 4 : i32
        %parallel_loop3A_403 = vector.broadcast %parallel_loop3A_402 : i32 to vector<16xi32>
        %parallel_loop3A_404 = arith.xori %iota3A, %parallel_loop3A_403 : vector<16xi32>
        %parallel_loop3A_405 = arith.constant 0 : i32
        %parallel_loop3A_406 = vector.broadcast %parallel_loop3A_405 : i32 to vector<16xi32>
        %parallel_loop3A_407 = arith.cmpi slt, %parallel_loop3A_404, %parallel_loop3A_406 : vector<16xi32>
        %parallel_loop3A_408 = arith.constant 16 : i32
        %parallel_loop3A_409 = vector.broadcast %parallel_loop3A_408 : i32 to vector<16xi32>
        %parallel_loop3A_410 = arith.addi %parallel_loop3A_404, %parallel_loop3A_409 : vector<16xi32>
        %parallel_loop3A_411 = arith.select %parallel_loop3A_407, %parallel_loop3A_410, %parallel_loop3A_404 : vector<16xi1>, vector<16xi32>
        %parallel_loop3A_412 = vector.shape_cast %parallel_loop3A_411 : vector<16xi32> to vector<16x1xi32>
        %parallel_loop3A_413 = vector.shape_cast %parallel_loop3A_412 : vector<16x1xi32> to vector<16xi32>
        %parallel_loop3A_414 = tpu.dynamic_gather %parallel_loop3A_379[%parallel_loop3A_413] in [0] : vector<16xf32>, vector<16xi32> -> vector<16xf32>
        %parallel_loop3A_415 = arith.addf %parallel_loop3A_379, %parallel_loop3A_414 : vector<16xf32>
        %parallel_loop3A_416 = arith.constant 4 : i32
        %parallel_loop3A_417 = vector.broadcast %parallel_loop3A_416 : i32 to vector<16xi32>
        %parallel_loop3A_418 = arith.xori %iota3A, %parallel_loop3A_417 : vector<16xi32>
        %parallel_loop3A_419 = arith.constant 0 : i32
        %parallel_loop3A_420 = vector.broadcast %parallel_loop3A_419 : i32 to vector<16xi32>
        %parallel_loop3A_421 = arith.cmpi slt, %parallel_loop3A_418, %parallel_loop3A_420 : vector<16xi32>
        %parallel_loop3A_422 = arith.constant 16 : i32
        %parallel_loop3A_423 = vector.broadcast %parallel_loop3A_422 : i32 to vector<16xi32>
        %parallel_loop3A_424 = arith.addi %parallel_loop3A_418, %parallel_loop3A_423 : vector<16xi32>
        %parallel_loop3A_425 = arith.select %parallel_loop3A_421, %parallel_loop3A_424, %parallel_loop3A_418 : vector<16xi1>, vector<16xi32>
        %parallel_loop3A_426 = vector.shape_cast %parallel_loop3A_425 : vector<16xi32> to vector<16x1xi32>
        %parallel_loop3A_427 = vector.shape_cast %parallel_loop3A_426 : vector<16x1xi32> to vector<16xi32>
        %parallel_loop3A_428 = tpu.dynamic_gather %parallel_loop3A_383[%parallel_loop3A_427] in [0] : vector<16xf32>, vector<16xi32> -> vector<16xf32>
        %parallel_loop3A_429 = arith.addf %parallel_loop3A_383, %parallel_loop3A_428 : vector<16xf32>
        %parallel_loop3A_430 = arith.constant 4 : i32
        %parallel_loop3A_431 = vector.broadcast %parallel_loop3A_430 : i32 to vector<16xi32>
        %parallel_loop3A_432 = arith.xori %iota3A, %parallel_loop3A_431 : vector<16xi32>
        %parallel_loop3A_433 = arith.constant 0 : i32
        %parallel_loop3A_434 = vector.broadcast %parallel_loop3A_433 : i32 to vector<16xi32>
        %parallel_loop3A_435 = arith.cmpi slt, %parallel_loop3A_432, %parallel_loop3A_434 : vector<16xi32>
        %parallel_loop3A_436 = arith.constant 16 : i32
        %parallel_loop3A_437 = vector.broadcast %parallel_loop3A_436 : i32 to vector<16xi32>
        %parallel_loop3A_438 = arith.addi %parallel_loop3A_432, %parallel_loop3A_437 : vector<16xi32>
        %parallel_loop3A_439 = arith.select %parallel_loop3A_435, %parallel_loop3A_438, %parallel_loop3A_432 : vector<16xi1>, vector<16xi32>
        %parallel_loop3A_440 = vector.shape_cast %parallel_loop3A_439 : vector<16xi32> to vector<16x1xi32>
        %parallel_loop3A_441 = vector.shape_cast %parallel_loop3A_440 : vector<16x1xi32> to vector<16xi32>
        %parallel_loop3A_442 = tpu.dynamic_gather %parallel_loop3A_387[%parallel_loop3A_441] in [0] : vector<16xf32>, vector<16xi32> -> vector<16xf32>
        %parallel_loop3A_443 = arith.addf %parallel_loop3A_387, %parallel_loop3A_442 : vector<16xf32>
        %parallel_loop3A_444 = arith.constant 8 : i32
        %parallel_loop3A_445 = arith.constant 0 : i32
        %parallel_loop3A_446 = arith.cmpi eq, %parallel_loop3A_444, %parallel_loop3A_445 : i32
        %parallel_loop3A_447 = arith.constant 1 : i32
        %parallel_loop3A_448 = arith.select %parallel_loop3A_446, %parallel_loop3A_447, %parallel_loop3A_444 : i32
        %parallel_loop3A_449 = vector.broadcast %parallel_loop3A_448 : i32 to vector<16xi32>
        %parallel_loop3A_450 = arith.remsi %iota3A, %parallel_loop3A_449 : vector<16xi32>
        %parallel_loop3A_451 = arith.constant 0 : i32
        %parallel_loop3A_452 = vector.broadcast %parallel_loop3A_451 : i32 to vector<16xi32>
        %parallel_loop3A_453 = arith.cmpi ne, %parallel_loop3A_450, %parallel_loop3A_452 : vector<16xi32>
        %parallel_loop3A_454 = arith.constant 0 : i32
        %parallel_loop3A_455 = vector.broadcast %parallel_loop3A_454 : i32 to vector<16xi32>
        %parallel_loop3A_456 = arith.cmpi slt, %parallel_loop3A_450, %parallel_loop3A_455 : vector<16xi32>
        %parallel_loop3A_457 = arith.constant 0 : i32
        %parallel_loop3A_458 = arith.cmpi slt, %parallel_loop3A_448, %parallel_loop3A_457 : i32
        %parallel_loop3A_459 = vector.broadcast %parallel_loop3A_458 : i1 to vector<16xi1>
        %parallel_loop3A_460 = vector.broadcast %parallel_loop3A_459 : vector<16xi1> to vector<16xi1>
        %parallel_loop3A_461 = arith.xori %parallel_loop3A_456, %parallel_loop3A_460 : vector<16xi1>
        %parallel_loop3A_462 = arith.andi %parallel_loop3A_461, %parallel_loop3A_453 : vector<16xi1>
        %parallel_loop3A_463 = vector.broadcast %parallel_loop3A_448 : i32 to vector<16xi32>
        %parallel_loop3A_464 = arith.addi %parallel_loop3A_450, %parallel_loop3A_463 : vector<16xi32>
        %parallel_loop3A_465 = arith.select %parallel_loop3A_462, %parallel_loop3A_464, %parallel_loop3A_450 : vector<16xi1>, vector<16xi32>
        %parallel_loop3A_466 = arith.constant 4 : i32
        %parallel_loop3A_467 = vector.broadcast %parallel_loop3A_466 : i32 to vector<16xi32>
        %parallel_loop3A_468 = arith.cmpi slt, %parallel_loop3A_465, %parallel_loop3A_467 : vector<16xi32>
        %parallel_loop3A_469 = arith.select %parallel_loop3A_468, %parallel_loop3A_401, %parallel_loop3A_415 : vector<16xi1>, vector<16xf32>
        %parallel_loop3A_470 = arith.constant 8 : i32
        %parallel_loop3A_471 = arith.constant 0 : i32
        %parallel_loop3A_472 = arith.cmpi eq, %parallel_loop3A_470, %parallel_loop3A_471 : i32
        %parallel_loop3A_473 = arith.constant 1 : i32
        %parallel_loop3A_474 = arith.select %parallel_loop3A_472, %parallel_loop3A_473, %parallel_loop3A_470 : i32
        %parallel_loop3A_475 = vector.broadcast %parallel_loop3A_474 : i32 to vector<16xi32>
        %parallel_loop3A_476 = arith.remsi %iota3A, %parallel_loop3A_475 : vector<16xi32>
        %parallel_loop3A_477 = arith.constant 0 : i32
        %parallel_loop3A_478 = vector.broadcast %parallel_loop3A_477 : i32 to vector<16xi32>
        %parallel_loop3A_479 = arith.cmpi ne, %parallel_loop3A_476, %parallel_loop3A_478 : vector<16xi32>
        %parallel_loop3A_480 = arith.constant 0 : i32
        %parallel_loop3A_481 = vector.broadcast %parallel_loop3A_480 : i32 to vector<16xi32>
        %parallel_loop3A_482 = arith.cmpi slt, %parallel_loop3A_476, %parallel_loop3A_481 : vector<16xi32>
        %parallel_loop3A_483 = arith.constant 0 : i32
        %parallel_loop3A_484 = arith.cmpi slt, %parallel_loop3A_474, %parallel_loop3A_483 : i32
        %parallel_loop3A_485 = vector.broadcast %parallel_loop3A_484 : i1 to vector<16xi1>
        %parallel_loop3A_486 = vector.broadcast %parallel_loop3A_485 : vector<16xi1> to vector<16xi1>
        %parallel_loop3A_487 = arith.xori %parallel_loop3A_482, %parallel_loop3A_486 : vector<16xi1>
        %parallel_loop3A_488 = arith.andi %parallel_loop3A_487, %parallel_loop3A_479 : vector<16xi1>
        %parallel_loop3A_489 = vector.broadcast %parallel_loop3A_474 : i32 to vector<16xi32>
        %parallel_loop3A_490 = arith.addi %parallel_loop3A_476, %parallel_loop3A_489 : vector<16xi32>
        %parallel_loop3A_491 = arith.select %parallel_loop3A_488, %parallel_loop3A_490, %parallel_loop3A_476 : vector<16xi1>, vector<16xi32>
        %parallel_loop3A_492 = arith.constant 4 : i32
        %parallel_loop3A_493 = vector.broadcast %parallel_loop3A_492 : i32 to vector<16xi32>
        %parallel_loop3A_494 = arith.cmpi slt, %parallel_loop3A_491, %parallel_loop3A_493 : vector<16xi32>
        %parallel_loop3A_495 = arith.select %parallel_loop3A_494, %parallel_loop3A_429, %parallel_loop3A_443 : vector<16xi1>, vector<16xf32>
        %parallel_loop3A_496 = arith.constant 2 : i32
        %parallel_loop3A_497 = vector.broadcast %parallel_loop3A_496 : i32 to vector<16xi32>
        %parallel_loop3A_498 = arith.xori %iota3A, %parallel_loop3A_497 : vector<16xi32>
        %parallel_loop3A_499 = arith.constant 0 : i32
        %parallel_loop3A_500 = vector.broadcast %parallel_loop3A_499 : i32 to vector<16xi32>
        %parallel_loop3A_501 = arith.cmpi slt, %parallel_loop3A_498, %parallel_loop3A_500 : vector<16xi32>
        %parallel_loop3A_502 = arith.constant 16 : i32
        %parallel_loop3A_503 = vector.broadcast %parallel_loop3A_502 : i32 to vector<16xi32>
        %parallel_loop3A_504 = arith.addi %parallel_loop3A_498, %parallel_loop3A_503 : vector<16xi32>
        %parallel_loop3A_505 = arith.select %parallel_loop3A_501, %parallel_loop3A_504, %parallel_loop3A_498 : vector<16xi1>, vector<16xi32>
        %parallel_loop3A_506 = vector.shape_cast %parallel_loop3A_505 : vector<16xi32> to vector<16x1xi32>
        %parallel_loop3A_507 = vector.shape_cast %parallel_loop3A_506 : vector<16x1xi32> to vector<16xi32>
        %parallel_loop3A_508 = tpu.dynamic_gather %parallel_loop3A_469[%parallel_loop3A_507] in [0] : vector<16xf32>, vector<16xi32> -> vector<16xf32>
        %parallel_loop3A_509 = arith.addf %parallel_loop3A_469, %parallel_loop3A_508 : vector<16xf32>
        %parallel_loop3A_510 = arith.constant 2 : i32
        %parallel_loop3A_511 = vector.broadcast %parallel_loop3A_510 : i32 to vector<16xi32>
        %parallel_loop3A_512 = arith.xori %iota3A, %parallel_loop3A_511 : vector<16xi32>
        %parallel_loop3A_513 = arith.constant 0 : i32
        %parallel_loop3A_514 = vector.broadcast %parallel_loop3A_513 : i32 to vector<16xi32>
        %parallel_loop3A_515 = arith.cmpi slt, %parallel_loop3A_512, %parallel_loop3A_514 : vector<16xi32>
        %parallel_loop3A_516 = arith.constant 16 : i32
        %parallel_loop3A_517 = vector.broadcast %parallel_loop3A_516 : i32 to vector<16xi32>
        %parallel_loop3A_518 = arith.addi %parallel_loop3A_512, %parallel_loop3A_517 : vector<16xi32>
        %parallel_loop3A_519 = arith.select %parallel_loop3A_515, %parallel_loop3A_518, %parallel_loop3A_512 : vector<16xi1>, vector<16xi32>
        %parallel_loop3A_520 = vector.shape_cast %parallel_loop3A_519 : vector<16xi32> to vector<16x1xi32>
        %parallel_loop3A_521 = vector.shape_cast %parallel_loop3A_520 : vector<16x1xi32> to vector<16xi32>
        %parallel_loop3A_522 = tpu.dynamic_gather %parallel_loop3A_495[%parallel_loop3A_521] in [0] : vector<16xf32>, vector<16xi32> -> vector<16xf32>
        %parallel_loop3A_523 = arith.addf %parallel_loop3A_495, %parallel_loop3A_522 : vector<16xf32>
        %parallel_loop3A_524 = arith.constant 4 : i32
        %parallel_loop3A_525 = arith.constant 0 : i32
        %parallel_loop3A_526 = arith.cmpi eq, %parallel_loop3A_524, %parallel_loop3A_525 : i32
        %parallel_loop3A_527 = arith.constant 1 : i32
        %parallel_loop3A_528 = arith.select %parallel_loop3A_526, %parallel_loop3A_527, %parallel_loop3A_524 : i32
        %parallel_loop3A_529 = vector.broadcast %parallel_loop3A_528 : i32 to vector<16xi32>
        %parallel_loop3A_530 = arith.remsi %iota3A, %parallel_loop3A_529 : vector<16xi32>
        %parallel_loop3A_531 = arith.constant 0 : i32
        %parallel_loop3A_532 = vector.broadcast %parallel_loop3A_531 : i32 to vector<16xi32>
        %parallel_loop3A_533 = arith.cmpi ne, %parallel_loop3A_530, %parallel_loop3A_532 : vector<16xi32>
        %parallel_loop3A_534 = arith.constant 0 : i32
        %parallel_loop3A_535 = vector.broadcast %parallel_loop3A_534 : i32 to vector<16xi32>
        %parallel_loop3A_536 = arith.cmpi slt, %parallel_loop3A_530, %parallel_loop3A_535 : vector<16xi32>
        %parallel_loop3A_537 = arith.constant 0 : i32
        %parallel_loop3A_538 = arith.cmpi slt, %parallel_loop3A_528, %parallel_loop3A_537 : i32
        %parallel_loop3A_539 = vector.broadcast %parallel_loop3A_538 : i1 to vector<16xi1>
        %parallel_loop3A_540 = vector.broadcast %parallel_loop3A_539 : vector<16xi1> to vector<16xi1>
        %parallel_loop3A_541 = arith.xori %parallel_loop3A_536, %parallel_loop3A_540 : vector<16xi1>
        %parallel_loop3A_542 = arith.andi %parallel_loop3A_541, %parallel_loop3A_533 : vector<16xi1>
        %parallel_loop3A_543 = vector.broadcast %parallel_loop3A_528 : i32 to vector<16xi32>
        %parallel_loop3A_544 = arith.addi %parallel_loop3A_530, %parallel_loop3A_543 : vector<16xi32>
        %parallel_loop3A_545 = arith.select %parallel_loop3A_542, %parallel_loop3A_544, %parallel_loop3A_530 : vector<16xi1>, vector<16xi32>
        %parallel_loop3A_546 = arith.constant 2 : i32
        %parallel_loop3A_547 = vector.broadcast %parallel_loop3A_546 : i32 to vector<16xi32>
        %parallel_loop3A_548 = arith.cmpi slt, %parallel_loop3A_545, %parallel_loop3A_547 : vector<16xi32>
        %parallel_loop3A_549 = arith.select %parallel_loop3A_548, %parallel_loop3A_509, %parallel_loop3A_523 : vector<16xi1>, vector<16xf32>
        %parallel_loop3A_550 = arith.constant 1 : i32
        %parallel_loop3A_551 = vector.broadcast %parallel_loop3A_550 : i32 to vector<16xi32>
        %parallel_loop3A_552 = arith.xori %iota3A, %parallel_loop3A_551 : vector<16xi32>
        %parallel_loop3A_553 = arith.constant 0 : i32
        %parallel_loop3A_554 = vector.broadcast %parallel_loop3A_553 : i32 to vector<16xi32>
        %parallel_loop3A_555 = arith.cmpi slt, %parallel_loop3A_552, %parallel_loop3A_554 : vector<16xi32>
        %parallel_loop3A_556 = arith.constant 16 : i32
        %parallel_loop3A_557 = vector.broadcast %parallel_loop3A_556 : i32 to vector<16xi32>
        %parallel_loop3A_558 = arith.addi %parallel_loop3A_552, %parallel_loop3A_557 : vector<16xi32>
        %parallel_loop3A_559 = arith.select %parallel_loop3A_555, %parallel_loop3A_558, %parallel_loop3A_552 : vector<16xi1>, vector<16xi32>
        %parallel_loop3A_560 = vector.shape_cast %parallel_loop3A_559 : vector<16xi32> to vector<16x1xi32>
        %parallel_loop3A_561 = vector.shape_cast %parallel_loop3A_560 : vector<16x1xi32> to vector<16xi32>
        %parallel_loop3A_562 = tpu.dynamic_gather %parallel_loop3A_549[%parallel_loop3A_561] in [0] : vector<16xf32>, vector<16xi32> -> vector<16xf32>
        %parallel_loop3A_563 = arith.addf %parallel_loop3A_549, %parallel_loop3A_562 : vector<16xf32>
        %parallel_loop3A_564 = arith.constant 0 : i32
        %parallel_loop3A_565 = vector.broadcast %parallel_loop3A_564 : i32 to vector<16xi32>
        %parallel_loop3A_566 = arith.cmpi slt, %shift_left3A_65, %parallel_loop3A_565 : vector<16xi32>
        %parallel_loop3A_567 = arith.constant 16 : i32
        %parallel_loop3A_568 = vector.broadcast %parallel_loop3A_567 : i32 to vector<16xi32>
        %parallel_loop3A_569 = arith.addi %shift_left3A_65, %parallel_loop3A_568 : vector<16xi32>
        %parallel_loop3A_570 = arith.select %parallel_loop3A_566, %parallel_loop3A_569, %shift_left3A_65 : vector<16xi1>, vector<16xi32>
        %parallel_loop3A_571 = vector.shape_cast %parallel_loop3A_570 : vector<16xi32> to vector<16x1xi32>
        %parallel_loop3A_572 = vector.shape_cast %parallel_loop3A_571 : vector<16x1xi32> to vector<16xi32>
        %parallel_loop3A_573 = tpu.dynamic_gather %parallel_loop3A_563[%parallel_loop3A_572] in [0] : vector<16xf32>, vector<16xi32> -> vector<16xf32>
        %parallel_loop3A_574 = math.exp %parallel_loop3A_573 : vector<16xf32>
        %parallel_loop3A_575 = vector.extract_strided_slice %parallel_loop3A_574 {offsets = [0], sizes = [1], strides = [1]} : vector<16xf32> to vector<1xf32>
        %parallel_loop3A_576 = vector.extract %parallel_loop3A_575[0] : f32 from vector<1xf32>
        %parallel_loop3A_577 = vector.broadcast %parallel_loop3A_576 : f32 to vector<16xf32>
        %parallel_loop3A_578 = arith.mulf %parallel_loop3A_577, %parallel_loop3A_135 : vector<16xf32>
        %parallel_loop3A_579 = arith.index_cast %parallel_loop3A_131 : i32 to index
        %parallel_loop3A_580 = arith.constant 0 : index
        %parallel_loop3A_581 = tpu.vector_load %arg22[%parallel_loop3A_579, %parallel_loop3A_580] {strides = array<i32>} : memref<48x144xf32, #tpu.memory_space<vmem>>, vector<1x16xf32>,
        %parallel_loop3A_582 = vector.shape_cast %parallel_loop3A_581 : vector<1x16xf32> to vector<16xf32>
        %parallel_loop3A_583 = vector.shape_cast %parallel_loop3A_578 : vector<16xf32> to vector<1x16xf32>
        tpu.vector_store %arg22[%parallel_loop3A_579, %parallel_loop3A_580], %parallel_loop3A_583 {strides = array<i32>} : memref<48x144xf32, #tpu.memory_space<vmem>>, vector<1x16xf32>,
        %parallel_loop3A_584 = vector.extract_strided_slice %parallel_loop3A_574 {offsets = [1], sizes = [1], strides = [1]} : vector<16xf32> to vector<1xf32>
        %parallel_loop3A_585 = vector.extract %parallel_loop3A_584[0] : f32 from vector<1xf32>
        %parallel_loop3A_586 = vector.broadcast %parallel_loop3A_585 : f32 to vector<16xf32>
        %parallel_loop3A_587 = arith.mulf %parallel_loop3A_586, %parallel_loop3A_151 : vector<16xf32>
        %parallel_loop3A_588 = arith.index_cast %parallel_loop3A_131 : i32 to index
        %parallel_loop3A_589 = arith.constant 16 : index
        %parallel_loop3A_590 = tpu.vector_load %arg22[%parallel_loop3A_588, %parallel_loop3A_589] {strides = array<i32>} : memref<48x144xf32, #tpu.memory_space<vmem>>, vector<1x16xf32>,
        %parallel_loop3A_591 = vector.shape_cast %parallel_loop3A_590 : vector<1x16xf32> to vector<16xf32>
        %parallel_loop3A_592 = vector.shape_cast %parallel_loop3A_587 : vector<16xf32> to vector<1x16xf32>
        tpu.vector_store %arg22[%parallel_loop3A_588, %parallel_loop3A_589], %parallel_loop3A_592 {strides = array<i32>} : memref<48x144xf32, #tpu.memory_space<vmem>>, vector<1x16xf32>,
        %parallel_loop3A_593 = vector.extract_strided_slice %parallel_loop3A_574 {offsets = [2], sizes = [1], strides = [1]} : vector<16xf32> to vector<1xf32>
        %parallel_loop3A_594 = vector.extract %parallel_loop3A_593[0] : f32 from vector<1xf32>
        %parallel_loop3A_595 = vector.broadcast %parallel_loop3A_594 : f32 to vector<16xf32>
        %parallel_loop3A_596 = arith.mulf %parallel_loop3A_595, %parallel_loop3A_167 : vector<16xf32>
        %parallel_loop3A_597 = arith.index_cast %parallel_loop3A_131 : i32 to index
        %parallel_loop3A_598 = arith.constant 32 : index
        %parallel_loop3A_599 = tpu.vector_load %arg22[%parallel_loop3A_597, %parallel_loop3A_598] {strides = array<i32>} : memref<48x144xf32, #tpu.memory_space<vmem>>, vector<1x16xf32>,
        %parallel_loop3A_600 = vector.shape_cast %parallel_loop3A_599 : vector<1x16xf32> to vector<16xf32>
        %parallel_loop3A_601 = vector.shape_cast %parallel_loop3A_596 : vector<16xf32> to vector<1x16xf32>
        tpu.vector_store %arg22[%parallel_loop3A_597, %parallel_loop3A_598], %parallel_loop3A_601 {strides = array<i32>} : memref<48x144xf32, #tpu.memory_space<vmem>>, vector<1x16xf32>,
        %parallel_loop3A_602 = vector.extract_strided_slice %parallel_loop3A_574 {offsets = [3], sizes = [1], strides = [1]} : vector<16xf32> to vector<1xf32>
        %parallel_loop3A_603 = vector.extract %parallel_loop3A_602[0] : f32 from vector<1xf32>
        %parallel_loop3A_604 = vector.broadcast %parallel_loop3A_603 : f32 to vector<16xf32>
        %parallel_loop3A_605 = arith.mulf %parallel_loop3A_604, %parallel_loop3A_183 : vector<16xf32>
        %parallel_loop3A_606 = arith.index_cast %parallel_loop3A_131 : i32 to index
        %parallel_loop3A_607 = arith.constant 48 : index
        %parallel_loop3A_608 = tpu.vector_load %arg22[%parallel_loop3A_606, %parallel_loop3A_607] {strides = array<i32>} : memref<48x144xf32, #tpu.memory_space<vmem>>, vector<1x16xf32>,
        %parallel_loop3A_609 = vector.shape_cast %parallel_loop3A_608 : vector<1x16xf32> to vector<16xf32>
        %parallel_loop3A_610 = vector.shape_cast %parallel_loop3A_605 : vector<16xf32> to vector<1x16xf32>
        tpu.vector_store %arg22[%parallel_loop3A_606, %parallel_loop3A_607], %parallel_loop3A_610 {strides = array<i32>} : memref<48x144xf32, #tpu.memory_space<vmem>>, vector<1x16xf32>,
        %parallel_loop3A_611 = vector.extract_strided_slice %parallel_loop3A_574 {offsets = [4], sizes = [1], strides = [1]} : vector<16xf32> to vector<1xf32>
        %parallel_loop3A_612 = vector.extract %parallel_loop3A_611[0] : f32 from vector<1xf32>
        %parallel_loop3A_613 = vector.broadcast %parallel_loop3A_612 : f32 to vector<16xf32>
        %parallel_loop3A_614 = arith.mulf %parallel_loop3A_613, %parallel_loop3A_199 : vector<16xf32>
        %parallel_loop3A_615 = arith.index_cast %parallel_loop3A_131 : i32 to index
        %parallel_loop3A_616 = arith.constant 64 : index
        %parallel_loop3A_617 = tpu.vector_load %arg22[%parallel_loop3A_615, %parallel_loop3A_616] {strides = array<i32>} : memref<48x144xf32, #tpu.memory_space<vmem>>, vector<1x16xf32>,
        %parallel_loop3A_618 = vector.shape_cast %parallel_loop3A_617 : vector<1x16xf32> to vector<16xf32>
        %parallel_loop3A_619 = vector.shape_cast %parallel_loop3A_614 : vector<16xf32> to vector<1x16xf32>
        tpu.vector_store %arg22[%parallel_loop3A_615, %parallel_loop3A_616], %parallel_loop3A_619 {strides = array<i32>} : memref<48x144xf32, #tpu.memory_space<vmem>>, vector<1x16xf32>,
        %parallel_loop3A_620 = vector.extract_strided_slice %parallel_loop3A_574 {offsets = [5], sizes = [1], strides = [1]} : vector<16xf32> to vector<1xf32>
        %parallel_loop3A_621 = vector.extract %parallel_loop3A_620[0] : f32 from vector<1xf32>
        %parallel_loop3A_622 = vector.broadcast %parallel_loop3A_621 : f32 to vector<16xf32>
        %parallel_loop3A_623 = arith.mulf %parallel_loop3A_622, %parallel_loop3A_215 : vector<16xf32>
        %parallel_loop3A_624 = arith.index_cast %parallel_loop3A_131 : i32 to index
        %parallel_loop3A_625 = arith.constant 80 : index
        %parallel_loop3A_626 = tpu.vector_load %arg22[%parallel_loop3A_624, %parallel_loop3A_625] {strides = array<i32>} : memref<48x144xf32, #tpu.memory_space<vmem>>, vector<1x16xf32>,
        %parallel_loop3A_627 = vector.shape_cast %parallel_loop3A_626 : vector<1x16xf32> to vector<16xf32>
        %parallel_loop3A_628 = vector.shape_cast %parallel_loop3A_623 : vector<16xf32> to vector<1x16xf32>
        tpu.vector_store %arg22[%parallel_loop3A_624, %parallel_loop3A_625], %parallel_loop3A_628 {strides = array<i32>} : memref<48x144xf32, #tpu.memory_space<vmem>>, vector<1x16xf32>,
        %parallel_loop3A_629 = vector.extract_strided_slice %parallel_loop3A_574 {offsets = [6], sizes = [1], strides = [1]} : vector<16xf32> to vector<1xf32>
        %parallel_loop3A_630 = vector.extract %parallel_loop3A_629[0] : f32 from vector<1xf32>
        %parallel_loop3A_631 = vector.broadcast %parallel_loop3A_630 : f32 to vector<16xf32>
        %parallel_loop3A_632 = arith.mulf %parallel_loop3A_631, %parallel_loop3A_231 : vector<16xf32>
        %parallel_loop3A_633 = arith.index_cast %parallel_loop3A_131 : i32 to index
        %parallel_loop3A_634 = arith.constant 96 : index
        %parallel_loop3A_635 = tpu.vector_load %arg22[%parallel_loop3A_633, %parallel_loop3A_634] {strides = array<i32>} : memref<48x144xf32, #tpu.memory_space<vmem>>, vector<1x16xf32>,
        %parallel_loop3A_636 = vector.shape_cast %parallel_loop3A_635 : vector<1x16xf32> to vector<16xf32>
        %parallel_loop3A_637 = vector.shape_cast %parallel_loop3A_632 : vector<16xf32> to vector<1x16xf32>
        tpu.vector_store %arg22[%parallel_loop3A_633, %parallel_loop3A_634], %parallel_loop3A_637 {strides = array<i32>} : memref<48x144xf32, #tpu.memory_space<vmem>>, vector<1x16xf32>,
        %parallel_loop3A_638 = vector.extract_strided_slice %parallel_loop3A_574 {offsets = [7], sizes = [1], strides = [1]} : vector<16xf32> to vector<1xf32>
        %parallel_loop3A_639 = vector.extract %parallel_loop3A_638[0] : f32 from vector<1xf32>
        %parallel_loop3A_640 = vector.broadcast %parallel_loop3A_639 : f32 to vector<16xf32>
        %parallel_loop3A_641 = arith.mulf %parallel_loop3A_640, %parallel_loop3A_247 : vector<16xf32>
        %parallel_loop3A_642 = arith.index_cast %parallel_loop3A_131 : i32 to index
        %parallel_loop3A_643 = arith.constant 112 : index
        %parallel_loop3A_644 = tpu.vector_load %arg22[%parallel_loop3A_642, %parallel_loop3A_643] {strides = array<i32>} : memref<48x144xf32, #tpu.memory_space<vmem>>, vector<1x16xf32>,
        %parallel_loop3A_645 = vector.shape_cast %parallel_loop3A_644 : vector<1x16xf32> to vector<16xf32>
        %parallel_loop3A_646 = vector.shape_cast %parallel_loop3A_641 : vector<16xf32> to vector<1x16xf32>
        tpu.vector_store %arg22[%parallel_loop3A_642, %parallel_loop3A_643], %parallel_loop3A_646 {strides = array<i32>} : memref<48x144xf32, #tpu.memory_space<vmem>>, vector<1x16xf32>,
        %parallel_loop3A_647 = arith.index_cast %parallel_loop3A_131 : i32 to index
        %parallel_loop3A_648 = arith.constant 128 : index
        %parallel_loop3A_649 = tpu.vector_load %arg22[%parallel_loop3A_647, %parallel_loop3A_648] {strides = array<i32>} : memref<48x144xf32, #tpu.memory_space<vmem>>, vector<1x16xf32>,
        %parallel_loop3A_650 = vector.shape_cast %parallel_loop3A_649 : vector<1x16xf32> to vector<16xf32>
        %parallel_loop3A_651 = vector.shape_cast %parallel_loop3A_574 : vector<16xf32> to vector<1x16xf32>
        tpu.vector_store %arg22[%parallel_loop3A_647, %parallel_loop3A_648], %parallel_loop3A_651 {strides = array<i32>} : memref<48x144xf32, #tpu.memory_space<vmem>>, vector<1x16xf32>,
      } {sc.loop_unroll_factor = 2 : i64, sc.parallel_access}
      %dma_start3A_128 = arith.constant 0 : i32
      %dma_start3A_129 = arith.constant 0 : i32
      %dma_start3A_130 = tpu.memref_slice %arg10[%dma_start3A_128, %dma_start3A_129] : memref<10112x144xf32, #tpu.memory_space<vmem_shared>> -> memref<10112x144xf32, #tpu.memory_space<vmem_shared>>
      tpu.enqueue_indirect_dma source(%arg22 : memref<48x144xf32, #tpu.memory_space<vmem>>) target(%dma_start3A_130 : memref<10112x144xf32, #tpu.memory_space<vmem_shared>>) offsets(%arg19 : memref<48xi32, #tpu.memory_space<vmem>>) semaphore(%arg26 : memref<!tpu.dma_semaphore, #tpu.memory_space<semaphore_mem>>) {add = true}
    }
    %scan3A_79 = arith.constant 105 : i32
    %dma_wait3A = arith.constant 0 : i32
    %dma_wait3A_80 = arith.constant 0 : i32
    %dma_wait3A_81 = tpu.memref_slice %arg10[%dma_wait3A, %dma_wait3A_80] : memref<10112x144xf32, #tpu.memory_space<vmem_shared>> -> memref<10112x144xf32, #tpu.memory_space<vmem_shared>>
    tpu.wait_indirect_dma semaphore(%arg24 : memref<!tpu.dma_semaphore, #tpu.memory_space<semaphore_mem>>) src(%arg17 : memref<48x144xf32, #tpu.memory_space<vmem>>) dst(%dma_wait3A_81 : memref<10112x144xf32, #tpu.memory_space<vmem_shared>>)
    %dma_wait3A_82 = arith.constant 0 : i32
    %dma_wait3A_83 = arith.constant 0 : i32
    %dma_wait3A_84 = tpu.memref_slice %arg10[%dma_wait3A_82, %dma_wait3A_83] : memref<10112x144xf32, #tpu.memory_space<vmem_shared>> -> memref<10112x144xf32, #tpu.memory_space<vmem_shared>>
    tpu.wait_indirect_dma semaphore(%arg26 : memref<!tpu.dma_semaphore, #tpu.memory_space<semaphore_mem>>) src(%arg22 : memref<48x144xf32, #tpu.memory_space<vmem>>) dst(%dma_wait3A_84 : memref<10112x144xf32, #tpu.memory_space<vmem_shared>>)
    %barrier3A_85 = arith.constant 0 : index
    tpu.barrier barrier_id(%barrier3A_85)
    "tpu.region"() ({
      %run_scoped3A = tpu.sem_alloc : memref<!tpu.dma_semaphore, #tpu.memory_space<semaphore_mem>>
      %dma_start3A_86 = arith.constant 0 : i32
      %dma_start3A_87 = tpu.memref_slice %arg9[%arg0, %mul3A_2, %dma_start3A_86] : memref<2x10112x144xf32, #tpu.memory_space<hbm>> -> memref<1x632x144xf32, #tpu.memory_space<hbm>>
      %dma_start3A_88 = tpu.memref_squeeze %dma_start3A_87 : memref<1x632x144xf32, #tpu.memory_space<hbm>> -> memref<632x144xf32, #tpu.memory_space<hbm>>
      %dma_start3A_89 = arith.constant 0 : i32
      %dma_start3A_90 = tpu.memref_slice %arg10[%mul3A_2, %dma_start3A_89] : memref<10112x144xf32, #tpu.memory_space<vmem_shared>> -> memref<632x144xf32, #tpu.memory_space<vmem_shared>>
      tpu.enqueue_dma source(%dma_start3A_90 : memref<632x144xf32, #tpu.memory_space<vmem_shared>>) target(%dma_start3A_88 : memref<632x144xf32, #tpu.memory_space<hbm>>) target_semaphore(%run_scoped3A : memref<!tpu.dma_semaphore, #tpu.memory_space<semaphore_mem>>)
      %dma_wait3A_91 = arith.constant 0 : i32
      %dma_wait3A_92 = tpu.memref_slice %arg9[%arg0, %mul3A_2, %dma_wait3A_91] : memref<2x10112x144xf32, #tpu.memory_space<hbm>> -> memref<1x632x144xf32, #tpu.memory_space<hbm>>
      %dma_wait3A_93 = tpu.memref_squeeze %dma_wait3A_92 : memref<1x632x144xf32, #tpu.memory_space<hbm>> -> memref<632x144xf32, #tpu.memory_space<hbm>>
      %dma_wait3A_94 = arith.constant 0 : i32
      %dma_wait3A_95 = tpu.memref_slice %arg10[%mul3A_2, %dma_wait3A_94] : memref<10112x144xf32, #tpu.memory_space<vmem_shared>> -> memref<632x144xf32, #tpu.memory_space<vmem_shared>>
      tpu.wait_dma2 semaphore(%run_scoped3A : memref<!tpu.dma_semaphore, #tpu.memory_space<semaphore_mem>>) src(%dma_wait3A_95 : memref<632x144xf32, #tpu.memory_space<vmem_shared>>) dst(%dma_wait3A_93 : memref<632x144xf32, #tpu.memory_space<hbm>>)
      tpu.yield
    }) : () -> ()
    return
  }
}

#map = affine_map<(d0, d1) -> (0, 0)>
#map1 = affine_map<(d0, d1) -> (0)>
#map2 = affine_map<(d0, d1) -> (0, 0, 0)>
module attributes {stable_mosaic.version = 14 : i64} {
  func.func @_edge_body(%arg0: i32, %arg1: i32, %arg2: memref<10000x128xf32, #tpu.memory_space<hbm>>, %arg3: memref<10112x128xf32, #tpu.memory_space<hbm>>, %arg4: memref<322560xi32, #tpu.memory_space<hbm>>, %arg5: memref<322560xi32, #tpu.memory_space<hbm>>, %arg6: memref<128xf32, #tpu.memory_space<hbm>>, %arg7: memref<128xf32, #tpu.memory_space<hbm>>, %arg8: memref<10112x144xf32, #tpu.memory_space<hbm>>, %arg9: memref<2x10112x144xf32, #tpu.memory_space<hbm>>, %arg10: memref<10112x144xf32, #tpu.memory_space<vmem_shared>>, %arg11: memref<128xf32, #tpu.memory_space<vmem>>, %arg12: memref<128xf32, #tpu.memory_space<vmem>>, %arg13: memref<48xi32, #tpu.memory_space<vmem>>, %arg14: memref<48xi32, #tpu.memory_space<vmem>>, %arg15: memref<48x128xf32, #tpu.memory_space<vmem>>, %arg16: memref<48x128xf32, #tpu.memory_space<vmem>>, %arg17: memref<48x144xf32, #tpu.memory_space<vmem>>, %arg18: memref<48xi32, #tpu.memory_space<vmem>>, %arg19: memref<48xi32, #tpu.memory_space<vmem>>, %arg20: memref<48x128xf32, #tpu.memory_space<vmem>>, %arg21: memref<48x128xf32, #tpu.memory_space<vmem>>, %arg22: memref<48x144xf32, #tpu.memory_space<vmem>>, %arg23: memref<!tpu.dma_semaphore, #tpu.memory_space<semaphore_mem>>, %arg24: memref<!tpu.dma_semaphore, #tpu.memory_space<semaphore_mem>>, %arg25: memref<!tpu.dma_semaphore, #tpu.memory_space<semaphore_mem>>, %arg26: memref<!tpu.dma_semaphore, #tpu.memory_space<semaphore_mem>>) attributes {dimension_semantics = [#tpu.dimension_semantics<core_parallel>, #tpu.dimension_semantics<subcore_parallel>], iteration_bounds = array<i64: 2, 16>, scalar_prefetch = 0 : i64, scratch_operands = 17 : i64, tpu.core_type = #tpu.core_type<sc_vector_subcore>, window_params = [{transform_indices = #map}, {transform_indices = #map}, {transform_indices = #map1}, {transform_indices = #map1}, {transform_indices = #map1}, {transform_indices = #map1}, {transform_indices = #map}, {transform_indices = #map2}]} {
    %mul3A = arith.constant 16 : i32
    %mul3A_0 = arith.muli %arg0, %mul3A : i32
    %add3A = arith.addi %mul3A_0, %arg1 : i32
    %mul3A_1 = arith.constant 632 : i32
    %mul3A_2 = arith.muli %arg1, %mul3A_1 : i32
    "tpu.region"() ({
      %run_scoped3A = tpu.sem_alloc : memref<!tpu.dma_semaphore, #tpu.memory_space<semaphore_mem>>
      %dma_start3A_86 = arith.constant 0 : i32
      %dma_start3A_87 = tpu.memref_slice %arg10[%mul3A_2, %dma_start3A_86] : memref<10112x144xf32, #tpu.memory_space<vmem_shared>> -> memref<632x144xf32, #tpu.memory_space<vmem_shared>>
      %dma_start3A_88 = arith.constant 0 : i32
      %dma_start3A_89 = tpu.memref_slice %arg8[%mul3A_2, %dma_start3A_88] : memref<10112x144xf32, #tpu.memory_space<hbm>> -> memref<632x144xf32, #tpu.memory_space<hbm>>
      tpu.enqueue_dma source(%dma_start3A_89 : memref<632x144xf32, #tpu.memory_space<hbm>>) target(%dma_start3A_87 : memref<632x144xf32, #tpu.memory_space<vmem_shared>>) target_semaphore(%run_scoped3A : memref<!tpu.dma_semaphore, #tpu.memory_space<semaphore_mem>>)
      %dma_wait3A_90 = arith.constant 0 : i32
      %dma_wait3A_91 = tpu.memref_slice %arg10[%mul3A_2, %dma_wait3A_90] : memref<10112x144xf32, #tpu.memory_space<vmem_shared>> -> memref<632x144xf32, #tpu.memory_space<vmem_shared>>
      %dma_wait3A_92 = arith.constant 0 : i32
      %dma_wait3A_93 = tpu.memref_slice %arg8[%mul3A_2, %dma_wait3A_92] : memref<10112x144xf32, #tpu.memory_space<hbm>> -> memref<632x144xf32, #tpu.memory_space<hbm>>
      tpu.wait_dma2 semaphore(%run_scoped3A : memref<!tpu.dma_semaphore, #tpu.memory_space<semaphore_mem>>) src(%dma_wait3A_93 : memref<632x144xf32, #tpu.memory_space<hbm>>) dst(%dma_wait3A_91 : memref<632x144xf32, #tpu.memory_space<vmem_shared>>)
      tpu.yield
    }) : () -> ()
    "tpu.region"() ({
      %run_scoped3A = tpu.sem_alloc : memref<!tpu.dma_semaphore, #tpu.memory_space<semaphore_mem>>
      tpu.enqueue_dma source(%arg6 : memref<128xf32, #tpu.memory_space<hbm>>) target(%arg11 : memref<128xf32, #tpu.memory_space<vmem>>) target_semaphore(%run_scoped3A : memref<!tpu.dma_semaphore, #tpu.memory_space<semaphore_mem>>)
      tpu.wait_dma2 semaphore(%run_scoped3A : memref<!tpu.dma_semaphore, #tpu.memory_space<semaphore_mem>>) src(%arg6 : memref<128xf32, #tpu.memory_space<hbm>>) dst(%arg11 : memref<128xf32, #tpu.memory_space<vmem>>)
      tpu.yield
    }) : () -> ()
    "tpu.region"() ({
      %run_scoped3A = tpu.sem_alloc : memref<!tpu.dma_semaphore, #tpu.memory_space<semaphore_mem>>
      tpu.enqueue_dma source(%arg7 : memref<128xf32, #tpu.memory_space<hbm>>) target(%arg12 : memref<128xf32, #tpu.memory_space<vmem>>) target_semaphore(%run_scoped3A : memref<!tpu.dma_semaphore, #tpu.memory_space<semaphore_mem>>)
      tpu.wait_dma2 semaphore(%run_scoped3A : memref<!tpu.dma_semaphore, #tpu.memory_space<semaphore_mem>>) src(%arg7 : memref<128xf32, #tpu.memory_space<hbm>>) dst(%arg12 : memref<128xf32, #tpu.memory_space<vmem>>)
      tpu.yield
    }) : () -> ()
    %barrier3A = arith.constant 0 : index
    tpu.barrier barrier_id(%barrier3A)
    %get3A = arith.constant 0 : index
    %get3A_3 = tpu.vector_load %arg11[%get3A] {strides = array<i32>} : memref<128xf32, #tpu.memory_space<vmem>>, vector<16xf32>,
    %get3A_4 = vector.shape_cast %get3A_3 : vector<16xf32> to vector<16xf32>
    %get3A_5 = arith.constant 16 : index
    %get3A_6 = tpu.vector_load %arg11[%get3A_5] {strides = array<i32>} : memref<128xf32, #tpu.memory_space<vmem>>, vector<16xf32>,
    %get3A_7 = vector.shape_cast %get3A_6 : vector<16xf32> to vector<16xf32>
    %get3A_8 = arith.constant 32 : index
    %get3A_9 = tpu.vector_load %arg11[%get3A_8] {strides = array<i32>} : memref<128xf32, #tpu.memory_space<vmem>>, vector<16xf32>,
    %get3A_10 = vector.shape_cast %get3A_9 : vector<16xf32> to vector<16xf32>
    %get3A_11 = arith.constant 48 : index
    %get3A_12 = tpu.vector_load %arg11[%get3A_11] {strides = array<i32>} : memref<128xf32, #tpu.memory_space<vmem>>, vector<16xf32>,
    %get3A_13 = vector.shape_cast %get3A_12 : vector<16xf32> to vector<16xf32>
    %get3A_14 = arith.constant 64 : index
    %get3A_15 = tpu.vector_load %arg11[%get3A_14] {strides = array<i32>} : memref<128xf32, #tpu.memory_space<vmem>>, vector<16xf32>,
    %get3A_16 = vector.shape_cast %get3A_15 : vector<16xf32> to vector<16xf32>
    %get3A_17 = arith.constant 80 : index
    %get3A_18 = tpu.vector_load %arg11[%get3A_17] {strides = array<i32>} : memref<128xf32, #tpu.memory_space<vmem>>, vector<16xf32>,
    %get3A_19 = vector.shape_cast %get3A_18 : vector<16xf32> to vector<16xf32>
    %get3A_20 = arith.constant 96 : index
    %get3A_21 = tpu.vector_load %arg11[%get3A_20] {strides = array<i32>} : memref<128xf32, #tpu.memory_space<vmem>>, vector<16xf32>,
    %get3A_22 = vector.shape_cast %get3A_21 : vector<16xf32> to vector<16xf32>
    %get3A_23 = arith.constant 112 : index
    %get3A_24 = tpu.vector_load %arg11[%get3A_23] {strides = array<i32>} : memref<128xf32, #tpu.memory_space<vmem>>, vector<16xf32>,
    %get3A_25 = vector.shape_cast %get3A_24 : vector<16xf32> to vector<16xf32>
    %get3A_26 = arith.constant 0 : index
    %get3A_27 = tpu.vector_load %arg12[%get3A_26] {strides = array<i32>} : memref<128xf32, #tpu.memory_space<vmem>>, vector<16xf32>,
    %get3A_28 = vector.shape_cast %get3A_27 : vector<16xf32> to vector<16xf32>
    %get3A_29 = arith.constant 16 : index
    %get3A_30 = tpu.vector_load %arg12[%get3A_29] {strides = array<i32>} : memref<128xf32, #tpu.memory_space<vmem>>, vector<16xf32>,
    %get3A_31 = vector.shape_cast %get3A_30 : vector<16xf32> to vector<16xf32>
    %get3A_32 = arith.constant 32 : index
    %get3A_33 = tpu.vector_load %arg12[%get3A_32] {strides = array<i32>} : memref<128xf32, #tpu.memory_space<vmem>>, vector<16xf32>,
    %get3A_34 = vector.shape_cast %get3A_33 : vector<16xf32> to vector<16xf32>
    %get3A_35 = arith.constant 48 : index
    %get3A_36 = tpu.vector_load %arg12[%get3A_35] {strides = array<i32>} : memref<128xf32, #tpu.memory_space<vmem>>, vector<16xf32>,
    %get3A_37 = vector.shape_cast %get3A_36 : vector<16xf32> to vector<16xf32>
    %get3A_38 = arith.constant 64 : index
    %get3A_39 = tpu.vector_load %arg12[%get3A_38] {strides = array<i32>} : memref<128xf32, #tpu.memory_space<vmem>>, vector<16xf32>,
    %get3A_40 = vector.shape_cast %get3A_39 : vector<16xf32> to vector<16xf32>
    %get3A_41 = arith.constant 80 : index
    %get3A_42 = tpu.vector_load %arg12[%get3A_41] {strides = array<i32>} : memref<128xf32, #tpu.memory_space<vmem>>, vector<16xf32>,
    %get3A_43 = vector.shape_cast %get3A_42 : vector<16xf32> to vector<16xf32>
    %get3A_44 = arith.constant 96 : index
    %get3A_45 = tpu.vector_load %arg12[%get3A_44] {strides = array<i32>} : memref<128xf32, #tpu.memory_space<vmem>>, vector<16xf32>,
    %get3A_46 = vector.shape_cast %get3A_45 : vector<16xf32> to vector<16xf32>
    %get3A_47 = arith.constant 112 : index
    %get3A_48 = tpu.vector_load %arg12[%get3A_47] {strides = array<i32>} : memref<128xf32, #tpu.memory_space<vmem>>, vector<16xf32>,
    %get3A_49 = vector.shape_cast %get3A_48 : vector<16xf32> to vector<16xf32>
    %iota3A = tpu.iota {dimensions = array<i32: 0>} : vector<16xi32>
    %and3A = arith.constant 1 : i32
    %and3A_50 = vector.broadcast %and3A : i32 to vector<16xi32>
    %and3A_51 = arith.andi %iota3A, %and3A_50 : vector<16xi32>
    %shift_left3A = arith.constant 2 : i32
    %shift_left3A_52 = vector.broadcast %shift_left3A : i32 to vector<16xi32>
    %shift_left3A_53 = arith.shli %and3A_51, %shift_left3A_52 : vector<16xi32>
    %and3A_54 = arith.constant 2 : i32
    %and3A_55 = vector.broadcast %and3A_54 : i32 to vector<16xi32>
    %and3A_56 = arith.andi %iota3A, %and3A_55 : vector<16xi32>
    %or3A = arith.ori %shift_left3A_53, %and3A_56 : vector<16xi32>
    %and3A_57 = arith.constant 4 : i32
    %and3A_58 = vector.broadcast %and3A_57 : i32 to vector<16xi32>
    %and3A_59 = arith.andi %iota3A, %and3A_58 : vector<16xi32>
    %shift_right_arithmetic3A = arith.constant 2 : i32
    %shift_right_arithmetic3A_60 = vector.broadcast %shift_right_arithmetic3A : i32 to vector<16xi32>
    %shift_right_arithmetic3A_61 = arith.shrsi %and3A_59, %shift_right_arithmetic3A_60 : vector<16xi32>
    %or3A_62 = arith.ori %or3A, %shift_right_arithmetic3A_61 : vector<16xi32>
    %shift_left3A_63 = arith.constant 1 : i32
    %shift_left3A_64 = vector.broadcast %shift_left3A_63 : i32 to vector<16xi32>
    %shift_left3A_65 = arith.shli %or3A_62, %shift_left3A_64 : vector<16xi32>
    %mul3A_66 = arith.constant 10080 : i32
    %mul3A_67 = arith.muli %add3A, %mul3A_66 : i32
    %add3A_68 = arith.constant 0 : i32
    %add3A_69 = arith.addi %mul3A_67, %add3A_68 : i32
    "tpu.region"() ({
      %run_scoped3A = tpu.sem_alloc : memref<!tpu.dma_semaphore, #tpu.memory_space<semaphore_mem>>
      %dma_start3A_86 = tpu.memref_slice %arg4[%add3A_69] : memref<322560xi32, #tpu.memory_space<hbm>> -> memref<48xi32, #tpu.memory_space<hbm>>
      %dma_start3A_87 = tpu.memref_slice %arg4[%add3A_69] : memref<322560xi32, #tpu.memory_space<hbm>> -> memref<48xi32, #tpu.memory_space<hbm>>
      tpu.enqueue_dma source(%dma_start3A_87 : memref<48xi32, #tpu.memory_space<hbm>>) target(%arg13 : memref<48xi32, #tpu.memory_space<vmem>>) target_semaphore(%run_scoped3A : memref<!tpu.dma_semaphore, #tpu.memory_space<semaphore_mem>>)
      %dma_wait3A_88 = tpu.memref_slice %arg4[%add3A_69] : memref<322560xi32, #tpu.memory_space<hbm>> -> memref<48xi32, #tpu.memory_space<hbm>>
      %dma_wait3A_89 = tpu.memref_slice %arg4[%add3A_69] : memref<322560xi32, #tpu.memory_space<hbm>> -> memref<48xi32, #tpu.memory_space<hbm>>
      tpu.wait_dma2 semaphore(%run_scoped3A : memref<!tpu.dma_semaphore, #tpu.memory_space<semaphore_mem>>) src(%dma_wait3A_89 : memref<48xi32, #tpu.memory_space<hbm>>) dst(%arg13 : memref<48xi32, #tpu.memory_space<vmem>>)
      tpu.yield
    }) : () -> ()
    "tpu.region"() ({
      %run_scoped3A = tpu.sem_alloc : memref<!tpu.dma_semaphore, #tpu.memory_space<semaphore_mem>>
      %dma_start3A_86 = tpu.memref_slice %arg5[%add3A_69] : memref<322560xi32, #tpu.memory_space<hbm>> -> memref<48xi32, #tpu.memory_space<hbm>>
      %dma_start3A_87 = tpu.memref_slice %arg5[%add3A_69] : memref<322560xi32, #tpu.memory_space<hbm>> -> memref<48xi32, #tpu.memory_space<hbm>>
      tpu.enqueue_dma source(%dma_start3A_87 : memref<48xi32, #tpu.memory_space<hbm>>) target(%arg14 : memref<48xi32, #tpu.memory_space<vmem>>) target_semaphore(%run_scoped3A : memref<!tpu.dma_semaphore, #tpu.memory_space<semaphore_mem>>)
      %dma_wait3A_88 = tpu.memref_slice %arg5[%add3A_69] : memref<322560xi32, #tpu.memory_space<hbm>> -> memref<48xi32, #tpu.memory_space<hbm>>
      %dma_wait3A_89 = tpu.memref_slice %arg5[%add3A_69] : memref<322560xi32, #tpu.memory_space<hbm>> -> memref<48xi32, #tpu.memory_space<hbm>>
      tpu.wait_dma2 semaphore(%run_scoped3A : memref<!tpu.dma_semaphore, #tpu.memory_space<semaphore_mem>>) src(%dma_wait3A_89 : memref<48xi32, #tpu.memory_space<hbm>>) dst(%arg14 : memref<48xi32, #tpu.memory_space<vmem>>)
      tpu.yield
    }) : () -> ()
    %dma_start3A = arith.constant 0 : i32
    %dma_start3A_70 = arith.constant 0 : i32
    %dma_start3A_71 = tpu.memref_slice %arg2[%dma_start3A, %dma_start3A_70] : memref<10000x128xf32, #tpu.memory_space<hbm>> -> memref<10000x128xf32, #tpu.memory_space<hbm>>
    tpu.enqueue_indirect_dma source(%dma_start3A_71 : memref<10000x128xf32, #tpu.memory_space<hbm>>) target(%arg15 : memref<48x128xf32, #tpu.memory_space<vmem>>) offsets(%arg13 : memref<48xi32, #tpu.memory_space<vmem>>) semaphore(%arg23 : memref<!tpu.dma_semaphore, #tpu.memory_space<semaphore_mem>>)
    %dma_start3A_72 = arith.constant 0 : i32
    %dma_start3A_73 = arith.constant 0 : i32
    %dma_start3A_74 = tpu.memref_slice %arg3[%dma_start3A_72, %dma_start3A_73] : memref<10112x128xf32, #tpu.memory_space<hbm>> -> memref<10112x128xf32, #tpu.memory_space<hbm>>
    tpu.enqueue_indirect_dma source(%dma_start3A_74 : memref<10112x128xf32, #tpu.memory_space<hbm>>) target(%arg16 : memref<48x128xf32, #tpu.memory_space<vmem>>) offsets(%arg14 : memref<48xi32, #tpu.memory_space<vmem>>) semaphore(%arg23 : memref<!tpu.dma_semaphore, #tpu.memory_space<semaphore_mem>>)
    %scan3A = arith.constant 0 : i32
    %scan3A_75 = arith.constant 0 : i32
    %scan3A_76 = arith.constant 105 : i32
    %scan3A_77 = arith.addi %scan3A_75, %scan3A_76 : i32
    %scan3A_78 = arith.constant 1 : i32
    scf.for %scan3A_86 = %scan3A_75 to %scan3A_77 step %scan3A_78  : i32 {
      %gt3A = arith.constant 0 : i32
      %gt3A_87 = arith.cmpi sgt, %scan3A_86, %gt3A : i32
      %convert_element_type3A = arith.extui %gt3A_87 : i1 to i32
      %cond3A = arith.constant 0 : i32
      %cond3A_88 = arith.cmpi ne, %convert_element_type3A, %cond3A : i32
      scf.if %cond3A_88 {
        %dma_wait3A_131 = arith.constant 0 : i32
        %dma_wait3A_132 = arith.constant 0 : i32
        %dma_wait3A_133 = tpu.memref_slice %arg10[%dma_wait3A_131, %dma_wait3A_132] : memref<10112x144xf32, #tpu.memory_space<vmem_shared>> -> memref<10112x144xf32, #tpu.memory_space<vmem_shared>>
        tpu.wait_indirect_dma semaphore(%arg26 : memref<!tpu.dma_semaphore, #tpu.memory_space<semaphore_mem>>) src(%arg22 : memref<48x144xf32, #tpu.memory_space<vmem>>) dst(%dma_wait3A_133 : memref<10112x144xf32, #tpu.memory_space<vmem_shared>>)
      } else {
      }
      %mul3A_89 = arith.constant 2 : i32
      %mul3A_90 = arith.muli %mul3A_89, %scan3A_86 : i32
      %add3A_91 = arith.constant 0 : i32
      %add3A_92 = arith.addi %mul3A_90, %add3A_91 : i32
      %add3A_93 = arith.constant 1 : i32
      %add3A_94 = arith.addi %add3A_92, %add3A_93 : i32
      %mul3A_95 = arith.constant 48 : i32
      %mul3A_96 = arith.muli %add3A_94, %mul3A_95 : i32
      %add3A_97 = arith.addi %mul3A_67, %mul3A_96 : i32
      "tpu.region"() ({
        %run_scoped3A = tpu.sem_alloc : memref<!tpu.dma_semaphore, #tpu.memory_space<semaphore_mem>>
        %dma_start3A_131 = tpu.memref_slice %arg4[%add3A_97] : memref<322560xi32, #tpu.memory_space<hbm>> -> memref<48xi32, #tpu.memory_space<hbm>>
        %dma_start3A_132 = tpu.memref_slice %arg4[%add3A_97] : memref<322560xi32, #tpu.memory_space<hbm>> -> memref<48xi32, #tpu.memory_space<hbm>>
        tpu.enqueue_dma source(%dma_start3A_132 : memref<48xi32, #tpu.memory_space<hbm>>) target(%arg18 : memref<48xi32, #tpu.memory_space<vmem>>) target_semaphore(%run_scoped3A : memref<!tpu.dma_semaphore, #tpu.memory_space<semaphore_mem>>)
        %dma_wait3A_133 = tpu.memref_slice %arg4[%add3A_97] : memref<322560xi32, #tpu.memory_space<hbm>> -> memref<48xi32, #tpu.memory_space<hbm>>
        %dma_wait3A_134 = tpu.memref_slice %arg4[%add3A_97] : memref<322560xi32, #tpu.memory_space<hbm>> -> memref<48xi32, #tpu.memory_space<hbm>>
        tpu.wait_dma2 semaphore(%run_scoped3A : memref<!tpu.dma_semaphore, #tpu.memory_space<semaphore_mem>>) src(%dma_wait3A_134 : memref<48xi32, #tpu.memory_space<hbm>>) dst(%arg18 : memref<48xi32, #tpu.memory_space<vmem>>)
        tpu.yield
      }) : () -> ()
      "tpu.region"() ({
        %run_scoped3A = tpu.sem_alloc : memref<!tpu.dma_semaphore, #tpu.memory_space<semaphore_mem>>
        %dma_start3A_131 = tpu.memref_slice %arg5[%add3A_97] : memref<322560xi32, #tpu.memory_space<hbm>> -> memref<48xi32, #tpu.memory_space<hbm>>
        %dma_start3A_132 = tpu.memref_slice %arg5[%add3A_97] : memref<322560xi32, #tpu.memory_space<hbm>> -> memref<48xi32, #tpu.memory_space<hbm>>
        tpu.enqueue_dma source(%dma_start3A_132 : memref<48xi32, #tpu.memory_space<hbm>>) target(%arg19 : memref<48xi32, #tpu.memory_space<vmem>>) target_semaphore(%run_scoped3A : memref<!tpu.dma_semaphore, #tpu.memory_space<semaphore_mem>>)
        %dma_wait3A_133 = tpu.memref_slice %arg5[%add3A_97] : memref<322560xi32, #tpu.memory_space<hbm>> -> memref<48xi32, #tpu.memory_space<hbm>>
        %dma_wait3A_134 = tpu.memref_slice %arg5[%add3A_97] : memref<322560xi32, #tpu.memory_space<hbm>> -> memref<48xi32, #tpu.memory_space<hbm>>
        tpu.wait_dma2 semaphore(%run_scoped3A : memref<!tpu.dma_semaphore, #tpu.memory_space<semaphore_mem>>) src(%dma_wait3A_134 : memref<48xi32, #tpu.memory_space<hbm>>) dst(%arg19 : memref<48xi32, #tpu.memory_space<vmem>>)
        tpu.yield
      }) : () -> ()
      %dma_start3A_98 = arith.constant 0 : i32
      %dma_start3A_99 = arith.constant 0 : i32
      %dma_start3A_100 = tpu.memref_slice %arg2[%dma_start3A_98, %dma_start3A_99] : memref<10000x128xf32, #tpu.memory_space<hbm>> -> memref<10000x128xf32, #tpu.memory_space<hbm>>
      tpu.enqueue_indirect_dma source(%dma_start3A_100 : memref<10000x128xf32, #tpu.memory_space<hbm>>) target(%arg20 : memref<48x128xf32, #tpu.memory_space<vmem>>) offsets(%arg18 : memref<48xi32, #tpu.memory_space<vmem>>) semaphore(%arg25 : memref<!tpu.dma_semaphore, #tpu.memory_space<semaphore_mem>>)
      %dma_start3A_101 = arith.constant 0 : i32
      %dma_start3A_102 = arith.constant 0 : i32
      %dma_start3A_103 = tpu.memref_slice %arg3[%dma_start3A_101, %dma_start3A_102] : memref<10112x128xf32, #tpu.memory_space<hbm>> -> memref<10112x128xf32, #tpu.memory_space<hbm>>
      tpu.enqueue_indirect_dma source(%dma_start3A_103 : memref<10112x128xf32, #tpu.memory_space<hbm>>) target(%arg21 : memref<48x128xf32, #tpu.memory_space<vmem>>) offsets(%arg19 : memref<48xi32, #tpu.memory_space<vmem>>) semaphore(%arg25 : memref<!tpu.dma_semaphore, #tpu.memory_space<semaphore_mem>>)
      %dma_wait3A_104 = arith.constant 0 : i32
      %dma_wait3A_105 = arith.constant 0 : i32
      %dma_wait3A_106 = tpu.memref_slice %arg2[%dma_wait3A_104, %dma_wait3A_105] : memref<10000x128xf32, #tpu.memory_space<hbm>> -> memref<10000x128xf32, #tpu.memory_space<hbm>>
      tpu.wait_indirect_dma semaphore(%arg23 : memref<!tpu.dma_semaphore, #tpu.memory_space<semaphore_mem>>) src(%dma_wait3A_106 : memref<10000x128xf32, #tpu.memory_space<hbm>>) dst(%arg15 : memref<48x128xf32, #tpu.memory_space<vmem>>)
      %dma_wait3A_107 = arith.constant 0 : i32
      %dma_wait3A_108 = arith.constant 0 : i32
      %dma_wait3A_109 = tpu.memref_slice %arg3[%dma_wait3A_107, %dma_wait3A_108] : memref<10112x128xf32, #tpu.memory_space<hbm>> -> memref<10112x128xf32, #tpu.memory_space<hbm>>
      tpu.wait_indirect_dma semaphore(%arg23 : memref<!tpu.dma_semaphore, #tpu.memory_space<semaphore_mem>>) src(%dma_wait3A_109 : memref<10112x128xf32, #tpu.memory_space<hbm>>) dst(%arg16 : memref<48x128xf32, #tpu.memory_space<vmem>>)
      %parallel_loop3A = arith.constant 0 : i32
      %parallel_loop3A_110 = arith.constant 48 : i32
      %parallel_loop3A_111 = arith.constant 1 : i32
      scf.for %parallel_loop3A_131 = %parallel_loop3A to %parallel_loop3A_110 step %parallel_loop3A_111  : i32 {
        %parallel_loop3A_132 = arith.index_cast %parallel_loop3A_131 : i32 to index
        %parallel_loop3A_133 = arith.constant 0 : index
        %parallel_loop3A_134 = tpu.vector_load %arg15[%parallel_loop3A_132, %parallel_loop3A_133] {strides = array<i32>} : memref<48x128xf32, #tpu.memory_space<vmem>>, vector<1x16xf32>,
        %parallel_loop3A_135 = vector.shape_cast %parallel_loop3A_134 : vector<1x16xf32> to vector<16xf32>
        %parallel_loop3A_136 = arith.index_cast %parallel_loop3A_131 : i32 to index
        %parallel_loop3A_137 = arith.constant 0 : index
        %parallel_loop3A_138 = tpu.vector_load %arg16[%parallel_loop3A_136, %parallel_loop3A_137] {strides = array<i32>} : memref<48x128xf32, #tpu.memory_space<vmem>>, vector<1x16xf32>,
        %parallel_loop3A_139 = vector.shape_cast %parallel_loop3A_138 : vector<1x16xf32> to vector<16xf32>
        %parallel_loop3A_140 = arith.mulf %get3A_4, %parallel_loop3A_135 : vector<16xf32>
        %parallel_loop3A_141 = arith.addf %parallel_loop3A_140, %parallel_loop3A_139 : vector<16xf32>
        %parallel_loop3A_142 = arith.constant 6.000000e-01 : f32
        %parallel_loop3A_143 = vector.broadcast %parallel_loop3A_142 : f32 to vector<16xf32>
        %parallel_loop3A_144 = arith.mulf %parallel_loop3A_143, %parallel_loop3A_141 : vector<16xf32>
        %parallel_loop3A_145 = math.absf %parallel_loop3A_141 : vector<16xf32>
        %parallel_loop3A_146 = arith.mulf %get3A_28, %parallel_loop3A_145 : vector<16xf32>
        %parallel_loop3A_147 = arith.addf %parallel_loop3A_144, %parallel_loop3A_146 : vector<16xf32>
        %parallel_loop3A_148 = arith.index_cast %parallel_loop3A_131 : i32 to index
        %parallel_loop3A_149 = arith.constant 16 : index
        %parallel_loop3A_150 = tpu.vector_load %arg15[%parallel_loop3A_148, %parallel_loop3A_149] {strides = array<i32>} : memref<48x128xf32, #tpu.memory_space<vmem>>, vector<1x16xf32>,
        %parallel_loop3A_151 = vector.shape_cast %parallel_loop3A_150 : vector<1x16xf32> to vector<16xf32>
        %parallel_loop3A_152 = arith.index_cast %parallel_loop3A_131 : i32 to index
        %parallel_loop3A_153 = arith.constant 16 : index
        %parallel_loop3A_154 = tpu.vector_load %arg16[%parallel_loop3A_152, %parallel_loop3A_153] {strides = array<i32>} : memref<48x128xf32, #tpu.memory_space<vmem>>, vector<1x16xf32>,
        %parallel_loop3A_155 = vector.shape_cast %parallel_loop3A_154 : vector<1x16xf32> to vector<16xf32>
        %parallel_loop3A_156 = arith.mulf %get3A_7, %parallel_loop3A_151 : vector<16xf32>
        %parallel_loop3A_157 = arith.addf %parallel_loop3A_156, %parallel_loop3A_155 : vector<16xf32>
        %parallel_loop3A_158 = arith.constant 6.000000e-01 : f32
        %parallel_loop3A_159 = vector.broadcast %parallel_loop3A_158 : f32 to vector<16xf32>
        %parallel_loop3A_160 = arith.mulf %parallel_loop3A_159, %parallel_loop3A_157 : vector<16xf32>
        %parallel_loop3A_161 = math.absf %parallel_loop3A_157 : vector<16xf32>
        %parallel_loop3A_162 = arith.mulf %get3A_31, %parallel_loop3A_161 : vector<16xf32>
        %parallel_loop3A_163 = arith.addf %parallel_loop3A_160, %parallel_loop3A_162 : vector<16xf32>
        %parallel_loop3A_164 = arith.index_cast %parallel_loop3A_131 : i32 to index
        %parallel_loop3A_165 = arith.constant 32 : index
        %parallel_loop3A_166 = tpu.vector_load %arg15[%parallel_loop3A_164, %parallel_loop3A_165] {strides = array<i32>} : memref<48x128xf32, #tpu.memory_space<vmem>>, vector<1x16xf32>,
        %parallel_loop3A_167 = vector.shape_cast %parallel_loop3A_166 : vector<1x16xf32> to vector<16xf32>
        %parallel_loop3A_168 = arith.index_cast %parallel_loop3A_131 : i32 to index
        %parallel_loop3A_169 = arith.constant 32 : index
        %parallel_loop3A_170 = tpu.vector_load %arg16[%parallel_loop3A_168, %parallel_loop3A_169] {strides = array<i32>} : memref<48x128xf32, #tpu.memory_space<vmem>>, vector<1x16xf32>,
        %parallel_loop3A_171 = vector.shape_cast %parallel_loop3A_170 : vector<1x16xf32> to vector<16xf32>
        %parallel_loop3A_172 = arith.mulf %get3A_10, %parallel_loop3A_167 : vector<16xf32>
        %parallel_loop3A_173 = arith.addf %parallel_loop3A_172, %parallel_loop3A_171 : vector<16xf32>
        %parallel_loop3A_174 = arith.constant 6.000000e-01 : f32
        %parallel_loop3A_175 = vector.broadcast %parallel_loop3A_174 : f32 to vector<16xf32>
        %parallel_loop3A_176 = arith.mulf %parallel_loop3A_175, %parallel_loop3A_173 : vector<16xf32>
        %parallel_loop3A_177 = math.absf %parallel_loop3A_173 : vector<16xf32>
        %parallel_loop3A_178 = arith.mulf %get3A_34, %parallel_loop3A_177 : vector<16xf32>
        %parallel_loop3A_179 = arith.addf %parallel_loop3A_176, %parallel_loop3A_178 : vector<16xf32>
        %parallel_loop3A_180 = arith.index_cast %parallel_loop3A_131 : i32 to index
        %parallel_loop3A_181 = arith.constant 48 : index
        %parallel_loop3A_182 = tpu.vector_load %arg15[%parallel_loop3A_180, %parallel_loop3A_181] {strides = array<i32>} : memref<48x128xf32, #tpu.memory_space<vmem>>, vector<1x16xf32>,
        %parallel_loop3A_183 = vector.shape_cast %parallel_loop3A_182 : vector<1x16xf32> to vector<16xf32>
        %parallel_loop3A_184 = arith.index_cast %parallel_loop3A_131 : i32 to index
        %parallel_loop3A_185 = arith.constant 48 : index
        %parallel_loop3A_186 = tpu.vector_load %arg16[%parallel_loop3A_184, %parallel_loop3A_185] {strides = array<i32>} : memref<48x128xf32, #tpu.memory_space<vmem>>, vector<1x16xf32>,
        %parallel_loop3A_187 = vector.shape_cast %parallel_loop3A_186 : vector<1x16xf32> to vector<16xf32>
        %parallel_loop3A_188 = arith.mulf %get3A_13, %parallel_loop3A_183 : vector<16xf32>
        %parallel_loop3A_189 = arith.addf %parallel_loop3A_188, %parallel_loop3A_187 : vector<16xf32>
        %parallel_loop3A_190 = arith.constant 6.000000e-01 : f32
        %parallel_loop3A_191 = vector.broadcast %parallel_loop3A_190 : f32 to vector<16xf32>
        %parallel_loop3A_192 = arith.mulf %parallel_loop3A_191, %parallel_loop3A_189 : vector<16xf32>
        %parallel_loop3A_193 = math.absf %parallel_loop3A_189 : vector<16xf32>
        %parallel_loop3A_194 = arith.mulf %get3A_37, %parallel_loop3A_193 : vector<16xf32>
        %parallel_loop3A_195 = arith.addf %parallel_loop3A_192, %parallel_loop3A_194 : vector<16xf32>
        %parallel_loop3A_196 = arith.index_cast %parallel_loop3A_131 : i32 to index
        %parallel_loop3A_197 = arith.constant 64 : index
        %parallel_loop3A_198 = tpu.vector_load %arg15[%parallel_loop3A_196, %parallel_loop3A_197] {strides = array<i32>} : memref<48x128xf32, #tpu.memory_space<vmem>>, vector<1x16xf32>,
        %parallel_loop3A_199 = vector.shape_cast %parallel_loop3A_198 : vector<1x16xf32> to vector<16xf32>
        %parallel_loop3A_200 = arith.index_cast %parallel_loop3A_131 : i32 to index
        %parallel_loop3A_201 = arith.constant 64 : index
        %parallel_loop3A_202 = tpu.vector_load %arg16[%parallel_loop3A_200, %parallel_loop3A_201] {strides = array<i32>} : memref<48x128xf32, #tpu.memory_space<vmem>>, vector<1x16xf32>,
        %parallel_loop3A_203 = vector.shape_cast %parallel_loop3A_202 : vector<1x16xf32> to vector<16xf32>
        %parallel_loop3A_204 = arith.mulf %get3A_16, %parallel_loop3A_199 : vector<16xf32>
        %parallel_loop3A_205 = arith.addf %parallel_loop3A_204, %parallel_loop3A_203 : vector<16xf32>
        %parallel_loop3A_206 = arith.constant 6.000000e-01 : f32
        %parallel_loop3A_207 = vector.broadcast %parallel_loop3A_206 : f32 to vector<16xf32>
        %parallel_loop3A_208 = arith.mulf %parallel_loop3A_207, %parallel_loop3A_205 : vector<16xf32>
        %parallel_loop3A_209 = math.absf %parallel_loop3A_205 : vector<16xf32>
        %parallel_loop3A_210 = arith.mulf %get3A_40, %parallel_loop3A_209 : vector<16xf32>
        %parallel_loop3A_211 = arith.addf %parallel_loop3A_208, %parallel_loop3A_210 : vector<16xf32>
        %parallel_loop3A_212 = arith.index_cast %parallel_loop3A_131 : i32 to index
        %parallel_loop3A_213 = arith.constant 80 : index
        %parallel_loop3A_214 = tpu.vector_load %arg15[%parallel_loop3A_212, %parallel_loop3A_213] {strides = array<i32>} : memref<48x128xf32, #tpu.memory_space<vmem>>, vector<1x16xf32>,
        %parallel_loop3A_215 = vector.shape_cast %parallel_loop3A_214 : vector<1x16xf32> to vector<16xf32>
        %parallel_loop3A_216 = arith.index_cast %parallel_loop3A_131 : i32 to index
        %parallel_loop3A_217 = arith.constant 80 : index
        %parallel_loop3A_218 = tpu.vector_load %arg16[%parallel_loop3A_216, %parallel_loop3A_217] {strides = array<i32>} : memref<48x128xf32, #tpu.memory_space<vmem>>, vector<1x16xf32>,
        %parallel_loop3A_219 = vector.shape_cast %parallel_loop3A_218 : vector<1x16xf32> to vector<16xf32>
        %parallel_loop3A_220 = arith.mulf %get3A_19, %parallel_loop3A_215 : vector<16xf32>
        %parallel_loop3A_221 = arith.addf %parallel_loop3A_220, %parallel_loop3A_219 : vector<16xf32>
        %parallel_loop3A_222 = arith.constant 6.000000e-01 : f32
        %parallel_loop3A_223 = vector.broadcast %parallel_loop3A_222 : f32 to vector<16xf32>
        %parallel_loop3A_224 = arith.mulf %parallel_loop3A_223, %parallel_loop3A_221 : vector<16xf32>
        %parallel_loop3A_225 = math.absf %parallel_loop3A_221 : vector<16xf32>
        %parallel_loop3A_226 = arith.mulf %get3A_43, %parallel_loop3A_225 : vector<16xf32>
        %parallel_loop3A_227 = arith.addf %parallel_loop3A_224, %parallel_loop3A_226 : vector<16xf32>
        %parallel_loop3A_228 = arith.index_cast %parallel_loop3A_131 : i32 to index
        %parallel_loop3A_229 = arith.constant 96 : index
        %parallel_loop3A_230 = tpu.vector_load %arg15[%parallel_loop3A_228, %parallel_loop3A_229] {strides = array<i32>} : memref<48x128xf32, #tpu.memory_space<vmem>>, vector<1x16xf32>,
        %parallel_loop3A_231 = vector.shape_cast %parallel_loop3A_230 : vector<1x16xf32> to vector<16xf32>
        %parallel_loop3A_232 = arith.index_cast %parallel_loop3A_131 : i32 to index
        %parallel_loop3A_233 = arith.constant 96 : index
        %parallel_loop3A_234 = tpu.vector_load %arg16[%parallel_loop3A_232, %parallel_loop3A_233] {strides = array<i32>} : memref<48x128xf32, #tpu.memory_space<vmem>>, vector<1x16xf32>,
        %parallel_loop3A_235 = vector.shape_cast %parallel_loop3A_234 : vector<1x16xf32> to vector<16xf32>
        %parallel_loop3A_236 = arith.mulf %get3A_22, %parallel_loop3A_231 : vector<16xf32>
        %parallel_loop3A_237 = arith.addf %parallel_loop3A_236, %parallel_loop3A_235 : vector<16xf32>
        %parallel_loop3A_238 = arith.constant 6.000000e-01 : f32
        %parallel_loop3A_239 = vector.broadcast %parallel_loop3A_238 : f32 to vector<16xf32>
        %parallel_loop3A_240 = arith.mulf %parallel_loop3A_239, %parallel_loop3A_237 : vector<16xf32>
        %parallel_loop3A_241 = math.absf %parallel_loop3A_237 : vector<16xf32>
        %parallel_loop3A_242 = arith.mulf %get3A_46, %parallel_loop3A_241 : vector<16xf32>
        %parallel_loop3A_243 = arith.addf %parallel_loop3A_240, %parallel_loop3A_242 : vector<16xf32>
        %parallel_loop3A_244 = arith.index_cast %parallel_loop3A_131 : i32 to index
        %parallel_loop3A_245 = arith.constant 112 : index
        %parallel_loop3A_246 = tpu.vector_load %arg15[%parallel_loop3A_244, %parallel_loop3A_245] {strides = array<i32>} : memref<48x128xf32, #tpu.memory_space<vmem>>, vector<1x16xf32>,
        %parallel_loop3A_247 = vector.shape_cast %parallel_loop3A_246 : vector<1x16xf32> to vector<16xf32>
        %parallel_loop3A_248 = arith.index_cast %parallel_loop3A_131 : i32 to index
        %parallel_loop3A_249 = arith.constant 112 : index
        %parallel_loop3A_250 = tpu.vector_load %arg16[%parallel_loop3A_248, %parallel_loop3A_249] {strides = array<i32>} : memref<48x128xf32, #tpu.memory_space<vmem>>, vector<1x16xf32>,
        %parallel_loop3A_251 = vector.shape_cast %parallel_loop3A_250 : vector<1x16xf32> to vector<16xf32>
        %parallel_loop3A_252 = arith.mulf %get3A_25, %parallel_loop3A_247 : vector<16xf32>
        %parallel_loop3A_253 = arith.addf %parallel_loop3A_252, %parallel_loop3A_251 : vector<16xf32>
        %parallel_loop3A_254 = arith.constant 6.000000e-01 : f32
        %parallel_loop3A_255 = vector.broadcast %parallel_loop3A_254 : f32 to vector<16xf32>
        %parallel_loop3A_256 = arith.mulf %parallel_loop3A_255, %parallel_loop3A_253 : vector<16xf32>
        %parallel_loop3A_257 = math.absf %parallel_loop3A_253 : vector<16xf32>
        %parallel_loop3A_258 = arith.mulf %get3A_49, %parallel_loop3A_257 : vector<16xf32>
        %parallel_loop3A_259 = arith.addf %parallel_loop3A_256, %parallel_loop3A_258 : vector<16xf32>
        %parallel_loop3A_260 = arith.constant 8 : i32
        %parallel_loop3A_261 = vector.broadcast %parallel_loop3A_260 : i32 to vector<16xi32>
        %parallel_loop3A_262 = arith.xori %iota3A, %parallel_loop3A_261 : vector<16xi32>
        %parallel_loop3A_263 = arith.constant 0 : i32
        %parallel_loop3A_264 = vector.broadcast %parallel_loop3A_263 : i32 to vector<16xi32>
        %parallel_loop3A_265 = arith.cmpi slt, %parallel_loop3A_262, %parallel_loop3A_264 : vector<16xi32>
        %parallel_loop3A_266 = arith.constant 16 : i32
        %parallel_loop3A_267 = vector.broadcast %parallel_loop3A_266 : i32 to vector<16xi32>
        %parallel_loop3A_268 = arith.addi %parallel_loop3A_262, %parallel_loop3A_267 : vector<16xi32>
        %parallel_loop3A_269 = arith.select %parallel_loop3A_265, %parallel_loop3A_268, %parallel_loop3A_262 : vector<16xi1>, vector<16xi32>
        %parallel_loop3A_270 = vector.shape_cast %parallel_loop3A_269 : vector<16xi32> to vector<16x1xi32>
        %parallel_loop3A_271 = vector.shape_cast %parallel_loop3A_270 : vector<16x1xi32> to vector<16xi32>
        %parallel_loop3A_272 = tpu.dynamic_gather %parallel_loop3A_147[%parallel_loop3A_271] in [0] : vector<16xf32>, vector<16xi32> -> vector<16xf32>
        %parallel_loop3A_273 = arith.addf %parallel_loop3A_147, %parallel_loop3A_272 : vector<16xf32>
        %parallel_loop3A_274 = arith.constant 8 : i32
        %parallel_loop3A_275 = vector.broadcast %parallel_loop3A_274 : i32 to vector<16xi32>
        %parallel_loop3A_276 = arith.xori %iota3A, %parallel_loop3A_275 : vector<16xi32>
        %parallel_loop3A_277 = arith.constant 0 : i32
        %parallel_loop3A_278 = vector.broadcast %parallel_loop3A_277 : i32 to vector<16xi32>
        %parallel_loop3A_279 = arith.cmpi slt, %parallel_loop3A_276, %parallel_loop3A_278 : vector<16xi32>
        %parallel_loop3A_280 = arith.constant 16 : i32
        %parallel_loop3A_281 = vector.broadcast %parallel_loop3A_280 : i32 to vector<16xi32>
        %parallel_loop3A_282 = arith.addi %parallel_loop3A_276, %parallel_loop3A_281 : vector<16xi32>
        %parallel_loop3A_283 = arith.select %parallel_loop3A_279, %parallel_loop3A_282, %parallel_loop3A_276 : vector<16xi1>, vector<16xi32>
        %parallel_loop3A_284 = vector.shape_cast %parallel_loop3A_283 : vector<16xi32> to vector<16x1xi32>
        %parallel_loop3A_285 = vector.shape_cast %parallel_loop3A_284 : vector<16x1xi32> to vector<16xi32>
        %parallel_loop3A_286 = tpu.dynamic_gather %parallel_loop3A_163[%parallel_loop3A_285] in [0] : vector<16xf32>, vector<16xi32> -> vector<16xf32>
        %parallel_loop3A_287 = arith.addf %parallel_loop3A_163, %parallel_loop3A_286 : vector<16xf32>
        %parallel_loop3A_288 = arith.constant 8 : i32
        %parallel_loop3A_289 = vector.broadcast %parallel_loop3A_288 : i32 to vector<16xi32>
        %parallel_loop3A_290 = arith.xori %iota3A, %parallel_loop3A_289 : vector<16xi32>
        %parallel_loop3A_291 = arith.constant 0 : i32
        %parallel_loop3A_292 = vector.broadcast %parallel_loop3A_291 : i32 to vector<16xi32>
        %parallel_loop3A_293 = arith.cmpi slt, %parallel_loop3A_290, %parallel_loop3A_292 : vector<16xi32>
        %parallel_loop3A_294 = arith.constant 16 : i32
        %parallel_loop3A_295 = vector.broadcast %parallel_loop3A_294 : i32 to vector<16xi32>
        %parallel_loop3A_296 = arith.addi %parallel_loop3A_290, %parallel_loop3A_295 : vector<16xi32>
        %parallel_loop3A_297 = arith.select %parallel_loop3A_293, %parallel_loop3A_296, %parallel_loop3A_290 : vector<16xi1>, vector<16xi32>
        %parallel_loop3A_298 = vector.shape_cast %parallel_loop3A_297 : vector<16xi32> to vector<16x1xi32>
        %parallel_loop3A_299 = vector.shape_cast %parallel_loop3A_298 : vector<16x1xi32> to vector<16xi32>
        %parallel_loop3A_300 = tpu.dynamic_gather %parallel_loop3A_179[%parallel_loop3A_299] in [0] : vector<16xf32>, vector<16xi32> -> vector<16xf32>
        %parallel_loop3A_301 = arith.addf %parallel_loop3A_179, %parallel_loop3A_300 : vector<16xf32>
        %parallel_loop3A_302 = arith.constant 8 : i32
        %parallel_loop3A_303 = vector.broadcast %parallel_loop3A_302 : i32 to vector<16xi32>
        %parallel_loop3A_304 = arith.xori %iota3A, %parallel_loop3A_303 : vector<16xi32>
        %parallel_loop3A_305 = arith.constant 0 : i32
        %parallel_loop3A_306 = vector.broadcast %parallel_loop3A_305 : i32 to vector<16xi32>
        %parallel_loop3A_307 = arith.cmpi slt, %parallel_loop3A_304, %parallel_loop3A_306 : vector<16xi32>
        %parallel_loop3A_308 = arith.constant 16 : i32
        %parallel_loop3A_309 = vector.broadcast %parallel_loop3A_308 : i32 to vector<16xi32>
        %parallel_loop3A_310 = arith.addi %parallel_loop3A_304, %parallel_loop3A_309 : vector<16xi32>
        %parallel_loop3A_311 = arith.select %parallel_loop3A_307, %parallel_loop3A_310, %parallel_loop3A_304 : vector<16xi1>, vector<16xi32>
        %parallel_loop3A_312 = vector.shape_cast %parallel_loop3A_311 : vector<16xi32> to vector<16x1xi32>
        %parallel_loop3A_313 = vector.shape_cast %parallel_loop3A_312 : vector<16x1xi32> to vector<16xi32>
        %parallel_loop3A_314 = tpu.dynamic_gather %parallel_loop3A_195[%parallel_loop3A_313] in [0] : vector<16xf32>, vector<16xi32> -> vector<16xf32>
        %parallel_loop3A_315 = arith.addf %parallel_loop3A_195, %parallel_loop3A_314 : vector<16xf32>
        %parallel_loop3A_316 = arith.constant 8 : i32
        %parallel_loop3A_317 = vector.broadcast %parallel_loop3A_316 : i32 to vector<16xi32>
        %parallel_loop3A_318 = arith.xori %iota3A, %parallel_loop3A_317 : vector<16xi32>
        %parallel_loop3A_319 = arith.constant 0 : i32
        %parallel_loop3A_320 = vector.broadcast %parallel_loop3A_319 : i32 to vector<16xi32>
        %parallel_loop3A_321 = arith.cmpi slt, %parallel_loop3A_318, %parallel_loop3A_320 : vector<16xi32>
        %parallel_loop3A_322 = arith.constant 16 : i32
        %parallel_loop3A_323 = vector.broadcast %parallel_loop3A_322 : i32 to vector<16xi32>
        %parallel_loop3A_324 = arith.addi %parallel_loop3A_318, %parallel_loop3A_323 : vector<16xi32>
        %parallel_loop3A_325 = arith.select %parallel_loop3A_321, %parallel_loop3A_324, %parallel_loop3A_318 : vector<16xi1>, vector<16xi32>
        %parallel_loop3A_326 = vector.shape_cast %parallel_loop3A_325 : vector<16xi32> to vector<16x1xi32>
        %parallel_loop3A_327 = vector.shape_cast %parallel_loop3A_326 : vector<16x1xi32> to vector<16xi32>
        %parallel_loop3A_328 = tpu.dynamic_gather %parallel_loop3A_211[%parallel_loop3A_327] in [0] : vector<16xf32>, vector<16xi32> -> vector<16xf32>
        %parallel_loop3A_329 = arith.addf %parallel_loop3A_211, %parallel_loop3A_328 : vector<16xf32>
        %parallel_loop3A_330 = arith.constant 8 : i32
        %parallel_loop3A_331 = vector.broadcast %parallel_loop3A_330 : i32 to vector<16xi32>
        %parallel_loop3A_332 = arith.xori %iota3A, %parallel_loop3A_331 : vector<16xi32>
        %parallel_loop3A_333 = arith.constant 0 : i32
        %parallel_loop3A_334 = vector.broadcast %parallel_loop3A_333 : i32 to vector<16xi32>
        %parallel_loop3A_335 = arith.cmpi slt, %parallel_loop3A_332, %parallel_loop3A_334 : vector<16xi32>
        %parallel_loop3A_336 = arith.constant 16 : i32
        %parallel_loop3A_337 = vector.broadcast %parallel_loop3A_336 : i32 to vector<16xi32>
        %parallel_loop3A_338 = arith.addi %parallel_loop3A_332, %parallel_loop3A_337 : vector<16xi32>
        %parallel_loop3A_339 = arith.select %parallel_loop3A_335, %parallel_loop3A_338, %parallel_loop3A_332 : vector<16xi1>, vector<16xi32>
        %parallel_loop3A_340 = vector.shape_cast %parallel_loop3A_339 : vector<16xi32> to vector<16x1xi32>
        %parallel_loop3A_341 = vector.shape_cast %parallel_loop3A_340 : vector<16x1xi32> to vector<16xi32>
        %parallel_loop3A_342 = tpu.dynamic_gather %parallel_loop3A_227[%parallel_loop3A_341] in [0] : vector<16xf32>, vector<16xi32> -> vector<16xf32>
        %parallel_loop3A_343 = arith.addf %parallel_loop3A_227, %parallel_loop3A_342 : vector<16xf32>
        %parallel_loop3A_344 = arith.constant 8 : i32
        %parallel_loop3A_345 = vector.broadcast %parallel_loop3A_344 : i32 to vector<16xi32>
        %parallel_loop3A_346 = arith.xori %iota3A, %parallel_loop3A_345 : vector<16xi32>
        %parallel_loop3A_347 = arith.constant 0 : i32
        %parallel_loop3A_348 = vector.broadcast %parallel_loop3A_347 : i32 to vector<16xi32>
        %parallel_loop3A_349 = arith.cmpi slt, %parallel_loop3A_346, %parallel_loop3A_348 : vector<16xi32>
        %parallel_loop3A_350 = arith.constant 16 : i32
        %parallel_loop3A_351 = vector.broadcast %parallel_loop3A_350 : i32 to vector<16xi32>
        %parallel_loop3A_352 = arith.addi %parallel_loop3A_346, %parallel_loop3A_351 : vector<16xi32>
        %parallel_loop3A_353 = arith.select %parallel_loop3A_349, %parallel_loop3A_352, %parallel_loop3A_346 : vector<16xi1>, vector<16xi32>
        %parallel_loop3A_354 = vector.shape_cast %parallel_loop3A_353 : vector<16xi32> to vector<16x1xi32>
        %parallel_loop3A_355 = vector.shape_cast %parallel_loop3A_354 : vector<16x1xi32> to vector<16xi32>
        %parallel_loop3A_356 = tpu.dynamic_gather %parallel_loop3A_243[%parallel_loop3A_355] in [0] : vector<16xf32>, vector<16xi32> -> vector<16xf32>
        %parallel_loop3A_357 = arith.addf %parallel_loop3A_243, %parallel_loop3A_356 : vector<16xf32>
        %parallel_loop3A_358 = arith.constant 8 : i32
        %parallel_loop3A_359 = vector.broadcast %parallel_loop3A_358 : i32 to vector<16xi32>
        %parallel_loop3A_360 = arith.xori %iota3A, %parallel_loop3A_359 : vector<16xi32>
        %parallel_loop3A_361 = arith.constant 0 : i32
        %parallel_loop3A_362 = vector.broadcast %parallel_loop3A_361 : i32 to vector<16xi32>
        %parallel_loop3A_363 = arith.cmpi slt, %parallel_loop3A_360, %parallel_loop3A_362 : vector<16xi32>
        %parallel_loop3A_364 = arith.constant 16 : i32
        %parallel_loop3A_365 = vector.broadcast %parallel_loop3A_364 : i32 to vector<16xi32>
        %parallel_loop3A_366 = arith.addi %parallel_loop3A_360, %parallel_loop3A_365 : vector<16xi32>
        %parallel_loop3A_367 = arith.select %parallel_loop3A_363, %parallel_loop3A_366, %parallel_loop3A_360 : vector<16xi1>, vector<16xi32>
        %parallel_loop3A_368 = vector.shape_cast %parallel_loop3A_367 : vector<16xi32> to vector<16x1xi32>
        %parallel_loop3A_369 = vector.shape_cast %parallel_loop3A_368 : vector<16x1xi32> to vector<16xi32>
        %parallel_loop3A_370 = tpu.dynamic_gather %parallel_loop3A_259[%parallel_loop3A_369] in [0] : vector<16xf32>, vector<16xi32> -> vector<16xf32>
        %parallel_loop3A_371 = arith.addf %parallel_loop3A_259, %parallel_loop3A_370 : vector<16xf32>
        %parallel_loop3A_372 = arith.constant 8 : i32
        %parallel_loop3A_373 = vector.broadcast %parallel_loop3A_372 : i32 to vector<16xi32>
        %parallel_loop3A_374 = arith.cmpi slt, %iota3A, %parallel_loop3A_373 : vector<16xi32>
        %parallel_loop3A_375 = arith.select %parallel_loop3A_374, %parallel_loop3A_273, %parallel_loop3A_287 : vector<16xi1>, vector<16xf32>
        %parallel_loop3A_376 = arith.constant 8 : i32
        %parallel_loop3A_377 = vector.broadcast %parallel_loop3A_376 : i32 to vector<16xi32>
        %parallel_loop3A_378 = arith.cmpi slt, %iota3A, %parallel_loop3A_377 : vector<16xi32>
        %parallel_loop3A_379 = arith.select %parallel_loop3A_378, %parallel_loop3A_301, %parallel_loop3A_315 : vector<16xi1>, vector<16xf32>
        %parallel_loop3A_380 = arith.constant 8 : i32
        %parallel_loop3A_381 = vector.broadcast %parallel_loop3A_380 : i32 to vector<16xi32>
        %parallel_loop3A_382 = arith.cmpi slt, %iota3A, %parallel_loop3A_381 : vector<16xi32>
        %parallel_loop3A_383 = arith.select %parallel_loop3A_382, %parallel_loop3A_329, %parallel_loop3A_343 : vector<16xi1>, vector<16xf32>
        %parallel_loop3A_384 = arith.constant 8 : i32
        %parallel_loop3A_385 = vector.broadcast %parallel_loop3A_384 : i32 to vector<16xi32>
        %parallel_loop3A_386 = arith.cmpi slt, %iota3A, %parallel_loop3A_385 : vector<16xi32>
        %parallel_loop3A_387 = arith.select %parallel_loop3A_386, %parallel_loop3A_357, %parallel_loop3A_371 : vector<16xi1>, vector<16xf32>
        %parallel_loop3A_388 = arith.constant 4 : i32
        %parallel_loop3A_389 = vector.broadcast %parallel_loop3A_388 : i32 to vector<16xi32>
        %parallel_loop3A_390 = arith.xori %iota3A, %parallel_loop3A_389 : vector<16xi32>
        %parallel_loop3A_391 = arith.constant 0 : i32
        %parallel_loop3A_392 = vector.broadcast %parallel_loop3A_391 : i32 to vector<16xi32>
        %parallel_loop3A_393 = arith.cmpi slt, %parallel_loop3A_390, %parallel_loop3A_392 : vector<16xi32>
        %parallel_loop3A_394 = arith.constant 16 : i32
        %parallel_loop3A_395 = vector.broadcast %parallel_loop3A_394 : i32 to vector<16xi32>
        %parallel_loop3A_396 = arith.addi %parallel_loop3A_390, %parallel_loop3A_395 : vector<16xi32>
        %parallel_loop3A_397 = arith.select %parallel_loop3A_393, %parallel_loop3A_396, %parallel_loop3A_390 : vector<16xi1>, vector<16xi32>
        %parallel_loop3A_398 = vector.shape_cast %parallel_loop3A_397 : vector<16xi32> to vector<16x1xi32>
        %parallel_loop3A_399 = vector.shape_cast %parallel_loop3A_398 : vector<16x1xi32> to vector<16xi32>
        %parallel_loop3A_400 = tpu.dynamic_gather %parallel_loop3A_375[%parallel_loop3A_399] in [0] : vector<16xf32>, vector<16xi32> -> vector<16xf32>
        %parallel_loop3A_401 = arith.addf %parallel_loop3A_375, %parallel_loop3A_400 : vector<16xf32>
        %parallel_loop3A_402 = arith.constant 4 : i32
        %parallel_loop3A_403 = vector.broadcast %parallel_loop3A_402 : i32 to vector<16xi32>
        %parallel_loop3A_404 = arith.xori %iota3A, %parallel_loop3A_403 : vector<16xi32>
        %parallel_loop3A_405 = arith.constant 0 : i32
        %parallel_loop3A_406 = vector.broadcast %parallel_loop3A_405 : i32 to vector<16xi32>
        %parallel_loop3A_407 = arith.cmpi slt, %parallel_loop3A_404, %parallel_loop3A_406 : vector<16xi32>
        %parallel_loop3A_408 = arith.constant 16 : i32
        %parallel_loop3A_409 = vector.broadcast %parallel_loop3A_408 : i32 to vector<16xi32>
        %parallel_loop3A_410 = arith.addi %parallel_loop3A_404, %parallel_loop3A_409 : vector<16xi32>
        %parallel_loop3A_411 = arith.select %parallel_loop3A_407, %parallel_loop3A_410, %parallel_loop3A_404 : vector<16xi1>, vector<16xi32>
        %parallel_loop3A_412 = vector.shape_cast %parallel_loop3A_411 : vector<16xi32> to vector<16x1xi32>
        %parallel_loop3A_413 = vector.shape_cast %parallel_loop3A_412 : vector<16x1xi32> to vector<16xi32>
        %parallel_loop3A_414 = tpu.dynamic_gather %parallel_loop3A_379[%parallel_loop3A_413] in [0] : vector<16xf32>, vector<16xi32> -> vector<16xf32>
        %parallel_loop3A_415 = arith.addf %parallel_loop3A_379, %parallel_loop3A_414 : vector<16xf32>
        %parallel_loop3A_416 = arith.constant 4 : i32
        %parallel_loop3A_417 = vector.broadcast %parallel_loop3A_416 : i32 to vector<16xi32>
        %parallel_loop3A_418 = arith.xori %iota3A, %parallel_loop3A_417 : vector<16xi32>
        %parallel_loop3A_419 = arith.constant 0 : i32
        %parallel_loop3A_420 = vector.broadcast %parallel_loop3A_419 : i32 to vector<16xi32>
        %parallel_loop3A_421 = arith.cmpi slt, %parallel_loop3A_418, %parallel_loop3A_420 : vector<16xi32>
        %parallel_loop3A_422 = arith.constant 16 : i32
        %parallel_loop3A_423 = vector.broadcast %parallel_loop3A_422 : i32 to vector<16xi32>
        %parallel_loop3A_424 = arith.addi %parallel_loop3A_418, %parallel_loop3A_423 : vector<16xi32>
        %parallel_loop3A_425 = arith.select %parallel_loop3A_421, %parallel_loop3A_424, %parallel_loop3A_418 : vector<16xi1>, vector<16xi32>
        %parallel_loop3A_426 = vector.shape_cast %parallel_loop3A_425 : vector<16xi32> to vector<16x1xi32>
        %parallel_loop3A_427 = vector.shape_cast %parallel_loop3A_426 : vector<16x1xi32> to vector<16xi32>
        %parallel_loop3A_428 = tpu.dynamic_gather %parallel_loop3A_383[%parallel_loop3A_427] in [0] : vector<16xf32>, vector<16xi32> -> vector<16xf32>
        %parallel_loop3A_429 = arith.addf %parallel_loop3A_383, %parallel_loop3A_428 : vector<16xf32>
        %parallel_loop3A_430 = arith.constant 4 : i32
        %parallel_loop3A_431 = vector.broadcast %parallel_loop3A_430 : i32 to vector<16xi32>
        %parallel_loop3A_432 = arith.xori %iota3A, %parallel_loop3A_431 : vector<16xi32>
        %parallel_loop3A_433 = arith.constant 0 : i32
        %parallel_loop3A_434 = vector.broadcast %parallel_loop3A_433 : i32 to vector<16xi32>
        %parallel_loop3A_435 = arith.cmpi slt, %parallel_loop3A_432, %parallel_loop3A_434 : vector<16xi32>
        %parallel_loop3A_436 = arith.constant 16 : i32
        %parallel_loop3A_437 = vector.broadcast %parallel_loop3A_436 : i32 to vector<16xi32>
        %parallel_loop3A_438 = arith.addi %parallel_loop3A_432, %parallel_loop3A_437 : vector<16xi32>
        %parallel_loop3A_439 = arith.select %parallel_loop3A_435, %parallel_loop3A_438, %parallel_loop3A_432 : vector<16xi1>, vector<16xi32>
        %parallel_loop3A_440 = vector.shape_cast %parallel_loop3A_439 : vector<16xi32> to vector<16x1xi32>
        %parallel_loop3A_441 = vector.shape_cast %parallel_loop3A_440 : vector<16x1xi32> to vector<16xi32>
        %parallel_loop3A_442 = tpu.dynamic_gather %parallel_loop3A_387[%parallel_loop3A_441] in [0] : vector<16xf32>, vector<16xi32> -> vector<16xf32>
        %parallel_loop3A_443 = arith.addf %parallel_loop3A_387, %parallel_loop3A_442 : vector<16xf32>
        %parallel_loop3A_444 = arith.constant 8 : i32
        %parallel_loop3A_445 = arith.constant 0 : i32
        %parallel_loop3A_446 = arith.cmpi eq, %parallel_loop3A_444, %parallel_loop3A_445 : i32
        %parallel_loop3A_447 = arith.constant 1 : i32
        %parallel_loop3A_448 = arith.select %parallel_loop3A_446, %parallel_loop3A_447, %parallel_loop3A_444 : i32
        %parallel_loop3A_449 = vector.broadcast %parallel_loop3A_448 : i32 to vector<16xi32>
        %parallel_loop3A_450 = arith.remsi %iota3A, %parallel_loop3A_449 : vector<16xi32>
        %parallel_loop3A_451 = arith.constant 0 : i32
        %parallel_loop3A_452 = vector.broadcast %parallel_loop3A_451 : i32 to vector<16xi32>
        %parallel_loop3A_453 = arith.cmpi ne, %parallel_loop3A_450, %parallel_loop3A_452 : vector<16xi32>
        %parallel_loop3A_454 = arith.constant 0 : i32
        %parallel_loop3A_455 = vector.broadcast %parallel_loop3A_454 : i32 to vector<16xi32>
        %parallel_loop3A_456 = arith.cmpi slt, %parallel_loop3A_450, %parallel_loop3A_455 : vector<16xi32>
        %parallel_loop3A_457 = arith.constant 0 : i32
        %parallel_loop3A_458 = arith.cmpi slt, %parallel_loop3A_448, %parallel_loop3A_457 : i32
        %parallel_loop3A_459 = vector.broadcast %parallel_loop3A_458 : i1 to vector<16xi1>
        %parallel_loop3A_460 = vector.broadcast %parallel_loop3A_459 : vector<16xi1> to vector<16xi1>
        %parallel_loop3A_461 = arith.xori %parallel_loop3A_456, %parallel_loop3A_460 : vector<16xi1>
        %parallel_loop3A_462 = arith.andi %parallel_loop3A_461, %parallel_loop3A_453 : vector<16xi1>
        %parallel_loop3A_463 = vector.broadcast %parallel_loop3A_448 : i32 to vector<16xi32>
        %parallel_loop3A_464 = arith.addi %parallel_loop3A_450, %parallel_loop3A_463 : vector<16xi32>
        %parallel_loop3A_465 = arith.select %parallel_loop3A_462, %parallel_loop3A_464, %parallel_loop3A_450 : vector<16xi1>, vector<16xi32>
        %parallel_loop3A_466 = arith.constant 4 : i32
        %parallel_loop3A_467 = vector.broadcast %parallel_loop3A_466 : i32 to vector<16xi32>
        %parallel_loop3A_468 = arith.cmpi slt, %parallel_loop3A_465, %parallel_loop3A_467 : vector<16xi32>
        %parallel_loop3A_469 = arith.select %parallel_loop3A_468, %parallel_loop3A_401, %parallel_loop3A_415 : vector<16xi1>, vector<16xf32>
        %parallel_loop3A_470 = arith.constant 8 : i32
        %parallel_loop3A_471 = arith.constant 0 : i32
        %parallel_loop3A_472 = arith.cmpi eq, %parallel_loop3A_470, %parallel_loop3A_471 : i32
        %parallel_loop3A_473 = arith.constant 1 : i32
        %parallel_loop3A_474 = arith.select %parallel_loop3A_472, %parallel_loop3A_473, %parallel_loop3A_470 : i32
        %parallel_loop3A_475 = vector.broadcast %parallel_loop3A_474 : i32 to vector<16xi32>
        %parallel_loop3A_476 = arith.remsi %iota3A, %parallel_loop3A_475 : vector<16xi32>
        %parallel_loop3A_477 = arith.constant 0 : i32
        %parallel_loop3A_478 = vector.broadcast %parallel_loop3A_477 : i32 to vector<16xi32>
        %parallel_loop3A_479 = arith.cmpi ne, %parallel_loop3A_476, %parallel_loop3A_478 : vector<16xi32>
        %parallel_loop3A_480 = arith.constant 0 : i32
        %parallel_loop3A_481 = vector.broadcast %parallel_loop3A_480 : i32 to vector<16xi32>
        %parallel_loop3A_482 = arith.cmpi slt, %parallel_loop3A_476, %parallel_loop3A_481 : vector<16xi32>
        %parallel_loop3A_483 = arith.constant 0 : i32
        %parallel_loop3A_484 = arith.cmpi slt, %parallel_loop3A_474, %parallel_loop3A_483 : i32
        %parallel_loop3A_485 = vector.broadcast %parallel_loop3A_484 : i1 to vector<16xi1>
        %parallel_loop3A_486 = vector.broadcast %parallel_loop3A_485 : vector<16xi1> to vector<16xi1>
        %parallel_loop3A_487 = arith.xori %parallel_loop3A_482, %parallel_loop3A_486 : vector<16xi1>
        %parallel_loop3A_488 = arith.andi %parallel_loop3A_487, %parallel_loop3A_479 : vector<16xi1>
        %parallel_loop3A_489 = vector.broadcast %parallel_loop3A_474 : i32 to vector<16xi32>
        %parallel_loop3A_490 = arith.addi %parallel_loop3A_476, %parallel_loop3A_489 : vector<16xi32>
        %parallel_loop3A_491 = arith.select %parallel_loop3A_488, %parallel_loop3A_490, %parallel_loop3A_476 : vector<16xi1>, vector<16xi32>
        %parallel_loop3A_492 = arith.constant 4 : i32
        %parallel_loop3A_493 = vector.broadcast %parallel_loop3A_492 : i32 to vector<16xi32>
        %parallel_loop3A_494 = arith.cmpi slt, %parallel_loop3A_491, %parallel_loop3A_493 : vector<16xi32>
        %parallel_loop3A_495 = arith.select %parallel_loop3A_494, %parallel_loop3A_429, %parallel_loop3A_443 : vector<16xi1>, vector<16xf32>
        %parallel_loop3A_496 = arith.constant 2 : i32
        %parallel_loop3A_497 = vector.broadcast %parallel_loop3A_496 : i32 to vector<16xi32>
        %parallel_loop3A_498 = arith.xori %iota3A, %parallel_loop3A_497 : vector<16xi32>
        %parallel_loop3A_499 = arith.constant 0 : i32
        %parallel_loop3A_500 = vector.broadcast %parallel_loop3A_499 : i32 to vector<16xi32>
        %parallel_loop3A_501 = arith.cmpi slt, %parallel_loop3A_498, %parallel_loop3A_500 : vector<16xi32>
        %parallel_loop3A_502 = arith.constant 16 : i32
        %parallel_loop3A_503 = vector.broadcast %parallel_loop3A_502 : i32 to vector<16xi32>
        %parallel_loop3A_504 = arith.addi %parallel_loop3A_498, %parallel_loop3A_503 : vector<16xi32>
        %parallel_loop3A_505 = arith.select %parallel_loop3A_501, %parallel_loop3A_504, %parallel_loop3A_498 : vector<16xi1>, vector<16xi32>
        %parallel_loop3A_506 = vector.shape_cast %parallel_loop3A_505 : vector<16xi32> to vector<16x1xi32>
        %parallel_loop3A_507 = vector.shape_cast %parallel_loop3A_506 : vector<16x1xi32> to vector<16xi32>
        %parallel_loop3A_508 = tpu.dynamic_gather %parallel_loop3A_469[%parallel_loop3A_507] in [0] : vector<16xf32>, vector<16xi32> -> vector<16xf32>
        %parallel_loop3A_509 = arith.addf %parallel_loop3A_469, %parallel_loop3A_508 : vector<16xf32>
        %parallel_loop3A_510 = arith.constant 2 : i32
        %parallel_loop3A_511 = vector.broadcast %parallel_loop3A_510 : i32 to vector<16xi32>
        %parallel_loop3A_512 = arith.xori %iota3A, %parallel_loop3A_511 : vector<16xi32>
        %parallel_loop3A_513 = arith.constant 0 : i32
        %parallel_loop3A_514 = vector.broadcast %parallel_loop3A_513 : i32 to vector<16xi32>
        %parallel_loop3A_515 = arith.cmpi slt, %parallel_loop3A_512, %parallel_loop3A_514 : vector<16xi32>
        %parallel_loop3A_516 = arith.constant 16 : i32
        %parallel_loop3A_517 = vector.broadcast %parallel_loop3A_516 : i32 to vector<16xi32>
        %parallel_loop3A_518 = arith.addi %parallel_loop3A_512, %parallel_loop3A_517 : vector<16xi32>
        %parallel_loop3A_519 = arith.select %parallel_loop3A_515, %parallel_loop3A_518, %parallel_loop3A_512 : vector<16xi1>, vector<16xi32>
        %parallel_loop3A_520 = vector.shape_cast %parallel_loop3A_519 : vector<16xi32> to vector<16x1xi32>
        %parallel_loop3A_521 = vector.shape_cast %parallel_loop3A_520 : vector<16x1xi32> to vector<16xi32>
        %parallel_loop3A_522 = tpu.dynamic_gather %parallel_loop3A_495[%parallel_loop3A_521] in [0] : vector<16xf32>, vector<16xi32> -> vector<16xf32>
        %parallel_loop3A_523 = arith.addf %parallel_loop3A_495, %parallel_loop3A_522 : vector<16xf32>
        %parallel_loop3A_524 = arith.constant 4 : i32
        %parallel_loop3A_525 = arith.constant 0 : i32
        %parallel_loop3A_526 = arith.cmpi eq, %parallel_loop3A_524, %parallel_loop3A_525 : i32
        %parallel_loop3A_527 = arith.constant 1 : i32
        %parallel_loop3A_528 = arith.select %parallel_loop3A_526, %parallel_loop3A_527, %parallel_loop3A_524 : i32
        %parallel_loop3A_529 = vector.broadcast %parallel_loop3A_528 : i32 to vector<16xi32>
        %parallel_loop3A_530 = arith.remsi %iota3A, %parallel_loop3A_529 : vector<16xi32>
        %parallel_loop3A_531 = arith.constant 0 : i32
        %parallel_loop3A_532 = vector.broadcast %parallel_loop3A_531 : i32 to vector<16xi32>
        %parallel_loop3A_533 = arith.cmpi ne, %parallel_loop3A_530, %parallel_loop3A_532 : vector<16xi32>
        %parallel_loop3A_534 = arith.constant 0 : i32
        %parallel_loop3A_535 = vector.broadcast %parallel_loop3A_534 : i32 to vector<16xi32>
        %parallel_loop3A_536 = arith.cmpi slt, %parallel_loop3A_530, %parallel_loop3A_535 : vector<16xi32>
        %parallel_loop3A_537 = arith.constant 0 : i32
        %parallel_loop3A_538 = arith.cmpi slt, %parallel_loop3A_528, %parallel_loop3A_537 : i32
        %parallel_loop3A_539 = vector.broadcast %parallel_loop3A_538 : i1 to vector<16xi1>
        %parallel_loop3A_540 = vector.broadcast %parallel_loop3A_539 : vector<16xi1> to vector<16xi1>
        %parallel_loop3A_541 = arith.xori %parallel_loop3A_536, %parallel_loop3A_540 : vector<16xi1>
        %parallel_loop3A_542 = arith.andi %parallel_loop3A_541, %parallel_loop3A_533 : vector<16xi1>
        %parallel_loop3A_543 = vector.broadcast %parallel_loop3A_528 : i32 to vector<16xi32>
        %parallel_loop3A_544 = arith.addi %parallel_loop3A_530, %parallel_loop3A_543 : vector<16xi32>
        %parallel_loop3A_545 = arith.select %parallel_loop3A_542, %parallel_loop3A_544, %parallel_loop3A_530 : vector<16xi1>, vector<16xi32>
        %parallel_loop3A_546 = arith.constant 2 : i32
        %parallel_loop3A_547 = vector.broadcast %parallel_loop3A_546 : i32 to vector<16xi32>
        %parallel_loop3A_548 = arith.cmpi slt, %parallel_loop3A_545, %parallel_loop3A_547 : vector<16xi32>
        %parallel_loop3A_549 = arith.select %parallel_loop3A_548, %parallel_loop3A_509, %parallel_loop3A_523 : vector<16xi1>, vector<16xf32>
        %parallel_loop3A_550 = arith.constant 1 : i32
        %parallel_loop3A_551 = vector.broadcast %parallel_loop3A_550 : i32 to vector<16xi32>
        %parallel_loop3A_552 = arith.xori %iota3A, %parallel_loop3A_551 : vector<16xi32>
        %parallel_loop3A_553 = arith.constant 0 : i32
        %parallel_loop3A_554 = vector.broadcast %parallel_loop3A_553 : i32 to vector<16xi32>
        %parallel_loop3A_555 = arith.cmpi slt, %parallel_loop3A_552, %parallel_loop3A_554 : vector<16xi32>
        %parallel_loop3A_556 = arith.constant 16 : i32
        %parallel_loop3A_557 = vector.broadcast %parallel_loop3A_556 : i32 to vector<16xi32>
        %parallel_loop3A_558 = arith.addi %parallel_loop3A_552, %parallel_loop3A_557 : vector<16xi32>
        %parallel_loop3A_559 = arith.select %parallel_loop3A_555, %parallel_loop3A_558, %parallel_loop3A_552 : vector<16xi1>, vector<16xi32>
        %parallel_loop3A_560 = vector.shape_cast %parallel_loop3A_559 : vector<16xi32> to vector<16x1xi32>
        %parallel_loop3A_561 = vector.shape_cast %parallel_loop3A_560 : vector<16x1xi32> to vector<16xi32>
        %parallel_loop3A_562 = tpu.dynamic_gather %parallel_loop3A_549[%parallel_loop3A_561] in [0] : vector<16xf32>, vector<16xi32> -> vector<16xf32>
        %parallel_loop3A_563 = arith.addf %parallel_loop3A_549, %parallel_loop3A_562 : vector<16xf32>
        %parallel_loop3A_564 = arith.constant 0 : i32
        %parallel_loop3A_565 = vector.broadcast %parallel_loop3A_564 : i32 to vector<16xi32>
        %parallel_loop3A_566 = arith.cmpi slt, %shift_left3A_65, %parallel_loop3A_565 : vector<16xi32>
        %parallel_loop3A_567 = arith.constant 16 : i32
        %parallel_loop3A_568 = vector.broadcast %parallel_loop3A_567 : i32 to vector<16xi32>
        %parallel_loop3A_569 = arith.addi %shift_left3A_65, %parallel_loop3A_568 : vector<16xi32>
        %parallel_loop3A_570 = arith.select %parallel_loop3A_566, %parallel_loop3A_569, %shift_left3A_65 : vector<16xi1>, vector<16xi32>
        %parallel_loop3A_571 = vector.shape_cast %parallel_loop3A_570 : vector<16xi32> to vector<16x1xi32>
        %parallel_loop3A_572 = vector.shape_cast %parallel_loop3A_571 : vector<16x1xi32> to vector<16xi32>
        %parallel_loop3A_573 = tpu.dynamic_gather %parallel_loop3A_563[%parallel_loop3A_572] in [0] : vector<16xf32>, vector<16xi32> -> vector<16xf32>
        %parallel_loop3A_574 = math.exp %parallel_loop3A_573 : vector<16xf32>
        %parallel_loop3A_575 = vector.extract_strided_slice %parallel_loop3A_574 {offsets = [0], sizes = [1], strides = [1]} : vector<16xf32> to vector<1xf32>
        %parallel_loop3A_576 = vector.extract %parallel_loop3A_575[0] : f32 from vector<1xf32>
        %parallel_loop3A_577 = vector.broadcast %parallel_loop3A_576 : f32 to vector<16xf32>
        %parallel_loop3A_578 = arith.mulf %parallel_loop3A_577, %parallel_loop3A_135 : vector<16xf32>
        %parallel_loop3A_579 = arith.index_cast %parallel_loop3A_131 : i32 to index
        %parallel_loop3A_580 = arith.constant 0 : index
        %parallel_loop3A_581 = tpu.vector_load %arg17[%parallel_loop3A_579, %parallel_loop3A_580] {strides = array<i32>} : memref<48x144xf32, #tpu.memory_space<vmem>>, vector<1x16xf32>,
        %parallel_loop3A_582 = vector.shape_cast %parallel_loop3A_581 : vector<1x16xf32> to vector<16xf32>
        %parallel_loop3A_583 = vector.shape_cast %parallel_loop3A_578 : vector<16xf32> to vector<1x16xf32>
        tpu.vector_store %arg17[%parallel_loop3A_579, %parallel_loop3A_580], %parallel_loop3A_583 {strides = array<i32>} : memref<48x144xf32, #tpu.memory_space<vmem>>, vector<1x16xf32>,
        %parallel_loop3A_584 = vector.extract_strided_slice %parallel_loop3A_574 {offsets = [1], sizes = [1], strides = [1]} : vector<16xf32> to vector<1xf32>
        %parallel_loop3A_585 = vector.extract %parallel_loop3A_584[0] : f32 from vector<1xf32>
        %parallel_loop3A_586 = vector.broadcast %parallel_loop3A_585 : f32 to vector<16xf32>
        %parallel_loop3A_587 = arith.mulf %parallel_loop3A_586, %parallel_loop3A_151 : vector<16xf32>
        %parallel_loop3A_588 = arith.index_cast %parallel_loop3A_131 : i32 to index
        %parallel_loop3A_589 = arith.constant 16 : index
        %parallel_loop3A_590 = tpu.vector_load %arg17[%parallel_loop3A_588, %parallel_loop3A_589] {strides = array<i32>} : memref<48x144xf32, #tpu.memory_space<vmem>>, vector<1x16xf32>,
        %parallel_loop3A_591 = vector.shape_cast %parallel_loop3A_590 : vector<1x16xf32> to vector<16xf32>
        %parallel_loop3A_592 = vector.shape_cast %parallel_loop3A_587 : vector<16xf32> to vector<1x16xf32>
        tpu.vector_store %arg17[%parallel_loop3A_588, %parallel_loop3A_589], %parallel_loop3A_592 {strides = array<i32>} : memref<48x144xf32, #tpu.memory_space<vmem>>, vector<1x16xf32>,
        %parallel_loop3A_593 = vector.extract_strided_slice %parallel_loop3A_574 {offsets = [2], sizes = [1], strides = [1]} : vector<16xf32> to vector<1xf32>
        %parallel_loop3A_594 = vector.extract %parallel_loop3A_593[0] : f32 from vector<1xf32>
        %parallel_loop3A_595 = vector.broadcast %parallel_loop3A_594 : f32 to vector<16xf32>
        %parallel_loop3A_596 = arith.mulf %parallel_loop3A_595, %parallel_loop3A_167 : vector<16xf32>
        %parallel_loop3A_597 = arith.index_cast %parallel_loop3A_131 : i32 to index
        %parallel_loop3A_598 = arith.constant 32 : index
        %parallel_loop3A_599 = tpu.vector_load %arg17[%parallel_loop3A_597, %parallel_loop3A_598] {strides = array<i32>} : memref<48x144xf32, #tpu.memory_space<vmem>>, vector<1x16xf32>,
        %parallel_loop3A_600 = vector.shape_cast %parallel_loop3A_599 : vector<1x16xf32> to vector<16xf32>
        %parallel_loop3A_601 = vector.shape_cast %parallel_loop3A_596 : vector<16xf32> to vector<1x16xf32>
        tpu.vector_store %arg17[%parallel_loop3A_597, %parallel_loop3A_598], %parallel_loop3A_601 {strides = array<i32>} : memref<48x144xf32, #tpu.memory_space<vmem>>, vector<1x16xf32>,
        %parallel_loop3A_602 = vector.extract_strided_slice %parallel_loop3A_574 {offsets = [3], sizes = [1], strides = [1]} : vector<16xf32> to vector<1xf32>
        %parallel_loop3A_603 = vector.extract %parallel_loop3A_602[0] : f32 from vector<1xf32>
        %parallel_loop3A_604 = vector.broadcast %parallel_loop3A_603 : f32 to vector<16xf32>
        %parallel_loop3A_605 = arith.mulf %parallel_loop3A_604, %parallel_loop3A_183 : vector<16xf32>
        %parallel_loop3A_606 = arith.index_cast %parallel_loop3A_131 : i32 to index
        %parallel_loop3A_607 = arith.constant 48 : index
        %parallel_loop3A_608 = tpu.vector_load %arg17[%parallel_loop3A_606, %parallel_loop3A_607] {strides = array<i32>} : memref<48x144xf32, #tpu.memory_space<vmem>>, vector<1x16xf32>,
        %parallel_loop3A_609 = vector.shape_cast %parallel_loop3A_608 : vector<1x16xf32> to vector<16xf32>
        %parallel_loop3A_610 = vector.shape_cast %parallel_loop3A_605 : vector<16xf32> to vector<1x16xf32>
        tpu.vector_store %arg17[%parallel_loop3A_606, %parallel_loop3A_607], %parallel_loop3A_610 {strides = array<i32>} : memref<48x144xf32, #tpu.memory_space<vmem>>, vector<1x16xf32>,
        %parallel_loop3A_611 = vector.extract_strided_slice %parallel_loop3A_574 {offsets = [4], sizes = [1], strides = [1]} : vector<16xf32> to vector<1xf32>
        %parallel_loop3A_612 = vector.extract %parallel_loop3A_611[0] : f32 from vector<1xf32>
        %parallel_loop3A_613 = vector.broadcast %parallel_loop3A_612 : f32 to vector<16xf32>
        %parallel_loop3A_614 = arith.mulf %parallel_loop3A_613, %parallel_loop3A_199 : vector<16xf32>
        %parallel_loop3A_615 = arith.index_cast %parallel_loop3A_131 : i32 to index
        %parallel_loop3A_616 = arith.constant 64 : index
        %parallel_loop3A_617 = tpu.vector_load %arg17[%parallel_loop3A_615, %parallel_loop3A_616] {strides = array<i32>} : memref<48x144xf32, #tpu.memory_space<vmem>>, vector<1x16xf32>,
        %parallel_loop3A_618 = vector.shape_cast %parallel_loop3A_617 : vector<1x16xf32> to vector<16xf32>
        %parallel_loop3A_619 = vector.shape_cast %parallel_loop3A_614 : vector<16xf32> to vector<1x16xf32>
        tpu.vector_store %arg17[%parallel_loop3A_615, %parallel_loop3A_616], %parallel_loop3A_619 {strides = array<i32>} : memref<48x144xf32, #tpu.memory_space<vmem>>, vector<1x16xf32>,
        %parallel_loop3A_620 = vector.extract_strided_slice %parallel_loop3A_574 {offsets = [5], sizes = [1], strides = [1]} : vector<16xf32> to vector<1xf32>
        %parallel_loop3A_621 = vector.extract %parallel_loop3A_620[0] : f32 from vector<1xf32>
        %parallel_loop3A_622 = vector.broadcast %parallel_loop3A_621 : f32 to vector<16xf32>
        %parallel_loop3A_623 = arith.mulf %parallel_loop3A_622, %parallel_loop3A_215 : vector<16xf32>
        %parallel_loop3A_624 = arith.index_cast %parallel_loop3A_131 : i32 to index
        %parallel_loop3A_625 = arith.constant 80 : index
        %parallel_loop3A_626 = tpu.vector_load %arg17[%parallel_loop3A_624, %parallel_loop3A_625] {strides = array<i32>} : memref<48x144xf32, #tpu.memory_space<vmem>>, vector<1x16xf32>,
        %parallel_loop3A_627 = vector.shape_cast %parallel_loop3A_626 : vector<1x16xf32> to vector<16xf32>
        %parallel_loop3A_628 = vector.shape_cast %parallel_loop3A_623 : vector<16xf32> to vector<1x16xf32>
        tpu.vector_store %arg17[%parallel_loop3A_624, %parallel_loop3A_625], %parallel_loop3A_628 {strides = array<i32>} : memref<48x144xf32, #tpu.memory_space<vmem>>, vector<1x16xf32>,
        %parallel_loop3A_629 = vector.extract_strided_slice %parallel_loop3A_574 {offsets = [6], sizes = [1], strides = [1]} : vector<16xf32> to vector<1xf32>
        %parallel_loop3A_630 = vector.extract %parallel_loop3A_629[0] : f32 from vector<1xf32>
        %parallel_loop3A_631 = vector.broadcast %parallel_loop3A_630 : f32 to vector<16xf32>
        %parallel_loop3A_632 = arith.mulf %parallel_loop3A_631, %parallel_loop3A_231 : vector<16xf32>
        %parallel_loop3A_633 = arith.index_cast %parallel_loop3A_131 : i32 to index
        %parallel_loop3A_634 = arith.constant 96 : index
        %parallel_loop3A_635 = tpu.vector_load %arg17[%parallel_loop3A_633, %parallel_loop3A_634] {strides = array<i32>} : memref<48x144xf32, #tpu.memory_space<vmem>>, vector<1x16xf32>,
        %parallel_loop3A_636 = vector.shape_cast %parallel_loop3A_635 : vector<1x16xf32> to vector<16xf32>
        %parallel_loop3A_637 = vector.shape_cast %parallel_loop3A_632 : vector<16xf32> to vector<1x16xf32>
        tpu.vector_store %arg17[%parallel_loop3A_633, %parallel_loop3A_634], %parallel_loop3A_637 {strides = array<i32>} : memref<48x144xf32, #tpu.memory_space<vmem>>, vector<1x16xf32>,
        %parallel_loop3A_638 = vector.extract_strided_slice %parallel_loop3A_574 {offsets = [7], sizes = [1], strides = [1]} : vector<16xf32> to vector<1xf32>
        %parallel_loop3A_639 = vector.extract %parallel_loop3A_638[0] : f32 from vector<1xf32>
        %parallel_loop3A_640 = vector.broadcast %parallel_loop3A_639 : f32 to vector<16xf32>
        %parallel_loop3A_641 = arith.mulf %parallel_loop3A_640, %parallel_loop3A_247 : vector<16xf32>
        %parallel_loop3A_642 = arith.index_cast %parallel_loop3A_131 : i32 to index
        %parallel_loop3A_643 = arith.constant 112 : index
        %parallel_loop3A_644 = tpu.vector_load %arg17[%parallel_loop3A_642, %parallel_loop3A_643] {strides = array<i32>} : memref<48x144xf32, #tpu.memory_space<vmem>>, vector<1x16xf32>,
        %parallel_loop3A_645 = vector.shape_cast %parallel_loop3A_644 : vector<1x16xf32> to vector<16xf32>
        %parallel_loop3A_646 = vector.shape_cast %parallel_loop3A_641 : vector<16xf32> to vector<1x16xf32>
        tpu.vector_store %arg17[%parallel_loop3A_642, %parallel_loop3A_643], %parallel_loop3A_646 {strides = array<i32>} : memref<48x144xf32, #tpu.memory_space<vmem>>, vector<1x16xf32>,
        %parallel_loop3A_647 = arith.index_cast %parallel_loop3A_131 : i32 to index
        %parallel_loop3A_648 = arith.constant 128 : index
        %parallel_loop3A_649 = tpu.vector_load %arg17[%parallel_loop3A_647, %parallel_loop3A_648] {strides = array<i32>} : memref<48x144xf32, #tpu.memory_space<vmem>>, vector<1x16xf32>,
        %parallel_loop3A_650 = vector.shape_cast %parallel_loop3A_649 : vector<1x16xf32> to vector<16xf32>
        %parallel_loop3A_651 = vector.shape_cast %parallel_loop3A_574 : vector<16xf32> to vector<1x16xf32>
        tpu.vector_store %arg17[%parallel_loop3A_647, %parallel_loop3A_648], %parallel_loop3A_651 {strides = array<i32>} : memref<48x144xf32, #tpu.memory_space<vmem>>, vector<1x16xf32>,
      } {sc.loop_unroll_factor = 2 : i64, sc.parallel_access}
      %dma_start3A_112 = arith.constant 0 : i32
      %dma_start3A_113 = arith.constant 0 : i32
      %dma_start3A_114 = tpu.memref_slice %arg10[%dma_start3A_112, %dma_start3A_113] : memref<10112x144xf32, #tpu.memory_space<vmem_shared>> -> memref<10112x144xf32, #tpu.memory_space<vmem_shared>>
      tpu.enqueue_indirect_dma source(%arg17 : memref<48x144xf32, #tpu.memory_space<vmem>>) target(%dma_start3A_114 : memref<10112x144xf32, #tpu.memory_space<vmem_shared>>) offsets(%arg14 : memref<48xi32, #tpu.memory_space<vmem>>) semaphore(%arg24 : memref<!tpu.dma_semaphore, #tpu.memory_space<semaphore_mem>>) {add = true}
      %lt3A = arith.constant 104 : i32
      %lt3A_115 = arith.cmpi slt, %scan3A_86, %lt3A : i32
      %convert_element_type3A_116 = arith.extui %lt3A_115 : i1 to i32
      %cond3A_117 = arith.constant 0 : i32
      %cond3A_118 = arith.cmpi ne, %convert_element_type3A_116, %cond3A_117 : i32
      scf.if %cond3A_118 {
        %dma_wait3A_131 = arith.constant 0 : i32
        %dma_wait3A_132 = arith.constant 0 : i32
        %dma_wait3A_133 = tpu.memref_slice %arg10[%dma_wait3A_131, %dma_wait3A_132] : memref<10112x144xf32, #tpu.memory_space<vmem_shared>> -> memref<10112x144xf32, #tpu.memory_space<vmem_shared>>
        tpu.wait_indirect_dma semaphore(%arg24 : memref<!tpu.dma_semaphore, #tpu.memory_space<semaphore_mem>>) src(%arg17 : memref<48x144xf32, #tpu.memory_space<vmem>>) dst(%dma_wait3A_133 : memref<10112x144xf32, #tpu.memory_space<vmem_shared>>)
        %mul3A_134 = arith.constant 2 : i32
        %mul3A_135 = arith.muli %mul3A_134, %scan3A_86 : i32
        %add3A_136 = arith.constant 1 : i32
        %add3A_137 = arith.addi %mul3A_135, %add3A_136 : i32
        %add3A_138 = arith.constant 1 : i32
        %add3A_139 = arith.addi %add3A_137, %add3A_138 : i32
        %mul3A_140 = arith.constant 48 : i32
        %mul3A_141 = arith.muli %add3A_139, %mul3A_140 : i32
        %add3A_142 = arith.addi %mul3A_67, %mul3A_141 : i32
        "tpu.region"() ({
          %run_scoped3A = tpu.sem_alloc : memref<!tpu.dma_semaphore, #tpu.memory_space<semaphore_mem>>
          %dma_start3A_149 = tpu.memref_slice %arg4[%add3A_142] : memref<322560xi32, #tpu.memory_space<hbm>> -> memref<48xi32, #tpu.memory_space<hbm>>
          %dma_start3A_150 = tpu.memref_slice %arg4[%add3A_142] : memref<322560xi32, #tpu.memory_space<hbm>> -> memref<48xi32, #tpu.memory_space<hbm>>
          tpu.enqueue_dma source(%dma_start3A_150 : memref<48xi32, #tpu.memory_space<hbm>>) target(%arg13 : memref<48xi32, #tpu.memory_space<vmem>>) target_semaphore(%run_scoped3A : memref<!tpu.dma_semaphore, #tpu.memory_space<semaphore_mem>>)
          %dma_wait3A_151 = tpu.memref_slice %arg4[%add3A_142] : memref<322560xi32, #tpu.memory_space<hbm>> -> memref<48xi32, #tpu.memory_space<hbm>>
          %dma_wait3A_152 = tpu.memref_slice %arg4[%add3A_142] : memref<322560xi32, #tpu.memory_space<hbm>> -> memref<48xi32, #tpu.memory_space<hbm>>
          tpu.wait_dma2 semaphore(%run_scoped3A : memref<!tpu.dma_semaphore, #tpu.memory_space<semaphore_mem>>) src(%dma_wait3A_152 : memref<48xi32, #tpu.memory_space<hbm>>) dst(%arg13 : memref<48xi32, #tpu.memory_space<vmem>>)
          tpu.yield
        }) : () -> ()
        "tpu.region"() ({
          %run_scoped3A = tpu.sem_alloc : memref<!tpu.dma_semaphore, #tpu.memory_space<semaphore_mem>>
          %dma_start3A_149 = tpu.memref_slice %arg5[%add3A_142] : memref<322560xi32, #tpu.memory_space<hbm>> -> memref<48xi32, #tpu.memory_space<hbm>>
          %dma_start3A_150 = tpu.memref_slice %arg5[%add3A_142] : memref<322560xi32, #tpu.memory_space<hbm>> -> memref<48xi32, #tpu.memory_space<hbm>>
          tpu.enqueue_dma source(%dma_start3A_150 : memref<48xi32, #tpu.memory_space<hbm>>) target(%arg14 : memref<48xi32, #tpu.memory_space<vmem>>) target_semaphore(%run_scoped3A : memref<!tpu.dma_semaphore, #tpu.memory_space<semaphore_mem>>)
          %dma_wait3A_151 = tpu.memref_slice %arg5[%add3A_142] : memref<322560xi32, #tpu.memory_space<hbm>> -> memref<48xi32, #tpu.memory_space<hbm>>
          %dma_wait3A_152 = tpu.memref_slice %arg5[%add3A_142] : memref<322560xi32, #tpu.memory_space<hbm>> -> memref<48xi32, #tpu.memory_space<hbm>>
          tpu.wait_dma2 semaphore(%run_scoped3A : memref<!tpu.dma_semaphore, #tpu.memory_space<semaphore_mem>>) src(%dma_wait3A_152 : memref<48xi32, #tpu.memory_space<hbm>>) dst(%arg14 : memref<48xi32, #tpu.memory_space<vmem>>)
          tpu.yield
        }) : () -> ()
        %dma_start3A_143 = arith.constant 0 : i32
        %dma_start3A_144 = arith.constant 0 : i32
        %dma_start3A_145 = tpu.memref_slice %arg2[%dma_start3A_143, %dma_start3A_144] : memref<10000x128xf32, #tpu.memory_space<hbm>> -> memref<10000x128xf32, #tpu.memory_space<hbm>>
        tpu.enqueue_indirect_dma source(%dma_start3A_145 : memref<10000x128xf32, #tpu.memory_space<hbm>>) target(%arg15 : memref<48x128xf32, #tpu.memory_space<vmem>>) offsets(%arg13 : memref<48xi32, #tpu.memory_space<vmem>>) semaphore(%arg23 : memref<!tpu.dma_semaphore, #tpu.memory_space<semaphore_mem>>)
        %dma_start3A_146 = arith.constant 0 : i32
        %dma_start3A_147 = arith.constant 0 : i32
        %dma_start3A_148 = tpu.memref_slice %arg3[%dma_start3A_146, %dma_start3A_147] : memref<10112x128xf32, #tpu.memory_space<hbm>> -> memref<10112x128xf32, #tpu.memory_space<hbm>>
        tpu.enqueue_indirect_dma source(%dma_start3A_148 : memref<10112x128xf32, #tpu.memory_space<hbm>>) target(%arg16 : memref<48x128xf32, #tpu.memory_space<vmem>>) offsets(%arg14 : memref<48xi32, #tpu.memory_space<vmem>>) semaphore(%arg23 : memref<!tpu.dma_semaphore, #tpu.memory_space<semaphore_mem>>)
      } else {
      }
      %dma_wait3A_119 = arith.constant 0 : i32
      %dma_wait3A_120 = arith.constant 0 : i32
      %dma_wait3A_121 = tpu.memref_slice %arg2[%dma_wait3A_119, %dma_wait3A_120] : memref<10000x128xf32, #tpu.memory_space<hbm>> -> memref<10000x128xf32, #tpu.memory_space<hbm>>
      tpu.wait_indirect_dma semaphore(%arg25 : memref<!tpu.dma_semaphore, #tpu.memory_space<semaphore_mem>>) src(%dma_wait3A_121 : memref<10000x128xf32, #tpu.memory_space<hbm>>) dst(%arg20 : memref<48x128xf32, #tpu.memory_space<vmem>>)
      %dma_wait3A_122 = arith.constant 0 : i32
      %dma_wait3A_123 = arith.constant 0 : i32
      %dma_wait3A_124 = tpu.memref_slice %arg3[%dma_wait3A_122, %dma_wait3A_123] : memref<10112x128xf32, #tpu.memory_space<hbm>> -> memref<10112x128xf32, #tpu.memory_space<hbm>>
      tpu.wait_indirect_dma semaphore(%arg25 : memref<!tpu.dma_semaphore, #tpu.memory_space<semaphore_mem>>) src(%dma_wait3A_124 : memref<10112x128xf32, #tpu.memory_space<hbm>>) dst(%arg21 : memref<48x128xf32, #tpu.memory_space<vmem>>)
      %parallel_loop3A_125 = arith.constant 0 : i32
      %parallel_loop3A_126 = arith.constant 48 : i32
      %parallel_loop3A_127 = arith.constant 1 : i32
      scf.for %parallel_loop3A_131 = %parallel_loop3A_125 to %parallel_loop3A_126 step %parallel_loop3A_127  : i32 {
        %parallel_loop3A_132 = arith.index_cast %parallel_loop3A_131 : i32 to index
        %parallel_loop3A_133 = arith.constant 0 : index
        %parallel_loop3A_134 = tpu.vector_load %arg20[%parallel_loop3A_132, %parallel_loop3A_133] {strides = array<i32>} : memref<48x128xf32, #tpu.memory_space<vmem>>, vector<1x16xf32>,
        %parallel_loop3A_135 = vector.shape_cast %parallel_loop3A_134 : vector<1x16xf32> to vector<16xf32>
        %parallel_loop3A_136 = arith.index_cast %parallel_loop3A_131 : i32 to index
        %parallel_loop3A_137 = arith.constant 0 : index
        %parallel_loop3A_138 = tpu.vector_load %arg21[%parallel_loop3A_136, %parallel_loop3A_137] {strides = array<i32>} : memref<48x128xf32, #tpu.memory_space<vmem>>, vector<1x16xf32>,
        %parallel_loop3A_139 = vector.shape_cast %parallel_loop3A_138 : vector<1x16xf32> to vector<16xf32>
        %parallel_loop3A_140 = arith.mulf %get3A_4, %parallel_loop3A_135 : vector<16xf32>
        %parallel_loop3A_141 = arith.addf %parallel_loop3A_140, %parallel_loop3A_139 : vector<16xf32>
        %parallel_loop3A_142 = arith.constant 6.000000e-01 : f32
        %parallel_loop3A_143 = vector.broadcast %parallel_loop3A_142 : f32 to vector<16xf32>
        %parallel_loop3A_144 = arith.mulf %parallel_loop3A_143, %parallel_loop3A_141 : vector<16xf32>
        %parallel_loop3A_145 = math.absf %parallel_loop3A_141 : vector<16xf32>
        %parallel_loop3A_146 = arith.mulf %get3A_28, %parallel_loop3A_145 : vector<16xf32>
        %parallel_loop3A_147 = arith.addf %parallel_loop3A_144, %parallel_loop3A_146 : vector<16xf32>
        %parallel_loop3A_148 = arith.index_cast %parallel_loop3A_131 : i32 to index
        %parallel_loop3A_149 = arith.constant 16 : index
        %parallel_loop3A_150 = tpu.vector_load %arg20[%parallel_loop3A_148, %parallel_loop3A_149] {strides = array<i32>} : memref<48x128xf32, #tpu.memory_space<vmem>>, vector<1x16xf32>,
        %parallel_loop3A_151 = vector.shape_cast %parallel_loop3A_150 : vector<1x16xf32> to vector<16xf32>
        %parallel_loop3A_152 = arith.index_cast %parallel_loop3A_131 : i32 to index
        %parallel_loop3A_153 = arith.constant 16 : index
        %parallel_loop3A_154 = tpu.vector_load %arg21[%parallel_loop3A_152, %parallel_loop3A_153] {strides = array<i32>} : memref<48x128xf32, #tpu.memory_space<vmem>>, vector<1x16xf32>,
        %parallel_loop3A_155 = vector.shape_cast %parallel_loop3A_154 : vector<1x16xf32> to vector<16xf32>
        %parallel_loop3A_156 = arith.mulf %get3A_7, %parallel_loop3A_151 : vector<16xf32>
        %parallel_loop3A_157 = arith.addf %parallel_loop3A_156, %parallel_loop3A_155 : vector<16xf32>
        %parallel_loop3A_158 = arith.constant 6.000000e-01 : f32
        %parallel_loop3A_159 = vector.broadcast %parallel_loop3A_158 : f32 to vector<16xf32>
        %parallel_loop3A_160 = arith.mulf %parallel_loop3A_159, %parallel_loop3A_157 : vector<16xf32>
        %parallel_loop3A_161 = math.absf %parallel_loop3A_157 : vector<16xf32>
        %parallel_loop3A_162 = arith.mulf %get3A_31, %parallel_loop3A_161 : vector<16xf32>
        %parallel_loop3A_163 = arith.addf %parallel_loop3A_160, %parallel_loop3A_162 : vector<16xf32>
        %parallel_loop3A_164 = arith.index_cast %parallel_loop3A_131 : i32 to index
        %parallel_loop3A_165 = arith.constant 32 : index
        %parallel_loop3A_166 = tpu.vector_load %arg20[%parallel_loop3A_164, %parallel_loop3A_165] {strides = array<i32>} : memref<48x128xf32, #tpu.memory_space<vmem>>, vector<1x16xf32>,
        %parallel_loop3A_167 = vector.shape_cast %parallel_loop3A_166 : vector<1x16xf32> to vector<16xf32>
        %parallel_loop3A_168 = arith.index_cast %parallel_loop3A_131 : i32 to index
        %parallel_loop3A_169 = arith.constant 32 : index
        %parallel_loop3A_170 = tpu.vector_load %arg21[%parallel_loop3A_168, %parallel_loop3A_169] {strides = array<i32>} : memref<48x128xf32, #tpu.memory_space<vmem>>, vector<1x16xf32>,
        %parallel_loop3A_171 = vector.shape_cast %parallel_loop3A_170 : vector<1x16xf32> to vector<16xf32>
        %parallel_loop3A_172 = arith.mulf %get3A_10, %parallel_loop3A_167 : vector<16xf32>
        %parallel_loop3A_173 = arith.addf %parallel_loop3A_172, %parallel_loop3A_171 : vector<16xf32>
        %parallel_loop3A_174 = arith.constant 6.000000e-01 : f32
        %parallel_loop3A_175 = vector.broadcast %parallel_loop3A_174 : f32 to vector<16xf32>
        %parallel_loop3A_176 = arith.mulf %parallel_loop3A_175, %parallel_loop3A_173 : vector<16xf32>
        %parallel_loop3A_177 = math.absf %parallel_loop3A_173 : vector<16xf32>
        %parallel_loop3A_178 = arith.mulf %get3A_34, %parallel_loop3A_177 : vector<16xf32>
        %parallel_loop3A_179 = arith.addf %parallel_loop3A_176, %parallel_loop3A_178 : vector<16xf32>
        %parallel_loop3A_180 = arith.index_cast %parallel_loop3A_131 : i32 to index
        %parallel_loop3A_181 = arith.constant 48 : index
        %parallel_loop3A_182 = tpu.vector_load %arg20[%parallel_loop3A_180, %parallel_loop3A_181] {strides = array<i32>} : memref<48x128xf32, #tpu.memory_space<vmem>>, vector<1x16xf32>,
        %parallel_loop3A_183 = vector.shape_cast %parallel_loop3A_182 : vector<1x16xf32> to vector<16xf32>
        %parallel_loop3A_184 = arith.index_cast %parallel_loop3A_131 : i32 to index
        %parallel_loop3A_185 = arith.constant 48 : index
        %parallel_loop3A_186 = tpu.vector_load %arg21[%parallel_loop3A_184, %parallel_loop3A_185] {strides = array<i32>} : memref<48x128xf32, #tpu.memory_space<vmem>>, vector<1x16xf32>,
        %parallel_loop3A_187 = vector.shape_cast %parallel_loop3A_186 : vector<1x16xf32> to vector<16xf32>
        %parallel_loop3A_188 = arith.mulf %get3A_13, %parallel_loop3A_183 : vector<16xf32>
        %parallel_loop3A_189 = arith.addf %parallel_loop3A_188, %parallel_loop3A_187 : vector<16xf32>
        %parallel_loop3A_190 = arith.constant 6.000000e-01 : f32
        %parallel_loop3A_191 = vector.broadcast %parallel_loop3A_190 : f32 to vector<16xf32>
        %parallel_loop3A_192 = arith.mulf %parallel_loop3A_191, %parallel_loop3A_189 : vector<16xf32>
        %parallel_loop3A_193 = math.absf %parallel_loop3A_189 : vector<16xf32>
        %parallel_loop3A_194 = arith.mulf %get3A_37, %parallel_loop3A_193 : vector<16xf32>
        %parallel_loop3A_195 = arith.addf %parallel_loop3A_192, %parallel_loop3A_194 : vector<16xf32>
        %parallel_loop3A_196 = arith.index_cast %parallel_loop3A_131 : i32 to index
        %parallel_loop3A_197 = arith.constant 64 : index
        %parallel_loop3A_198 = tpu.vector_load %arg20[%parallel_loop3A_196, %parallel_loop3A_197] {strides = array<i32>} : memref<48x128xf32, #tpu.memory_space<vmem>>, vector<1x16xf32>,
        %parallel_loop3A_199 = vector.shape_cast %parallel_loop3A_198 : vector<1x16xf32> to vector<16xf32>
        %parallel_loop3A_200 = arith.index_cast %parallel_loop3A_131 : i32 to index
        %parallel_loop3A_201 = arith.constant 64 : index
        %parallel_loop3A_202 = tpu.vector_load %arg21[%parallel_loop3A_200, %parallel_loop3A_201] {strides = array<i32>} : memref<48x128xf32, #tpu.memory_space<vmem>>, vector<1x16xf32>,
        %parallel_loop3A_203 = vector.shape_cast %parallel_loop3A_202 : vector<1x16xf32> to vector<16xf32>
        %parallel_loop3A_204 = arith.mulf %get3A_16, %parallel_loop3A_199 : vector<16xf32>
        %parallel_loop3A_205 = arith.addf %parallel_loop3A_204, %parallel_loop3A_203 : vector<16xf32>
        %parallel_loop3A_206 = arith.constant 6.000000e-01 : f32
        %parallel_loop3A_207 = vector.broadcast %parallel_loop3A_206 : f32 to vector<16xf32>
        %parallel_loop3A_208 = arith.mulf %parallel_loop3A_207, %parallel_loop3A_205 : vector<16xf32>
        %parallel_loop3A_209 = math.absf %parallel_loop3A_205 : vector<16xf32>
        %parallel_loop3A_210 = arith.mulf %get3A_40, %parallel_loop3A_209 : vector<16xf32>
        %parallel_loop3A_211 = arith.addf %parallel_loop3A_208, %parallel_loop3A_210 : vector<16xf32>
        %parallel_loop3A_212 = arith.index_cast %parallel_loop3A_131 : i32 to index
        %parallel_loop3A_213 = arith.constant 80 : index
        %parallel_loop3A_214 = tpu.vector_load %arg20[%parallel_loop3A_212, %parallel_loop3A_213] {strides = array<i32>} : memref<48x128xf32, #tpu.memory_space<vmem>>, vector<1x16xf32>,
        %parallel_loop3A_215 = vector.shape_cast %parallel_loop3A_214 : vector<1x16xf32> to vector<16xf32>
        %parallel_loop3A_216 = arith.index_cast %parallel_loop3A_131 : i32 to index
        %parallel_loop3A_217 = arith.constant 80 : index
        %parallel_loop3A_218 = tpu.vector_load %arg21[%parallel_loop3A_216, %parallel_loop3A_217] {strides = array<i32>} : memref<48x128xf32, #tpu.memory_space<vmem>>, vector<1x16xf32>,
        %parallel_loop3A_219 = vector.shape_cast %parallel_loop3A_218 : vector<1x16xf32> to vector<16xf32>
        %parallel_loop3A_220 = arith.mulf %get3A_19, %parallel_loop3A_215 : vector<16xf32>
        %parallel_loop3A_221 = arith.addf %parallel_loop3A_220, %parallel_loop3A_219 : vector<16xf32>
        %parallel_loop3A_222 = arith.constant 6.000000e-01 : f32
        %parallel_loop3A_223 = vector.broadcast %parallel_loop3A_222 : f32 to vector<16xf32>
        %parallel_loop3A_224 = arith.mulf %parallel_loop3A_223, %parallel_loop3A_221 : vector<16xf32>
        %parallel_loop3A_225 = math.absf %parallel_loop3A_221 : vector<16xf32>
        %parallel_loop3A_226 = arith.mulf %get3A_43, %parallel_loop3A_225 : vector<16xf32>
        %parallel_loop3A_227 = arith.addf %parallel_loop3A_224, %parallel_loop3A_226 : vector<16xf32>
        %parallel_loop3A_228 = arith.index_cast %parallel_loop3A_131 : i32 to index
        %parallel_loop3A_229 = arith.constant 96 : index
        %parallel_loop3A_230 = tpu.vector_load %arg20[%parallel_loop3A_228, %parallel_loop3A_229] {strides = array<i32>} : memref<48x128xf32, #tpu.memory_space<vmem>>, vector<1x16xf32>,
        %parallel_loop3A_231 = vector.shape_cast %parallel_loop3A_230 : vector<1x16xf32> to vector<16xf32>
        %parallel_loop3A_232 = arith.index_cast %parallel_loop3A_131 : i32 to index
        %parallel_loop3A_233 = arith.constant 96 : index
        %parallel_loop3A_234 = tpu.vector_load %arg21[%parallel_loop3A_232, %parallel_loop3A_233] {strides = array<i32>} : memref<48x128xf32, #tpu.memory_space<vmem>>, vector<1x16xf32>,
        %parallel_loop3A_235 = vector.shape_cast %parallel_loop3A_234 : vector<1x16xf32> to vector<16xf32>
        %parallel_loop3A_236 = arith.mulf %get3A_22, %parallel_loop3A_231 : vector<16xf32>
        %parallel_loop3A_237 = arith.addf %parallel_loop3A_236, %parallel_loop3A_235 : vector<16xf32>
        %parallel_loop3A_238 = arith.constant 6.000000e-01 : f32
        %parallel_loop3A_239 = vector.broadcast %parallel_loop3A_238 : f32 to vector<16xf32>
        %parallel_loop3A_240 = arith.mulf %parallel_loop3A_239, %parallel_loop3A_237 : vector<16xf32>
        %parallel_loop3A_241 = math.absf %parallel_loop3A_237 : vector<16xf32>
        %parallel_loop3A_242 = arith.mulf %get3A_46, %parallel_loop3A_241 : vector<16xf32>
        %parallel_loop3A_243 = arith.addf %parallel_loop3A_240, %parallel_loop3A_242 : vector<16xf32>
        %parallel_loop3A_244 = arith.index_cast %parallel_loop3A_131 : i32 to index
        %parallel_loop3A_245 = arith.constant 112 : index
        %parallel_loop3A_246 = tpu.vector_load %arg20[%parallel_loop3A_244, %parallel_loop3A_245] {strides = array<i32>} : memref<48x128xf32, #tpu.memory_space<vmem>>, vector<1x16xf32>,
        %parallel_loop3A_247 = vector.shape_cast %parallel_loop3A_246 : vector<1x16xf32> to vector<16xf32>
        %parallel_loop3A_248 = arith.index_cast %parallel_loop3A_131 : i32 to index
        %parallel_loop3A_249 = arith.constant 112 : index
        %parallel_loop3A_250 = tpu.vector_load %arg21[%parallel_loop3A_248, %parallel_loop3A_249] {strides = array<i32>} : memref<48x128xf32, #tpu.memory_space<vmem>>, vector<1x16xf32>,
        %parallel_loop3A_251 = vector.shape_cast %parallel_loop3A_250 : vector<1x16xf32> to vector<16xf32>
        %parallel_loop3A_252 = arith.mulf %get3A_25, %parallel_loop3A_247 : vector<16xf32>
        %parallel_loop3A_253 = arith.addf %parallel_loop3A_252, %parallel_loop3A_251 : vector<16xf32>
        %parallel_loop3A_254 = arith.constant 6.000000e-01 : f32
        %parallel_loop3A_255 = vector.broadcast %parallel_loop3A_254 : f32 to vector<16xf32>
        %parallel_loop3A_256 = arith.mulf %parallel_loop3A_255, %parallel_loop3A_253 : vector<16xf32>
        %parallel_loop3A_257 = math.absf %parallel_loop3A_253 : vector<16xf32>
        %parallel_loop3A_258 = arith.mulf %get3A_49, %parallel_loop3A_257 : vector<16xf32>
        %parallel_loop3A_259 = arith.addf %parallel_loop3A_256, %parallel_loop3A_258 : vector<16xf32>
        %parallel_loop3A_260 = arith.constant 8 : i32
        %parallel_loop3A_261 = vector.broadcast %parallel_loop3A_260 : i32 to vector<16xi32>
        %parallel_loop3A_262 = arith.xori %iota3A, %parallel_loop3A_261 : vector<16xi32>
        %parallel_loop3A_263 = arith.constant 0 : i32
        %parallel_loop3A_264 = vector.broadcast %parallel_loop3A_263 : i32 to vector<16xi32>
        %parallel_loop3A_265 = arith.cmpi slt, %parallel_loop3A_262, %parallel_loop3A_264 : vector<16xi32>
        %parallel_loop3A_266 = arith.constant 16 : i32
        %parallel_loop3A_267 = vector.broadcast %parallel_loop3A_266 : i32 to vector<16xi32>
        %parallel_loop3A_268 = arith.addi %parallel_loop3A_262, %parallel_loop3A_267 : vector<16xi32>
        %parallel_loop3A_269 = arith.select %parallel_loop3A_265, %parallel_loop3A_268, %parallel_loop3A_262 : vector<16xi1>, vector<16xi32>
        %parallel_loop3A_270 = vector.shape_cast %parallel_loop3A_269 : vector<16xi32> to vector<16x1xi32>
        %parallel_loop3A_271 = vector.shape_cast %parallel_loop3A_270 : vector<16x1xi32> to vector<16xi32>
        %parallel_loop3A_272 = tpu.dynamic_gather %parallel_loop3A_147[%parallel_loop3A_271] in [0] : vector<16xf32>, vector<16xi32> -> vector<16xf32>
        %parallel_loop3A_273 = arith.addf %parallel_loop3A_147, %parallel_loop3A_272 : vector<16xf32>
        %parallel_loop3A_274 = arith.constant 8 : i32
        %parallel_loop3A_275 = vector.broadcast %parallel_loop3A_274 : i32 to vector<16xi32>
        %parallel_loop3A_276 = arith.xori %iota3A, %parallel_loop3A_275 : vector<16xi32>
        %parallel_loop3A_277 = arith.constant 0 : i32
        %parallel_loop3A_278 = vector.broadcast %parallel_loop3A_277 : i32 to vector<16xi32>
        %parallel_loop3A_279 = arith.cmpi slt, %parallel_loop3A_276, %parallel_loop3A_278 : vector<16xi32>
        %parallel_loop3A_280 = arith.constant 16 : i32
        %parallel_loop3A_281 = vector.broadcast %parallel_loop3A_280 : i32 to vector<16xi32>
        %parallel_loop3A_282 = arith.addi %parallel_loop3A_276, %parallel_loop3A_281 : vector<16xi32>
        %parallel_loop3A_283 = arith.select %parallel_loop3A_279, %parallel_loop3A_282, %parallel_loop3A_276 : vector<16xi1>, vector<16xi32>
        %parallel_loop3A_284 = vector.shape_cast %parallel_loop3A_283 : vector<16xi32> to vector<16x1xi32>
        %parallel_loop3A_285 = vector.shape_cast %parallel_loop3A_284 : vector<16x1xi32> to vector<16xi32>
        %parallel_loop3A_286 = tpu.dynamic_gather %parallel_loop3A_163[%parallel_loop3A_285] in [0] : vector<16xf32>, vector<16xi32> -> vector<16xf32>
        %parallel_loop3A_287 = arith.addf %parallel_loop3A_163, %parallel_loop3A_286 : vector<16xf32>
        %parallel_loop3A_288 = arith.constant 8 : i32
        %parallel_loop3A_289 = vector.broadcast %parallel_loop3A_288 : i32 to vector<16xi32>
        %parallel_loop3A_290 = arith.xori %iota3A, %parallel_loop3A_289 : vector<16xi32>
        %parallel_loop3A_291 = arith.constant 0 : i32
        %parallel_loop3A_292 = vector.broadcast %parallel_loop3A_291 : i32 to vector<16xi32>
        %parallel_loop3A_293 = arith.cmpi slt, %parallel_loop3A_290, %parallel_loop3A_292 : vector<16xi32>
        %parallel_loop3A_294 = arith.constant 16 : i32
        %parallel_loop3A_295 = vector.broadcast %parallel_loop3A_294 : i32 to vector<16xi32>
        %parallel_loop3A_296 = arith.addi %parallel_loop3A_290, %parallel_loop3A_295 : vector<16xi32>
        %parallel_loop3A_297 = arith.select %parallel_loop3A_293, %parallel_loop3A_296, %parallel_loop3A_290 : vector<16xi1>, vector<16xi32>
        %parallel_loop3A_298 = vector.shape_cast %parallel_loop3A_297 : vector<16xi32> to vector<16x1xi32>
        %parallel_loop3A_299 = vector.shape_cast %parallel_loop3A_298 : vector<16x1xi32> to vector<16xi32>
        %parallel_loop3A_300 = tpu.dynamic_gather %parallel_loop3A_179[%parallel_loop3A_299] in [0] : vector<16xf32>, vector<16xi32> -> vector<16xf32>
        %parallel_loop3A_301 = arith.addf %parallel_loop3A_179, %parallel_loop3A_300 : vector<16xf32>
        %parallel_loop3A_302 = arith.constant 8 : i32
        %parallel_loop3A_303 = vector.broadcast %parallel_loop3A_302 : i32 to vector<16xi32>
        %parallel_loop3A_304 = arith.xori %iota3A, %parallel_loop3A_303 : vector<16xi32>
        %parallel_loop3A_305 = arith.constant 0 : i32
        %parallel_loop3A_306 = vector.broadcast %parallel_loop3A_305 : i32 to vector<16xi32>
        %parallel_loop3A_307 = arith.cmpi slt, %parallel_loop3A_304, %parallel_loop3A_306 : vector<16xi32>
        %parallel_loop3A_308 = arith.constant 16 : i32
        %parallel_loop3A_309 = vector.broadcast %parallel_loop3A_308 : i32 to vector<16xi32>
        %parallel_loop3A_310 = arith.addi %parallel_loop3A_304, %parallel_loop3A_309 : vector<16xi32>
        %parallel_loop3A_311 = arith.select %parallel_loop3A_307, %parallel_loop3A_310, %parallel_loop3A_304 : vector<16xi1>, vector<16xi32>
        %parallel_loop3A_312 = vector.shape_cast %parallel_loop3A_311 : vector<16xi32> to vector<16x1xi32>
        %parallel_loop3A_313 = vector.shape_cast %parallel_loop3A_312 : vector<16x1xi32> to vector<16xi32>
        %parallel_loop3A_314 = tpu.dynamic_gather %parallel_loop3A_195[%parallel_loop3A_313] in [0] : vector<16xf32>, vector<16xi32> -> vector<16xf32>
        %parallel_loop3A_315 = arith.addf %parallel_loop3A_195, %parallel_loop3A_314 : vector<16xf32>
        %parallel_loop3A_316 = arith.constant 8 : i32
        %parallel_loop3A_317 = vector.broadcast %parallel_loop3A_316 : i32 to vector<16xi32>
        %parallel_loop3A_318 = arith.xori %iota3A, %parallel_loop3A_317 : vector<16xi32>
        %parallel_loop3A_319 = arith.constant 0 : i32
        %parallel_loop3A_320 = vector.broadcast %parallel_loop3A_319 : i32 to vector<16xi32>
        %parallel_loop3A_321 = arith.cmpi slt, %parallel_loop3A_318, %parallel_loop3A_320 : vector<16xi32>
        %parallel_loop3A_322 = arith.constant 16 : i32
        %parallel_loop3A_323 = vector.broadcast %parallel_loop3A_322 : i32 to vector<16xi32>
        %parallel_loop3A_324 = arith.addi %parallel_loop3A_318, %parallel_loop3A_323 : vector<16xi32>
        %parallel_loop3A_325 = arith.select %parallel_loop3A_321, %parallel_loop3A_324, %parallel_loop3A_318 : vector<16xi1>, vector<16xi32>
        %parallel_loop3A_326 = vector.shape_cast %parallel_loop3A_325 : vector<16xi32> to vector<16x1xi32>
        %parallel_loop3A_327 = vector.shape_cast %parallel_loop3A_326 : vector<16x1xi32> to vector<16xi32>
        %parallel_loop3A_328 = tpu.dynamic_gather %parallel_loop3A_211[%parallel_loop3A_327] in [0] : vector<16xf32>, vector<16xi32> -> vector<16xf32>
        %parallel_loop3A_329 = arith.addf %parallel_loop3A_211, %parallel_loop3A_328 : vector<16xf32>
        %parallel_loop3A_330 = arith.constant 8 : i32
        %parallel_loop3A_331 = vector.broadcast %parallel_loop3A_330 : i32 to vector<16xi32>
        %parallel_loop3A_332 = arith.xori %iota3A, %parallel_loop3A_331 : vector<16xi32>
        %parallel_loop3A_333 = arith.constant 0 : i32
        %parallel_loop3A_334 = vector.broadcast %parallel_loop3A_333 : i32 to vector<16xi32>
        %parallel_loop3A_335 = arith.cmpi slt, %parallel_loop3A_332, %parallel_loop3A_334 : vector<16xi32>
        %parallel_loop3A_336 = arith.constant 16 : i32
        %parallel_loop3A_337 = vector.broadcast %parallel_loop3A_336 : i32 to vector<16xi32>
        %parallel_loop3A_338 = arith.addi %parallel_loop3A_332, %parallel_loop3A_337 : vector<16xi32>
        %parallel_loop3A_339 = arith.select %parallel_loop3A_335, %parallel_loop3A_338, %parallel_loop3A_332 : vector<16xi1>, vector<16xi32>
        %parallel_loop3A_340 = vector.shape_cast %parallel_loop3A_339 : vector<16xi32> to vector<16x1xi32>
        %parallel_loop3A_341 = vector.shape_cast %parallel_loop3A_340 : vector<16x1xi32> to vector<16xi32>
        %parallel_loop3A_342 = tpu.dynamic_gather %parallel_loop3A_227[%parallel_loop3A_341] in [0] : vector<16xf32>, vector<16xi32> -> vector<16xf32>
        %parallel_loop3A_343 = arith.addf %parallel_loop3A_227, %parallel_loop3A_342 : vector<16xf32>
        %parallel_loop3A_344 = arith.constant 8 : i32
        %parallel_loop3A_345 = vector.broadcast %parallel_loop3A_344 : i32 to vector<16xi32>
        %parallel_loop3A_346 = arith.xori %iota3A, %parallel_loop3A_345 : vector<16xi32>
        %parallel_loop3A_347 = arith.constant 0 : i32
        %parallel_loop3A_348 = vector.broadcast %parallel_loop3A_347 : i32 to vector<16xi32>
        %parallel_loop3A_349 = arith.cmpi slt, %parallel_loop3A_346, %parallel_loop3A_348 : vector<16xi32>
        %parallel_loop3A_350 = arith.constant 16 : i32
        %parallel_loop3A_351 = vector.broadcast %parallel_loop3A_350 : i32 to vector<16xi32>
        %parallel_loop3A_352 = arith.addi %parallel_loop3A_346, %parallel_loop3A_351 : vector<16xi32>
        %parallel_loop3A_353 = arith.select %parallel_loop3A_349, %parallel_loop3A_352, %parallel_loop3A_346 : vector<16xi1>, vector<16xi32>
        %parallel_loop3A_354 = vector.shape_cast %parallel_loop3A_353 : vector<16xi32> to vector<16x1xi32>
        %parallel_loop3A_355 = vector.shape_cast %parallel_loop3A_354 : vector<16x1xi32> to vector<16xi32>
        %parallel_loop3A_356 = tpu.dynamic_gather %parallel_loop3A_243[%parallel_loop3A_355] in [0] : vector<16xf32>, vector<16xi32> -> vector<16xf32>
        %parallel_loop3A_357 = arith.addf %parallel_loop3A_243, %parallel_loop3A_356 : vector<16xf32>
        %parallel_loop3A_358 = arith.constant 8 : i32
        %parallel_loop3A_359 = vector.broadcast %parallel_loop3A_358 : i32 to vector<16xi32>
        %parallel_loop3A_360 = arith.xori %iota3A, %parallel_loop3A_359 : vector<16xi32>
        %parallel_loop3A_361 = arith.constant 0 : i32
        %parallel_loop3A_362 = vector.broadcast %parallel_loop3A_361 : i32 to vector<16xi32>
        %parallel_loop3A_363 = arith.cmpi slt, %parallel_loop3A_360, %parallel_loop3A_362 : vector<16xi32>
        %parallel_loop3A_364 = arith.constant 16 : i32
        %parallel_loop3A_365 = vector.broadcast %parallel_loop3A_364 : i32 to vector<16xi32>
        %parallel_loop3A_366 = arith.addi %parallel_loop3A_360, %parallel_loop3A_365 : vector<16xi32>
        %parallel_loop3A_367 = arith.select %parallel_loop3A_363, %parallel_loop3A_366, %parallel_loop3A_360 : vector<16xi1>, vector<16xi32>
        %parallel_loop3A_368 = vector.shape_cast %parallel_loop3A_367 : vector<16xi32> to vector<16x1xi32>
        %parallel_loop3A_369 = vector.shape_cast %parallel_loop3A_368 : vector<16x1xi32> to vector<16xi32>
        %parallel_loop3A_370 = tpu.dynamic_gather %parallel_loop3A_259[%parallel_loop3A_369] in [0] : vector<16xf32>, vector<16xi32> -> vector<16xf32>
        %parallel_loop3A_371 = arith.addf %parallel_loop3A_259, %parallel_loop3A_370 : vector<16xf32>
        %parallel_loop3A_372 = arith.constant 8 : i32
        %parallel_loop3A_373 = vector.broadcast %parallel_loop3A_372 : i32 to vector<16xi32>
        %parallel_loop3A_374 = arith.cmpi slt, %iota3A, %parallel_loop3A_373 : vector<16xi32>
        %parallel_loop3A_375 = arith.select %parallel_loop3A_374, %parallel_loop3A_273, %parallel_loop3A_287 : vector<16xi1>, vector<16xf32>
        %parallel_loop3A_376 = arith.constant 8 : i32
        %parallel_loop3A_377 = vector.broadcast %parallel_loop3A_376 : i32 to vector<16xi32>
        %parallel_loop3A_378 = arith.cmpi slt, %iota3A, %parallel_loop3A_377 : vector<16xi32>
        %parallel_loop3A_379 = arith.select %parallel_loop3A_378, %parallel_loop3A_301, %parallel_loop3A_315 : vector<16xi1>, vector<16xf32>
        %parallel_loop3A_380 = arith.constant 8 : i32
        %parallel_loop3A_381 = vector.broadcast %parallel_loop3A_380 : i32 to vector<16xi32>
        %parallel_loop3A_382 = arith.cmpi slt, %iota3A, %parallel_loop3A_381 : vector<16xi32>
        %parallel_loop3A_383 = arith.select %parallel_loop3A_382, %parallel_loop3A_329, %parallel_loop3A_343 : vector<16xi1>, vector<16xf32>
        %parallel_loop3A_384 = arith.constant 8 : i32
        %parallel_loop3A_385 = vector.broadcast %parallel_loop3A_384 : i32 to vector<16xi32>
        %parallel_loop3A_386 = arith.cmpi slt, %iota3A, %parallel_loop3A_385 : vector<16xi32>
        %parallel_loop3A_387 = arith.select %parallel_loop3A_386, %parallel_loop3A_357, %parallel_loop3A_371 : vector<16xi1>, vector<16xf32>
        %parallel_loop3A_388 = arith.constant 4 : i32
        %parallel_loop3A_389 = vector.broadcast %parallel_loop3A_388 : i32 to vector<16xi32>
        %parallel_loop3A_390 = arith.xori %iota3A, %parallel_loop3A_389 : vector<16xi32>
        %parallel_loop3A_391 = arith.constant 0 : i32
        %parallel_loop3A_392 = vector.broadcast %parallel_loop3A_391 : i32 to vector<16xi32>
        %parallel_loop3A_393 = arith.cmpi slt, %parallel_loop3A_390, %parallel_loop3A_392 : vector<16xi32>
        %parallel_loop3A_394 = arith.constant 16 : i32
        %parallel_loop3A_395 = vector.broadcast %parallel_loop3A_394 : i32 to vector<16xi32>
        %parallel_loop3A_396 = arith.addi %parallel_loop3A_390, %parallel_loop3A_395 : vector<16xi32>
        %parallel_loop3A_397 = arith.select %parallel_loop3A_393, %parallel_loop3A_396, %parallel_loop3A_390 : vector<16xi1>, vector<16xi32>
        %parallel_loop3A_398 = vector.shape_cast %parallel_loop3A_397 : vector<16xi32> to vector<16x1xi32>
        %parallel_loop3A_399 = vector.shape_cast %parallel_loop3A_398 : vector<16x1xi32> to vector<16xi32>
        %parallel_loop3A_400 = tpu.dynamic_gather %parallel_loop3A_375[%parallel_loop3A_399] in [0] : vector<16xf32>, vector<16xi32> -> vector<16xf32>
        %parallel_loop3A_401 = arith.addf %parallel_loop3A_375, %parallel_loop3A_400 : vector<16xf32>
        %parallel_loop3A_402 = arith.constant 4 : i32
        %parallel_loop3A_403 = vector.broadcast %parallel_loop3A_402 : i32 to vector<16xi32>
        %parallel_loop3A_404 = arith.xori %iota3A, %parallel_loop3A_403 : vector<16xi32>
        %parallel_loop3A_405 = arith.constant 0 : i32
        %parallel_loop3A_406 = vector.broadcast %parallel_loop3A_405 : i32 to vector<16xi32>
        %parallel_loop3A_407 = arith.cmpi slt, %parallel_loop3A_404, %parallel_loop3A_406 : vector<16xi32>
        %parallel_loop3A_408 = arith.constant 16 : i32
        %parallel_loop3A_409 = vector.broadcast %parallel_loop3A_408 : i32 to vector<16xi32>
        %parallel_loop3A_410 = arith.addi %parallel_loop3A_404, %parallel_loop3A_409 : vector<16xi32>
        %parallel_loop3A_411 = arith.select %parallel_loop3A_407, %parallel_loop3A_410, %parallel_loop3A_404 : vector<16xi1>, vector<16xi32>
        %parallel_loop3A_412 = vector.shape_cast %parallel_loop3A_411 : vector<16xi32> to vector<16x1xi32>
        %parallel_loop3A_413 = vector.shape_cast %parallel_loop3A_412 : vector<16x1xi32> to vector<16xi32>
        %parallel_loop3A_414 = tpu.dynamic_gather %parallel_loop3A_379[%parallel_loop3A_413] in [0] : vector<16xf32>, vector<16xi32> -> vector<16xf32>
        %parallel_loop3A_415 = arith.addf %parallel_loop3A_379, %parallel_loop3A_414 : vector<16xf32>
        %parallel_loop3A_416 = arith.constant 4 : i32
        %parallel_loop3A_417 = vector.broadcast %parallel_loop3A_416 : i32 to vector<16xi32>
        %parallel_loop3A_418 = arith.xori %iota3A, %parallel_loop3A_417 : vector<16xi32>
        %parallel_loop3A_419 = arith.constant 0 : i32
        %parallel_loop3A_420 = vector.broadcast %parallel_loop3A_419 : i32 to vector<16xi32>
        %parallel_loop3A_421 = arith.cmpi slt, %parallel_loop3A_418, %parallel_loop3A_420 : vector<16xi32>
        %parallel_loop3A_422 = arith.constant 16 : i32
        %parallel_loop3A_423 = vector.broadcast %parallel_loop3A_422 : i32 to vector<16xi32>
        %parallel_loop3A_424 = arith.addi %parallel_loop3A_418, %parallel_loop3A_423 : vector<16xi32>
        %parallel_loop3A_425 = arith.select %parallel_loop3A_421, %parallel_loop3A_424, %parallel_loop3A_418 : vector<16xi1>, vector<16xi32>
        %parallel_loop3A_426 = vector.shape_cast %parallel_loop3A_425 : vector<16xi32> to vector<16x1xi32>
        %parallel_loop3A_427 = vector.shape_cast %parallel_loop3A_426 : vector<16x1xi32> to vector<16xi32>
        %parallel_loop3A_428 = tpu.dynamic_gather %parallel_loop3A_383[%parallel_loop3A_427] in [0] : vector<16xf32>, vector<16xi32> -> vector<16xf32>
        %parallel_loop3A_429 = arith.addf %parallel_loop3A_383, %parallel_loop3A_428 : vector<16xf32>
        %parallel_loop3A_430 = arith.constant 4 : i32
        %parallel_loop3A_431 = vector.broadcast %parallel_loop3A_430 : i32 to vector<16xi32>
        %parallel_loop3A_432 = arith.xori %iota3A, %parallel_loop3A_431 : vector<16xi32>
        %parallel_loop3A_433 = arith.constant 0 : i32
        %parallel_loop3A_434 = vector.broadcast %parallel_loop3A_433 : i32 to vector<16xi32>
        %parallel_loop3A_435 = arith.cmpi slt, %parallel_loop3A_432, %parallel_loop3A_434 : vector<16xi32>
        %parallel_loop3A_436 = arith.constant 16 : i32
        %parallel_loop3A_437 = vector.broadcast %parallel_loop3A_436 : i32 to vector<16xi32>
        %parallel_loop3A_438 = arith.addi %parallel_loop3A_432, %parallel_loop3A_437 : vector<16xi32>
        %parallel_loop3A_439 = arith.select %parallel_loop3A_435, %parallel_loop3A_438, %parallel_loop3A_432 : vector<16xi1>, vector<16xi32>
        %parallel_loop3A_440 = vector.shape_cast %parallel_loop3A_439 : vector<16xi32> to vector<16x1xi32>
        %parallel_loop3A_441 = vector.shape_cast %parallel_loop3A_440 : vector<16x1xi32> to vector<16xi32>
        %parallel_loop3A_442 = tpu.dynamic_gather %parallel_loop3A_387[%parallel_loop3A_441] in [0] : vector<16xf32>, vector<16xi32> -> vector<16xf32>
        %parallel_loop3A_443 = arith.addf %parallel_loop3A_387, %parallel_loop3A_442 : vector<16xf32>
        %parallel_loop3A_444 = arith.constant 8 : i32
        %parallel_loop3A_445 = arith.constant 0 : i32
        %parallel_loop3A_446 = arith.cmpi eq, %parallel_loop3A_444, %parallel_loop3A_445 : i32
        %parallel_loop3A_447 = arith.constant 1 : i32
        %parallel_loop3A_448 = arith.select %parallel_loop3A_446, %parallel_loop3A_447, %parallel_loop3A_444 : i32
        %parallel_loop3A_449 = vector.broadcast %parallel_loop3A_448 : i32 to vector<16xi32>
        %parallel_loop3A_450 = arith.remsi %iota3A, %parallel_loop3A_449 : vector<16xi32>
        %parallel_loop3A_451 = arith.constant 0 : i32
        %parallel_loop3A_452 = vector.broadcast %parallel_loop3A_451 : i32 to vector<16xi32>
        %parallel_loop3A_453 = arith.cmpi ne, %parallel_loop3A_450, %parallel_loop3A_452 : vector<16xi32>
        %parallel_loop3A_454 = arith.constant 0 : i32
        %parallel_loop3A_455 = vector.broadcast %parallel_loop3A_454 : i32 to vector<16xi32>
        %parallel_loop3A_456 = arith.cmpi slt, %parallel_loop3A_450, %parallel_loop3A_455 : vector<16xi32>
        %parallel_loop3A_457 = arith.constant 0 : i32
        %parallel_loop3A_458 = arith.cmpi slt, %parallel_loop3A_448, %parallel_loop3A_457 : i32
        %parallel_loop3A_459 = vector.broadcast %parallel_loop3A_458 : i1 to vector<16xi1>
        %parallel_loop3A_460 = vector.broadcast %parallel_loop3A_459 : vector<16xi1> to vector<16xi1>
        %parallel_loop3A_461 = arith.xori %parallel_loop3A_456, %parallel_loop3A_460 : vector<16xi1>
        %parallel_loop3A_462 = arith.andi %parallel_loop3A_461, %parallel_loop3A_453 : vector<16xi1>
        %parallel_loop3A_463 = vector.broadcast %parallel_loop3A_448 : i32 to vector<16xi32>
        %parallel_loop3A_464 = arith.addi %parallel_loop3A_450, %parallel_loop3A_463 : vector<16xi32>
        %parallel_loop3A_465 = arith.select %parallel_loop3A_462, %parallel_loop3A_464, %parallel_loop3A_450 : vector<16xi1>, vector<16xi32>
        %parallel_loop3A_466 = arith.constant 4 : i32
        %parallel_loop3A_467 = vector.broadcast %parallel_loop3A_466 : i32 to vector<16xi32>
        %parallel_loop3A_468 = arith.cmpi slt, %parallel_loop3A_465, %parallel_loop3A_467 : vector<16xi32>
        %parallel_loop3A_469 = arith.select %parallel_loop3A_468, %parallel_loop3A_401, %parallel_loop3A_415 : vector<16xi1>, vector<16xf32>
        %parallel_loop3A_470 = arith.constant 8 : i32
        %parallel_loop3A_471 = arith.constant 0 : i32
        %parallel_loop3A_472 = arith.cmpi eq, %parallel_loop3A_470, %parallel_loop3A_471 : i32
        %parallel_loop3A_473 = arith.constant 1 : i32
        %parallel_loop3A_474 = arith.select %parallel_loop3A_472, %parallel_loop3A_473, %parallel_loop3A_470 : i32
        %parallel_loop3A_475 = vector.broadcast %parallel_loop3A_474 : i32 to vector<16xi32>
        %parallel_loop3A_476 = arith.remsi %iota3A, %parallel_loop3A_475 : vector<16xi32>
        %parallel_loop3A_477 = arith.constant 0 : i32
        %parallel_loop3A_478 = vector.broadcast %parallel_loop3A_477 : i32 to vector<16xi32>
        %parallel_loop3A_479 = arith.cmpi ne, %parallel_loop3A_476, %parallel_loop3A_478 : vector<16xi32>
        %parallel_loop3A_480 = arith.constant 0 : i32
        %parallel_loop3A_481 = vector.broadcast %parallel_loop3A_480 : i32 to vector<16xi32>
        %parallel_loop3A_482 = arith.cmpi slt, %parallel_loop3A_476, %parallel_loop3A_481 : vector<16xi32>
        %parallel_loop3A_483 = arith.constant 0 : i32
        %parallel_loop3A_484 = arith.cmpi slt, %parallel_loop3A_474, %parallel_loop3A_483 : i32
        %parallel_loop3A_485 = vector.broadcast %parallel_loop3A_484 : i1 to vector<16xi1>
        %parallel_loop3A_486 = vector.broadcast %parallel_loop3A_485 : vector<16xi1> to vector<16xi1>
        %parallel_loop3A_487 = arith.xori %parallel_loop3A_482, %parallel_loop3A_486 : vector<16xi1>
        %parallel_loop3A_488 = arith.andi %parallel_loop3A_487, %parallel_loop3A_479 : vector<16xi1>
        %parallel_loop3A_489 = vector.broadcast %parallel_loop3A_474 : i32 to vector<16xi32>
        %parallel_loop3A_490 = arith.addi %parallel_loop3A_476, %parallel_loop3A_489 : vector<16xi32>
        %parallel_loop3A_491 = arith.select %parallel_loop3A_488, %parallel_loop3A_490, %parallel_loop3A_476 : vector<16xi1>, vector<16xi32>
        %parallel_loop3A_492 = arith.constant 4 : i32
        %parallel_loop3A_493 = vector.broadcast %parallel_loop3A_492 : i32 to vector<16xi32>
        %parallel_loop3A_494 = arith.cmpi slt, %parallel_loop3A_491, %parallel_loop3A_493 : vector<16xi32>
        %parallel_loop3A_495 = arith.select %parallel_loop3A_494, %parallel_loop3A_429, %parallel_loop3A_443 : vector<16xi1>, vector<16xf32>
        %parallel_loop3A_496 = arith.constant 2 : i32
        %parallel_loop3A_497 = vector.broadcast %parallel_loop3A_496 : i32 to vector<16xi32>
        %parallel_loop3A_498 = arith.xori %iota3A, %parallel_loop3A_497 : vector<16xi32>
        %parallel_loop3A_499 = arith.constant 0 : i32
        %parallel_loop3A_500 = vector.broadcast %parallel_loop3A_499 : i32 to vector<16xi32>
        %parallel_loop3A_501 = arith.cmpi slt, %parallel_loop3A_498, %parallel_loop3A_500 : vector<16xi32>
        %parallel_loop3A_502 = arith.constant 16 : i32
        %parallel_loop3A_503 = vector.broadcast %parallel_loop3A_502 : i32 to vector<16xi32>
        %parallel_loop3A_504 = arith.addi %parallel_loop3A_498, %parallel_loop3A_503 : vector<16xi32>
        %parallel_loop3A_505 = arith.select %parallel_loop3A_501, %parallel_loop3A_504, %parallel_loop3A_498 : vector<16xi1>, vector<16xi32>
        %parallel_loop3A_506 = vector.shape_cast %parallel_loop3A_505 : vector<16xi32> to vector<16x1xi32>
        %parallel_loop3A_507 = vector.shape_cast %parallel_loop3A_506 : vector<16x1xi32> to vector<16xi32>
        %parallel_loop3A_508 = tpu.dynamic_gather %parallel_loop3A_469[%parallel_loop3A_507] in [0] : vector<16xf32>, vector<16xi32> -> vector<16xf32>
        %parallel_loop3A_509 = arith.addf %parallel_loop3A_469, %parallel_loop3A_508 : vector<16xf32>
        %parallel_loop3A_510 = arith.constant 2 : i32
        %parallel_loop3A_511 = vector.broadcast %parallel_loop3A_510 : i32 to vector<16xi32>
        %parallel_loop3A_512 = arith.xori %iota3A, %parallel_loop3A_511 : vector<16xi32>
        %parallel_loop3A_513 = arith.constant 0 : i32
        %parallel_loop3A_514 = vector.broadcast %parallel_loop3A_513 : i32 to vector<16xi32>
        %parallel_loop3A_515 = arith.cmpi slt, %parallel_loop3A_512, %parallel_loop3A_514 : vector<16xi32>
        %parallel_loop3A_516 = arith.constant 16 : i32
        %parallel_loop3A_517 = vector.broadcast %parallel_loop3A_516 : i32 to vector<16xi32>
        %parallel_loop3A_518 = arith.addi %parallel_loop3A_512, %parallel_loop3A_517 : vector<16xi32>
        %parallel_loop3A_519 = arith.select %parallel_loop3A_515, %parallel_loop3A_518, %parallel_loop3A_512 : vector<16xi1>, vector<16xi32>
        %parallel_loop3A_520 = vector.shape_cast %parallel_loop3A_519 : vector<16xi32> to vector<16x1xi32>
        %parallel_loop3A_521 = vector.shape_cast %parallel_loop3A_520 : vector<16x1xi32> to vector<16xi32>
        %parallel_loop3A_522 = tpu.dynamic_gather %parallel_loop3A_495[%parallel_loop3A_521] in [0] : vector<16xf32>, vector<16xi32> -> vector<16xf32>
        %parallel_loop3A_523 = arith.addf %parallel_loop3A_495, %parallel_loop3A_522 : vector<16xf32>
        %parallel_loop3A_524 = arith.constant 4 : i32
        %parallel_loop3A_525 = arith.constant 0 : i32
        %parallel_loop3A_526 = arith.cmpi eq, %parallel_loop3A_524, %parallel_loop3A_525 : i32
        %parallel_loop3A_527 = arith.constant 1 : i32
        %parallel_loop3A_528 = arith.select %parallel_loop3A_526, %parallel_loop3A_527, %parallel_loop3A_524 : i32
        %parallel_loop3A_529 = vector.broadcast %parallel_loop3A_528 : i32 to vector<16xi32>
        %parallel_loop3A_530 = arith.remsi %iota3A, %parallel_loop3A_529 : vector<16xi32>
        %parallel_loop3A_531 = arith.constant 0 : i32
        %parallel_loop3A_532 = vector.broadcast %parallel_loop3A_531 : i32 to vector<16xi32>
        %parallel_loop3A_533 = arith.cmpi ne, %parallel_loop3A_530, %parallel_loop3A_532 : vector<16xi32>
        %parallel_loop3A_534 = arith.constant 0 : i32
        %parallel_loop3A_535 = vector.broadcast %parallel_loop3A_534 : i32 to vector<16xi32>
        %parallel_loop3A_536 = arith.cmpi slt, %parallel_loop3A_530, %parallel_loop3A_535 : vector<16xi32>
        %parallel_loop3A_537 = arith.constant 0 : i32
        %parallel_loop3A_538 = arith.cmpi slt, %parallel_loop3A_528, %parallel_loop3A_537 : i32
        %parallel_loop3A_539 = vector.broadcast %parallel_loop3A_538 : i1 to vector<16xi1>
        %parallel_loop3A_540 = vector.broadcast %parallel_loop3A_539 : vector<16xi1> to vector<16xi1>
        %parallel_loop3A_541 = arith.xori %parallel_loop3A_536, %parallel_loop3A_540 : vector<16xi1>
        %parallel_loop3A_542 = arith.andi %parallel_loop3A_541, %parallel_loop3A_533 : vector<16xi1>
        %parallel_loop3A_543 = vector.broadcast %parallel_loop3A_528 : i32 to vector<16xi32>
        %parallel_loop3A_544 = arith.addi %parallel_loop3A_530, %parallel_loop3A_543 : vector<16xi32>
        %parallel_loop3A_545 = arith.select %parallel_loop3A_542, %parallel_loop3A_544, %parallel_loop3A_530 : vector<16xi1>, vector<16xi32>
        %parallel_loop3A_546 = arith.constant 2 : i32
        %parallel_loop3A_547 = vector.broadcast %parallel_loop3A_546 : i32 to vector<16xi32>
        %parallel_loop3A_548 = arith.cmpi slt, %parallel_loop3A_545, %parallel_loop3A_547 : vector<16xi32>
        %parallel_loop3A_549 = arith.select %parallel_loop3A_548, %parallel_loop3A_509, %parallel_loop3A_523 : vector<16xi1>, vector<16xf32>
        %parallel_loop3A_550 = arith.constant 1 : i32
        %parallel_loop3A_551 = vector.broadcast %parallel_loop3A_550 : i32 to vector<16xi32>
        %parallel_loop3A_552 = arith.xori %iota3A, %parallel_loop3A_551 : vector<16xi32>
        %parallel_loop3A_553 = arith.constant 0 : i32
        %parallel_loop3A_554 = vector.broadcast %parallel_loop3A_553 : i32 to vector<16xi32>
        %parallel_loop3A_555 = arith.cmpi slt, %parallel_loop3A_552, %parallel_loop3A_554 : vector<16xi32>
        %parallel_loop3A_556 = arith.constant 16 : i32
        %parallel_loop3A_557 = vector.broadcast %parallel_loop3A_556 : i32 to vector<16xi32>
        %parallel_loop3A_558 = arith.addi %parallel_loop3A_552, %parallel_loop3A_557 : vector<16xi32>
        %parallel_loop3A_559 = arith.select %parallel_loop3A_555, %parallel_loop3A_558, %parallel_loop3A_552 : vector<16xi1>, vector<16xi32>
        %parallel_loop3A_560 = vector.shape_cast %parallel_loop3A_559 : vector<16xi32> to vector<16x1xi32>
        %parallel_loop3A_561 = vector.shape_cast %parallel_loop3A_560 : vector<16x1xi32> to vector<16xi32>
        %parallel_loop3A_562 = tpu.dynamic_gather %parallel_loop3A_549[%parallel_loop3A_561] in [0] : vector<16xf32>, vector<16xi32> -> vector<16xf32>
        %parallel_loop3A_563 = arith.addf %parallel_loop3A_549, %parallel_loop3A_562 : vector<16xf32>
        %parallel_loop3A_564 = arith.constant 0 : i32
        %parallel_loop3A_565 = vector.broadcast %parallel_loop3A_564 : i32 to vector<16xi32>
        %parallel_loop3A_566 = arith.cmpi slt, %shift_left3A_65, %parallel_loop3A_565 : vector<16xi32>
        %parallel_loop3A_567 = arith.constant 16 : i32
        %parallel_loop3A_568 = vector.broadcast %parallel_loop3A_567 : i32 to vector<16xi32>
        %parallel_loop3A_569 = arith.addi %shift_left3A_65, %parallel_loop3A_568 : vector<16xi32>
        %parallel_loop3A_570 = arith.select %parallel_loop3A_566, %parallel_loop3A_569, %shift_left3A_65 : vector<16xi1>, vector<16xi32>
        %parallel_loop3A_571 = vector.shape_cast %parallel_loop3A_570 : vector<16xi32> to vector<16x1xi32>
        %parallel_loop3A_572 = vector.shape_cast %parallel_loop3A_571 : vector<16x1xi32> to vector<16xi32>
        %parallel_loop3A_573 = tpu.dynamic_gather %parallel_loop3A_563[%parallel_loop3A_572] in [0] : vector<16xf32>, vector<16xi32> -> vector<16xf32>
        %parallel_loop3A_574 = math.exp %parallel_loop3A_573 : vector<16xf32>
        %parallel_loop3A_575 = vector.extract_strided_slice %parallel_loop3A_574 {offsets = [0], sizes = [1], strides = [1]} : vector<16xf32> to vector<1xf32>
        %parallel_loop3A_576 = vector.extract %parallel_loop3A_575[0] : f32 from vector<1xf32>
        %parallel_loop3A_577 = vector.broadcast %parallel_loop3A_576 : f32 to vector<16xf32>
        %parallel_loop3A_578 = arith.mulf %parallel_loop3A_577, %parallel_loop3A_135 : vector<16xf32>
        %parallel_loop3A_579 = arith.index_cast %parallel_loop3A_131 : i32 to index
        %parallel_loop3A_580 = arith.constant 0 : index
        %parallel_loop3A_581 = tpu.vector_load %arg22[%parallel_loop3A_579, %parallel_loop3A_580] {strides = array<i32>} : memref<48x144xf32, #tpu.memory_space<vmem>>, vector<1x16xf32>,
        %parallel_loop3A_582 = vector.shape_cast %parallel_loop3A_581 : vector<1x16xf32> to vector<16xf32>
        %parallel_loop3A_583 = vector.shape_cast %parallel_loop3A_578 : vector<16xf32> to vector<1x16xf32>
        tpu.vector_store %arg22[%parallel_loop3A_579, %parallel_loop3A_580], %parallel_loop3A_583 {strides = array<i32>} : memref<48x144xf32, #tpu.memory_space<vmem>>, vector<1x16xf32>,
        %parallel_loop3A_584 = vector.extract_strided_slice %parallel_loop3A_574 {offsets = [1], sizes = [1], strides = [1]} : vector<16xf32> to vector<1xf32>
        %parallel_loop3A_585 = vector.extract %parallel_loop3A_584[0] : f32 from vector<1xf32>
        %parallel_loop3A_586 = vector.broadcast %parallel_loop3A_585 : f32 to vector<16xf32>
        %parallel_loop3A_587 = arith.mulf %parallel_loop3A_586, %parallel_loop3A_151 : vector<16xf32>
        %parallel_loop3A_588 = arith.index_cast %parallel_loop3A_131 : i32 to index
        %parallel_loop3A_589 = arith.constant 16 : index
        %parallel_loop3A_590 = tpu.vector_load %arg22[%parallel_loop3A_588, %parallel_loop3A_589] {strides = array<i32>} : memref<48x144xf32, #tpu.memory_space<vmem>>, vector<1x16xf32>,
        %parallel_loop3A_591 = vector.shape_cast %parallel_loop3A_590 : vector<1x16xf32> to vector<16xf32>
        %parallel_loop3A_592 = vector.shape_cast %parallel_loop3A_587 : vector<16xf32> to vector<1x16xf32>
        tpu.vector_store %arg22[%parallel_loop3A_588, %parallel_loop3A_589], %parallel_loop3A_592 {strides = array<i32>} : memref<48x144xf32, #tpu.memory_space<vmem>>, vector<1x16xf32>,
        %parallel_loop3A_593 = vector.extract_strided_slice %parallel_loop3A_574 {offsets = [2], sizes = [1], strides = [1]} : vector<16xf32> to vector<1xf32>
        %parallel_loop3A_594 = vector.extract %parallel_loop3A_593[0] : f32 from vector<1xf32>
        %parallel_loop3A_595 = vector.broadcast %parallel_loop3A_594 : f32 to vector<16xf32>
        %parallel_loop3A_596 = arith.mulf %parallel_loop3A_595, %parallel_loop3A_167 : vector<16xf32>
        %parallel_loop3A_597 = arith.index_cast %parallel_loop3A_131 : i32 to index
        %parallel_loop3A_598 = arith.constant 32 : index
        %parallel_loop3A_599 = tpu.vector_load %arg22[%parallel_loop3A_597, %parallel_loop3A_598] {strides = array<i32>} : memref<48x144xf32, #tpu.memory_space<vmem>>, vector<1x16xf32>,
        %parallel_loop3A_600 = vector.shape_cast %parallel_loop3A_599 : vector<1x16xf32> to vector<16xf32>
        %parallel_loop3A_601 = vector.shape_cast %parallel_loop3A_596 : vector<16xf32> to vector<1x16xf32>
        tpu.vector_store %arg22[%parallel_loop3A_597, %parallel_loop3A_598], %parallel_loop3A_601 {strides = array<i32>} : memref<48x144xf32, #tpu.memory_space<vmem>>, vector<1x16xf32>,
        %parallel_loop3A_602 = vector.extract_strided_slice %parallel_loop3A_574 {offsets = [3], sizes = [1], strides = [1]} : vector<16xf32> to vector<1xf32>
        %parallel_loop3A_603 = vector.extract %parallel_loop3A_602[0] : f32 from vector<1xf32>
        %parallel_loop3A_604 = vector.broadcast %parallel_loop3A_603 : f32 to vector<16xf32>
        %parallel_loop3A_605 = arith.mulf %parallel_loop3A_604, %parallel_loop3A_183 : vector<16xf32>
        %parallel_loop3A_606 = arith.index_cast %parallel_loop3A_131 : i32 to index
        %parallel_loop3A_607 = arith.constant 48 : index
        %parallel_loop3A_608 = tpu.vector_load %arg22[%parallel_loop3A_606, %parallel_loop3A_607] {strides = array<i32>} : memref<48x144xf32, #tpu.memory_space<vmem>>, vector<1x16xf32>,
        %parallel_loop3A_609 = vector.shape_cast %parallel_loop3A_608 : vector<1x16xf32> to vector<16xf32>
        %parallel_loop3A_610 = vector.shape_cast %parallel_loop3A_605 : vector<16xf32> to vector<1x16xf32>
        tpu.vector_store %arg22[%parallel_loop3A_606, %parallel_loop3A_607], %parallel_loop3A_610 {strides = array<i32>} : memref<48x144xf32, #tpu.memory_space<vmem>>, vector<1x16xf32>,
        %parallel_loop3A_611 = vector.extract_strided_slice %parallel_loop3A_574 {offsets = [4], sizes = [1], strides = [1]} : vector<16xf32> to vector<1xf32>
        %parallel_loop3A_612 = vector.extract %parallel_loop3A_611[0] : f32 from vector<1xf32>
        %parallel_loop3A_613 = vector.broadcast %parallel_loop3A_612 : f32 to vector<16xf32>
        %parallel_loop3A_614 = arith.mulf %parallel_loop3A_613, %parallel_loop3A_199 : vector<16xf32>
        %parallel_loop3A_615 = arith.index_cast %parallel_loop3A_131 : i32 to index
        %parallel_loop3A_616 = arith.constant 64 : index
        %parallel_loop3A_617 = tpu.vector_load %arg22[%parallel_loop3A_615, %parallel_loop3A_616] {strides = array<i32>} : memref<48x144xf32, #tpu.memory_space<vmem>>, vector<1x16xf32>,
        %parallel_loop3A_618 = vector.shape_cast %parallel_loop3A_617 : vector<1x16xf32> to vector<16xf32>
        %parallel_loop3A_619 = vector.shape_cast %parallel_loop3A_614 : vector<16xf32> to vector<1x16xf32>
        tpu.vector_store %arg22[%parallel_loop3A_615, %parallel_loop3A_616], %parallel_loop3A_619 {strides = array<i32>} : memref<48x144xf32, #tpu.memory_space<vmem>>, vector<1x16xf32>,
        %parallel_loop3A_620 = vector.extract_strided_slice %parallel_loop3A_574 {offsets = [5], sizes = [1], strides = [1]} : vector<16xf32> to vector<1xf32>
        %parallel_loop3A_621 = vector.extract %parallel_loop3A_620[0] : f32 from vector<1xf32>
        %parallel_loop3A_622 = vector.broadcast %parallel_loop3A_621 : f32 to vector<16xf32>
        %parallel_loop3A_623 = arith.mulf %parallel_loop3A_622, %parallel_loop3A_215 : vector<16xf32>
        %parallel_loop3A_624 = arith.index_cast %parallel_loop3A_131 : i32 to index
        %parallel_loop3A_625 = arith.constant 80 : index
        %parallel_loop3A_626 = tpu.vector_load %arg22[%parallel_loop3A_624, %parallel_loop3A_625] {strides = array<i32>} : memref<48x144xf32, #tpu.memory_space<vmem>>, vector<1x16xf32>,
        %parallel_loop3A_627 = vector.shape_cast %parallel_loop3A_626 : vector<1x16xf32> to vector<16xf32>
        %parallel_loop3A_628 = vector.shape_cast %parallel_loop3A_623 : vector<16xf32> to vector<1x16xf32>
        tpu.vector_store %arg22[%parallel_loop3A_624, %parallel_loop3A_625], %parallel_loop3A_628 {strides = array<i32>} : memref<48x144xf32, #tpu.memory_space<vmem>>, vector<1x16xf32>,
        %parallel_loop3A_629 = vector.extract_strided_slice %parallel_loop3A_574 {offsets = [6], sizes = [1], strides = [1]} : vector<16xf32> to vector<1xf32>
        %parallel_loop3A_630 = vector.extract %parallel_loop3A_629[0] : f32 from vector<1xf32>
        %parallel_loop3A_631 = vector.broadcast %parallel_loop3A_630 : f32 to vector<16xf32>
        %parallel_loop3A_632 = arith.mulf %parallel_loop3A_631, %parallel_loop3A_231 : vector<16xf32>
        %parallel_loop3A_633 = arith.index_cast %parallel_loop3A_131 : i32 to index
        %parallel_loop3A_634 = arith.constant 96 : index
        %parallel_loop3A_635 = tpu.vector_load %arg22[%parallel_loop3A_633, %parallel_loop3A_634] {strides = array<i32>} : memref<48x144xf32, #tpu.memory_space<vmem>>, vector<1x16xf32>,
        %parallel_loop3A_636 = vector.shape_cast %parallel_loop3A_635 : vector<1x16xf32> to vector<16xf32>
        %parallel_loop3A_637 = vector.shape_cast %parallel_loop3A_632 : vector<16xf32> to vector<1x16xf32>
        tpu.vector_store %arg22[%parallel_loop3A_633, %parallel_loop3A_634], %parallel_loop3A_637 {strides = array<i32>} : memref<48x144xf32, #tpu.memory_space<vmem>>, vector<1x16xf32>,
        %parallel_loop3A_638 = vector.extract_strided_slice %parallel_loop3A_574 {offsets = [7], sizes = [1], strides = [1]} : vector<16xf32> to vector<1xf32>
        %parallel_loop3A_639 = vector.extract %parallel_loop3A_638[0] : f32 from vector<1xf32>
        %parallel_loop3A_640 = vector.broadcast %parallel_loop3A_639 : f32 to vector<16xf32>
        %parallel_loop3A_641 = arith.mulf %parallel_loop3A_640, %parallel_loop3A_247 : vector<16xf32>
        %parallel_loop3A_642 = arith.index_cast %parallel_loop3A_131 : i32 to index
        %parallel_loop3A_643 = arith.constant 112 : index
        %parallel_loop3A_644 = tpu.vector_load %arg22[%parallel_loop3A_642, %parallel_loop3A_643] {strides = array<i32>} : memref<48x144xf32, #tpu.memory_space<vmem>>, vector<1x16xf32>,
        %parallel_loop3A_645 = vector.shape_cast %parallel_loop3A_644 : vector<1x16xf32> to vector<16xf32>
        %parallel_loop3A_646 = vector.shape_cast %parallel_loop3A_641 : vector<16xf32> to vector<1x16xf32>
        tpu.vector_store %arg22[%parallel_loop3A_642, %parallel_loop3A_643], %parallel_loop3A_646 {strides = array<i32>} : memref<48x144xf32, #tpu.memory_space<vmem>>, vector<1x16xf32>,
        %parallel_loop3A_647 = arith.index_cast %parallel_loop3A_131 : i32 to index
        %parallel_loop3A_648 = arith.constant 128 : index
        %parallel_loop3A_649 = tpu.vector_load %arg22[%parallel_loop3A_647, %parallel_loop3A_648] {strides = array<i32>} : memref<48x144xf32, #tpu.memory_space<vmem>>, vector<1x16xf32>,
        %parallel_loop3A_650 = vector.shape_cast %parallel_loop3A_649 : vector<1x16xf32> to vector<16xf32>
        %parallel_loop3A_651 = vector.shape_cast %parallel_loop3A_574 : vector<16xf32> to vector<1x16xf32>
        tpu.vector_store %arg22[%parallel_loop3A_647, %parallel_loop3A_648], %parallel_loop3A_651 {strides = array<i32>} : memref<48x144xf32, #tpu.memory_space<vmem>>, vector<1x16xf32>,
      } {sc.loop_unroll_factor = 2 : i64, sc.parallel_access}
      %dma_start3A_128 = arith.constant 0 : i32
      %dma_start3A_129 = arith.constant 0 : i32
      %dma_start3A_130 = tpu.memref_slice %arg10[%dma_start3A_128, %dma_start3A_129] : memref<10112x144xf32, #tpu.memory_space<vmem_shared>> -> memref<10112x144xf32, #tpu.memory_space<vmem_shared>>
      tpu.enqueue_indirect_dma source(%arg22 : memref<48x144xf32, #tpu.memory_space<vmem>>) target(%dma_start3A_130 : memref<10112x144xf32, #tpu.memory_space<vmem_shared>>) offsets(%arg19 : memref<48xi32, #tpu.memory_space<vmem>>) semaphore(%arg26 : memref<!tpu.dma_semaphore, #tpu.memory_space<semaphore_mem>>) {add = true}
    }
    %scan3A_79 = arith.constant 105 : i32
    %dma_wait3A = arith.constant 0 : i32
    %dma_wait3A_80 = arith.constant 0 : i32
    %dma_wait3A_81 = tpu.memref_slice %arg10[%dma_wait3A, %dma_wait3A_80] : memref<10112x144xf32, #tpu.memory_space<vmem_shared>> -> memref<10112x144xf32, #tpu.memory_space<vmem_shared>>
    tpu.wait_indirect_dma semaphore(%arg24 : memref<!tpu.dma_semaphore, #tpu.memory_space<semaphore_mem>>) src(%arg17 : memref<48x144xf32, #tpu.memory_space<vmem>>) dst(%dma_wait3A_81 : memref<10112x144xf32, #tpu.memory_space<vmem_shared>>)
    %dma_wait3A_82 = arith.constant 0 : i32
    %dma_wait3A_83 = arith.constant 0 : i32
    %dma_wait3A_84 = tpu.memref_slice %arg10[%dma_wait3A_82, %dma_wait3A_83] : memref<10112x144xf32, #tpu.memory_space<vmem_shared>> -> memref<10112x144xf32, #tpu.memory_space<vmem_shared>>
    tpu.wait_indirect_dma semaphore(%arg26 : memref<!tpu.dma_semaphore, #tpu.memory_space<semaphore_mem>>) src(%arg22 : memref<48x144xf32, #tpu.memory_space<vmem>>) dst(%dma_wait3A_84 : memref<10112x144xf32, #tpu.memory_space<vmem_shared>>)
    %barrier3A_85 = arith.constant 0 : index
    tpu.barrier barrier_id(%barrier3A_85)
    "tpu.region"() ({
      %run_scoped3A = tpu.sem_alloc : memref<!tpu.dma_semaphore, #tpu.memory_space<semaphore_mem>>
      %dma_start3A_86 = arith.constant 0 : i32
      %dma_start3A_87 = tpu.memref_slice %arg9[%arg0, %mul3A_2, %dma_start3A_86] : memref<2x10112x144xf32, #tpu.memory_space<hbm>> -> memref<1x632x144xf32, #tpu.memory_space<hbm>>
      %dma_start3A_88 = tpu.memref_squeeze %dma_start3A_87 : memref<1x632x144xf32, #tpu.memory_space<hbm>> -> memref<632x144xf32, #tpu.memory_space<hbm>>
      %dma_start3A_89 = arith.constant 0 : i32
      %dma_start3A_90 = tpu.memref_slice %arg10[%mul3A_2, %dma_start3A_89] : memref<10112x144xf32, #tpu.memory_space<vmem_shared>> -> memref<632x144xf32, #tpu.memory_space<vmem_shared>>
      tpu.enqueue_dma source(%dma_start3A_90 : memref<632x144xf32, #tpu.memory_space<vmem_shared>>) target(%dma_start3A_88 : memref<632x144xf32, #tpu.memory_space<hbm>>) target_semaphore(%run_scoped3A : memref<!tpu.dma_semaphore, #tpu.memory_space<semaphore_mem>>)
      %dma_wait3A_91 = arith.constant 0 : i32
      %dma_wait3A_92 = tpu.memref_slice %arg9[%arg0, %mul3A_2, %dma_wait3A_91] : memref<2x10112x144xf32, #tpu.memory_space<hbm>> -> memref<1x632x144xf32, #tpu.memory_space<hbm>>
      %dma_wait3A_93 = tpu.memref_squeeze %dma_wait3A_92 : memref<1x632x144xf32, #tpu.memory_space<hbm>> -> memref<632x144xf32, #tpu.memory_space<hbm>>
      %dma_wait3A_94 = arith.constant 0 : i32
      %dma_wait3A_95 = tpu.memref_slice %arg10[%mul3A_2, %dma_wait3A_94] : memref<10112x144xf32, #tpu.memory_space<vmem_shared>> -> memref<632x144xf32, #tpu.memory_space<vmem_shared>>
      tpu.wait_dma2 semaphore(%run_scoped3A : memref<!tpu.dma_semaphore, #tpu.memory_space<semaphore_mem>>) src(%dma_wait3A_95 : memref<632x144xf32, #tpu.memory_space<vmem_shared>>) dst(%dma_wait3A_93 : memref<632x144xf32, #tpu.memory_space<hbm>>)
      tpu.yield
    }) : () -> ()
    return
  }
}

module attributes {stable_mosaic.version = 14 : i64} {
  func.func @_prologue_body(%arg0: i32, %arg1: memref<1000x128xf32, #tpu.memory_space<vmem>>, %arg2: memref<128x128xf32, #tpu.memory_space<vmem>>, %arg3: memref<1x128xf32, #tpu.memory_space<vmem>>, %arg4: memref<128x128xf32, #tpu.memory_space<vmem>>, %arg5: memref<128x128xf32, #tpu.memory_space<vmem>>, %arg6: memref<1x128xf32, #tpu.memory_space<vmem>>, %arg7: memref<1000x128xf32, #tpu.memory_space<vmem>>, %arg8: memref<1000x128xf32, #tpu.memory_space<vmem>>) attributes {dimension_semantics = [#tpu.dimension_semantics<arbitrary>], iteration_bounds = array<i64: 10>, scalar_prefetch = 0 : i64, scratch_operands = 0 : i64, tpu.core_type = #tpu.core_type<tc>, window_params = [{transform_indices = @transform_0, window_bounds = array<i64: 1000, 128>}, {pipeline_mode = #tpu.pipeline_mode<synchronous>, transform_indices = @transform_1, window_bounds = array<i64: 128, 128>}, {pipeline_mode = #tpu.pipeline_mode<synchronous>, transform_indices = @transform_2, window_bounds = array<i64: 1, 128>}, {pipeline_mode = #tpu.pipeline_mode<synchronous>, transform_indices = @transform_3, window_bounds = array<i64: 128, 128>}, {pipeline_mode = #tpu.pipeline_mode<synchronous>, transform_indices = @transform_4, window_bounds = array<i64: 128, 128>}, {pipeline_mode = #tpu.pipeline_mode<synchronous>, transform_indices = @transform_5, window_bounds = array<i64: 1, 128>}, {transform_indices = @transform_6, window_bounds = array<i64: 1000, 128>}, {transform_indices = @transform_7, window_bounds = array<i64: 1000, 128>}]} {
    %get3A = arith.constant 0 : index
    %get3A_0 = arith.constant 0 : index
    %get3A_1 = vector.load %arg1[%get3A, %get3A_0] : memref<1000x128xf32, #tpu.memory_space<vmem>>, vector<1000x128xf32>
    %get3A_2 = arith.constant 0 : index
    %get3A_3 = arith.constant 0 : index
    %get3A_4 = vector.load %arg2[%get3A_2, %get3A_3] : memref<128x128xf32, #tpu.memory_space<vmem>>, vector<128x128xf32>
    %dot_general3A = arith.constant dense<0.000000e+00> : vector<1000x128xf32>
    %dot_general3A_5 = tpu.matmul %get3A_1, %get3A_4, %dot_general3A {dimension_numbers = #tpu.dot_dimension_numbers<[1], [0], [0], [1], [0, 0, 1, 1], [], []>, transpose_lhs_hint = false} : vector<1000x128xf32>, vector<128x128xf32>, vector<1000x128xf32> -> vector<1000x128xf32>
    %get3A_6 = arith.constant 0 : index
    %get3A_7 = arith.constant 0 : index
    %get3A_8 = vector.load %arg3[%get3A_6, %get3A_7] : memref<1x128xf32, #tpu.memory_space<vmem>>, vector<1x128xf32>
    %add3A = vector.broadcast %get3A_8 : vector<1x128xf32> to vector<1000x128xf32>
    %add3A_9 = arith.addf %dot_general3A_5, %add3A : vector<1000x128xf32>
    %get3A_10 = arith.constant 0 : index
    %get3A_11 = arith.constant 0 : index
    %get3A_12 = vector.load %arg4[%get3A_10, %get3A_11] : memref<128x128xf32, #tpu.memory_space<vmem>>, vector<128x128xf32>
    %dot_general3A_13 = arith.constant dense<0.000000e+00> : vector<1000x128xf32>
    %dot_general3A_14 = tpu.matmul %add3A_9, %get3A_12, %dot_general3A_13 {dimension_numbers = #tpu.dot_dimension_numbers<[1], [0], [0], [1], [0, 0, 1, 1], [], []>, transpose_lhs_hint = false} : vector<1000x128xf32>, vector<128x128xf32>, vector<1000x128xf32> -> vector<1000x128xf32>
    %swap3A = arith.constant 0 : index
    %swap3A_15 = arith.constant 0 : index
    %swap3A_16 = vector.load %arg7[%swap3A, %swap3A_15] : memref<1000x128xf32, #tpu.memory_space<vmem>>, vector<1000x128xf32>
    tpu.vector_store %arg7[%swap3A, %swap3A_15], %dot_general3A_14 {strides = array<i32>} : memref<1000x128xf32, #tpu.memory_space<vmem>>, vector<1000x128xf32>,
    %get3A_17 = arith.constant 0 : index
    %get3A_18 = arith.constant 0 : index
    %get3A_19 = vector.load %arg5[%get3A_17, %get3A_18] : memref<128x128xf32, #tpu.memory_space<vmem>>, vector<128x128xf32>
    %dot_general3A_20 = arith.constant dense<0.000000e+00> : vector<1000x128xf32>
    %dot_general3A_21 = tpu.matmul %add3A_9, %get3A_19, %dot_general3A_20 {dimension_numbers = #tpu.dot_dimension_numbers<[1], [0], [0], [1], [0, 0, 1, 1], [], []>, transpose_lhs_hint = false} : vector<1000x128xf32>, vector<128x128xf32>, vector<1000x128xf32> -> vector<1000x128xf32>
    %get3A_22 = arith.constant 0 : index
    %get3A_23 = arith.constant 0 : index
    %get3A_24 = vector.load %arg6[%get3A_22, %get3A_23] : memref<1x128xf32, #tpu.memory_space<vmem>>, vector<1x128xf32>
    %mul3A = vector.broadcast %get3A_24 : vector<1x128xf32> to vector<1000x128xf32>
    %mul3A_25 = arith.mulf %dot_general3A_21, %mul3A : vector<1000x128xf32>
    %swap3A_26 = arith.constant 0 : index
    %swap3A_27 = arith.constant 0 : index
    %swap3A_28 = vector.load %arg8[%swap3A_26, %swap3A_27] : memref<1000x128xf32, #tpu.memory_space<vmem>>, vector<1000x128xf32>
    tpu.vector_store %arg8[%swap3A_26, %swap3A_27], %mul3A_25 {strides = array<i32>} : memref<1000x128xf32, #tpu.memory_space<vmem>>, vector<1000x128xf32>,
    return
  }
  func.func @transform_0(%arg0: i32) -> (i32, i32) {
    %c0_i32 = arith.constant 0 : i32
    %c0_i32_0 = arith.constant 0 : i32
    return %arg0, %c0_i32 : i32, i32
  }
  func.func @transform_1(%arg0: i32) -> (i32, i32) {
    %c0_i32 = arith.constant 0 : i32
    %c0_i32_0 = arith.constant 0 : i32
    %c0_i32_1 = arith.constant 0 : i32
    return %c0_i32, %c0_i32_0 : i32, i32
  }
  func.func @transform_2(%arg0: i32) -> (i32, i32) {
    %c0_i32 = arith.constant 0 : i32
    %c0_i32_0 = arith.constant 0 : i32
    %c0_i32_1 = arith.constant 0 : i32
    return %c0_i32, %c0_i32_0 : i32, i32
  }
  func.func @transform_3(%arg0: i32) -> (i32, i32) {
    %c0_i32 = arith.constant 0 : i32
    %c0_i32_0 = arith.constant 0 : i32
    %c0_i32_1 = arith.constant 0 : i32
    return %c0_i32, %c0_i32_0 : i32, i32
  }
  func.func @transform_4(%arg0: i32) -> (i32, i32) {
    %c0_i32 = arith.constant 0 : i32
    %c0_i32_0 = arith.constant 0 : i32
    %c0_i32_1 = arith.constant 0 : i32
    return %c0_i32, %c0_i32_0 : i32, i32
  }
  func.func @transform_5(%arg0: i32) -> (i32, i32) {
    %c0_i32 = arith.constant 0 : i32
    %c0_i32_0 = arith.constant 0 : i32
    %c0_i32_1 = arith.constant 0 : i32
    return %c0_i32, %c0_i32_0 : i32, i32
  }
  func.func @transform_6(%arg0: i32) -> (i32, i32) {
    %c0_i32 = arith.constant 0 : i32
    %c0_i32_0 = arith.constant 0 : i32
    return %arg0, %c0_i32 : i32, i32
  }
  func.func @transform_7(%arg0: i32) -> (i32, i32) {
    %c0_i32 = arith.constant 0 : i32
    %c0_i32_0 = arith.constant 0 : i32
    return %arg0, %c0_i32 : i32, i32
  }
}

module attributes {stable_mosaic.version = 14 : i64} {
  func.func @_mid_body(%arg0: i32, %arg1: memref<2x1000x144xf32, #tpu.memory_space<vmem>>, %arg2: memref<16x128xf32, #tpu.memory_space<vmem>>, %arg3: memref<1x128xf32, #tpu.memory_space<vmem>>, %arg4: memref<128x128xf32, #tpu.memory_space<vmem>>, %arg5: memref<128x128xf32, #tpu.memory_space<vmem>>, %arg6: memref<1x128xf32, #tpu.memory_space<vmem>>, %arg7: memref<1000x128xf32, #tpu.memory_space<vmem>>, %arg8: memref<1000x128xf32, #tpu.memory_space<vmem>>) attributes {dimension_semantics = [#tpu.dimension_semantics<arbitrary>], iteration_bounds = array<i64: 10>, scalar_prefetch = 0 : i64, scratch_operands = 0 : i64, tpu.core_type = #tpu.core_type<tc>, window_params = [{transform_indices = @transform_0, window_bounds = array<i64: 2, 1000, 144>}, {pipeline_mode = #tpu.pipeline_mode<synchronous>, transform_indices = @transform_1, window_bounds = array<i64: 16, 128>}, {pipeline_mode = #tpu.pipeline_mode<synchronous>, transform_indices = @transform_2, window_bounds = array<i64: 1, 128>}, {pipeline_mode = #tpu.pipeline_mode<synchronous>, transform_indices = @transform_3, window_bounds = array<i64: 128, 128>}, {pipeline_mode = #tpu.pipeline_mode<synchronous>, transform_indices = @transform_4, window_bounds = array<i64: 128, 128>}, {pipeline_mode = #tpu.pipeline_mode<synchronous>, transform_indices = @transform_5, window_bounds = array<i64: 1, 128>}, {transform_indices = @transform_6, window_bounds = array<i64: 1000, 128>}, {transform_indices = @transform_7, window_bounds = array<i64: 1000, 128>}]} {
    %get3A = arith.constant 0 : index
    %get3A_0 = arith.constant 0 : index
    %get3A_1 = arith.constant 0 : index
    %get3A_2 = vector.load %arg1[%get3A, %get3A_0, %get3A_1] : memref<2x1000x144xf32, #tpu.memory_space<vmem>>, vector<1x1000x144xf32>
    %get3A_3 = vector.shape_cast %get3A_2 : vector<1x1000x144xf32> to vector<1000x144xf32>
    %get3A_4 = arith.constant 1 : index
    %get3A_5 = arith.constant 0 : index
    %get3A_6 = arith.constant 0 : index
    %get3A_7 = vector.load %arg1[%get3A_4, %get3A_5, %get3A_6] : memref<2x1000x144xf32, #tpu.memory_space<vmem>>, vector<1x1000x144xf32>
    %get3A_8 = vector.shape_cast %get3A_7 : vector<1x1000x144xf32> to vector<1000x144xf32>
    %add3A = arith.addf %get3A_3, %get3A_8 : vector<1000x144xf32>
    %slice3A = vector.extract_strided_slice %add3A {offsets = [0, 0], sizes = [1000, 128], strides = [1, 1]} : vector<1000x144xf32> to vector<1000x128xf32>
    %slice3A_9 = vector.extract_strided_slice %add3A {offsets = [0, 128], sizes = [1000, 16], strides = [1, 1]} : vector<1000x144xf32> to vector<1000x16xf32>
    %get3A_10 = arith.constant 0 : index
    %get3A_11 = arith.constant 0 : index
    %get3A_12 = vector.load %arg2[%get3A_10, %get3A_11] : memref<16x128xf32, #tpu.memory_space<vmem>>, vector<16x128xf32>
    %dot_general3A = arith.constant dense<0.000000e+00> : vector<1000x128xf32>
    %dot_general3A_13 = tpu.matmul %slice3A_9, %get3A_12, %dot_general3A {dimension_numbers = #tpu.dot_dimension_numbers<[1], [0], [0], [1], [0, 0, 1, 1], [], []>, transpose_lhs_hint = false} : vector<1000x16xf32>, vector<16x128xf32>, vector<1000x128xf32> -> vector<1000x128xf32>
    %add3A_14 = arith.constant 1.000000e-16 : f32
    %add3A_15 = vector.broadcast %add3A_14 : f32 to vector<1000x128xf32>
    %add3A_16 = arith.addf %dot_general3A_13, %add3A_15 : vector<1000x128xf32>
    %div3A = arith.divf %slice3A, %add3A_16 : vector<1000x128xf32>
    %get3A_17 = arith.constant 0 : index
    %get3A_18 = arith.constant 0 : index
    %get3A_19 = vector.load %arg3[%get3A_17, %get3A_18] : memref<1x128xf32, #tpu.memory_space<vmem>>, vector<1x128xf32>
    %add3A_20 = vector.broadcast %get3A_19 : vector<1x128xf32> to vector<1000x128xf32>
    %add3A_21 = arith.addf %div3A, %add3A_20 : vector<1000x128xf32>
    %gt3A = arith.constant 0.000000e+00 : f32
    %gt3A_22 = vector.broadcast %gt3A : f32 to vector<1000x128xf32>
    %gt3A_23 = arith.cmpf ogt, %add3A_21, %gt3A_22 : vector<1000x128xf32>
    %min3A = arith.constant 0.000000e+00 : f32
    %min3A_24 = vector.broadcast %min3A : f32 to vector<1000x128xf32>
    %min3A_25 = arith.minimumf %add3A_21, %min3A_24 : vector<1000x128xf32>
    %exp3A = math.exp %min3A_25 : vector<1000x128xf32>
    %sub3A = arith.constant 1.000000e+00 : f32
    %sub3A_26 = vector.broadcast %sub3A : f32 to vector<1000x128xf32>
    %sub3A_27 = arith.subf %exp3A, %sub3A_26 : vector<1000x128xf32>
    %select_n3A = arith.select %gt3A_23, %add3A_21, %sub3A_27 : vector<1000x128xi1>, vector<1000x128xf32>
    %get3A_28 = arith.constant 0 : index
    %get3A_29 = arith.constant 0 : index
    %get3A_30 = vector.load %arg4[%get3A_28, %get3A_29] : memref<128x128xf32, #tpu.memory_space<vmem>>, vector<128x128xf32>
    %dot_general3A_31 = arith.constant dense<0.000000e+00> : vector<1000x128xf32>
    %dot_general3A_32 = tpu.matmul %select_n3A, %get3A_30, %dot_general3A_31 {dimension_numbers = #tpu.dot_dimension_numbers<[1], [0], [0], [1], [0, 0, 1, 1], [], []>, transpose_lhs_hint = false} : vector<1000x128xf32>, vector<128x128xf32>, vector<1000x128xf32> -> vector<1000x128xf32>
    %swap3A = arith.constant 0 : index
    %swap3A_33 = arith.constant 0 : index
    %swap3A_34 = vector.load %arg7[%swap3A, %swap3A_33] : memref<1000x128xf32, #tpu.memory_space<vmem>>, vector<1000x128xf32>
    tpu.vector_store %arg7[%swap3A, %swap3A_33], %dot_general3A_32 {strides = array<i32>} : memref<1000x128xf32, #tpu.memory_space<vmem>>, vector<1000x128xf32>,
    %get3A_35 = arith.constant 0 : index
    %get3A_36 = arith.constant 0 : index
    %get3A_37 = vector.load %arg5[%get3A_35, %get3A_36] : memref<128x128xf32, #tpu.memory_space<vmem>>, vector<128x128xf32>
    %dot_general3A_38 = arith.constant dense<0.000000e+00> : vector<1000x128xf32>
    %dot_general3A_39 = tpu.matmul %select_n3A, %get3A_37, %dot_general3A_38 {dimension_numbers = #tpu.dot_dimension_numbers<[1], [0], [0], [1], [0, 0, 1, 1], [], []>, transpose_lhs_hint = false} : vector<1000x128xf32>, vector<128x128xf32>, vector<1000x128xf32> -> vector<1000x128xf32>
    %get3A_40 = arith.constant 0 : index
    %get3A_41 = arith.constant 0 : index
    %get3A_42 = vector.load %arg6[%get3A_40, %get3A_41] : memref<1x128xf32, #tpu.memory_space<vmem>>, vector<1x128xf32>
    %mul3A = vector.broadcast %get3A_42 : vector<1x128xf32> to vector<1000x128xf32>
    %mul3A_43 = arith.mulf %dot_general3A_39, %mul3A : vector<1000x128xf32>
    %swap3A_44 = arith.constant 0 : index
    %swap3A_45 = arith.constant 0 : index
    %swap3A_46 = vector.load %arg8[%swap3A_44, %swap3A_45] : memref<1000x128xf32, #tpu.memory_space<vmem>>, vector<1000x128xf32>
    tpu.vector_store %arg8[%swap3A_44, %swap3A_45], %mul3A_43 {strides = array<i32>} : memref<1000x128xf32, #tpu.memory_space<vmem>>, vector<1000x128xf32>,
    return
  }
  func.func @transform_0(%arg0: i32) -> (i32, i32, i32) {
    %c0_i32 = arith.constant 0 : i32
    %c0_i32_0 = arith.constant 0 : i32
    %c0_i32_1 = arith.constant 0 : i32
    return %c0_i32, %arg0, %c0_i32_0 : i32, i32, i32
  }
  func.func @transform_1(%arg0: i32) -> (i32, i32) {
    %c0_i32 = arith.constant 0 : i32
    %c0_i32_0 = arith.constant 0 : i32
    %c0_i32_1 = arith.constant 0 : i32
    return %c0_i32, %c0_i32_0 : i32, i32
  }
  func.func @transform_2(%arg0: i32) -> (i32, i32) {
    %c0_i32 = arith.constant 0 : i32
    %c0_i32_0 = arith.constant 0 : i32
    %c0_i32_1 = arith.constant 0 : i32
    return %c0_i32, %c0_i32_0 : i32, i32
  }
  func.func @transform_3(%arg0: i32) -> (i32, i32) {
    %c0_i32 = arith.constant 0 : i32
    %c0_i32_0 = arith.constant 0 : i32
    %c0_i32_1 = arith.constant 0 : i32
    return %c0_i32, %c0_i32_0 : i32, i32
  }
  func.func @transform_4(%arg0: i32) -> (i32, i32) {
    %c0_i32 = arith.constant 0 : i32
    %c0_i32_0 = arith.constant 0 : i32
    %c0_i32_1 = arith.constant 0 : i32
    return %c0_i32, %c0_i32_0 : i32, i32
  }
  func.func @transform_5(%arg0: i32) -> (i32, i32) {
    %c0_i32 = arith.constant 0 : i32
    %c0_i32_0 = arith.constant 0 : i32
    %c0_i32_1 = arith.constant 0 : i32
    return %c0_i32, %c0_i32_0 : i32, i32
  }
  func.func @transform_6(%arg0: i32) -> (i32, i32) {
    %c0_i32 = arith.constant 0 : i32
    %c0_i32_0 = arith.constant 0 : i32
    return %arg0, %c0_i32 : i32, i32
  }
  func.func @transform_7(%arg0: i32) -> (i32, i32) {
    %c0_i32 = arith.constant 0 : i32
    %c0_i32_0 = arith.constant 0 : i32
    return %arg0, %c0_i32 : i32, i32
  }
}

module attributes {stable_mosaic.version = 14 : i64} {
  func.func @_epilogue_body(%arg0: i32, %arg1: memref<2x1000x144xf32, #tpu.memory_space<vmem>>, %arg2: memref<16x128xf32, #tpu.memory_space<vmem>>, %arg3: memref<1x128xf32, #tpu.memory_space<vmem>>, %arg4: memref<128x64xf32, #tpu.memory_space<vmem>>, %arg5: memref<1x64xf32, #tpu.memory_space<vmem>>, %arg6: memref<1000x64xf32, #tpu.memory_space<vmem>>) attributes {dimension_semantics = [#tpu.dimension_semantics<arbitrary>], iteration_bounds = array<i64: 10>, scalar_prefetch = 0 : i64, scratch_operands = 0 : i64, tpu.core_type = #tpu.core_type<tc>, window_params = [{transform_indices = @transform_0, window_bounds = array<i64: 2, 1000, 144>}, {pipeline_mode = #tpu.pipeline_mode<synchronous>, transform_indices = @transform_1, window_bounds = array<i64: 16, 128>}, {pipeline_mode = #tpu.pipeline_mode<synchronous>, transform_indices = @transform_2, window_bounds = array<i64: 1, 128>}, {pipeline_mode = #tpu.pipeline_mode<synchronous>, transform_indices = @transform_3, window_bounds = array<i64: 128, 64>}, {pipeline_mode = #tpu.pipeline_mode<synchronous>, transform_indices = @transform_4, window_bounds = array<i64: 1, 64>}, {transform_indices = @transform_5, window_bounds = array<i64: 1000, 64>}]} {
    %get3A = arith.constant 0 : index
    %get3A_0 = arith.constant 0 : index
    %get3A_1 = arith.constant 0 : index
    %get3A_2 = vector.load %arg1[%get3A, %get3A_0, %get3A_1] : memref<2x1000x144xf32, #tpu.memory_space<vmem>>, vector<1x1000x144xf32>
    %get3A_3 = vector.shape_cast %get3A_2 : vector<1x1000x144xf32> to vector<1000x144xf32>
    %get3A_4 = arith.constant 1 : index
    %get3A_5 = arith.constant 0 : index
    %get3A_6 = arith.constant 0 : index
    %get3A_7 = vector.load %arg1[%get3A_4, %get3A_5, %get3A_6] : memref<2x1000x144xf32, #tpu.memory_space<vmem>>, vector<1x1000x144xf32>
    %get3A_8 = vector.shape_cast %get3A_7 : vector<1x1000x144xf32> to vector<1000x144xf32>
    %add3A = arith.addf %get3A_3, %get3A_8 : vector<1000x144xf32>
    %slice3A = vector.extract_strided_slice %add3A {offsets = [0, 0], sizes = [1000, 128], strides = [1, 1]} : vector<1000x144xf32> to vector<1000x128xf32>
    %slice3A_9 = vector.extract_strided_slice %add3A {offsets = [0, 128], sizes = [1000, 16], strides = [1, 1]} : vector<1000x144xf32> to vector<1000x16xf32>
    %get3A_10 = arith.constant 0 : index
    %get3A_11 = arith.constant 0 : index
    %get3A_12 = vector.load %arg2[%get3A_10, %get3A_11] : memref<16x128xf32, #tpu.memory_space<vmem>>, vector<16x128xf32>
    %dot_general3A = arith.constant dense<0.000000e+00> : vector<1000x128xf32>
    %dot_general3A_13 = tpu.matmul %slice3A_9, %get3A_12, %dot_general3A {dimension_numbers = #tpu.dot_dimension_numbers<[1], [0], [0], [1], [0, 0, 1, 1], [], []>, transpose_lhs_hint = false} : vector<1000x16xf32>, vector<16x128xf32>, vector<1000x128xf32> -> vector<1000x128xf32>
    %add3A_14 = arith.constant 1.000000e-16 : f32
    %add3A_15 = vector.broadcast %add3A_14 : f32 to vector<1000x128xf32>
    %add3A_16 = arith.addf %dot_general3A_13, %add3A_15 : vector<1000x128xf32>
    %div3A = arith.divf %slice3A, %add3A_16 : vector<1000x128xf32>
    %get3A_17 = arith.constant 0 : index
    %get3A_18 = arith.constant 0 : index
    %get3A_19 = vector.load %arg3[%get3A_17, %get3A_18] : memref<1x128xf32, #tpu.memory_space<vmem>>, vector<1x128xf32>
    %add3A_20 = vector.broadcast %get3A_19 : vector<1x128xf32> to vector<1000x128xf32>
    %add3A_21 = arith.addf %div3A, %add3A_20 : vector<1000x128xf32>
    %gt3A = arith.constant 0.000000e+00 : f32
    %gt3A_22 = vector.broadcast %gt3A : f32 to vector<1000x128xf32>
    %gt3A_23 = arith.cmpf ogt, %add3A_21, %gt3A_22 : vector<1000x128xf32>
    %min3A = arith.constant 0.000000e+00 : f32
    %min3A_24 = vector.broadcast %min3A : f32 to vector<1000x128xf32>
    %min3A_25 = arith.minimumf %add3A_21, %min3A_24 : vector<1000x128xf32>
    %exp3A = math.exp %min3A_25 : vector<1000x128xf32>
    %sub3A = arith.constant 1.000000e+00 : f32
    %sub3A_26 = vector.broadcast %sub3A : f32 to vector<1000x128xf32>
    %sub3A_27 = arith.subf %exp3A, %sub3A_26 : vector<1000x128xf32>
    %select_n3A = arith.select %gt3A_23, %add3A_21, %sub3A_27 : vector<1000x128xi1>, vector<1000x128xf32>
    %get3A_28 = arith.constant 0 : index
    %get3A_29 = arith.constant 0 : index
    %get3A_30 = vector.load %arg4[%get3A_28, %get3A_29] : memref<128x64xf32, #tpu.memory_space<vmem>>, vector<128x64xf32>
    %dot_general3A_31 = arith.constant dense<0.000000e+00> : vector<1000x64xf32>
    %dot_general3A_32 = tpu.matmul %select_n3A, %get3A_30, %dot_general3A_31 {dimension_numbers = #tpu.dot_dimension_numbers<[1], [0], [0], [1], [0, 0, 1, 1], [], []>, transpose_lhs_hint = false} : vector<1000x128xf32>, vector<128x64xf32>, vector<1000x64xf32> -> vector<1000x64xf32>
    %get3A_33 = arith.constant 0 : index
    %get3A_34 = arith.constant 0 : index
    %get3A_35 = vector.load %arg5[%get3A_33, %get3A_34] : memref<1x64xf32, #tpu.memory_space<vmem>>, vector<1x64xf32>
    %add3A_36 = vector.broadcast %get3A_35 : vector<1x64xf32> to vector<1000x64xf32>
    %add3A_37 = arith.addf %dot_general3A_32, %add3A_36 : vector<1000x64xf32>
    %reduce_max3A = arith.constant dense<0xFF800000> : vector<1000xf32>
    %reduce_max3A_38 = vector.multi_reduction <maximumf>, %add3A_37, %reduce_max3A [1] : vector<1000x64xf32> to vector<1000xf32>
    %broadcast_in_dim3A = vector.shape_cast %reduce_max3A_38 : vector<1000xf32> to vector<1000x1xf32>
    %sub3A_39 = vector.broadcast %broadcast_in_dim3A : vector<1000x1xf32> to vector<1000x64xf32>
    %sub3A_40 = arith.subf %add3A_37, %sub3A_39 : vector<1000x64xf32>
    %exp3A_41 = math.exp %sub3A_40 : vector<1000x64xf32>
    %reduce_sum3A = arith.constant dense<0.000000e+00> : vector<1000xf32>
    %reduce_sum3A_42 = vector.multi_reduction <add>, %exp3A_41, %reduce_sum3A [1] : vector<1000x64xf32> to vector<1000xf32>
    %broadcast_in_dim3A_43 = vector.shape_cast %reduce_sum3A_42 : vector<1000xf32> to vector<1000x1xf32>
    %log3A = math.log %broadcast_in_dim3A_43 : vector<1000x1xf32>
    %sub3A_44 = vector.broadcast %log3A : vector<1000x1xf32> to vector<1000x64xf32>
    %sub3A_45 = arith.subf %sub3A_40, %sub3A_44 : vector<1000x64xf32>
    %swap3A = arith.constant 0 : index
    %swap3A_46 = arith.constant 0 : index
    %swap3A_47 = vector.load %arg6[%swap3A, %swap3A_46] : memref<1000x64xf32, #tpu.memory_space<vmem>>, vector<1000x64xf32>
    tpu.vector_store %arg6[%swap3A, %swap3A_46], %sub3A_45 {strides = array<i32>} : memref<1000x64xf32, #tpu.memory_space<vmem>>, vector<1000x64xf32>,
    return
  }
  func.func @transform_0(%arg0: i32) -> (i32, i32, i32) {
    %c0_i32 = arith.constant 0 : i32
    %c0_i32_0 = arith.constant 0 : i32
    %c0_i32_1 = arith.constant 0 : i32
    return %c0_i32, %arg0, %c0_i32_0 : i32, i32, i32
  }
  func.func @transform_1(%arg0: i32) -> (i32, i32) {
    %c0_i32 = arith.constant 0 : i32
    %c0_i32_0 = arith.constant 0 : i32
    %c0_i32_1 = arith.constant 0 : i32
    return %c0_i32, %c0_i32_0 : i32, i32
  }
  func.func @transform_2(%arg0: i32) -> (i32, i32) {
    %c0_i32 = arith.constant 0 : i32
    %c0_i32_0 = arith.constant 0 : i32
    %c0_i32_1 = arith.constant 0 : i32
    return %c0_i32, %c0_i32_0 : i32, i32
  }
  func.func @transform_3(%arg0: i32) -> (i32, i32) {
    %c0_i32 = arith.constant 0 : i32
    %c0_i32_0 = arith.constant 0 : i32
    %c0_i32_1 = arith.constant 0 : i32
    return %c0_i32, %c0_i32_0 : i32, i32
  }
  func.func @transform_4(%arg0: i32) -> (i32, i32) {
    %c0_i32 = arith.constant 0 : i32
    %c0_i32_0 = arith.constant 0 : i32
    %c0_i32_1 = arith.constant 0 : i32
    return %c0_i32, %c0_i32_0 : i32, i32
  }
  func.func @transform_5(%arg0: i32) -> (i32, i32) {
    %c0_i32 = arith.constant 0 : i32
    %c0_i32_0 = arith.constant 0 : i32
    return %arg0, %c0_i32 : i32, i32
  }
}

</mosaic_0001>

<sc_bundles>
// kernel: kernel.10.cloned.1.call-start
scs
__scs_entry_jumppad:
0x0: {  	(pc) =	sbr.rel $0x88, $3  }
0x1: {  	(tag) =	ssettag $0x0;
	lr =	simm.s32 $0x1  }
0x2: {  	[smem:$0x3F93] =	sst lr;
	_ =	strace $0xD0000000  }
0x3: {  	_ = 	snop  }
0x4: {  	_ = 	snop  }
0x5: {  	_ = 	snop  }
0x6: {  	_ = 	snop  }
0x7: {  	_ = 	snop  }
__scs_overlays_trampoline_lowered:
0x8: {  	[smem:$0x3FA2] =	sst s0  }
0x9: {  	[smem:$0x3FA3] =	sst s1  }
0xa: {  	[smem:$0x3FA4] =	sst s2  }
0xb: {  	[smem:$0x3FA5] =	sst s3  }
0xc: {  	[smem:$0x3FA6] =	sst s4  }
0xd: {  	[smem:$0x3FA7] =	sst s5  }
0xe: {  	[smem:$0x3FA8] =	sst s6  }
0xf: {  	[smem:$0x3FA9] =	sst s7  }
0x10: {  	[smem:$0x3FAA] =	sst s8  }
0x11: {  	[smem:$0x3FAB] =	sst s9;
	s0 =	simm.s32 @!p0 $0x0  }
0x12: {  	s1 =	sld [smem:$0x3F91];
	s0 =	simm.s32 @p0 $0x1  }
0x13: {  	[smem:$0x3FAC] =	sst s0;
	s0 =	simm.s32 @!p1 $0x0  }
0x14: {  	s2 =	sld [smem:$0x3F90];
	s0 =	simm.s32 @p1 $0x1  }
0x15: {  	[smem:$0x3FAD] =	sst s0;
	s0 =	simm.s32 @!p2 $0x0  }
0x16: {  	s3 =	sld [smem:$0x3FDB];
	s0 =	simm.s32 @p2 $0x1  }
0x17: {  	s4 =	simm.s32 $0x1BF5;
	[smem:$0x3FAF] =	sst s0  }
0x18: {  	s0 =	sld [smem:$0x3F92];
	_ =	swait.ge [sflag:s4], $0x0  }
0x19: {  	s7 =	sld [smem:$0x3F93]  }
0x1a: {  	s8 =	sadd.s32 $0xFFFFE003, lr  }
0x1b: {  	s9 =	sadd.s32 $0xFFFFFEF7, lr;
	s5 =	simm.s32 $0xFFFFFFFF;
	p2 =	slt.u32 s8, $0xFFFFF086  }
0x1c: {  	p1 =	slt.u32 s9, $0xF7A;
	s5 =	simm.s32 @!p2 $0x0  }
0x1d: {  	s5 =	simm.s32 @p1 $0x1;
	p0 =	seq.s32 s7, s2  }
0x1e: {  	s7 =	smul.u32 @!p0 $0xF7A, s2;
	p2 =	seq.s32 @!p0 s5, $0x0  }
0x1f: {  	s9 =	smul.u32 $0xF7A, s1;
	s8 =	simm.s32 @!p0 $0x1BF5;
	p2 =	por !p2, p0  }
0x20: {  	[sflag:s8] =	ssyncset.s32 @!p0 $0xFFFFF086;
	s6 =	sadd.s32 @!p0 s3, s7;
	s7 =	simm.s32 @!p0 $0x108  }
0x21: {  	s3 =	sadd.s32 s3, s9;
	s6 =	sadd.s32 @!p0 $0x88, s6;
	s7 =	simm.s32 @p2 $0x1082  }
0x22: {  	[simem:s7], [sflag:s8] =	dma.local @!p0 [hbm:s6], $0xF7A  }
0x23: {  	s9 =	sor.u32 $0xD0000000, s2;
	s6 =	simm.s32 $0x108;
	_ =	swait.ge @!p0 [sflag:s8], $0x0  }
0x24: {  	s3 =	sadd.s32 $0x88, s3;
	s6 =	simm.s32 @!p1 $0x1082;
	[sflag:s4] =	ssyncset.s32 $0xFFFFF086  }
0x25: {  	[simem:s6], [sflag:s4] =	dma.local [hbm:s3], $0xF7A  }
0x26: {  	[smem:$0x3F93] =	sst s1;
	(tag) =	ssettag s2;
	_ =	strace s9  }
0x27: {  	s1 =	sld [smem:$0x3FA3]  }
0x28: {  	s2 =	sld [smem:$0x3FA4]  }
0x29: {  	s4 =	sld [smem:$0x3FA6]  }
0x2a: {  	p0 =	seq.s32 s5, $0x0;
	s5 =	sld [smem:$0x3FA7]  }
0x2b: {  	s6 =	sld [smem:$0x3FA8]  }
0x2c: {  	s7 =	sld [smem:$0x3FA9]  }
0x2d: {  	s3 =	simm.s32 $0x108;
	s8 =	sld [smem:$0x3FAA]  }
0x2e: {  	s3 =	simm.s32 @!p0 $0x1082;
	s9 =	sld [smem:$0x3FAB]  }
0x2f: {  	lr =	sadd.s32 s0, s3;
	s0 =	sld [smem:$0x3FA2]  }
0x30: {  	s3 =	sld [smem:$0x3FA5]  }
0x31: {  	[smem:$0x3FAE] =	sst s10  }
0x32: {  	s10 =	sld [smem:$0x3FAC];
	_ =	sdelay $0x3  }
0x33: {  	p0 =	seq.s32 s10, $0x1;
	s10 =	sld [smem:$0x3FAE];
	_ =	sdelay $0x3  }
0x34: {  	[smem:$0x3FAE] =	sst s10  }
0x35: {  	s10 =	sld [smem:$0x3FAD];
	_ =	sdelay $0x3  }
0x36: {  	p1 =	seq.s32 s10, $0x1;
	s10 =	sld [smem:$0x3FAE];
	_ =	sdelay $0x3  }
0x37: {  	[smem:$0x3FAE] =	sst s10  }
0x38: {  	s10 =	sld [smem:$0x3FAF]  }
0x39: {  	_ = 	snop;
	(pc) =	sbr.ind lr, $3  }
0x3a: {  	_ = 	snop  }
0x3b: {  	_ = 	snop  }
0x3c: {  	p2 =	seq.s32 s10, $0x1;
	s10 =	sld [smem:$0x3FAE]  }
0x3d: {  	_ =	shalt  }
0x3e: {  	_ =	shalt  }
0x3f: {  	_ =	shalt  }
0x40: {  	_ =	shalt  }
0x41: {  	_ =	shalt  }
0x42: {  	_ =	shalt  }
0x43: {  	_ =	shalt  }
0x44: {  	_ =	shalt  }
0x45: {  	_ =	shalt  }
0x46: {  	_ =	shalt  }
0x47: {  	_ =	shalt  }
0x48: {  	_ =	shalt  }
0x49: {  	_ =	shalt  }
0x4a: {  	_ =	shalt  }
0x4b: {  	_ =	shalt  }
0x4c: {  	_ =	shalt  }
0x4d: {  	_ =	shalt  }
0x4e: {  	_ =	shalt  }
0x4f: {  	_ =	shalt  }
0x50: {  	_ =	shalt  }
0x51: {  	_ =	shalt  }
0x52: {  	_ =	shalt  }
0x53: {  	_ =	shalt  }
0x54: {  	_ =	shalt  }
0x55: {  	_ =	shalt  }
0x56: {  	_ =	shalt  }
0x57: {  	_ =	shalt  }
0x58: {  	_ =	shalt  }
0x59: {  	_ =	shalt  }
0x5a: {  	_ =	shalt  }
0x5b: {  	_ =	shalt  }
0x5c: {  	_ =	shalt  }
0x5d: {  	_ =	shalt  }
0x5e: {  	_ =	shalt  }
0x5f: {  	_ =	shalt  }
0x60: {  	_ =	shalt  }
0x61: {  	_ =	shalt  }
0x62: {  	_ =	shalt  }
0x63: {  	_ =	shalt  }
0x64: {  	_ =	shalt  }
0x65: {  	_ =	shalt  }
0x66: {  	_ =	shalt  }
0x67: {  	_ =	shalt  }
0x68: {  	_ =	shalt  }
0x69: {  	_ =	shalt  }
0x6a: {  	_ =	shalt  }
0x6b: {  	_ =	shalt  }
0x6c: {  	_ =	shalt  }
0x6d: {  	_ =	shalt  }
0x6e: {  	_ =	shalt  }
0x6f: {  	_ =	shalt  }
0x70: {  	_ =	shalt  }
0x71: {  	_ =	shalt  }
0x72: {  	_ =	shalt  }
0x73: {  	_ =	shalt  }
0x74: {  	_ =	shalt  }
0x75: {  	_ =	shalt  }
0x76: {  	_ =	shalt  }
0x77: {  	_ =	shalt  }
0x78: {  	_ =	shalt  }
0x79: {  	_ =	shalt  }
0x7a: {  	_ =	shalt  }
0x7b: {  	_ =	shalt  }
0x7c: {  	_ =	shalt  }
0x7d: {  	_ =	shalt  }
0x7e: {  	_ =	shalt  }
0x7f: {  	_ =	shalt  }
0x80: {  	_ =	shalt  }
0x81: {  	_ =	shalt  }
0x82: {  	_ =	shalt  }
0x83: {  	_ =	shalt  }
0x84: {  	_ =	shalt  }
0x85: {  	_ =	shalt  }
0x86: {  	_ =	shalt  }
0x87: {  	_ =	shalt  }
.Lfunc_end0:
.L_simem_size_0:
called_computation.1_lowered:
.L_overlay_start_0:
0x88: {  	s2 =	sld [smem:$0x3FD9]  }
0x89: {  	s3 =	sld [smem:$0x3FFE];
	_ =	sdelay $0x1  }
0x8a: {  	s1 =	srdreg.scid  }
0x8b: {  	s0 =	sand.u32 $0x1, s1  }
0x8c: {  	s17 =	sshll.u32 s0, $0xA;
	s2 =	sadd.s32 s3, s2  }
0x8d: {  	s2 =	sadd.s32 s2, s17  }
0x8e: {  	[smem:$0x3FBA] =	sst s2  }
0x8f: {  	_ = 	snop  }
0x90: {  	s2 =	sld [smem:$0x3FD0];
	(tm) =	ssettm $0x1  }
0x91: {  	s18 =	sld [smem:$0x3FFB];
	_ =	sdelay $0x3  }
0x92: {  	_ =	strace s18  }
0x93: {  	s3 =	sld [smem:$0x3FFC];
	_ =	sdelay $0x3  }
0x94: {  	_ =	strace s3  }
0x95: {  	s3 =	sld [smem:$0x3FFD];
	_ =	sdelay $0x3  }
0x96: {  	_ =	strace s3  }
0x97: {  	_ =	strace $0x8FFFFFFF  }
0x98: {  	s19 =	sld [smem:$0x3FDB];
	_ =	sdelay $0x1  }
0x99: {  	s4 =	simm.s32 $_scs_section_size  }
0x9a: {  	s5 =	simm.s32 $_size__tile_overlayer_lowered;
	s6 =	simm.s32 $_tile_overlayer_lowered  }
0x9b: {  	s22 =	simm.s32 $0x1BFF;
	s21 =	sshll.u32 s6, $0x1;
	s3 =	sadd.s32 s4, s19  }
0x9c: {  	s7 =	simm.s32 $0x0;
	s20 =	sshll.u32 s5, $0x1;
	s5 =	sadd.s32 s21, s3  }
0x9d: {  	[timem:s7], [sflag:s22] =	dma.local [hbm:s5], s20  }
0x9e: {  	_ =	swait.ge [sflag:s22], s20  }
0x9f: {  	s4 =	ssub.s32 $0x0, s20;
	[sflag:s22] =	ssyncset.done $0x0  }
0xa0: {  	[sflag:s22] =	ssyncadd.s32 s4;
	_ =	sdelay $0x1  }
0xa1: {  	s23 =	simm.s32 $0x1B8B  }
0xa2: {  	_ =	swait.ge [sflag:s23], $0x1  }
0xa3: {  	[sflag:s23] =	ssyncset.done $0x0  }
0xa4: {  	s25 =	simm.s32 $0x1B8E;
	s24 =	sld [smem:$0x3FFE];
	[sflag:s23] =	ssyncadd.s32 $0xFFFFFFFF  }
0xa5: {  	s26 =	simm.s32 $execute0_lowered;
	[smem:$0x3FD2] =	sst s25  }
0xa6: {  	s5 =	sshll.u32 s26, $0x1;
	_ =	strace $0x80000049;
	[dreg:$0x1] =	wrdreg $0xFFFFFFFF  }
0xa7: {  	s28 =	simm.s32 $_size_execute0_lowered;
	s3 =	sadd.s32 s3, s5;
	[dreg:$0x0] =	wrdreg $0x0  }
0xa8: {  	s5 =	sshll.u32 s28, $0x1;
	[dreg:$0x2] =	wrdreg s3  }
0xa9: {  	[dreg:$0x3] =	wrdreg s5  }
0xaa: {  	[dreg:$0x4] =	wrdreg $0xC0  }
0xab: {  	_ =	task [dreg:s7], $0x5FFFF  }
0xac: {  	[dreg:$0x1] =	wrdreg $0xFFFFFFFF  }
0xad: {  	[dreg:$0x0] =	wrdreg $0x60  }
0xae: {  	[dreg:$0x2] =	wrdreg s24  }
0xaf: {  	[dreg:$0x3] =	wrdreg s2  }
0xb0: {  	[dreg:$0x4] =	wrdreg $0x0  }
0xb1: {  	[dreg:$0x5] =	wrdreg $0x9  }
0xb2: {  	_ =	task.clear_ibuf [dreg:s7], $0x6FFFF;
	_ =	strace $0x90000049  }
0xb3: {  	s29 =	simm.s32 $0x9;
	_ =	strace $0x8000004B  }
0xb4: {  	_ =	swait.ge [sflag:s29], $0x1  }
0xb5: {  	[sflag:s29] =	ssyncadd.s32 $0xFFFFFFFF  }
0xb6: {  	_ =	strace $0x9000004B  }
0xb7: {  	_ =	sfence  }
0xb8: {  	s30 =	sld [smem:$0x0];
	_ =	sdelay $0x2  }
0xb9: {  	s31 =	sshll.u32 s1, $0xD;
	s1 =	sshrl.u32 s1, $0x2  }
0xba: {  	s3 =	sand.u32 $0x4000, s31;
	s1 =	sadd.s32 s1, s30  }
0xbb: {  	s0 =	sor.u32 s3, s0;
	s1 =	sshll.u32 s1, $0x11  }
0xbc: {  	s0 =	sor.u32 s1, s0  }
0xbd: {  	s0 =	sadd.s32 $0x8F2B, s0  }
0xbe: {  	[sflag:s0] =	ssyncadd.remote.s32 $0x1  }
0xbf: {  	_ =	sfence.sel $0xFFFF  }
0xc0: {  	[dreg:$0x0] =	wrdreg $0xFFFFFFFF;
	(pc) =	sbr.abs _section_cstart, $3  }
0xc1: {  	[dreg:$0x1] =	wrdreg $0xFFFFFFFF  }
0xc2: {  	_ =	task.clear_ibuf [dreg:s7], $0x2FFFF;
	_ =	strace $0x9FFFFFFF  }
0xc3: {  	(tm) =	ssettm $0x7FFFFFFF  }
tec
execute0_lowered:
.L_overlay_start_1:
0x0: {  	(tag) =	ssettag $0x1  }
0x1: {  	s0 =	rddreg [dreg:$0x0]  }
0x2: {  	s1 =	rddreg [dreg:$0x1]  }
0x3: {  	s2 =	rddreg [dreg:$0x2]  }
0x4: {  	s4 =	simm.s32 $0x0;
	v0 =	vimm.s32 $0xFEDCBA98;
	s14 =	stileid.u32;
	s8 =	srdreg.scid;
	v1 =	vimm.s32 $0x76543210  }
0x5: {  	v2 =	vimm.s32 $0xBA98FEDC;
	v3 =	vimm.s32 $0x32107654;
	s19 =	simm.s32 $0x5;
	s28 =	simm.s32 $0x1AFE0;
	s29 =	simm.s32 $0x1B010  }
0x6: {  	v4 =	vimm.s32 $0xDCFE98BA;
	s30 =	simm.s32 $0x1B040;
	s31 =	simm.s32 $0x1C840;
	[smem:$0x7FF] =	sst s4  }
0x7: {  	v5 =	vimm.s32 $0x54761032;
	s5 =	sadd.s32 $0x2600, s0;
	s3 =	smul.u32 $0x16380, s14;
	s6 =	sadd.s32 $0x29800, s0  }
0x8: {  	v6 =	vimm.s32 $0xEFCDAB89;
	v7 =	vimm.s32 $0x67452301;
	s7 =	sadd.s32 $0x51400, s0;
	s8 =	sand.u32 $0x1, s8;
	s9 =	sadd.s32 $0xE0800, s0  }
0x9: {  	v0 =	vunpack.c.l.s4.s8 v0;
	v1 =	vunpack.c.l.s4.s8 v1;
	s11 =	sadd.s32 $0xE0A00, s0;
	v2 =	vunpack.c.l.s4.s8 v2;
	_ =	strace $0x8000004A;
	[dreg:$0x4] =	wrdreg s9  }
0xa: {  	v3 =	vunpack.c.l.s4.s8 v3;
	v4 =	vunpack.c.l.s4.s8 v4;
	v5 =	vunpack.c.l.s4.s8 v5;
	s22 =	sshll.u32 s14, $0x6;
	s10 =	smul.u32 $0x163800, s8;
	[dreg:$0x5] =	wrdreg s11  }
0xb: {  	v6 =	vunpack.c.l.s4.s8 v6;
	v7 =	vunpack.c.l.s4.s8 v7;
	s21 =	sshll.u32 s8, $0x4;
	s8 =	ssub.s32 $0x2, s8;
	v0 =	vunpack.c.0.s8.s32 v0;
	s20 =	sshrl.u32 s3, $0x3  }
0xc: {  	v1 =	vunpack.c.0.s8.s32 v1;
	s11 =	sor.u32 s14, s21;
	s12 =	sshrl.u32 s8, $0x1;
	v2 =	vunpack.c.0.s8.s32 v2;
	v3 =	vunpack.c.0.s8.s32 v3;
	s21 =	simm.s32 $0x1E040  }
0xd: {  	v4 =	vunpack.c.0.s8.s32 v4;
	v5 =	vunpack.c.0.s8.s32 v5;
	s9 =	sadd.s32 s20, s0;
	s10 =	sadd.s32 s3, s10;
	s13 =	smul.u32 $0x2760, s11;
	v0 =	vand.u32 $0xF, v0  }
0xe: {  	s8 =	ssub.s32 s8, s12;
	s3 =	sadd.s32 s3, s2;
	s11 =	sor.u32 $0x1C05, s22;
	v0 =	vcombine.low v0, v1;
	v1 =	vunpack.c.0.s8.s32 v6;
	v6 =	vunpack.c.0.s8.s32 v7  }
0xf: {  	s20 =	simm.s32 $0x3;
	s10 =	sshrl.u32 s10, $0x3;
	s9 =	sadd.s32 $0x5B200, s9;
	v2 =	vcombine.low v3, v2  }
0x10: {  	v3 =	vcombine.low v5, v4;
	s26 =	smax.u32 s8, $0x1;
	s18 =	sshrl.u32 s3, $0x3;
	s3 =	simm.s32 $0x194E0;
	v4 =	vcombine.low v6, v1;
	v1 =	vimm.s32 $0xE6A2C480  }
0x11: {  	vm0 =	vcmask $0x2F20;
	s8 =	simm.s32 $0x0;
	[dreg:$0x6] =	wrdreg s9;
	s23 =	sshrl.u32 s13, $0x3;
	v1 =	vunpack.c.l.s4.s8 v1  }
0x12: {  	vm1 =	vcmask $0xF00;
	vm2 =	vcmask $0x1710;
	vm3 =	vcmask $0x700;
	s0 =	sadd.s32 s10, s0;
	[dreg:$0xa] =	wrdreg s26;
	s24 =	sadd.s32 s1, s23  }
0x13: {  	vm0 =	vmor vm1, vm0;
	s14 =	sadd.s32 $0x30, s13;
	s25 =	sadd.s32 s7, s23;
	v60 =	vand.u32 $0xF, v3;
	[dreg:$0x7] =	wrdreg s24;
	v5 =	vunpack.c.0.s8.s32 v1  }
0x14: {  	vm1 =	vmor vm3, vm2;
	vm2 =	vcmask $0x2720;
	s15 =	sadd.s32 $0x60, s13;
	s0 =	sadd.s32 $0x87A00, s0;
	[dreg:$0x8] =	wrdreg s25;
	[tilespmem:$0x1FFF0] =	vst v60;
	v3 =	vand.u32 $0xF, v4  }
0x15: {  	vm1 =	vmor vm1, vm2;
	vm2 =	vcmask $0x3730;
	s26 =	simm.s32 $0x4;
	s23 =	simm.s32 $0x164B0;
	[dreg:$0x9] =	wrdreg s0;
	[tilespmem:$0x1FFD0] =	vst v3;
	v4 =	vand.u32 $0xF, v5  }
0x16: {  	vm1 =	vmor vm1, vm2;
	vm2 =	vmmov $0xff;
	s24 =	simm.s32 $0x30;
	s0 =	simm.s32 $0x1;
	s25 =	simm.s32 $0x2;
	v1 =	vand.u32 $0xF, v2;
	[tilespmem:$0x1FFE0] =	vst v4  }
.LBB2_1:
0x17: {  	s9 =	rddreg [dreg:$0x6]  }
0x18: {  	[spmem:s18], [sflag:s11] =	dma.local [hbm:s9], $0x2C70  }
0x19: {  	_ =	swait.ge [sflag:s19], $0x2C70  }
0x1a: {  	[sflag:s19] =	ssyncset.done $0x0  }
0x1b: {  	s10 =	simm.s32 $0x16380;
	s16 =	rddreg [dreg:$0x4];
	[sflag:s19] =	ssyncadd.s32 $0xFFFFD390  }
0x1c: {  	[tilespmem:s10], [sflag:$0x5] =	stream.linear.gather [hbm4b:s16+s4], $0x80, $0x38;
	[tilespmem:$0x1FB40] =	vst v63  }
0x1d: {  	_ =	swait.ge [sflag:s19], $0x80  }
0x1e: {  	[sflag:s19] =	ssyncset.done $0x0  }
0x1f: {  	s22 =	simm.s32 $0x16400;
	s17 =	rddreg [dreg:$0x5];
	[sflag:s19] =	ssyncadd.s32 $0xFFFFFF80  }
0x20: {  	[tilespmem:s22], [sflag:$0x5] =	stream.linear.gather [hbm4b:s17+s4], $0x80, $0x38;
	[tilespmem:$0x1FB40] =	vst v63  }
0x21: {  	_ =	swait.ge [sflag:s19], $0x80  }
0x22: {  	[sflag:s19] =	ssyncset.done $0x0  }
0x23: {  	[sflag:s19] =	ssyncadd.s32 $0xFFFFFF80  }
0x24: {  	[bflag:$0x0] =	sbarrier.arrive $0xFFFF  }
0x25: {  	v8 =	vld [tilespmem:$0x16380]  }
0x26: {  	v9 =	vld [tilespmem:$0x16390]  }
0x27: {  	v10 =	vld [tilespmem:$0x163A0]  }
0x28: {  	v11 =	vld [tilespmem:$0x163B0]  }
0x29: {  	v12 =	vld [tilespmem:$0x163C0]  }
0x2a: {  	v13 =	vld [tilespmem:$0x163D0]  }
0x2b: {  	v14 =	vld [tilespmem:$0x163E0]  }
0x2c: {  	v15 =	vld [tilespmem:$0x163F0]  }
0x2d: {  	v16 =	vld [tilespmem:$0x16400]  }
0x2e: {  	v17 =	vld [tilespmem:$0x16410]  }
0x2f: {  	v18 =	vld [tilespmem:$0x16420]  }
0x30: {  	v19 =	vld [tilespmem:$0x16430]  }
0x31: {  	v2 =	vld [tilespmem:$0x16440]  }
0x32: {  	v7 =	vld [tilespmem:$0x16450]  }
0x33: {  	s13 =	simm.s32 $0x16480;
	v5 =	vld [tilespmem:$0x16460];
	s12 =	rddreg [dreg:$0x7]  }
0x34: {  	v6 =	vld [tilespmem:$0x16470];
	[tilespmem:s13], [sflag:$0x5] =	stream.linear.gather [hbm4b:s12+s4], $0x30, $0x38  }
0x35: {  	_ =	swait.ge [sflag:s19], $0x30  }
0x36: {  	[sflag:s19] =	ssyncset.done $0x0  }
0x37: {  	s16 =	rddreg [dreg:$0x8];
	[sflag:s19] =	ssyncadd.s32 $0xFFFFFFD0  }
0x38: {  	[tilespmem:s23], [sflag:$0x5] =	stream.linear.gather [hbm4b:s16+s4], $0x30, $0x38;
	[tilespmem:$0x1FB40] =	vst v63  }
0x39: {  	_ =	swait.ge [sflag:s19], $0x30  }
0x3a: {  	[tilespmem:$0x1FED0] =	vst v5  }
0x3b: {  	[tilespmem:$0x1FEE0] =	vst v6  }
0x3c: {  	[tilespmem:$0x1FEF0] =	vst v8  }
0x3d: {  	[tilespmem:$0x1FF00] =	vst v9  }
0x3e: {  	[tilespmem:$0x1FF10] =	vst v10  }
0x3f: {  	[tilespmem:$0x1FF20] =	vst v11  }
0x40: {  	[tilespmem:$0x1FF30] =	vst v12  }
0x41: {  	[tilespmem:$0x1FF40] =	vst v13  }
0x42: {  	[tilespmem:$0x1FF50] =	vst v14  }
0x43: {  	[tilespmem:$0x1FF60] =	vst v15  }
0x44: {  	[tilespmem:$0x1FF70] =	vst v16  }
0x45: {  	[tilespmem:$0x1FF80] =	vst v17  }
0x46: {  	[tilespmem:$0x1FF90] =	vst v18  }
0x47: {  	[sflag:s19] =	ssyncset.done $0x0;
	[tilespmem:$0x1FFA0] =	vst v19  }
0x48: {  	s17 =	simm.s32 $0x164E0;
	[tilespmem:$0x1FFB0] =	vst v2;
	[sflag:s19] =	ssyncadd.s32 $0xFFFFFFD0  }
0x49: {  	[tilespmem:s17], [sflag:$0x1] =	stream.indirect.gather [hbm4b:s5+s24], $0x80, s13, s24, $0xb8;
	[tilespmem:$0x1FB40] =	vst v63  }
0x4a: {  	s9 =	simm.s32 $0x0;
	s22 =	simm.s32 $0x17CE0;
	[tilespmem:$0x1FFC0] =	vst v7  }
0x4b: {  	[tilespmem:s22], [sflag:$0x1] =	stream.indirect.gather [hbm4b:s6+s24], $0x80, s23, s24, $0xb8;
	[tilespmem:$0x1FB40] =	vst v63  }
.LBB2_2:
0x4c: {  	p0 =	seq.s32 s9, $0x0;
	s22 =	smul.u32 $0x60, s9  }
0x4d: {  	s10 =	simm.s32 @!p0 $0x4  }
0x4e: {  	_ =	swait.ge @!p0 [sflag:s10], $0x1B00;
	s12 =	sadd.s32 s22, s14  }
0x4f: {  	[sflag:s10] =	ssyncset.done @!p0 $0x0;
	s12 =	sshrl.u32 s12, $0x3  }
0x50: {  	[sflag:s10] =	ssyncadd.s32 @!p0 $0xFFFFE500;
	s17 =	sadd.s32 s1, s12  }
0x51: {  	[tilespmem:s28], [sflag:$0x5] =	stream.linear.gather [hbm4b:s17+s4], $0x30, $0x38;
	[tilespmem:$0x1FB40] =	vst v63  }
0x52: {  	_ =	swait.ge [sflag:s19], $0x30  }
0x53: {  	[sflag:s19] =	ssyncset.done $0x0  }
0x54: {  	s12 =	sadd.s32 s7, s12;
	[sflag:s19] =	ssyncadd.s32 $0xFFFFFFD0  }
0x55: {  	[tilespmem:s29], [sflag:$0x5] =	stream.linear.gather [hbm4b:s12+s4], $0x30, $0x38;
	[tilespmem:$0x1FB40] =	vst v63  }
0x56: {  	_ =	swait.ge [sflag:s19], $0x30  }
0x57: {  	[sflag:s19] =	ssyncset.done $0x0  }
0x58: {  	[sflag:s19] =	ssyncadd.s32 $0xFFFFFFD0  }
0x59: {  	[tilespmem:s30], [sflag:$0x3] =	stream.indirect.gather [hbm4b:s5+s24], $0x80, s28, s24, $0xb8;
	[tilespmem:$0x1FB40] =	vst v63  }
0x5a: {  	_ = 	snop  }
0x5b: {  	[tilespmem:s31], [sflag:$0x3] =	stream.indirect.gather [hbm4b:s6+s24], $0x80, s29, s24, $0xb8;
	[tilespmem:$0x1FB40] =	vst v63  }
0x5c: {  	_ =	swait.ge [sflag:s0], $0x1800  }
0x5d: {  	[sflag:s0] =	ssyncset.done $0x0  }
0x5e: {  	[sflag:s0] =	ssyncadd.s32 $0xFFFFE800  }
0x5f: {  	_ =	swait.ge [sflag:s0], $0x1800  }
0x60: {  	[sflag:s0] =	ssyncset.done $0x0  }
0x61: {  	s13 =	simm.s32 $0x17D60;
	[sflag:s0] =	ssyncadd.s32 $0xFFFFE800  }
0x62: {  	v21 =	vld [tilespmem:s13+$0x0]  }
0x63: {  	v22 =	vld [tilespmem:s13+$0x10]  }
0x64: {  	s16 =	simm.s32 $0x16560;
	v23 =	vld [tilespmem:s13+$0x20]  }
0x65: {  	v30 =	vld [tilespmem:s16+$0x20]  }
0x66: {  	v24 =	vld [tilespmem:s13+$0x30]  }
0x67: {  	v25 =	vld [tilespmem:s13+$0x40]  }
0x68: {  	v26 =	vld [tilespmem:s13+$0x50]  }
0x69: {  	v46 =	vld [tilespmem:s16+$0x0]  }
0x6a: {  	v47 =	vld [tilespmem:s16+$0x10];
	[tilespmem:$0x1FE70] =	vst v30  }
0x6b: {  	v32 =	vld [tilespmem:s16+$0x30];
	_ =	sdelay $0x4  }
0x6c: {  	[tilespmem:$0x1FE80] =	vst v32  }
0x6d: {  	v34 =	vld [tilespmem:s16+$0x40];
	_ =	sdelay $0x4  }
0x6e: {  	[tilespmem:$0x1FE90] =	vst v34  }
0x6f: {  	v20 =	vld [tilespmem:s16+$0x50];
	_ =	sdelay $0x2  }
0x70: {  	v27 =	vmul.f32 v46, v8  }
0x71: {  	v30 =	vmul.f32 v30, v10  }
0x72: {  	v21 =	vadd.f32 v21, v27;
	v33 =	vmul.f32 v34, v12;
	[tilespmem:$0x1FEA0] =	vst v20  }
0x73: {  	v28 =	vmul.f32 v47, v9;
	v23 =	vadd.f32 v23, v30;
	v35 =	vld [tilespmem:s16+$0x60]  }
0x74: {  	v30 =	vmul.f32 $6.000000240e-01, v21;
	v21 =	vand.u32 $0x7FFFFFFF, v21;
	v25 =	vadd.f32 v25, v33  }
0x75: {  	v22 =	vadd.f32 v22, v28;
	v21 =	vmul.f32 v21, v16  }
0x76: {  	v32 =	vmul.f32 v32, v11;
	v58 =	vmul.f32 $6.000000240e-01, v25;
	v25 =	vand.u32 $0x7FFFFFFF, v25  }
0x77: {  	v30 =	vadd.f32 v21, v30;
	v21 =	vmul.f32 v25, v2;
	v27 =	vmul.f32 v20, v13  }
0x78: {  	v56 =	vmul.f32 $6.000000240e-01, v22;
	v24 =	vadd.f32 v24, v32;
	[tilespmem:$0x1FEB0] =	vst v35  }
0x79: {  	v22 =	vand.u32 $0x7FFFFFFF, v22;
	v61 =	vadd.f32 v21, v58;
	v26 =	vadd.f32 v26, v27;
	v29 =	vld [tilespmem:s16+$0x70]  }
0x7a: {  	v22 =	vmul.f32 v22, v17;
	v57 =	vmul.f32 $6.000000240e-01, v24;
	v24 =	vand.u32 $0x7FFFFFFF, v24;
	v31 =	vld [tilespmem:s13+$0x60]  }
0x7b: {  	v39 =	vperm.xlane v61, v0;
	v59 =	vmul.f32 $6.000000240e-01, v26;
	v26 =	vand.u32 $0x7FFFFFFF, v26  }
0x7c: {  	v24 =	vmul.f32 v24, v19;
	v25 =	vmul.f32 v26, v7;
	v55 =	vld [tilespmem:s13+$0x70]  }
0x7d: {  	v26 =	vadd.f32 v22, v56;
	v32 =	vadd.f32 v39, v61;
	v28 =	vmul.f32 v35, v14;
	v20 =	vld [tilespmem:s16+$0xFFFFFFC0]  }
0x7e: {  	v62 =	vadd.f32 v25, v59;
	v25 =	vperm.xlane v30, v0;
	v27 =	vmul.f32 v29, v15  }
0x7f: {  	v28 =	vadd.f32 v31, v28;
	v31 =	vmul.f32 $6.000000240e-01, v23;
	v23 =	vand.u32 $0x7FFFFFFF, v23  }
0x80: {  	v40 =	vperm.xlane v62, v0;
	v30 =	vadd.f32 v25, v30;
	v23 =	vmul.f32 v23, v18  }
0x81: {  	v21 =	vld [tilespmem:s16+$0xFFFFFF90];
	v27 =	vadd.f32 v55, v27;
	v36 =	vmul.f32 $6.000000240e-01, v28;
	v28 =	vand.u32 $0x7FFFFFFF, v28  }
0x82: {  	v22 =	vld [tilespmem:s16+$0xFFFFFFA0];
	v50 =	vmul.f32 v20, v12;
	v31 =	vadd.f32 v23, v31;
	v23 =	vmul.f32 v28, v5  }
0x83: {  	v52 =	vld [tilespmem:s13+$0xFFFFFF80];
	v28 =	vadd.f32 v24, v57;
	v37 =	vmul.f32 $6.000000240e-01, v27;
	v27 =	vand.u32 $0x7FFFFFFF, v27  }
0x84: {  	v53 =	vld [tilespmem:s13+$0xFFFFFF90];
	v24 =	vmul.f32 v27, v6;
	v27 =	vperm.xlane v26, v0;
	v63 =	vadd.f32 v23, v36  }
0x85: {  	v59 =	vld [tilespmem:s13+$0xFFFFFFB0];
	v33 =	vadd.f32 v40, v62;
	v44 =	vperm.xlane v31, v0;
	v45 =	vperm.xlane v28, v0  }
0x86: {  	v37 =	vadd.f32 v24, v37;
	v41 =	vadd.f32 v27, v26;
	v48 =	vperm.xlane v63, v0;
	v26 =	vld [tilespmem:s16+$0xFFFFFF80]  }
0x87: {  	v25 =	vld [tilespmem:s16+$0xFFFFFFE0];
	v31 =	vadd.f32 v44, v31;
	v28 =	vadd.f32 v45, v28;
	v45 =	vmul.f32 v22, v10  }
0x88: {  	v23 =	vld [tilespmem:s16+$0xFFFFFFB0];
	v51 =	vperm.xlane v37, v0;
	v34 =	vadd.f32 v48, v63;
	v30 =	vsel vm2, v30, v41  }
0x89: {  	v24 =	vld [tilespmem:s16+$0xFFFFFFD0];
	v28 =	vsel vm2, v31, v28;
	v31 =	vsel vm2, v32, v33;
	v63 =	vmul.f32 v21, v9  }
0x8a: {  	v44 =	vld [tilespmem:s13+$0xFFFFFFC0];
	v55 =	vperm.xlane v30, v1;
	v56 =	vperm.xlane v28, v1;
	v35 =	vadd.f32 v51, v37  }
0x8b: {  	v57 =	vperm.xlane v31, v1;
	v32 =	vadd.f32 v53, v63;
	v61 =	vmul.f32 v26, v8  }
0x8c: {  	v37 =	vld [tilespmem:s13+$0xFFFFFFA0];
	v30 =	vadd.f32 v55, v30;
	v62 =	vadd.f32 v56, v28;
	v54 =	vsel vm2, v34, v35  }
0x8d: {  	v49 =	vld [tilespmem:s13+$0xFFFFFFD0];
	v31 =	vadd.f32 v57, v31;
	v56 =	vmul.f32 v23, v11;
	v58 =	vperm.xlane v54, v1  }
0x8e: {  	v28 =	vld [tilespmem:s16+$0xFFFFFFF0];
	v36 =	vadd.f32 v52, v61;
	v30 =	vsel vm0, v30, v62;
	v52 =	vmul.f32 v24, v13  }
0x8f: {  	v40 =	vadd.f32 v59, v56;
	v59 =	vmul.f32 v25, v14;
	v61 =	vadd.f32 v44, v50  }
0x90: {  	v44 =	vand.u32 $0x7FFFFFFF, v32;
	v32 =	vmul.f32 $6.000000240e-01, v32;
	v34 =	vperm.xlane v30, v60  }
0x91: {  	[tilespmem:$0x1FE40] =	vst v20;
	v48 =	vmul.f32 v44, v17;
	v33 =	vadd.f32 v58, v54;
	v37 =	vadd.f32 v37, v45  }
0x92: {  	v51 =	vld [tilespmem:s13+$0xFFFFFFF0];
	v63 =	vand.u32 $0x7FFFFFFF, v36;
	v49 =	vadd.f32 v49, v52;
	v55 =	vand.u32 $0x7FFFFFFF, v40  }
0x93: {  	v56 =	vand.u32 $0x7FFFFFFF, v61;
	v36 =	vmul.f32 $6.000000240e-01, v36;
	v62 =	vmul.f32 v28, v15  }
0x94: {  	v39 =	vmul.f32 v63, v16;
	v50 =	vmul.f32 v55, v19;
	v31 =	vsel vm0, v31, v33  }
0x95: {  	v57 =	vld [tilespmem:s13+$0xFFFFFFE0];
	v30 =	vadd.f32 v34, v30;
	v34 =	vmul.f32 $6.000000240e-01, v61;
	v58 =	vperm.xlane v31, v60  }
0x96: {  	v32 =	vadd.f32 v48, v32;
	v45 =	vand.u32 $0x7FFFFFFF, v37;
	v37 =	vmul.f32 $6.000000240e-01, v37  }
0x97: {  	v61 =	vmul.f32 $6.000000240e-01, v49;
	v35 =	vadd.f32 v51, v62;
	v31 =	vadd.f32 v58, v31  }
0x98: {  	v33 =	vmul.f32 v45, v18;
	v51 =	vmul.f32 v56, v2  }
0x99: {  	v44 =	vperm.xlane v32, v0;
	v53 =	vand.u32 $0x7FFFFFFF, v35;
	v30 =	vsel vm1, v30, v31  }
0x9a: {  	v35 =	vmul.f32 $6.000000240e-01, v35;
	v31 =	vadd.f32 v57, v59;
	v54 =	vperm.xlane v30, v3  }
0x9b: {  	v34 =	vadd.f32 v51, v34;
	v53 =	vmul.f32 v53, v6;
	v57 =	vand.u32 $0x7FFFFFFF, v49  }
0x9c: {  	v41 =	vmul.f32 v57, v7;
	v58 =	vand.u32 $0x7FFFFFFF, v31;
	v30 =	vadd.f32 v30, v54  }
0x9d: {  	v35 =	vadd.f32 v53, v35;
	v31 =	vmul.f32 $6.000000240e-01, v31;
	v52 =	vmul.f32 v58, v5  }
0x9e: {  	v33 =	vadd.f32 v33, v37;
	v53 =	vperm.xlane v34, v0;
	v30 =	vperm.xlane v30, v4  }
0x9f: {  	v62 =	vadd.f32 v41, v61;
	v56 =	vperm.xlane v35, v0;
	v31 =	vadd.f32 v52, v31  }
0xa0: {  	v59 =	vmul.f32 $6.000000240e-01, v40;
	v34 =	vadd.f32 v53, v34;
	v30 =	vmul.f32 $1.442695020e+00, v30  }
0xa1: {  	v54 =	vperm.xlane v62, v0;
	v57 =	vadd.f32 v56, v35;
	v55 =	vperm.xlane v31, v0  }
0xa2: {  	[tilespmem:$0x1FE50] =	vst v24;
	(erf) = vpow2.f32 v30;
	v30 =	vadd.f32 v39, v36;
	v36 =	vadd.f32 v50, v59  }
0xa3: {  	s17 =	simm.s32 $0x17E60;
	[tilespmem:$0x1FE60] =	vst v25;
	v45 =	vperm.xlane v33, v0;
	v37 =	vadd.f32 v54, v62;
	v31 =	vadd.f32 v55, v31  }
0xa4: {  	s10 =	simm.s32 $0x16660;
	v43 =	vld [tilespmem:s17+$0x10];
	v32 =	vadd.f32 v44, v32;
	v63 =	vperm.xlane v30, v0;
	v52 =	vperm.xlane v36, v0  }
0xa5: {  	v24 =	vld [tilespmem:s10+$0x70];
	v33 =	vadd.f32 v45, v33;
	v34 =	vsel vm2, v34, v37;
	v31 =	vsel vm2, v31, v57  }
0xa6: {  	v44 =	vld [tilespmem:s17+$0x0];
	v62 =	vperm.xlane v31, v1;
	v30 =	vadd.f32 v63, v30;
	v36 =	vadd.f32 v52, v36  }
0xa7: {  	v35 =	vld [tilespmem:s10+$0x40];
	v61 =	vperm.xlane v34, v1  }
0xa8: {  	v63 =	vadd.f32 v62, v31;
	v31 =	vld [tilespmem:s10+$0x0];
	v30 =	vsel vm2, v30, v32;
	v33 =	vsel vm2, v33, v36  }
0xa9: {  	v32 =	vadd.f32 v61, v34;
	v34 =	vld [tilespmem:s10+$0x30];
	v58 =	vperm.xlane v30, v1;
	v59 =	vperm.xlane v33, v1  }
0xaa: {  	v41 =	vld [tilespmem:s17+$0x30]  }
0xab: {  	v38 =	vsel vm0, v32, v63;
	v32 =	vld [tilespmem:s10+$0x10];
	v30 =	vadd.f32 v58, v30;
	v33 =	vadd.f32 v59, v33  }
0xac: {  	v40 =	vld [tilespmem:s17+$0x40];
	v53 =	vpop (erf);
	v39 =	vperm.xlane v38, v60;
	v58 =	vmul.f32 v35, v12  }
0xad: {  	v36 =	vbroadcast v53, $0x7;
	v48 =	vbroadcast v53, $0x0;
	v30 =	vsel vm0, v30, v33;
	v33 =	vld [tilespmem:s10+$0x20]  }
0xae: {  	v61 =	vmul.f32 v31, v8;
	v45 =	vadd.f32 v39, v38;
	v50 =	vmul.f32 v34, v11;
	v39 =	vld [tilespmem:s17+$0x70]  }
0xaf: {  	v37 =	vperm.xlane v30, v60;
	v25 =	vmul.f32 v36, v29;
	v29 =	vld [tilespmem:s10+$0x50]  }
0xb0: {  	v44 =	vadd.f32 v44, v61;
	v62 =	vmul.f32 v32, v9;
	v36 =	vadd.f32 v41, v50  }
0xb1: {  	v42 =	vld [tilespmem:s17+$0x20];
	v30 =	vadd.f32 v37, v30;
	v37 =	vadd.f32 v40, v58;
	v58 =	vmul.f32 v24, v15  }
0xb2: {  	v61 =	vmul.f32 $6.000000240e-01, v44;
	v44 =	vand.u32 $0x7FFFFFFF, v44;
	v43 =	vadd.f32 v43, v62  }
0xb3: {  	v60 =	vld [tilespmem:s17+$0x50];
	v40 =	vmul.f32 v44, v16;
	v57 =	vsel vm1, v30, v45;
	v63 =	vmul.f32 v33, v10  }
0xb4: {  	v30 =	vld [tilespmem:s10+$0x60];
	v39 =	vadd.f32 v39, v58;
	v59 =	vperm.xlane v57, v3;
	v45 =	vmul.f32 v29, v13  }
0xb5: {  	v62 =	vmul.f32 $6.000000240e-01, v43;
	v40 =	vadd.f32 v40, v61;
	v43 =	vand.u32 $0x7FFFFFFF, v43  }
0xb6: {  	v38 =	vld [tilespmem:s17+$0x60];
	v42 =	vadd.f32 v42, v63;
	v63 =	vmul.f32 $6.000000240e-01, v36;
	v61 =	vmul.f32 $6.000000240e-01, v39  }
0xb7: {  	v36 =	vand.u32 $0x7FFFFFFF, v36;
	v43 =	vmul.f32 v43, v17;
	v39 =	vand.u32 $0x7FFFFFFF, v39  }
0xb8: {  	v60 =	vadd.f32 v60, v45;
	v45 =	vadd.f32 v57, v59;
	v36 =	vmul.f32 v36, v19  }
0xb9: {  	v41 =	vmul.f32 $6.000000240e-01, v42;
	v42 =	vand.u32 $0x7FFFFFFF, v42;
	v50 =	vmul.f32 v30, v14  }
0xba: {  	v59 =	vmul.f32 $6.000000240e-01, v60;
	v60 =	vand.u32 $0x7FFFFFFF, v60;
	v42 =	vmul.f32 v42, v18  }
0xbb: {  	v38 =	vadd.f32 v38, v50;
	v50 =	vmul.f32 $6.000000240e-01, v37;
	v37 =	vand.u32 $0x7FFFFFFF, v37  }
0xbc: {  	v43 =	vadd.f32 v43, v62;
	v60 =	vmul.f32 v60, v7;
	v37 =	vmul.f32 v37, v2  }
0xbd: {  	v41 =	vadd.f32 v42, v41;
	v44 =	vmul.f32 $6.000000240e-01, v38;
	v38 =	vand.u32 $0x7FFFFFFF, v38  }
0xbe: {  	v42 =	vadd.f32 v36, v63;
	v38 =	vmul.f32 v38, v5;
	v57 =	vadd.f32 v37, v50  }
0xbf: {  	v50 =	vmul.f32 v39, v6;
	v39 =	vadd.f32 v60, v59;
	v37 =	vperm.xlane v40, v0  }
0xc0: {  	v20 =	vld [tilespmem:$0x1FE70];
	v59 =	vperm.xlane v43, v0;
	v60 =	vperm.xlane v42, v0  }
0xc1: {  	v36 =	vld [tilespmem:s10+$0xFFFFFF90];
	v38 =	vadd.f32 v38, v44;
	v61 =	vadd.f32 v50, v61;
	v50 =	vperm.xlane v39, v0  }
0xc2: {  	v44 =	vperm.xlane v41, v0;
	v40 =	vadd.f32 v37, v40;
	v43 =	vadd.f32 v59, v43;
	v37 =	vld [tilespmem:s10+$0xFFFFFFA0]  }
0xc3: {  	v51 =	vbroadcast v53, $0x2;
	v59 =	vperm.xlane v38, v0;
	v50 =	vadd.f32 v50, v39;
	v39 =	vld [tilespmem:s10+$0xFFFFFFB0]  }
0xc4: {  	v42 =	vadd.f32 v60, v42;
	v41 =	vadd.f32 v44, v41;
	v43 =	vsel vm2, v40, v43;
	v40 =	vld [tilespmem:s10+$0xFFFFFFD0]  }
0xc5: {  	v27 =	vmov v28;
	v28 =	vmul.f32 v48, v46;
	v48 =	vadd.f32 v59, v38;
	v38 =	vld [tilespmem:s10+$0xFFFFFFC0]  }
0xc6: {  	v20 =	vmul.f32 v51, v20;
	v59 =	vsel vm2, v41, v42;
	v41 =	vld [tilespmem:s10+$0xFFFFFFE0]  }
0xc7: {  	v42 =	vld [tilespmem:s10+$0xFFFFFFF0]  }
0xc8: {  	[tilespmem:$0x1FEC0] =	vst v20;
	v20 =	vld [tilespmem:$0x1FE80];
	_ =	sdelay $0x2  }
0xc9: {  	v52 =	vbroadcast v53, $0x3  }
0xca: {  	v44 =	vperm.xlane v61, v0;
	v46 =	vperm.xlane v43, v1  }
0xcb: {  	v54 =	vbroadcast v53, $0x1;
	v52 =	vmul.f32 v52, v20;
	v20 =	vld [tilespmem:$0x1FE90]  }
0xcc: {  	v62 =	vperm.xlane v57, v0;
	v44 =	vadd.f32 v44, v61;
	v46 =	vadd.f32 v46, v43;
	v43 =	vld [tilespmem:s10+$0xFFFFFF80]  }
0xcd: {  	v55 =	vbroadcast v53, $0x4  }
0xce: {  	v58 =	vmul.f32 v54, v47;
	v57 =	vadd.f32 v62, v57;
	v44 =	vsel vm2, v48, v44  }
0xcf: {  	v45 =	vperm.xlane v45, v4;
	v54 =	vld [tilespmem:s17+$0xFFFFFFA0];
	v48 =	vperm.xlane v44, v1  }
0xd0: {  	v57 =	vsel vm2, v57, v50;
	v50 =	vperm.xlane v59, v1;
	v55 =	vmul.f32 v55, v20;
	v20 =	vld [tilespmem:$0x1FFF0]  }
0xd1: {  	v44 =	vadd.f32 v48, v44;
	v48 =	vmul.f32 $1.442695020e+00, v45;
	v45 =	vmul.f32 v43, v8  }
0xd2: {  	v50 =	vadd.f32 v50, v59;
	v59 =	vld [tilespmem:s17+$0xFFFFFF80];
	v8 =	vmul.f32 v36, v9;
	v9 =	vmul.f32 v37, v10  }
0xd3: {  	v61 =	vperm.xlane v57, v1  }
0xd4: {  	v60 =	vld [tilespmem:s17+$0xFFFFFF90];
	v46 =	vsel vm0, v46, v50;
	v54 =	vadd.f32 v54, v9  }
0xd5: {  	v57 =	vadd.f32 v61, v57;
	v50 =	vperm.xlane v46, v20;
	v20 =	vld [tilespmem:$0x1FFF0]  }
0xd6: {  	v61 =	vld [tilespmem:s17+$0xFFFFFFE0];
	(erf) = vpow2.f32 v48;
	v9 =	vmul.f32 v41, v14;
	v14 =	vand.u32 $0x7FFFFFFF, v54  }
0xd7: {  	v48 =	vadd.f32 v59, v45;
	v54 =	vmul.f32 $6.000000240e-01, v54;
	v59 =	vmul.f32 v14, v18;
	_ =	sdelay $0x1  }
0xd8: {  	v44 =	vsel vm0, v57, v44;
	v54 =	vadd.f32 v59, v54;
	v46 =	vadd.f32 v50, v46;
	v50 =	vld [tilespmem:s17+$0xFFFFFFD0]  }
0xd9: {  	v57 =	vadd.f32 v60, v8;
	v51 =	vperm.xlane v44, v20;
	v20 =	vld [tilespmem:$0x1FEA0]  }
0xda: {  	v62 =	vld [tilespmem:s17+$0xFFFFFFB0];
	v8 =	vmul.f32 v40, v13;
	v13 =	vadd.f32 v61, v9;
	v59 =	vperm.xlane v54, v0  }
0xdb: {  	v56 =	vbroadcast v53, $0x5;
	v49 =	vbroadcast v53, $0x6;
	v63 =	vld [tilespmem:s17+$0xFFFFFFC0]  }
0xdc: {  	v10 =	vmul.f32 v39, v11;
	v9 =	vand.u32 $0x7FFFFFFF, v13;
	v54 =	vadd.f32 v59, v54  }
0xdd: {  	v44 =	vadd.f32 v51, v44;
	v51 =	vmul.f32 v38, v12;
	v12 =	vand.u32 $0x7FFFFFFF, v57  }
0xde: {  	v47 =	vadd.f32 v50, v8;
	v57 =	vmul.f32 $6.000000240e-01, v57;
	v56 =	vmul.f32 v56, v20;
	v20 =	vld [tilespmem:$0x1FEB0]  }
0xdf: {  	v50 =	vmul.f32 $6.000000240e-01, v13;
	v44 =	vsel vm1, v46, v44;
	v46 =	vadd.f32 v62, v10  }
0xe0: {  	v51 =	vadd.f32 v63, v51;
	v10 =	vmul.f32 v42, v15;
	v63 =	vmul.f32 v12, v17  }
0xe1: {  	v8 =	vand.u32 $0x7FFFFFFF, v47;
	v47 =	vmul.f32 $6.000000240e-01, v47;
	v11 =	vperm.xlane v44, v3  }
0xe2: {  	v45 =	vmul.f32 v8, v7;
	v15 =	vand.u32 $0x7FFFFFFF, v46;
	v57 =	vadd.f32 v63, v57  }
0xe3: {  	v46 =	vmul.f32 $6.000000240e-01, v46;
	v44 =	vadd.f32 v44, v11;
	v20 =	vmul.f32 v49, v20;
	v49 =	vld [tilespmem:s17+$0xFFFFFFF0]  }
0xe4: {  	v11 =	vand.u32 $0x7FFFFFFF, v48;
	v48 =	vmul.f32 $6.000000240e-01, v48;
	v60 =	vmul.f32 v15, v19  }
0xe5: {  	v45 =	vadd.f32 v45, v47;
	v16 =	vmul.f32 v11, v16;
	v12 =	vperm.xlane v57, v0  }
0xe6: {  	v44 =	vperm.xlane v44, v4;
	v4 =	vand.u32 $0x7FFFFFFF, v51;
	v51 =	vmul.f32 $6.000000240e-01, v51  }
0xe7: {  	v46 =	vadd.f32 v60, v46;
	v62 =	vmul.f32 v4, v2;
	v48 =	vadd.f32 v16, v48  }
0xe8: {  	s12 =	simm.s32 $0x19570;
	v16 =	vperm.xlane v45, v0;
	v44 =	vmul.f32 $1.442695020e+00, v44;
	v49 =	vadd.f32 v49, v10  }
0xe9: {  	[tilespmem:s12+$0x70] =	vst v25;
	v13 =	vperm.xlane v46, v0;
	v51 =	vadd.f32 v62, v51;
	v11 =	vperm.xlane v48, v0  }
0xea: {  	[tilespmem:s12+$0x80] =	vst v53;
	(erf) = vpow2.f32 v44;
	v44 =	vmul.f32 v9, v5;
	v10 =	vand.u32 $0x7FFFFFFF, v49  }
0xeb: {  	[tilespmem:s12+$0x0] =	vst v28;
	v47 =	vadd.f32 v11, v48;
	v49 =	vmul.f32 $6.000000240e-01, v49;
	v61 =	vmul.f32 v10, v6  }
0xec: {  	v3 =	vld [tilespmem:$0x1FFF0];
	[tilespmem:s12+$0x10] =	vst v58;
	v15 =	vpop (erf);
	v14 =	vperm.xlane v51, v0;
	v48 =	vadd.f32 v13, v46;
	v44 =	vadd.f32 v44, v50  }
0xed: {  	v2 =	vld [tilespmem:$0x1FEC0];
	[tilespmem:s12+$0x30] =	vst v52;
	v52 =	vbroadcast v15, $0x1;
	v50 =	vadd.f32 v12, v57;
	v49 =	vadd.f32 v61, v49  }
0xee: {  	v45 =	vadd.f32 v16, v45;
	v51 =	vadd.f32 v14, v51;
	v48 =	vsel vm2, v54, v48  }
0xef: {  	v17 =	vperm.xlane v44, v0;
	v47 =	vsel vm2, v47, v50;
	v18 =	vperm.xlane v49, v0  }
0xf0: {  	v58 =	vperm.xlane v48, v1;
	v57 =	vperm.xlane v47, v1  }
0xf1: {  	v45 =	vsel vm2, v51, v45;
	v44 =	vadd.f32 v17, v44;
	v49 =	vadd.f32 v18, v49  }
0xf2: {  	v51 =	vbroadcast v15, $0x0;
	v60 =	vperm.xlane v45, v1  }
0xf3: {  	[tilespmem:s12+$0x40] =	vst v55;
	v48 =	vadd.f32 v58, v48;
	v47 =	vadd.f32 v57, v47;
	v46 =	vpop (erf);
	v49 =	vsel vm2, v44, v49  }
0xf4: {  	[tilespmem:s12+$0x50] =	vst v56;
	v19 =	vbroadcast v46, $0x7;
	v61 =	vperm.xlane v49, v1  }
0xf5: {  	[tilespmem:s12+$0xFFFFFFF0] =	vst v15;
	v45 =	vadd.f32 v60, v45;
	v62 =	vsel vm0, v47, v48;
	v48 =	vbroadcast v15, $0x4  }
0xf6: {  	[tilespmem:s12+$0x60] =	vst v20;
	v47 =	vbroadcast v15, $0x6;
	v50 =	vmul.f32 v19, v24;
	v53 =	vadd.f32 v61, v49  }
0xf7: {  	s13 =	simm.s32 $0x19690;
	[tilespmem:s12+$0x20] =	vst v2;
	v63 =	vperm.xlane v62, v3;
	v44 =	vbroadcast v15, $0x2  }
0xf8: {  	[tilespmem:s13+$0x70] =	vst v50;
	v50 =	vbroadcast v15, $0x5;
	v49 =	vbroadcast v15, $0x3;
	v54 =	vsel vm0, v45, v53  }
0xf9: {  	s16 =	simm.s32 $0x2;
	s17 =	simm.s32 $0x17F60;
	[tilespmem:s13+$0x80] =	vst v46;
	v53 =	vadd.f32 v63, v62;
	v45 =	vbroadcast v15, $0x7;
	v55 =	vperm.xlane v54, v3  }
.LBB2_3:
0xfa: {  	v56 =	vld [tilespmem:s17+$0x0]  }
0xfb: {  	v59 =	vld [tilespmem:s17+$0x10]  }
0xfc: {  	v61 =	vld [tilespmem:s17+$0x20]  }
0xfd: {  	v3 =	vld [tilespmem:s17+$0x30]  }
0xfe: {  	v28 =	vmov v43;
	v43 =	vld [tilespmem:s17+$0x40]  }
0xff: {  	v2 =	vld [tilespmem:$0x1FFD0]  }
0x100: {  	v4 =	vld [tilespmem:s17+$0x50]  }
0x101: {  	v5 =	vld [tilespmem:$0x1FE40]  }
0x102: {  	v11 =	vld [tilespmem:$0x1FE60]  }
0x103: {  	v7 =	vld [tilespmem:$0x1FFE0]  }
0x104: {  	v10 =	vld [tilespmem:$0x1FEF0]  }
0x105: {  	s10 =	sadd.s32 $0x100, s10;
	v20 =	vld [tilespmem:$0x1FF90]  }
0x106: {  	v25 =	vmov v37;
	v37 =	vld [tilespmem:s10+$0x0]  }
0x107: {  	v13 =	vld [tilespmem:s10+$0x20]  }
0x108: {  	v57 =	vbroadcast v46, $0x0;
	v58 =	vbroadcast v46, $0x1;
	v16 =	vld [tilespmem:s10+$0x30]  }
0x109: {  	v60 =	vbroadcast v46, $0x3;
	v15 =	vmov v41;
	v17 =	vmul.f32 v44, v22;
	v44 =	vld [tilespmem:s10+$0x70]  }
0x10a: {  	v62 =	vbroadcast v46, $0x4;
	v52 =	vmul.f32 v52, v21;
	[tilespmem:$0x1FE60] =	vst v15;
	v15 =	vld [tilespmem:$0x1FF40]  }
0x10b: {  	v63 =	vbroadcast v46, $0x5;
	v51 =	vmul.f32 v51, v26;
	v21 =	vld [tilespmem:$0x1FFA0]  }
0x10c: {  	v54 =	vadd.f32 v55, v54;
	v55 =	vbroadcast v46, $0x2;
	v46 =	vbroadcast v46, $0x6;
	[tilespmem:s12+$0xFFFFFF80] =	vst v52;
	v52 =	vld [tilespmem:$0x1FE50]  }
0x10d: {  	[tilespmem:s12+$0xFFFFFF70] =	vst v51;
	v51 =	vmul.f32 v63, v29;
	v29 =	vld [tilespmem:s10+$0x50]  }
0x10e: {  	v18 =	vmul.f32 v49, v23;
	v46 =	vmul.f32 v46, v30;
	v30 =	vld [tilespmem:s10+$0x60]  }
0x10f: {  	v53 =	vsel vm1, v53, v54;
	v12 =	vmul.f32 v47, v11;
	v11 =	vld [tilespmem:$0x1FF00]  }
0x110: {  	[tilespmem:s12+$0xFFFFFFA0] =	vst v18;
	v18 =	vmul.f32 v55, v33;
	v54 =	vperm.xlane v53, v2;
	v33 =	vmov v13;
	v13 =	vld [tilespmem:$0x1FF20]  }
0x111: {  	v55 =	vmul.f32 v60, v34;
	v34 =	vmov v16;
	v16 =	vld [tilespmem:$0x1FF50]  }
0x112: {  	v45 =	vmul.f32 v45, v27;
	v19 =	vadd.f32 v53, v54;
	[tilespmem:s12+$0xFFFFFFD0] =	vst v12;
	v12 =	vld [tilespmem:$0x1FF10]  }
0x113: {  	v14 =	vmul.f32 v57, v31;
	[tilespmem:s12+$0xFFFFFF90] =	vst v17;
	v53 =	vmul.f32 v50, v52;
	v50 =	vld [tilespmem:s10+$0x10]  }
0x114: {  	v26 =	vmov v39;
	[tilespmem:s12+$0xFFFFFFE0] =	vst v45;
	v48 =	vmul.f32 v48, v5;
	v39 =	vperm.xlane v19, v7;
	v19 =	vld [tilespmem:s10+$0x40]  }
0x115: {  	v17 =	vmul.f32 v58, v32;
	v31 =	vmov v37;
	[tilespmem:s13+$0x0] =	vst v14;
	v14 =	vld [tilespmem:$0x1FF30]  }
0x116: {  	[tilespmem:s12+$0xFFFFFFB0] =	vst v48;
	v37 =	vmul.f32 v31, v10;
	v9 =	vld [tilespmem:s17+$0x60]  }
0x117: {  	v8 =	vmov v38;
	[tilespmem:s13+$0x10] =	vst v17;
	v17 =	vld [tilespmem:$0x1FF60]  }
0x118: {  	v49 =	vmul.f32 v62, v35;
	v60 =	vmul.f32 v29, v15;
	v47 =	vadd.f32 v56, v37;
	[tilespmem:s12+$0xFFFFFFC0] =	vst v53;
	v58 =	vld [tilespmem:s17+$0x70]  }
0x119: {  	[tilespmem:$0x1FE40] =	vst v8;
	v54 =	vmul.f32 $1.442695020e+00, v39;
	v41 =	vmul.f32 v34, v13;
	v37 =	vld [tilespmem:s10+$0xFFFFFFA0]  }
0x11a: {  	v6 =	vmovc v40;
	v4 =	vadd.f32 v4, v60;
	v63 =	vmul.f32 v30, v16;
	v39 =	vld [tilespmem:s10+$0xFFFFFFB0];
	[tilespmem:s13+$0x50] =	vst v51;
	v51 =	vmul.f32 $6.000000240e-01, v47  }
0x11b: {  	[tilespmem:s13+$0x20] =	vst v18;
	v18 =	vld [tilespmem:$0x1FF70];
	v8 =	vmul.f32 v33, v12;
	(erf) = vpow2.f32 v54;
	v32 =	vmovc v50;
	v3 =	vadd.f32 v3, v41  }
0x11c: {  	[tilespmem:$0x1FE50] =	vst v6;
	v38 =	vld [tilespmem:s10+$0xFFFFFFC0];
	v47 =	vand.u32 $0x7FFFFFFF, v47;
	v6 =	vmul.f32 v32, v11;
	v57 =	vmul.f32 v19, v14  }
0x11d: {  	[tilespmem:s13+$0x30] =	vst v55;
	v40 =	vld [tilespmem:s10+$0xFFFFFFD0];
	v62 =	vadd.f32 v61, v8;
	v8 =	vadd.f32 v9, v63;
	v55 =	vmul.f32 $6.000000240e-01, v3  }
0x11e: {  	v23 =	vld [tilespmem:$0x1FFC0];
	v3 =	vand.u32 $0x7FFFFFFF, v3;
	v48 =	vadd.f32 v59, v6;
	v6 =	vmul.f32 v44, v17  }
0x11f: {  	[tilespmem:s13+$0x40] =	vst v49;
	v49 =	vadd.f32 v43, v57;
	v9 =	vmul.f32 $6.000000240e-01, v62;
	v57 =	vmul.f32 $6.000000240e-01, v4  }
0x120: {  	v47 =	vmul.f32 v47, v18;
	v3 =	vmul.f32 v3, v21  }
0x121: {  	v22 =	vld [tilespmem:$0x1FFB0];
	v52 =	vand.u32 $0x7FFFFFFF, v62;
	v12 =	vmul.f32 v37, v12;
	v13 =	vmul.f32 v39, v13  }
0x122: {  	v35 =	vmovc v19;
	v19 =	vld [tilespmem:$0x1FF80];
	v4 =	vand.u32 $0x7FFFFFFF, v4;
	v14 =	vmul.f32 v38, v14;
	v15 =	vmul.f32 v40, v15  }
0x123: {  	v54 =	vand.u32 $0x7FFFFFFF, v8;
	v52 =	vmul.f32 v52, v20;
	v4 =	vmul.f32 v4, v23  }
0x124: {  	v53 =	vmul.f32 $6.000000240e-01, v48;
	v50 =	vadd.f32 v58, v6;
	v56 =	vmul.f32 $6.000000240e-01, v49  }
0x125: {  	v58 =	vmul.f32 $6.000000240e-01, v8;
	v48 =	vand.u32 $0x7FFFFFFF, v48;
	v47 =	vadd.f32 v47, v51;
	v8 =	vld [tilespmem:$0x1FED0]  }
0x126: {  	v24 =	vmovc v36;
	[tilespmem:s13+$0x60] =	vst v46;
	v49 =	vand.u32 $0x7FFFFFFF, v49;
	v3 =	vadd.f32 v3, v55;
	v46 =	vadd.f32 v52, v9;
	v9 =	vld [tilespmem:$0x1FEE0]  }
0x127: {  	v27 =	vmovc v42;
	v36 =	vld [tilespmem:s10+$0xFFFFFF90];
	v48 =	vmul.f32 v48, v19;
	v49 =	vmul.f32 v49, v22;
	v4 =	vadd.f32 v4, v57  }
0x128: {  	v42 =	vld [tilespmem:s10+$0xFFFFFFF0];
	v59 =	vmul.f32 $6.000000240e-01, v50;
	v50 =	vand.u32 $0x7FFFFFFF, v50;
	v55 =	vperm.xlane v47, v0;
	v45 =	vpop (erf)  }
0x129: {  	v41 =	vld [tilespmem:s10+$0xFFFFFFE0];
	v5 =	vperm.xlane v3, v0;
	v48 =	vadd.f32 v48, v53;
	v49 =	vadd.f32 v49, v56;
	[tilespmem:s13+$0xFFFFFFF0] =	vst v45  }
0x12a: {  	v6 =	vperm.xlane v4, v0;
	v47 =	vadd.f32 v55, v47;
	v52 =	vmul.f32 v54, v8;
	v43 =	vld [tilespmem:s10+$0xFFFFFF80]  }
0x12b: {  	v3 =	vadd.f32 v5, v3;
	v56 =	vperm.xlane v48, v0;
	v60 =	vld [tilespmem:s17+$0xFFFFFF80];
	v50 =	vmul.f32 v50, v9  }
0x12c: {  	v4 =	vadd.f32 v6, v4;
	v61 =	vld [tilespmem:s17+$0xFFFFFF90];
	v52 =	vadd.f32 v52, v58;
	v58 =	vperm.xlane v46, v0  }
0x12d: {  	v51 =	vld [tilespmem:s17+$0xFFFFFFC0];
	v48 =	vadd.f32 v56, v48;
	v50 =	vadd.f32 v50, v59;
	v59 =	vperm.xlane v49, v0  }
0x12e: {  	v63 =	vld [tilespmem:s17+$0xFFFFFFB0];
	v55 =	vperm.xlane v52, v0;
	v46 =	vadd.f32 v58, v46;
	v58 =	vmul.f32 v36, v11  }
0x12f: {  	v53 =	vld [tilespmem:s17+$0xFFFFFFD0];
	v47 =	vsel vm2, v47, v48;
	v5 =	vperm.xlane v50, v0;
	v49 =	vadd.f32 v59, v49  }
0x130: {  	v59 =	vperm.xlane v47, v1;
	v56 =	vmul.f32 v43, v10;
	v52 =	vadd.f32 v55, v52  }
0x131: {  	v3 =	vsel vm2, v46, v3;
	v6 =	vadd.f32 v61, v58;
	v61 =	vmul.f32 v41, v16  }
0x132: {  	v48 =	vadd.f32 v51, v14;
	v5 =	vadd.f32 v5, v50;
	v4 =	vsel vm2, v49, v4  }
0x133: {  	v10 =	vperm.xlane v3, v1;
	v46 =	vadd.f32 v59, v47;
	v47 =	vadd.f32 v63, v13  }
0x134: {  	v62 =	vld [tilespmem:s17+$0xFFFFFFA0];
	v50 =	vadd.f32 v53, v15;
	v49 =	vadd.f32 v60, v56;
	v5 =	vsel vm2, v52, v5  }
0x135: {  	v60 =	vld [tilespmem:$0x1FFF0];
	v11 =	vperm.xlane v4, v1;
	v14 =	vand.u32 $0x7FFFFFFF, v48;
	v52 =	vperm.xlane v5, v1  }
0x136: {  	v57 =	vld [tilespmem:s17+$0xFFFFFFF0];
	v48 =	vmul.f32 $6.000000240e-01, v48;
	v3 =	vadd.f32 v10, v3;
	v10 =	vmul.f32 v42, v17  }
0x137: {  	v13 =	vand.u32 $0x7FFFFFFF, v47;
	v4 =	vadd.f32 v11, v4;
	v5 =	vadd.f32 v52, v5  }
0x138: {  	v54 =	vld [tilespmem:s17+$0xFFFFFFE0];
	v16 =	vand.u32 $0x7FFFFFFF, v50;
	v47 =	vmul.f32 $6.000000240e-01, v47;
	v56 =	vand.u32 $0x7FFFFFFF, v49  }
0x139: {  	v11 =	vand.u32 $0x7FFFFFFF, v6;
	v3 =	vsel vm0, v46, v3;
	v4 =	vsel vm0, v4, v5  }
0x13a: {  	v46 =	vperm.xlane v3, v60;
	v5 =	vadd.f32 v62, v12;
	v62 =	vperm.xlane v4, v60  }
0x13b: {  	v49 =	vmul.f32 $6.000000240e-01, v49;
	v6 =	vmul.f32 $6.000000240e-01, v6;
	v51 =	vadd.f32 v57, v10  }
0x13c: {  	v56 =	vmul.f32 v56, v18;
	v3 =	vadd.f32 v46, v3;
	v4 =	vadd.f32 v62, v4  }
0x13d: {  	v10 =	vmul.f32 $6.000000240e-01, v50;
	v52 =	vadd.f32 v54, v61;
	v61 =	vand.u32 $0x7FFFFFFF, v51  }
0x13e: {  	v54 =	vmul.f32 v14, v22;
	v9 =	vmul.f32 v61, v9;
	v3 =	vsel vm1, v3, v4  }
0x13f: {  	v17 =	vand.u32 $0x7FFFFFFF, v52;
	v46 =	vmul.f32 v11, v19;
	v15 =	vperm.xlane v3, v2  }
0x140: {  	v48 =	vadd.f32 v54, v48;
	v63 =	vmul.f32 v17, v8;
	v11 =	vmul.f32 $6.000000240e-01, v52  }
0x141: {  	v12 =	vand.u32 $0x7FFFFFFF, v5;
	v5 =	vmul.f32 $6.000000240e-01, v5;
	v3 =	vadd.f32 v3, v15  }
0x142: {  	v53 =	vmul.f32 v12, v20;
	v62 =	vmul.f32 v16, v23  }
0x143: {  	v6 =	vadd.f32 v46, v6;
	v16 =	vperm.xlane v48, v0;
	v3 =	vperm.xlane v3, v7  }
0x144: {  	v12 =	vmul.f32 $6.000000240e-01, v51;
	v4 =	vmul.f32 v13, v21;
	v5 =	vadd.f32 v53, v5  }
0x145: {  	v50 =	vadd.f32 v62, v10;
	v48 =	vadd.f32 v16, v48;
	v3 =	vmul.f32 $1.442695020e+00, v3  }
0x146: {  	v14 =	vperm.xlane v6, v0;
	v4 =	vadd.f32 v4, v47;
	v47 =	vadd.f32 v9, v12  }
0x147: {  	v2 =	vperm.xlane v5, v0;
	(erf) = vpow2.f32 v3;
	v3 =	vadd.f32 v56, v49  }
0x148: {  	v17 =	vperm.xlane v50, v0;
	v15 =	vperm.xlane v4, v0;
	v49 =	vadd.f32 v63, v11  }
0x149: {  	v6 =	vadd.f32 v14, v6;
	v19 =	vperm.xlane v47, v0;
	v13 =	vperm.xlane v3, v0  }
0x14a: {  	v5 =	vadd.f32 v2, v5;
	v4 =	vadd.f32 v15, v4;
	v18 =	vperm.xlane v49, v0  }
0x14b: {  	v52 =	vbroadcast v45, $0x1;
	v47 =	vadd.f32 v19, v47;
	v3 =	vadd.f32 v13, v3  }
0x14c: {  	v4 =	vsel vm2, v5, v4;
	v56 =	vadd.f32 v17, v50;
	v49 =	vadd.f32 v18, v49  }
0x14d: {  	v51 =	vbroadcast v45, $0x0;
	v59 =	vperm.xlane v4, v1;
	v3 =	vsel vm2, v3, v6  }
0x14e: {  	v6 =	vsel vm2, v48, v56;
	v47 =	vsel vm2, v49, v47;
	v58 =	vperm.xlane v3, v1  }
0x14f: {  	s16 =	sadd.s32 $0x2, s16;
	v61 =	vperm.xlane v6, v1;
	v62 =	vperm.xlane v47, v1  }
0x150: {  	p0 =	slt.u32 s16, $0x2E;
	v50 =	vbroadcast v45, $0x5;
	v4 =	vadd.f32 v59, v4;
	v46 =	vpop (erf);
	v3 =	vadd.f32 v58, v3  }
.Ltmp0:
0x151: {  	v5 =	vadd.f32 v61, v6;
	v63 =	vadd.f32 v62, v47;
	v57 =	vbroadcast v46, $0x7;
	(pc) =	sbr.rel @p0 .LBB2_3-.Ltmp0, $4  }
0x152: {  	v49 =	vbroadcast v45, $0x3;
	v48 =	vbroadcast v45, $0x4;
	v3 =	vsel vm0, v3, v4  }
0x153: {  	s12 =	smov.u32 s13;
	s13 =	sadd.s32 $0x120, s13;
	v54 =	vsel vm0, v5, v63;
	v44 =	vmul.f32 v57, v44;
	v4 =	vperm.xlane v3, v60  }
0x154: {  	v22 =	vmovc v25;
	v23 =	vmov v26;
	v47 =	vbroadcast v45, $0x6;
	[tilespmem:s13+$0x80] =	vst v46;
	v55 =	vperm.xlane v54, v60  }
0x155: {  	s17 =	sadd.s32 $0x100, s17;
	v26 =	vmovc v28;
	v21 =	vmovc v24;
	[tilespmem:s13+$0x70] =	vst v44;
	v44 =	vbroadcast v45, $0x2;
	v53 =	vadd.f32 v4, v3;
	v45 =	vbroadcast v45, $0x7  }
0x156: {  	v3 =	vadd.f32 v55, v54;
	_ =	sdelay $0x1  }
0x157: {  	v3 =	vsel vm1, v53, v3;
	v53 =	vld [tilespmem:$0x1FFD0]  }
0x158: {  	v62 =	vmul.f32 v51, v26  }
0x159: {  	v5 =	vmul.f32 v52, v21  }
0x15a: {  	v51 =	vld [tilespmem:$0x1FFE0];
	[tilespmem:s12+$0xFFFFFF70] =	vst v62  }
0x15b: {  	[tilespmem:s12+$0xFFFFFF80] =	vst v5  }
0x15c: {  	v2 =	vld [tilespmem:$0x1FE40];
	v4 =	vperm.xlane v3, v53;
	_ =	sdelay $0x1  }
0x15d: {  	v63 =	vmul.f32 v44, v22;
	v3 =	vadd.f32 v3, v4;
	_ =	sdelay $0x1  }
0x15e: {  	[tilespmem:s12+$0xFFFFFF90] =	vst v63;
	v3 =	vperm.xlane v3, v51  }
0x15f: {  	v9 =	vmul.f32 v48, v2;
	v2 =	vld [tilespmem:$0x1FE50]  }
0x160: {  	v3 =	vmul.f32 $1.442695020e+00, v3  }
0x161: {  	v6 =	vmul.f32 v49, v23  }
0x162: {  	v10 =	vbroadcast v46, $0x0;
	(erf) = vpow2.f32 v3  }
0x163: {  	v12 =	vbroadcast v46, $0x1;
	v21 =	vmul.f32 v45, v27;
	[tilespmem:s12+$0xFFFFFFA0] =	vst v6  }
0x164: {  	v4 =	vmul.f32 v10, v31;
	v3 =	vmul.f32 v50, v2;
	v2 =	vld [tilespmem:$0x1FE60];
	[tilespmem:s12+$0xFFFFFFB0] =	vst v9  }
0x165: {  	v13 =	vbroadcast v46, $0x3;
	[tilespmem:s12+$0xFFFFFFE0] =	vst v21  }
0x166: {  	v15 =	vbroadcast v46, $0x6;
	v5 =	vmul.f32 v12, v32;
	[tilespmem:s13+$0x0] =	vst v4  }
0x167: {  	v6 =	vmul.f32 v13, v34;
	[tilespmem:s12+$0xFFFFFFC0] =	vst v3;
	v3 =	vbroadcast v46, $0x2  }
0x168: {  	v21 =	vbroadcast v46, $0x4;
	[tilespmem:s13+$0x10] =	vst v5;
	v5 =	vmul.f32 v15, v30  }
0x169: {  	v14 =	vbroadcast v46, $0x5;
	[tilespmem:s13+$0x30] =	vst v6;
	v3 =	vmul.f32 v3, v33  }
0x16a: {  	v21 =	vmul.f32 v21, v35;
	[tilespmem:s13+$0x60] =	vst v5  }
0x16b: {  	[tilespmem:s13+$0x20] =	vst v3;
	v3 =	vmul.f32 v14, v29;
	v16 =	vpop (erf)  }
0x16c: {  	[tilespmem:s13+$0x40] =	vst v21;
	v11 =	vmul.f32 v47, v2;
	v17 =	vbroadcast v16, $0x0  }
0x16d: {  	[tilespmem:s13+$0x50] =	vst v3;
	v3 =	vbroadcast v16, $0x1  }
0x16e: {  	[tilespmem:s12+$0xFFFFFFD0] =	vst v11;
	v18 =	vbroadcast v16, $0x2;
	v6 =	vmul.f32 v17, v43  }
0x16f: {  	[tilespmem:s13+$0xFFFFFFF0] =	vst v16;
	v21 =	vbroadcast v16, $0x3;
	v3 =	vmul.f32 v3, v36  }
0x170: {  	v22 =	vbroadcast v16, $0x4;
	v5 =	vmul.f32 v18, v37;
	[tilespmem:s13+$0xFFFFFF70] =	vst v6  }
0x171: {  	v19 =	vbroadcast v16, $0x5;
	v21 =	vmul.f32 v21, v39;
	[tilespmem:s13+$0xFFFFFF80] =	vst v3  }
0x172: {  	v4 =	vbroadcast v16, $0x7;
	v22 =	vmul.f32 v22, v38;
	[tilespmem:s13+$0xFFFFFF90] =	vst v5  }
0x173: {  	v32 =	vmul.f32 v19, v40;
	v3 =	vbroadcast v16, $0x6;
	[tilespmem:s13+$0xFFFFFFA0] =	vst v21  }
0x174: {  	v4 =	vmul.f32 v4, v42;
	[tilespmem:s13+$0xFFFFFFB0] =	vst v22  }
0x175: {  	[tilespmem:s13+$0xFFFFFFC0] =	vst v32;
	v3 =	vmul.f32 v3, v41  }
0x176: {  	p0 =	seq.s32 s9, $0x68;
	[tilespmem:s13+$0xFFFFFFE0] =	vst v4  }
0x177: {  	s10 =	simm.s32 @!p0 $0x2;
	[tilespmem:s13+$0xFFFFFFD0] =	vst v3  }
0x178: {  	[spmem:s2] =	stream.indirect.scatter.add.f32 [tilespmem:s3], [sflag:$0x2], $0x90, s23, s24, $0xb8;
	[tilespmem:$0x1FB40] =	vst v63  }
0x179: {  	_ =	swait.ge @!p0 [sflag:s10], $0x1B00  }
0x17a: {  	s12 =	sadd.s32 @!p0 s22, s15;
	[sflag:s10] =	ssyncset.done @!p0 $0x0  }
0x17b: {  	[sflag:s10] =	ssyncadd.s32 @!p0 $0xFFFFE500;
	s10 =	sshrl.u32 @!p0 s12, $0x3  }
0x17c: {  	s16 =	simm.s32 @!p0 $0x16480;
	s13 =	simm.s32 @!p0 $0x0;
	s12 =	sadd.s32 @!p0 s1, s10  }
0x17d: {  	[tilespmem:s16], [sflag:$0x5] =	stream.linear.gather @!p0 [hbm4b:s12+s13], $0x30, $0x38;
	[tilespmem:$0x1FB40] =	vst v63  }
0x17e: {  	s12 =	simm.s32 @!p0 $0x5  }
0x17f: {  	_ =	swait.ge @!p0 [sflag:s12], $0x30  }
0x180: {  	[sflag:s12] =	ssyncset.done @!p0 $0x0  }
0x181: {  	s17 =	simm.s32 @!p0 $0x164B0;
	s10 =	sadd.s32 @!p0 s7, s10;
	[sflag:s12] =	ssyncadd.s32 @!p0 $0xFFFFFFD0  }
0x182: {  	[tilespmem:s17], [sflag:$0x5] =	stream.linear.gather @!p0 [hbm4b:s10+s13], $0x30, $0x38;
	[tilespmem:$0x1FB40] =	vst v63  }
0x183: {  	_ =	swait.ge @!p0 [sflag:s12], $0x30  }
0x184: {  	[sflag:s12] =	ssyncset.done @!p0 $0x0  }
0x185: {  	s10 =	simm.s32 @!p0 $0x30;
	[sflag:s12] =	ssyncadd.s32 @!p0 $0xFFFFFFD0;
	s12 =	simm.s32 @!p0 $0x164E0  }
0x186: {  	[tilespmem:s12], [sflag:$0x1] =	stream.indirect.gather @!p0 [hbm4b:s5+s10], $0x80, s16, s10, $0xb8;
	[tilespmem:$0x1FB40] =	vst v63  }
0x187: {  	s12 =	simm.s32 @!p0 $0x17CE0  }
0x188: {  	[tilespmem:s12], [sflag:$0x1] =	stream.indirect.gather @!p0 [hbm4b:s6+s10], $0x80, s17, s10, $0xb8;
	[tilespmem:$0x1FB40] =	vst v63  }
0x189: {  	_ =	swait.ge [sflag:s20], $0x1800  }
0x18a: {  	[sflag:s20] =	ssyncset.done $0x0  }
0x18b: {  	[sflag:s20] =	ssyncadd.s32 $0xFFFFE800  }
0x18c: {  	_ =	swait.ge [sflag:s20], $0x1800  }
0x18d: {  	v9 =	vld [tilespmem:$0x1FEF0]  }
0x18e: {  	v10 =	vld [tilespmem:$0x1FF00]  }
0x18f: {  	v11 =	vld [tilespmem:$0x1FF10]  }
0x190: {  	v12 =	vld [tilespmem:$0x1FF20]  }
0x191: {  	v13 =	vld [tilespmem:$0x1FF30]  }
0x192: {  	v14 =	vld [tilespmem:$0x1FF40]  }
0x193: {  	v15 =	vld [tilespmem:$0x1FF50]  }
0x194: {  	v16 =	vld [tilespmem:$0x1FF60]  }
0x195: {  	[sflag:s20] =	ssyncset.done $0x0;
	v17 =	vld [tilespmem:$0x1FF70]  }
0x196: {  	s16 =	simm.s32 $0x1C8C0;
	v18 =	vld [tilespmem:$0x1FF80];
	[sflag:s20] =	ssyncadd.s32 $0xFFFFE800  }
0x197: {  	v3 =	vld [tilespmem:s16+$0x0]  }
0x198: {  	v33 =	vld [tilespmem:s16+$0x10]  }
0x199: {  	s17 =	simm.s32 $0x1B0C0;
	v34 =	vld [tilespmem:s16+$0x20]  }
0x19a: {  	v38 =	vld [tilespmem:s17+$0x0]  }
0x19b: {  	v42 =	vld [tilespmem:s17+$0x10]  }
0x19c: {  	v43 =	vld [tilespmem:s17+$0x20]  }
0x19d: {  	v47 =	vld [tilespmem:s17+$0x30]  }
0x19e: {  	v46 =	vld [tilespmem:s17+$0x40]  }
0x19f: {  	v2 =	vld [tilespmem:s17+$0x50]  }
0x1a0: {  	v35 =	vld [tilespmem:s16+$0x30]  }
0x1a1: {  	v21 =	vld [tilespmem:s16+$0x40]  }
0x1a2: {  	v22 =	vld [tilespmem:s16+$0x50];
	v23 =	vmul.f32 v38, v9  }
0x1a3: {  	v20 =	vld [tilespmem:$0x1FFA0];
	v24 =	vmul.f32 v42, v10;
	v25 =	vmul.f32 v43, v11  }
0x1a4: {  	v50 =	vld [tilespmem:$0x1FFC0];
	[tilespmem:$0x1FE20] =	vst v2;
	v27 =	vmul.f32 v47, v12;
	v28 =	vmul.f32 v46, v13;
	v3 =	vadd.f32 v3, v23  }
0x1a5: {  	v45 =	vld [tilespmem:s17+$0x60];
	v4 =	vadd.f32 v33, v24;
	v23 =	vmul.f32 v2, v14;
	v5 =	vadd.f32 v34, v25  }
0x1a6: {  	v29 =	vld [tilespmem:s17+$0x70];
	v6 =	vadd.f32 v35, v27;
	v21 =	vadd.f32 v21, v28  }
0x1a7: {  	v26 =	vld [tilespmem:s16+$0x60];
	v22 =	vadd.f32 v22, v23;
	v25 =	vmul.f32 $6.000000240e-01, v3;
	v27 =	vmul.f32 $6.000000240e-01, v4  }
0x1a8: {  	v30 =	vld [tilespmem:s16+$0x70];
	v28 =	vmul.f32 $6.000000240e-01, v6;
	v3 =	vand.u32 $0x7FFFFFFF, v3;
	v4 =	vand.u32 $0x7FFFFFFF, v4  }
0x1a9: {  	v19 =	vld [tilespmem:$0x1FF90];
	v6 =	vand.u32 $0x7FFFFFFF, v6;
	v3 =	vmul.f32 v3, v17;
	v4 =	vmul.f32 v4, v18  }
0x1aa: {  	v2 =	vld [tilespmem:$0x1FFB0];
	v6 =	vmul.f32 v6, v20;
	v24 =	vmul.f32 v45, v15  }
0x1ab: {  	v23 =	vmul.f32 v29, v16;
	v31 =	vmul.f32 $6.000000240e-01, v22;
	v22 =	vand.u32 $0x7FFFFFFF, v22  }
0x1ac: {  	v3 =	vadd.f32 v3, v25;
	v22 =	vmul.f32 v22, v50;
	v6 =	vadd.f32 v6, v28  }
0x1ad: {  	v7 =	vld [tilespmem:$0x1FED0];
	v24 =	vadd.f32 v26, v24;
	v26 =	vmul.f32 $6.000000240e-01, v5;
	v23 =	vadd.f32 v30, v23  }
0x1ae: {  	v8 =	vld [tilespmem:$0x1FEE0];
	v30 =	vmul.f32 $6.000000240e-01, v21;
	v5 =	vand.u32 $0x7FFFFFFF, v5;
	v21 =	vand.u32 $0x7FFFFFFF, v21  }
0x1af: {  	v4 =	vadd.f32 v4, v27;
	v5 =	vmul.f32 v5, v19;
	v21 =	vmul.f32 v21, v2  }
0x1b0: {  	v28 =	vadd.f32 v22, v31;
	v27 =	vperm.xlane v3, v0;
	v54 =	vperm.xlane v6, v0  }
0x1b1: {  	v41 =	vmul.f32 $6.000000240e-01, v24;
	v44 =	vmul.f32 $6.000000240e-01, v23;
	v24 =	vand.u32 $0x7FFFFFFF, v24  }
0x1b2: {  	v59 =	vld [tilespmem:s16+$0xFFFFFF80];
	v23 =	vand.u32 $0x7FFFFFFF, v23;
	v5 =	vadd.f32 v5, v26;
	v24 =	vmul.f32 v24, v7  }
0x1b3: {  	v22 =	vld [tilespmem:s17+$0xFFFFFFA0];
	v26 =	vadd.f32 v21, v30;
	v25 =	vmul.f32 v23, v8;
	v30 =	vperm.xlane v4, v0  }
0x1b4: {  	v56 =	vperm.xlane v28, v0;
	v3 =	vadd.f32 v27, v3;
	v6 =	vadd.f32 v54, v6;
	v27 =	vld [tilespmem:s17+$0xFFFFFF80]  }
0x1b5: {  	v21 =	vld [tilespmem:s17+$0xFFFFFFB0];
	v31 =	vadd.f32 v24, v41;
	v52 =	vperm.xlane v5, v0;
	v33 =	vadd.f32 v25, v44  }
0x1b6: {  	v63 =	vld [tilespmem:s16+$0xFFFFFF90];
	v55 =	vperm.xlane v26, v0;
	v4 =	vadd.f32 v30, v4;
	v28 =	vadd.f32 v56, v28  }
0x1b7: {  	v36 =	vld [tilespmem:s16+$0xFFFFFFB0];
	v30 =	vperm.xlane v31, v0;
	v5 =	vadd.f32 v52, v5;
	v57 =	vperm.xlane v33, v0  }
0x1b8: {  	v23 =	vld [tilespmem:s17+$0xFFFFFF90];
	v58 =	vadd.f32 v55, v26;
	v3 =	vsel vm2, v3, v4;
	v55 =	vmul.f32 v22, v11  }
0x1b9: {  	v26 =	vld [tilespmem:s17+$0xFFFFFFE0];
	v49 =	vmul.f32 v27, v9;
	v30 =	vadd.f32 v30, v31;
	v31 =	vadd.f32 v57, v33  }
0x1ba: {  	v25 =	vmovc v21;
	v21 =	vld [tilespmem:s17+$0xFFFFFFC0];
	v61 =	vsel vm2, v5, v6;
	v62 =	vsel vm2, v58, v28;
	v28 =	vperm.xlane v3, v1  }
0x1bb: {  	v33 =	vld [tilespmem:s16+$0xFFFFFFA0];
	v56 =	vmul.f32 v25, v12;
	v34 =	vperm.xlane v62, v1;
	v32 =	vadd.f32 v59, v49  }
0x1bc: {  	v24 =	vld [tilespmem:s17+$0xFFFFFFD0];
	v30 =	vsel vm2, v30, v31;
	v31 =	vperm.xlane v61, v1;
	v3 =	vadd.f32 v28, v3  }
0x1bd: {  	[tilespmem:$0x1FDF0] =	vst v27;
	v35 =	vadd.f32 v36, v56;
	v48 =	vperm.xlane v30, v1;
	v5 =	vadd.f32 v34, v62  }
0x1be: {  	v57 =	vld [tilespmem:s16+$0xFFFFFFD0];
	v49 =	vmul.f32 v26, v15;
	v4 =	vadd.f32 v31, v61;
	v31 =	vmul.f32 v23, v10  }
0x1bf: {  	v54 =	vld [tilespmem:s16+$0xFFFFFFC0];
	v58 =	vmul.f32 v21, v13;
	v44 =	vmul.f32 $6.000000240e-01, v35;
	v30 =	vadd.f32 v48, v30  }
0x1c0: {  	v52 =	vld [tilespmem:s17+$0xFFFFFFF0];
	[tilespmem:$0x1FE00] =	vst v21;
	v33 =	vadd.f32 v33, v55;
	v3 =	vsel vm0, v3, v4;
	v6 =	vadd.f32 v63, v31  }
0x1c1: {  	v61 =	vld [tilespmem:s16+$0xFFFFFFE0];
	v63 =	vmul.f32 v24, v14;
	v59 =	vsel vm0, v5, v30;
	v30 =	vperm.xlane v3, v60  }
0x1c2: {  	v56 =	vand.u32 $0x7FFFFFFF, v33;
	v33 =	vmul.f32 $6.000000240e-01, v33;
	v31 =	vperm.xlane v59, v60  }
0x1c3: {  	v39 =	vadd.f32 v57, v63;
	v5 =	vmul.f32 v56, v19;
	v3 =	vadd.f32 v30, v3  }
0x1c4: {  	v30 =	vadd.f32 v54, v58;
	v54 =	vand.u32 $0x7FFFFFFF, v6;
	v58 =	vand.u32 $0x7FFFFFFF, v35  }
0x1c5: {  	v62 =	vld [tilespmem:s16+$0xFFFFFFF0];
	v6 =	vmul.f32 $6.000000240e-01, v6;
	v4 =	vadd.f32 v31, v59;
	v31 =	vmul.f32 v52, v16  }
0x1c6: {  	v28 =	vmovc v52;
	v52 =	vand.u32 $0x7FFFFFFF, v32;
	v55 =	vadd.f32 v61, v49;
	v37 =	vmul.f32 v54, v18  }
0x1c7: {  	v61 =	vand.u32 $0x7FFFFFFF, v39;
	v40 =	vmul.f32 v58, v20;
	v32 =	vmul.f32 $6.000000240e-01, v32  }
0x1c8: {  	v5 =	vadd.f32 v5, v33;
	v36 =	vmul.f32 v61, v50;
	v3 =	vsel vm1, v3, v4  }
0x1c9: {  	v59 =	vand.u32 $0x7FFFFFFF, v30;
	v30 =	vmul.f32 $6.000000240e-01, v30;
	v57 =	vperm.xlane v3, v53  }
0x1ca: {  	v31 =	vadd.f32 v62, v31;
	v62 =	vand.u32 $0x7FFFFFFF, v55;
	v41 =	vmul.f32 v59, v2  }
0x1cb: {  	v6 =	vadd.f32 v37, v6;
	v4 =	vmul.f32 $6.000000240e-01, v55;
	v3 =	vadd.f32 v3, v57  }
0x1cc: {  	v55 =	vperm.xlane v5, v0;
	v48 =	vmul.f32 v62, v7;
	v63 =	vand.u32 $0x7FFFFFFF, v31  }
0x1cd: {  	v31 =	vmul.f32 $6.000000240e-01, v31;
	v30 =	vadd.f32 v41, v30;
	v3 =	vperm.xlane v3, v51  }
0x1ce: {  	v54 =	vperm.xlane v6, v0;
	v5 =	vadd.f32 v55, v5;
	v49 =	vmul.f32 v63, v8  }
0x1cf: {  	[tilespmem:$0x1FE10] =	vst v24;
	v24 =	vmovc v51;
	v4 =	vadd.f32 v48, v4;
	v51 =	vmul.f32 $6.000000240e-01, v39;
	v3 =	vmul.f32 $1.442695020e+00, v3  }
0x1d0: {  	v34 =	vmul.f32 v52, v17;
	v6 =	vadd.f32 v54, v6;
	v31 =	vadd.f32 v49, v31  }
0x1d1: {  	v59 =	vperm.xlane v4, v0;
	v52 =	vadd.f32 v36, v51;
	(erf) = vpow2.f32 v3  }
0x1d2: {  	v61 =	vperm.xlane v31, v0;
	v3 =	vadd.f32 v34, v32;
	v32 =	vadd.f32 v40, v44  }
0x1d3: {  	v57 =	vperm.xlane v30, v0;
	v4 =	vadd.f32 v59, v4;
	v58 =	vperm.xlane v52, v0  }
0x1d4: {  	v21 =	vmovc v53;
	v62 =	vadd.f32 v61, v31;
	v53 =	vperm.xlane v3, v0;
	v56 =	vperm.xlane v32, v0  }
0x1d5: {  	v30 =	vadd.f32 v57, v30;
	v33 =	vadd.f32 v58, v52  }
0x1d6: {  	v4 =	vsel vm2, v4, v62;
	v3 =	vadd.f32 v53, v3;
	v32 =	vadd.f32 v56, v32  }
0x1d7: {  	s22 =	simm.s32 $0x1C9C0;
	v63 =	vperm.xlane v4, v1;
	v30 =	vsel vm2, v30, v33  }
0x1d8: {  	v37 =	vld [tilespmem:s22+$0x20];
	v33 =	vperm.xlane v30, v1;
	v3 =	vsel vm2, v3, v6;
	v5 =	vsel vm2, v5, v32  }
0x1d9: {  	v39 =	vld [tilespmem:s22+$0x30];
	v31 =	vperm.xlane v3, v1;
	v32 =	vperm.xlane v5, v1  }
0x1da: {  	v36 =	vld [tilespmem:s22+$0x0];
	v4 =	vadd.f32 v63, v4;
	v30 =	vadd.f32 v33, v30;
	v48 =	vpop (erf)  }
0x1db: {  	v40 =	vld [tilespmem:s22+$0x40];
	v3 =	vadd.f32 v31, v3;
	v5 =	vadd.f32 v32, v5;
	v41 =	vbroadcast v48, $0x7  }
0x1dc: {  	s10 =	simm.s32 $0x1B1C0;
	v6 =	vld [tilespmem:s22+$0x10]  }
0x1dd: {  	v33 =	vld [tilespmem:s10+$0x20];
	v4 =	vsel vm0, v30, v4;
	v3 =	vsel vm0, v3, v5;
	v5 =	vmul.f32 v41, v29  }
0x1de: {  	v31 =	vld [tilespmem:s10+$0x0];
	v30 =	vperm.xlane v4, v60  }
0x1df: {  	v32 =	vld [tilespmem:s10+$0x10];
	v51 =	vbroadcast v48, $0x1;
	v52 =	vbroadcast v48, $0x2;
	[tilespmem:$0x1FE30] =	vst v5  }
0x1e0: {  	v53 =	vbroadcast v48, $0x3;
	v44 =	vperm.xlane v3, v60;
	v34 =	vld [tilespmem:s10+$0x30]  }
0x1e1: {  	v54 =	vbroadcast v48, $0x4;
	v55 =	vbroadcast v48, $0x5;
	v4 =	vadd.f32 v30, v4;
	v35 =	vld [tilespmem:s10+$0x40]  }
0x1e2: {  	v59 =	vmul.f32 v33, v11;
	v51 =	vmul.f32 v51, v42;
	v3 =	vadd.f32 v44, v3;
	v29 =	vld [tilespmem:s10+$0x50]  }
0x1e3: {  	v52 =	vmul.f32 v52, v43;
	v47 =	vmul.f32 v53, v47;
	v30 =	vld [tilespmem:s10+$0x60]  }
0x1e4: {  	v54 =	vmul.f32 v54, v46;
	v5 =	vbroadcast v48, $0x0;
	v56 =	vld [tilespmem:s22+$0x50];
	v3 =	vsel vm1, v3, v4  }
0x1e5: {  	v27 =	vmovc v26;
	v26 =	vmov v21;
	v57 =	vmul.f32 v31, v9;
	v41 =	vperm.xlane v3, v21;
	v21 =	vld [tilespmem:s10+$0x70]  }
0x1e6: {  	v44 =	vbroadcast v48, $0x6;
	v58 =	vmul.f32 v32, v10;
	v60 =	vld [tilespmem:s22+$0x60]  }
0x1e7: {  	v37 =	vadd.f32 v37, v59;
	v36 =	vadd.f32 v36, v57;
	v61 =	vmul.f32 v34, v12  }
0x1e8: {  	v6 =	vadd.f32 v6, v58;
	v62 =	vmul.f32 v35, v13;
	v57 =	vmul.f32 v29, v14  }
0x1e9: {  	v45 =	vmul.f32 v44, v45;
	v49 =	vmul.f32 v30, v15;
	v39 =	vadd.f32 v39, v61  }
0x1ea: {  	v63 =	vld [tilespmem:s22+$0x70];
	v40 =	vadd.f32 v40, v62;
	v4 =	vmul.f32 v21, v16;
	v56 =	vadd.f32 v56, v57  }
0x1eb: {  	v57 =	vmul.f32 $6.000000240e-01, v36;
	v61 =	vmul.f32 $6.000000240e-01, v6;
	v58 =	vadd.f32 v60, v49  }
0x1ec: {  	v60 =	vmul.f32 $6.000000240e-01, v37;
	v36 =	vand.u32 $0x7FFFFFFF, v36;
	v6 =	vand.u32 $0x7FFFFFFF, v6  }
0x1ed: {  	v37 =	vand.u32 $0x7FFFFFFF, v37;
	v36 =	vmul.f32 v36, v17;
	v6 =	vmul.f32 v6, v18  }
0x1ee: {  	v37 =	vmul.f32 v37, v19;
	v62 =	vmul.f32 $6.000000240e-01, v39  }
0x1ef: {  	v59 =	vadd.f32 v63, v4;
	v4 =	vadd.f32 v3, v41;
	v49 =	vmul.f32 $6.000000240e-01, v40  }
0x1f0: {  	v63 =	vmul.f32 $6.000000240e-01, v56;
	v3 =	vmul.f32 $6.000000240e-01, v58;
	v39 =	vand.u32 $0x7FFFFFFF, v39  }
0x1f1: {  	v40 =	vand.u32 $0x7FFFFFFF, v40;
	v56 =	vand.u32 $0x7FFFFFFF, v56;
	v58 =	vand.u32 $0x7FFFFFFF, v58  }
0x1f2: {  	v36 =	vadd.f32 v36, v57;
	v39 =	vmul.f32 v39, v20;
	v40 =	vmul.f32 v40, v2  }
0x1f3: {  	v56 =	vmul.f32 v56, v50;
	v6 =	vadd.f32 v6, v61;
	v37 =	vadd.f32 v37, v60  }
0x1f4: {  	v42 =	vld [tilespmem:s10+$0xFFFFFFF0];
	v58 =	vmul.f32 v58, v7;
	v57 =	vmul.f32 $6.000000240e-01, v59;
	v59 =	vand.u32 $0x7FFFFFFF, v59  }
0x1f5: {  	v43 =	vld [tilespmem:s10+$0xFFFFFF80];
	v4 =	vperm.xlane v4, v24;
	v39 =	vadd.f32 v39, v62;
	v40 =	vadd.f32 v40, v49  }
0x1f6: {  	v53 =	vld [tilespmem:s22+$0xFFFFFF80];
	v49 =	vmul.f32 v59, v8;
	v56 =	vadd.f32 v56, v63;
	v59 =	vperm.xlane v36, v0  }
0x1f7: {  	v46 =	vld [tilespmem:s22+$0xFFFFFF90];
	v60 =	vperm.xlane v6, v0;
	v3 =	vadd.f32 v58, v3;
	v58 =	vperm.xlane v37, v0  }
0x1f8: {  	v44 =	vld [tilespmem:s22+$0xFFFFFFB0];
	v4 =	vmul.f32 $1.442695020e+00, v4;
	v61 =	vperm.xlane v39, v0  }
0x1f9: {  	v62 =	vld [tilespmem:$0x1FFF0];
	v41 =	vadd.f32 v49, v57;
	v57 =	vperm.xlane v40, v0;
	v49 =	vperm.xlane v56, v0  }
0x1fa: {  	v59 =	vadd.f32 v59, v36;
	v6 =	vadd.f32 v60, v6;
	v60 =	vperm.xlane v3, v0;
	v36 =	vld [tilespmem:s10+$0xFFFFFF90]  }
0x1fb: {  	v58 =	vadd.f32 v58, v37;
	v37 =	vld [tilespmem:s10+$0xFFFFFFA0];
	v61 =	vadd.f32 v61, v39;
	v63 =	vperm.xlane v41, v0  }
0x1fc: {  	v40 =	vadd.f32 v57, v40;
	v56 =	vadd.f32 v49, v56;
	v49 =	vmul.f32 v5, v38;
	v39 =	vld [tilespmem:s10+$0xFFFFFFB0]  }
0x1fd: {  	v3 =	vadd.f32 v60, v3;
	v38 =	vld [tilespmem:s10+$0xFFFFFFC0];
	v6 =	vsel vm2, v59, v6;
	v41 =	vadd.f32 v63, v41  }
0x1fe: {  	v5 =	vperm.xlane v6, v1;
	v57 =	vsel vm2, v58, v61;
	v56 =	vsel vm2, v40, v56;
	v40 =	vld [tilespmem:s10+$0xFFFFFFD0]  }
0x1ff: {  	v63 =	vld [tilespmem:$0x1FE20];
	v59 =	vperm.xlane v57, v1;
	v60 =	vperm.xlane v56, v1;
	v3 =	vsel vm2, v3, v41  }
0x200: {  	(erf) = vpow2.f32 v4;
	v4 =	vld [tilespmem:s22+$0xFFFFFFD0];
	v6 =	vadd.f32 v5, v6;
	v61 =	vperm.xlane v3, v1  }
0x201: {  	v41 =	vld [tilespmem:s10+$0xFFFFFFE0];
	v57 =	vadd.f32 v59, v57;
	v56 =	vadd.f32 v60, v56;
	v60 =	vmul.f32 v43, v9  }
0x202: {  	v9 =	vmul.f32 v36, v10;
	v10 =	vmul.f32 v37, v11;
	v3 =	vadd.f32 v61, v3;
	v61 =	vld [tilespmem:$0x1FFF0]  }
0x203: {  	v11 =	vmul.f32 v39, v12;
	v13 =	vmul.f32 v38, v13  }
0x204: {  	v59 =	vld [tilespmem:s22+$0xFFFFFFC0];
	v6 =	vsel vm0, v6, v57;
	v55 =	vmul.f32 v55, v63;
	v14 =	vmul.f32 v40, v14  }
0x205: {  	v46 =	vadd.f32 v46, v9;
	v44 =	vadd.f32 v44, v11;
	v3 =	vsel vm0, v56, v3;
	v56 =	vld [tilespmem:s22+$0xFFFFFFA0]  }
0x206: {  	v11 =	vmul.f32 v42, v16;
	v9 =	vmul.f32 v41, v15;
	v14 =	vadd.f32 v4, v14  }
0x207: {  	v53 =	vadd.f32 v53, v60;
	v58 =	vperm.xlane v3, v62;
	v57 =	vperm.xlane v6, v61  }
0x208: {  	v16 =	vand.u32 $0x7FFFFFFF, v44;
	v44 =	vmul.f32 $6.000000240e-01, v44;
	v4 =	vand.u32 $0x7FFFFFFF, v14  }
0x209: {  	v5 =	vmul.f32 $6.000000240e-01, v14;
	v3 =	vadd.f32 v58, v3;
	v6 =	vadd.f32 v57, v6  }
0x20a: {  	v4 =	vmul.f32 v4, v50;
	v56 =	vadd.f32 v56, v10;
	v10 =	vadd.f32 v59, v13  }
0x20b: {  	v13 =	vand.u32 $0x7FFFFFFF, v46;
	v59 =	vmul.f32 v16, v20;
	v46 =	vmul.f32 $6.000000240e-01, v46  }
0x20c: {  	v4 =	vadd.f32 v4, v5;
	v62 =	vmul.f32 v13, v18;
	v3 =	vsel vm1, v6, v3  }
0x20d: {  	v15 =	vand.u32 $0x7FFFFFFF, v56;
	v56 =	vmul.f32 $6.000000240e-01, v56;
	v12 =	vperm.xlane v3, v26  }
0x20e: {  	v6 =	vld [tilespmem:s22+$0xFFFFFFF0];
	v57 =	vmul.f32 $6.000000240e-01, v10;
	v44 =	vadd.f32 v59, v44;
	v60 =	vmul.f32 v15, v19  }
0x20f: {  	v58 =	vld [tilespmem:s22+$0xFFFFFFE0];
	v46 =	vadd.f32 v62, v46;
	v15 =	vperm.xlane v4, v0;
	v3 =	vadd.f32 v3, v12  }
0x210: {  	v12 =	vand.u32 $0x7FFFFFFF, v53;
	v53 =	vmul.f32 $6.000000240e-01, v53;
	v56 =	vadd.f32 v60, v56  }
0x211: {  	v61 =	vmul.f32 v12, v17;
	v17 =	vand.u32 $0x7FFFFFFF, v10;
	v10 =	vperm.xlane v46, v0  }
0x212: {  	v12 =	vperm.xlane v44, v0;
	v3 =	vperm.xlane v3, v24  }
0x213: {  	s12 =	simm.s32 $0x1E0D0;
	v14 =	vpop (erf);
	v6 =	vadd.f32 v6, v11;
	v63 =	vmul.f32 v17, v2;
	v11 =	vperm.xlane v56, v0  }
0x214: {  	v58 =	vadd.f32 v58, v9;
	v2 =	vld [tilespmem:$0x1FE30];
	[tilespmem:s12+$0x0] =	vst v49;
	v49 =	vbroadcast v14, $0x3;
	v3 =	vmul.f32 $1.442695020e+00, v3  }
0x215: {  	v53 =	vadd.f32 v61, v53;
	v50 =	vand.u32 $0x7FFFFFFF, v6;
	v6 =	vmul.f32 $6.000000240e-01, v6  }
0x216: {  	v61 =	vmul.f32 v50, v8;
	(erf) = vpow2.f32 v3;
	v3 =	vand.u32 $0x7FFFFFFF, v58  }
0x217: {  	v4 =	vadd.f32 v15, v4;
	v58 =	vmul.f32 $6.000000240e-01, v58;
	v3 =	vmul.f32 v3, v7  }
0x218: {  	[tilespmem:s12+$0x80] =	vst v48;
	v48 =	vbroadcast v14, $0x4;
	v46 =	vadd.f32 v10, v46;
	v57 =	vadd.f32 v63, v57  }
0x219: {  	v9 =	vperm.xlane v53, v0;
	v6 =	vadd.f32 v61, v6;
	v3 =	vadd.f32 v3, v58  }
0x21a: {  	v44 =	vadd.f32 v12, v44;
	v56 =	vadd.f32 v11, v56;
	v13 =	vperm.xlane v57, v0  }
0x21b: {  	v5 =	vadd.f32 v9, v53;
	v18 =	vperm.xlane v6, v0;
	v16 =	vperm.xlane v3, v0  }
0x21c: {  	v50 =	vbroadcast v14, $0x5;
	v44 =	vsel vm2, v56, v44;
	[tilespmem:s12+$0x70] =	vst v2;
	v17 =	vadd.f32 v13, v57  }
0x21d: {  	v2 =	vld [tilespmem:$0x1FFF0];
	[tilespmem:s12+$0x10] =	vst v51;
	v5 =	vsel vm2, v5, v46;
	v6 =	vadd.f32 v18, v6;
	v3 =	vadd.f32 v16, v3  }
0x21e: {  	[tilespmem:s12+$0x20] =	vst v52;
	v58 =	vperm.xlane v44, v1;
	v56 =	vperm.xlane v5, v1;
	v4 =	vsel vm2, v17, v4  }
0x21f: {  	[tilespmem:s12+$0x30] =	vst v47;
	v51 =	vbroadcast v14, $0x0;
	v60 =	vperm.xlane v4, v1;
	v3 =	vsel vm2, v3, v6  }
0x220: {  	[tilespmem:s12+$0x40] =	vst v54;
	v61 =	vadd.f32 v58, v44;
	v5 =	vadd.f32 v56, v5;
	v46 =	vpop (erf);
	v62 =	vperm.xlane v3, v1  }
0x221: {  	[tilespmem:s12+$0x50] =	vst v55;
	v52 =	vbroadcast v14, $0x1;
	v19 =	vbroadcast v46, $0x7  }
0x222: {  	[tilespmem:s12+$0x60] =	vst v45;
	v4 =	vadd.f32 v60, v4;
	v5 =	vsel vm0, v5, v61;
	v3 =	vadd.f32 v62, v3  }
0x223: {  	s13 =	simm.s32 $0x1E1F0;
	[tilespmem:s12+$0xFFFFFFF0] =	vst v14;
	v63 =	vperm.xlane v5, v2;
	v57 =	vmul.f32 v19, v21  }
0x224: {  	v47 =	vbroadcast v14, $0x6;
	v45 =	vbroadcast v14, $0x7;
	[tilespmem:s13+$0x80] =	vst v46;
	v54 =	vsel vm0, v4, v3  }
0x225: {  	s17 =	simm.s32 $0x1CAC0;
	s16 =	simm.s32 $0x2;
	v44 =	vbroadcast v14, $0x2;
	v53 =	vadd.f32 v63, v5;
	[tilespmem:s13+$0x70] =	vst v57;
	v55 =	vperm.xlane v54, v2  }
.LBB2_5:
0x226: {  	v3 =	vld [tilespmem:s17+$0x0]  }
0x227: {  	v6 =	vld [tilespmem:s17+$0x10]  }
0x228: {  	v57 =	vld [tilespmem:s17+$0x20]  }
0x229: {  	v60 =	vld [tilespmem:s17+$0x30]  }
0x22a: {  	v2 =	vld [tilespmem:$0x1FDF0]  }
0x22b: {  	v61 =	vld [tilespmem:s17+$0x50]  }
0x22c: {  	v7 =	vld [tilespmem:$0x1FE00]  }
0x22d: {  	v11 =	vld [tilespmem:$0x1FE10]  }
0x22e: {  	v10 =	vld [tilespmem:$0x1FEF0]  }
0x22f: {  	v20 =	vld [tilespmem:$0x1FF90]  }
0x230: {  	s10 =	sadd.s32 $0x100, s10;
	v21 =	vld [tilespmem:$0x1FFA0]  }
0x231: {  	v26 =	vmov v37;
	v37 =	vld [tilespmem:s10+$0x0]  }
0x232: {  	v4 =	vbroadcast v46, $0x0;
	v5 =	vbroadcast v46, $0x1;
	v13 =	vld [tilespmem:s10+$0x10]  }
0x233: {  	v18 =	vbroadcast v46, $0x2;
	v56 =	vbroadcast v46, $0x3;
	v16 =	vld [tilespmem:s10+$0x20]  }
0x234: {  	v58 =	vbroadcast v46, $0x4;
	v59 =	vbroadcast v46, $0x5;
	v17 =	vld [tilespmem:s10+$0x30]  }
0x235: {  	v46 =	vbroadcast v46, $0x6;
	v15 =	vmov v40;
	v19 =	vmul.f32 v44, v22;
	v44 =	vld [tilespmem:s10+$0x70]  }
0x236: {  	[tilespmem:$0x1FE10] =	vst v15;
	v15 =	vld [tilespmem:$0x1FF40]  }
0x237: {  	v14 =	vmul.f32 v47, v27;
	v46 =	vmul.f32 v46, v30;
	v30 =	vld [tilespmem:s10+$0x60]  }
0x238: {  	[tilespmem:s12+$0xFFFFFF90] =	vst v19;
	v19 =	vld [tilespmem:s10+$0x40]  }
0x239: {  	[tilespmem:s12+$0xFFFFFFD0] =	vst v14;
	v14 =	vld [tilespmem:$0x1FF30]  }
0x23a: {  	v51 =	vmul.f32 v51, v2;
	v2 =	vmov v43;
	v43 =	vld [tilespmem:s17+$0x40];
	v12 =	vmul.f32 v50, v11  }
0x23b: {  	[tilespmem:$0x1FDF0] =	vst v2;
	v2 =	vld [tilespmem:$0x1FFD0]  }
0x23c: {  	v8 =	vmov v38;
	v52 =	vmul.f32 v52, v23;
	v62 =	vmul.f32 v49, v25;
	[tilespmem:s12+$0xFFFFFFC0] =	vst v12;
	v12 =	vld [tilespmem:$0x1FF10]  }
0x23d: {  	v54 =	vadd.f32 v55, v54;
	v45 =	vmul.f32 v45, v28;
	[tilespmem:$0x1FE00] =	vst v8;
	v4 =	vmul.f32 v4, v31;
	v11 =	vld [tilespmem:$0x1FF00]  }
0x23e: {  	v5 =	vmul.f32 v5, v32;
	v18 =	vmul.f32 v18, v33;
	[tilespmem:s12+$0xFFFFFF80] =	vst v52;
	v31 =	vmovc v37;
	v32 =	vmov v13;
	v13 =	vld [tilespmem:$0x1FF20]  }
0x23f: {  	v53 =	vsel vm1, v53, v54;
	[tilespmem:s12+$0xFFFFFFA0] =	vst v62;
	v48 =	vmul.f32 v48, v7;
	v7 =	vld [tilespmem:$0x1FFE0];
	v37 =	vmul.f32 v31, v10  }
0x240: {  	v62 =	vmul.f32 v58, v35;
	v33 =	vmov v16;
	v16 =	vld [tilespmem:$0x1FF50];
	[tilespmem:s12+$0xFFFFFF70] =	vst v51;
	v54 =	vperm.xlane v53, v2  }
0x241: {  	v22 =	vld [tilespmem:$0x1FFB0];
	v55 =	vmul.f32 v19, v14;
	v35 =	vmovc v19;
	v3 =	vadd.f32 v3, v37;
	v38 =	vmul.f32 v33, v12  }
0x242: {  	v19 =	vld [tilespmem:$0x1FF80];
	v8 =	vmul.f32 v32, v11;
	v63 =	vadd.f32 v53, v54;
	v53 =	vmul.f32 v56, v34;
	v34 =	vmovc v17  }
0x243: {  	v25 =	vmovc v39;
	[tilespmem:s12+$0xFFFFFFB0] =	vst v48;
	v48 =	vmul.f32 $6.000000240e-01, v3;
	v17 =	vld [tilespmem:$0x1FF60];
	v54 =	vmul.f32 v34, v13;
	v50 =	vadd.f32 v57, v38  }
0x244: {  	v39 =	vperm.xlane v63, v7;
	v63 =	vmul.f32 v59, v29;
	v29 =	vld [tilespmem:s10+$0x50];
	[tilespmem:s13+$0x0] =	vst v4;
	v4 =	vadd.f32 v6, v8  }
0x245: {  	v59 =	vmul.f32 v30, v16;
	v9 =	vld [tilespmem:s17+$0x60];
	[tilespmem:s13+$0x10] =	vst v5;
	v5 =	vadd.f32 v60, v54;
	v60 =	vadd.f32 v43, v55  }
0x246: {  	v52 =	vmul.f32 $1.442695020e+00, v39;
	v51 =	vmul.f32 $6.000000240e-01, v4;
	v4 =	vand.u32 $0x7FFFFFFF, v4  }
0x247: {  	v56 =	vld [tilespmem:s17+$0x70];
	[tilespmem:s13+$0x30] =	vst v53;
	v53 =	vmul.f32 $6.000000240e-01, v5;
	v54 =	vmul.f32 $6.000000240e-01, v60;
	v5 =	vand.u32 $0x7FFFFFFF, v5  }
0x248: {  	[tilespmem:s12+$0xFFFFFFE0] =	vst v45;
	v47 =	vand.u32 $0x7FFFFFFF, v60;
	v4 =	vmul.f32 v4, v19;
	(erf) = vpow2.f32 v52  }
0x249: {  	[tilespmem:s13+$0x20] =	vst v18;
	v18 =	vld [tilespmem:$0x1FF70];
	v5 =	vmul.f32 v5, v21;
	v47 =	vmul.f32 v47, v22  }
0x24a: {  	v23 =	vld [tilespmem:$0x1FFC0];
	[tilespmem:s13+$0x50] =	vst v63;
	v63 =	vadd.f32 v9, v59;
	v9 =	vmul.f32 $6.000000240e-01, v50;
	v50 =	vand.u32 $0x7FFFFFFF, v50  }
0x24b: {  	v24 =	vmovc v36;
	v36 =	vld [tilespmem:s10+$0xFFFFFF90];
	v58 =	vmul.f32 v29, v15;
	v4 =	vadd.f32 v4, v51;
	v50 =	vmul.f32 v50, v20  }
0x24c: {  	v8 =	vld [tilespmem:$0x1FED0];
	[tilespmem:s13+$0x40] =	vst v62;
	v62 =	vmul.f32 v44, v17;
	v5 =	vadd.f32 v5, v53;
	v47 =	vadd.f32 v47, v54  }
0x24d: {  	v3 =	vand.u32 $0x7FFFFFFF, v3;
	[tilespmem:s13+$0x60] =	vst v46;
	v6 =	vadd.f32 v61, v58;
	v46 =	vadd.f32 v50, v9;
	v9 =	vld [tilespmem:$0x1FEE0]  }
0x24e: {  	v40 =	vld [tilespmem:s10+$0xFFFFFFD0];
	v49 =	vadd.f32 v56, v62;
	v3 =	vmul.f32 v3, v18;
	v54 =	vperm.xlane v4, v0  }
0x24f: {  	v27 =	vmovc v41;
	v41 =	vld [tilespmem:s10+$0xFFFFFFE0];
	v56 =	vmul.f32 $6.000000240e-01, v63;
	v52 =	vand.u32 $0x7FFFFFFF, v63;
	v55 =	vmul.f32 $6.000000240e-01, v6  }
0x250: {  	v28 =	vmovc v42;
	v42 =	vld [tilespmem:s10+$0xFFFFFFF0];
	v57 =	vmul.f32 $6.000000240e-01, v49;
	v6 =	vand.u32 $0x7FFFFFFF, v6;
	v49 =	vand.u32 $0x7FFFFFFF, v49  }
0x251: {  	v37 =	vld [tilespmem:s10+$0xFFFFFFA0];
	v3 =	vadd.f32 v3, v48;
	v63 =	vmul.f32 v52, v8;
	v6 =	vmul.f32 v6, v23  }
0x252: {  	v38 =	vld [tilespmem:s10+$0xFFFFFFC0];
	v62 =	vperm.xlane v5, v0;
	v4 =	vadd.f32 v54, v4;
	v45 =	vpop (erf);
	v49 =	vmul.f32 v49, v9  }
0x253: {  	v39 =	vld [tilespmem:s10+$0xFFFFFFB0];
	v53 =	vperm.xlane v3, v0;
	v50 =	vadd.f32 v63, v56;
	v6 =	vadd.f32 v6, v55;
	[tilespmem:s13+$0xFFFFFFF0] =	vst v45  }
0x254: {  	v5 =	vadd.f32 v62, v5;
	v56 =	vperm.xlane v46, v0;
	v43 =	vld [tilespmem:s10+$0xFFFFFF80];
	v49 =	vadd.f32 v49, v57  }
0x255: {  	v3 =	vadd.f32 v53, v3;
	v53 =	vperm.xlane v50, v0;
	v63 =	vperm.xlane v6, v0  }
0x256: {  	v46 =	vadd.f32 v56, v46;
	v58 =	vld [tilespmem:s17+$0xFFFFFF80];
	v57 =	vperm.xlane v47, v0;
	v54 =	vperm.xlane v49, v0  }
0x257: {  	v59 =	vld [tilespmem:s17+$0xFFFFFF90];
	v50 =	vadd.f32 v53, v50;
	v3 =	vsel vm2, v3, v4;
	v6 =	vadd.f32 v63, v6  }
0x258: {  	v60 =	vld [tilespmem:s17+$0xFFFFFFA0];
	v63 =	vmul.f32 v37, v12;
	v47 =	vadd.f32 v57, v47;
	v49 =	vadd.f32 v54, v49  }
0x259: {  	v61 =	vld [tilespmem:s17+$0xFFFFFFB0];
	v4 =	vsel vm2, v46, v5;
	v57 =	vmul.f32 v36, v11;
	v62 =	vmul.f32 v43, v10  }
0x25a: {  	v48 =	vld [tilespmem:s17+$0xFFFFFFC0];
	v11 =	vperm.xlane v4, v1;
	v5 =	vsel vm2, v47, v6;
	v6 =	vsel vm2, v50, v49  }
0x25b: {  	v51 =	vld [tilespmem:s17+$0xFFFFFFD0];
	v49 =	vadd.f32 v58, v62;
	v58 =	vperm.xlane v5, v1;
	v62 =	vperm.xlane v6, v1  }
0x25c: {  	v52 =	vld [tilespmem:s17+$0xFFFFFFE0];
	v10 =	vperm.xlane v3, v1;
	v4 =	vadd.f32 v11, v4;
	v47 =	vadd.f32 v59, v57  }
0x25d: {  	v12 =	vmul.f32 v40, v15;
	v5 =	vadd.f32 v58, v5;
	v6 =	vadd.f32 v62, v6  }
0x25e: {  	v11 =	vmul.f32 v38, v14;
	v3 =	vadd.f32 v10, v3;
	v10 =	vmul.f32 v39, v13  }
0x25f: {  	v13 =	vmul.f32 v41, v16;
	v14 =	vsel vm0, v5, v6;
	v5 =	vadd.f32 v60, v63;
	v60 =	vld [tilespmem:$0x1FFF0]  }
0x260: {  	v55 =	vld [tilespmem:s17+$0xFFFFFFF0];
	v51 =	vadd.f32 v51, v12;
	v48 =	vadd.f32 v48, v11  }
0x261: {  	v46 =	vadd.f32 v61, v10;
	v10 =	vand.u32 $0x7FFFFFFF, v47;
	v52 =	vadd.f32 v52, v13  }
0x262: {  	v13 =	vand.u32 $0x7FFFFFFF, v48;
	v47 =	vmul.f32 $6.000000240e-01, v47;
	v48 =	vmul.f32 $6.000000240e-01, v48  }
0x263: {  	v3 =	vsel vm0, v3, v4;
	v62 =	vmul.f32 v42, v17;
	v54 =	vmul.f32 v13, v22  }
0x264: {  	v12 =	vand.u32 $0x7FFFFFFF, v46;
	v15 =	vperm.xlane v3, v60;
	v16 =	vperm.xlane v14, v60  }
0x265: {  	v46 =	vmul.f32 $6.000000240e-01, v46;
	v63 =	vand.u32 $0x7FFFFFFF, v49;
	v50 =	vadd.f32 v55, v62  }
0x266: {  	v11 =	vand.u32 $0x7FFFFFFF, v5;
	v3 =	vadd.f32 v15, v3;
	v4 =	vadd.f32 v16, v14  }
0x267: {  	v57 =	vmul.f32 v63, v18;
	v17 =	vand.u32 $0x7FFFFFFF, v50;
	v53 =	vmul.f32 v11, v20  }
0x268: {  	v63 =	vmul.f32 v17, v9;
	v11 =	vmul.f32 $6.000000240e-01, v50;
	v3 =	vsel vm1, v3, v4  }
0x269: {  	v6 =	vmul.f32 v10, v19;
	v14 =	vperm.xlane v3, v2  }
0x26a: {  	v49 =	vmul.f32 $6.000000240e-01, v49;
	v5 =	vmul.f32 $6.000000240e-01, v5;
	v13 =	vadd.f32 v63, v11  }
0x26b: {  	v10 =	vmul.f32 $6.000000240e-01, v52;
	v9 =	vmul.f32 $6.000000240e-01, v51;
	v3 =	vadd.f32 v3, v14  }
0x26c: {  	v5 =	vadd.f32 v53, v5;
	v15 =	vand.u32 $0x7FFFFFFF, v51;
	v19 =	vperm.xlane v13, v0  }
0x26d: {  	v16 =	vand.u32 $0x7FFFFFFF, v52;
	v61 =	vmul.f32 v15, v23;
	v3 =	vperm.xlane v3, v7  }
0x26e: {  	v48 =	vadd.f32 v54, v48;
	v62 =	vmul.f32 v16, v8;
	v4 =	vmul.f32 v12, v21  }
0x26f: {  	v6 =	vadd.f32 v6, v47;
	v15 =	vperm.xlane v5, v0;
	v3 =	vmul.f32 $1.442695020e+00, v3  }
0x270: {  	v47 =	vadd.f32 v61, v9;
	v2 =	vperm.xlane v48, v0;
	v4 =	vadd.f32 v4, v46  }
0x271: {  	v5 =	vadd.f32 v15, v5;
	(erf) = vpow2.f32 v3;
	v3 =	vadd.f32 v57, v49  }
0x272: {  	v14 =	vperm.xlane v6, v0;
	v16 =	vperm.xlane v4, v0;
	v49 =	vadd.f32 v62, v10  }
0x273: {  	v17 =	vperm.xlane v47, v0;
	v48 =	vadd.f32 v2, v48;
	v12 =	vperm.xlane v3, v0  }
0x274: {  	v6 =	vadd.f32 v14, v6;
	v4 =	vadd.f32 v16, v4;
	v18 =	vperm.xlane v49, v0  }
0x275: {  	v50 =	vbroadcast v45, $0x5;
	v53 =	vadd.f32 v17, v47;
	v3 =	vadd.f32 v12, v3  }
0x276: {  	v4 =	vsel vm2, v5, v4;
	v57 =	vadd.f32 v19, v13;
	v55 =	vadd.f32 v18, v49  }
0x277: {  	v51 =	vbroadcast v45, $0x0;
	v59 =	vperm.xlane v4, v1;
	v3 =	vsel vm2, v3, v6  }
0x278: {  	v6 =	vsel vm2, v48, v53;
	v47 =	vsel vm2, v55, v57;
	v58 =	vperm.xlane v3, v1  }
0x279: {  	s16 =	sadd.s32 $0x2, s16;
	v61 =	vperm.xlane v6, v1;
	v62 =	vperm.xlane v47, v1  }
0x27a: {  	p0 =	slt.u32 s16, $0x2E;
	v52 =	vbroadcast v45, $0x1;
	v4 =	vadd.f32 v59, v4;
	v46 =	vpop (erf);
	v3 =	vadd.f32 v58, v3  }
.Ltmp1:
0x27b: {  	v5 =	vadd.f32 v61, v6;
	v63 =	vadd.f32 v62, v47;
	v56 =	vbroadcast v46, $0x7;
	(pc) =	sbr.rel @p0 .LBB2_5-.Ltmp1, $4  }
0x27c: {  	v49 =	vbroadcast v45, $0x3;
	v48 =	vbroadcast v45, $0x4;
	v3 =	vsel vm0, v3, v4  }
0x27d: {  	s12 =	smov.u32 s13;
	s13 =	sadd.s32 $0x120, s13;
	v54 =	vsel vm0, v5, v63;
	v44 =	vmul.f32 v56, v44;
	v4 =	vperm.xlane v3, v60  }
0x27e: {  	v47 =	vbroadcast v45, $0x6;
	[tilespmem:s13+$0x80] =	vst v46;
	v55 =	vperm.xlane v54, v60  }
0x27f: {  	s17 =	sadd.s32 $0x100, s17;
	v22 =	vmovc v26;
	v23 =	vmovc v24;
	[tilespmem:s13+$0x70] =	vst v44;
	v44 =	vbroadcast v45, $0x2;
	v53 =	vadd.f32 v4, v3;
	v45 =	vbroadcast v45, $0x7  }
0x280: {  	v59 =	vld [tilespmem:$0x1FFD0];
	_ =	sdelay $0x1  }
0x281: {  	v3 =	vadd.f32 v55, v54;
	v2 =	vld [tilespmem:$0x1FDF0];
	_ =	sdelay $0x1  }
0x282: {  	v3 =	vsel vm1, v53, v3  }
0x283: {  	v4 =	vperm.xlane v3, v59;
	_ =	sdelay $0x1  }
0x284: {  	v3 =	vadd.f32 v3, v4;
	v4 =	vmul.f32 v51, v2;
	v2 =	vld [tilespmem:$0x1FFE0];
	_ =	sdelay $0x2  }
0x285: {  	v5 =	vmul.f32 v52, v23;
	_ =	sdelay $0x1  }
0x286: {  	[tilespmem:s12+$0xFFFFFF80] =	vst v5;
	v3 =	vperm.xlane v3, v2  }
0x287: {  	[tilespmem:s12+$0xFFFFFF70] =	vst v4;
	v4 =	vmul.f32 v44, v22  }
0x288: {  	v5 =	vld [tilespmem:$0x1FE00];
	v3 =	vmul.f32 $1.442695020e+00, v3  }
0x289: {  	[tilespmem:s12+$0xFFFFFF90] =	vst v4  }
0x28a: {  	(erf) = vpow2.f32 v3;
	v3 =	vld [tilespmem:$0x1FE10]  }
0x28b: {  	v6 =	vmul.f32 v49, v25  }
0x28c: {  	v21 =	vmul.f32 v45, v28;
	v4 =	vbroadcast v46, $0x0  }
0x28d: {  	v5 =	vmul.f32 v48, v5;
	[tilespmem:s12+$0xFFFFFFA0] =	vst v6  }
0x28e: {  	v61 =	vbroadcast v46, $0x4;
	v4 =	vmul.f32 v4, v31;
	[tilespmem:s12+$0xFFFFFFE0] =	vst v21  }
0x28f: {  	[tilespmem:s12+$0xFFFFFFB0] =	vst v5;
	v5 =	vbroadcast v46, $0x1;
	v3 =	vmul.f32 v50, v3  }
0x290: {  	v6 =	vmul.f32 v47, v27;
	[tilespmem:s13+$0x0] =	vst v4;
	v4 =	vbroadcast v46, $0x5  }
0x291: {  	v5 =	vmul.f32 v5, v32;
	[tilespmem:s12+$0xFFFFFFC0] =	vst v3;
	v3 =	vbroadcast v46, $0x2  }
0x292: {  	v21 =	vmul.f32 v61, v35;
	[tilespmem:s12+$0xFFFFFFD0] =	vst v6;
	v6 =	vbroadcast v46, $0x3  }
0x293: {  	[tilespmem:s13+$0x10] =	vst v5;
	v5 =	vbroadcast v46, $0x6;
	v3 =	vmul.f32 v3, v33  }
0x294: {  	[tilespmem:s13+$0x40] =	vst v21;
	v6 =	vmul.f32 v6, v34  }
0x295: {  	v5 =	vmul.f32 v5, v30;
	[tilespmem:s13+$0x20] =	vst v3;
	v3 =	vmul.f32 v4, v29;
	v4 =	vpop (erf)  }
0x296: {  	[tilespmem:s13+$0x30] =	vst v6;
	v6 =	vbroadcast v4, $0x0  }
0x297: {  	[tilespmem:s13+$0x60] =	vst v5;
	v5 =	vbroadcast v4, $0x2  }
0x298: {  	[tilespmem:s13+$0x50] =	vst v3;
	v3 =	vbroadcast v4, $0x1;
	v6 =	vmul.f32 v6, v43  }
0x299: {  	[tilespmem:s13+$0xFFFFFFF0] =	vst v4;
	v62 =	vbroadcast v4, $0x3;
	v5 =	vmul.f32 v5, v37  }
0x29a: {  	v63 =	vbroadcast v4, $0x4;
	v3 =	vmul.f32 v3, v36;
	[tilespmem:s13+$0xFFFFFF70] =	vst v6  }
0x29b: {  	v21 =	vmul.f32 v62, v39;
	v6 =	vbroadcast v4, $0x5;
	[tilespmem:s13+$0xFFFFFF90] =	vst v5  }
0x29c: {  	v22 =	vmul.f32 v63, v38;
	[tilespmem:s13+$0xFFFFFF80] =	vst v3;
	v3 =	vbroadcast v4, $0x6  }
0x29d: {  	[tilespmem:s13+$0xFFFFFFA0] =	vst v21;
	v4 =	vbroadcast v4, $0x7;
	v5 =	vmul.f32 v6, v40  }
0x29e: {  	[tilespmem:s13+$0xFFFFFFB0] =	vst v22;
	v3 =	vmul.f32 v3, v41  }
0x29f: {  	v4 =	vmul.f32 v4, v42;
	[tilespmem:s13+$0xFFFFFFC0] =	vst v5  }
0x2a0: {  	[tilespmem:s13+$0xFFFFFFD0] =	vst v3  }
0x2a1: {  	[tilespmem:s13+$0xFFFFFFE0] =	vst v4  }
0x2a2: {  	v8 =	vld [tilespmem:$0x1FEF0]  }
0x2a3: {  	v9 =	vld [tilespmem:$0x1FF00]  }
0x2a4: {  	v10 =	vld [tilespmem:$0x1FF10]  }
0x2a5: {  	v11 =	vld [tilespmem:$0x1FF20]  }
0x2a6: {  	v12 =	vld [tilespmem:$0x1FF30]  }
0x2a7: {  	v13 =	vld [tilespmem:$0x1FF40]  }
0x2a8: {  	v14 =	vld [tilespmem:$0x1FF50]  }
0x2a9: {  	v15 =	vld [tilespmem:$0x1FF60]  }
0x2aa: {  	v16 =	vld [tilespmem:$0x1FF70]  }
0x2ab: {  	s9 =	sadd.s32 $0x1, s9;
	v17 =	vld [tilespmem:$0x1FF80]  }
0x2ac: {  	p0 =	sne.s32 s9, $0x69;
	v18 =	vld [tilespmem:$0x1FF90]  }
.Ltmp2:
0x2ad: {  	v19 =	vld [tilespmem:$0x1FFA0];
	(pc) =	sbr.rel @p0 .LBB2_2-.Ltmp2, $4  }
0x2ae: {  	v7 =	vld [tilespmem:$0x1FFC0]  }
0x2af: {  	v5 =	vld [tilespmem:$0x1FED0]  }
0x2b0: {  	v6 =	vld [tilespmem:$0x1FEE0]  }
0x2b1: {  	[spmem:s2] =	stream.indirect.scatter.add.f32 [tilespmem:s21], [sflag:$0x4], $0x90, s29, s24, $0xb8;
	v3 =	vmov v59;
	v4 =	vmov v2;
	v2 =	vld [tilespmem:$0x1FFB0]  }
0x2b2: {  	_ =	swait.ge [sflag:s25], $0x1B00  }
0x2b3: {  	[sflag:s25] =	ssyncset.done $0x0  }
0x2b4: {  	[sflag:s25] =	ssyncadd.s32 $0xFFFFE500  }
0x2b5: {  	_ =	swait.ge [sflag:s26], $0x1B00  }
0x2b6: {  	[sflag:s26] =	ssyncset.done $0x0  }
0x2b7: {  	[sflag:s26] =	ssyncadd.s32 $0xFFFFE500  }
0x2b8: {  	[bflag:$0x0] =	sbarrier.arrive $0xFFFF  }
0x2b9: {  	s9 =	rddreg [dreg:$0x9]  }
0x2ba: {  	[hbm:s9], [sflag:s11] =	dma.local [spmem:s18], $0x2C70  }
0x2bb: {  	_ =	swait.ge [sflag:s19], $0x2C70  }
0x2bc: {  	s8 =	sadd.s32 $0x1, s8;
	s22 =	rddreg [dreg:$0xa]  }
0x2bd: {  	p0 =	sne.s32 s8, s22  }
.Ltmp3:
0x2be: {  	_ = 	snop;
	(pc) =	sbr.rel @p0 .LBB2_1-.Ltmp3, $3  }
0x2bf: {  	_ =	sdelay $0x1  }
0x2c0: {  	[sflag:s19] =	ssyncset.done $0x0  }
0x2c1: {  	[sflag:s19] =	ssyncadd.s32 $0xFFFFD390  }
0x2c2: {  	_ =	sfence.sel $0x180000  }
0x2c3: {  	[bflag:$0x0] =	sbarrier.arrive $0xFFFF  }
0x2c4: {  	_ =	strace $0x9000004A  }
0x2c5: {  	s0 =	stileid.u32;
	[bflag:$0x2] =	sbarrier.arrive $0xFFFF  }
0x2c6: {  	p0 =	sne.s32 s0, $0x0;
	s0 =	rddreg [dreg:$0x3]  }
0x2c7: {  	s0 =	sadd.s32 @!p0 $0x100000, s0  }
0x2c8: {  	[sflag:s0] =	ssyncadd.tile.s32 @!p0 $0x1;
	_ =	shalt  }
.Lfunc_end2:
_tile_overlayer_lowered:
.L_overlay_start_2:
0x2c9: {  	(tag) =	ssettag $0x2  }
0x2ca: {  	s0 =	rddreg [dreg:$0x0];
	s2 =	stileid.u32  }
0x2cb: {  	s1 =	rddreg [dreg:$0x1];
	p0 =	sne.s32 s2, $0x0  }
0x2cc: {  	s3 =	rddreg [dreg:$0x2];
	[bflag:$0x3] =	sbarrier.arrive $0xFFFF;
	s2 =	simm.s32 @!p0 $0x1C05  }
0x2cd: {  	[timem:s3], [sflag:s2] =	dma.local @!p0 [hbm:s0], s1  }
0x2ce: {  	s0 =	simm.s32 @!p0 $0x5  }
0x2cf: {  	_ =	swait.ge @!p0 [sflag:s0], s1  }
0x2d0: {  	s1 =	ssub.s32 @!p0 $0x0, s1;
	[sflag:s0] =	ssyncset.done @!p0 $0x0  }
0x2d1: {  	[sflag:s0] =	ssyncadd.s32 @!p0 s1  }
0x2d2: {  	[bflag:$0x3] =	sbarrier.arrive $0xFFFF  }
0x2d3: {  	_ =	shalt  }

// kernel: kernel.7.cloned.1.call-start
scs
__scs_entry_jumppad:
0x0: {  	(pc) =	sbr.rel $0x88, $3  }
0x1: {  	(tag) =	ssettag $0x0;
	lr =	simm.s32 $0x1  }
0x2: {  	[smem:$0x3F93] =	sst lr;
	_ =	strace $0xD0000000  }
0x3: {  	_ = 	snop  }
0x4: {  	_ = 	snop  }
0x5: {  	_ = 	snop  }
0x6: {  	_ = 	snop  }
0x7: {  	_ = 	snop  }
__scs_overlays_trampoline_lowered:
0x8: {  	[smem:$0x3FA2] =	sst s0  }
0x9: {  	[smem:$0x3FA3] =	sst s1  }
0xa: {  	[smem:$0x3FA4] =	sst s2  }
0xb: {  	[smem:$0x3FA5] =	sst s3  }
0xc: {  	[smem:$0x3FA6] =	sst s4  }
0xd: {  	[smem:$0x3FA7] =	sst s5  }
0xe: {  	[smem:$0x3FA8] =	sst s6  }
0xf: {  	[smem:$0x3FA9] =	sst s7  }
0x10: {  	[smem:$0x3FAA] =	sst s8  }
0x11: {  	[smem:$0x3FAB] =	sst s9;
	s0 =	simm.s32 @!p0 $0x0  }
0x12: {  	s1 =	sld [smem:$0x3F91];
	s0 =	simm.s32 @p0 $0x1  }
0x13: {  	[smem:$0x3FAC] =	sst s0;
	s0 =	simm.s32 @!p1 $0x0  }
0x14: {  	s2 =	sld [smem:$0x3F90];
	s0 =	simm.s32 @p1 $0x1  }
0x15: {  	[smem:$0x3FAD] =	sst s0;
	s0 =	simm.s32 @!p2 $0x0  }
0x16: {  	s3 =	sld [smem:$0x3FDB];
	s0 =	simm.s32 @p2 $0x1  }
0x17: {  	s4 =	simm.s32 $0x1BF5;
	[smem:$0x3FAF] =	sst s0  }
0x18: {  	s0 =	sld [smem:$0x3F92];
	_ =	swait.ge [sflag:s4], $0x0  }
0x19: {  	s7 =	sld [smem:$0x3F93]  }
0x1a: {  	s8 =	sadd.s32 $0xFFFFE003, lr  }
0x1b: {  	s9 =	sadd.s32 $0xFFFFFEF7, lr;
	s5 =	simm.s32 $0xFFFFFFFF;
	p2 =	slt.u32 s8, $0xFFFFF086  }
0x1c: {  	p1 =	slt.u32 s9, $0xF7A;
	s5 =	simm.s32 @!p2 $0x0  }
0x1d: {  	s5 =	simm.s32 @p1 $0x1;
	p0 =	seq.s32 s7, s2  }
0x1e: {  	s7 =	smul.u32 @!p0 $0xF7A, s2;
	p2 =	seq.s32 @!p0 s5, $0x0  }
0x1f: {  	s9 =	smul.u32 $0xF7A, s1;
	s8 =	simm.s32 @!p0 $0x1BF5;
	p2 =	por !p2, p0  }
0x20: {  	[sflag:s8] =	ssyncset.s32 @!p0 $0xFFFFF086;
	s6 =	sadd.s32 @!p0 s3, s7;
	s7 =	simm.s32 @!p0 $0x108  }
0x21: {  	s3 =	sadd.s32 s3, s9;
	s6 =	sadd.s32 @!p0 $0x88, s6;
	s7 =	simm.s32 @p2 $0x1082  }
0x22: {  	[simem:s7], [sflag:s8] =	dma.local @!p0 [hbm:s6], $0xF7A  }
0x23: {  	s9 =	sor.u32 $0xD0000000, s2;
	s6 =	simm.s32 $0x108;
	_ =	swait.ge @!p0 [sflag:s8], $0x0  }
0x24: {  	s3 =	sadd.s32 $0x88, s3;
	s6 =	simm.s32 @!p1 $0x1082;
	[sflag:s4] =	ssyncset.s32 $0xFFFFF086  }
0x25: {  	[simem:s6], [sflag:s4] =	dma.local [hbm:s3], $0xF7A  }
0x26: {  	[smem:$0x3F93] =	sst s1;
	(tag) =	ssettag s2;
	_ =	strace s9  }
0x27: {  	s1 =	sld [smem:$0x3FA3]  }
0x28: {  	s2 =	sld [smem:$0x3FA4]  }
0x29: {  	s4 =	sld [smem:$0x3FA6]  }
0x2a: {  	p0 =	seq.s32 s5, $0x0;
	s5 =	sld [smem:$0x3FA7]  }
0x2b: {  	s6 =	sld [smem:$0x3FA8]  }
0x2c: {  	s7 =	sld [smem:$0x3FA9]  }
0x2d: {  	s3 =	simm.s32 $0x108;
	s8 =	sld [smem:$0x3FAA]  }
0x2e: {  	s3 =	simm.s32 @!p0 $0x1082;
	s9 =	sld [smem:$0x3FAB]  }
0x2f: {  	lr =	sadd.s32 s0, s3;
	s0 =	sld [smem:$0x3FA2]  }
0x30: {  	s3 =	sld [smem:$0x3FA5]  }
0x31: {  	[smem:$0x3FAE] =	sst s10  }
0x32: {  	s10 =	sld [smem:$0x3FAC];
	_ =	sdelay $0x3  }
0x33: {  	p0 =	seq.s32 s10, $0x1;
	s10 =	sld [smem:$0x3FAE];
	_ =	sdelay $0x3  }
0x34: {  	[smem:$0x3FAE] =	sst s10  }
0x35: {  	s10 =	sld [smem:$0x3FAD];
	_ =	sdelay $0x3  }
0x36: {  	p1 =	seq.s32 s10, $0x1;
	s10 =	sld [smem:$0x3FAE];
	_ =	sdelay $0x3  }
0x37: {  	[smem:$0x3FAE] =	sst s10  }
0x38: {  	s10 =	sld [smem:$0x3FAF]  }
0x39: {  	_ = 	snop;
	(pc) =	sbr.ind lr, $3  }
0x3a: {  	_ = 	snop  }
0x3b: {  	_ = 	snop  }
0x3c: {  	p2 =	seq.s32 s10, $0x1;
	s10 =	sld [smem:$0x3FAE]  }
0x3d: {  	_ =	shalt  }
0x3e: {  	_ =	shalt  }
0x3f: {  	_ =	shalt  }
0x40: {  	_ =	shalt  }
0x41: {  	_ =	shalt  }
0x42: {  	_ =	shalt  }
0x43: {  	_ =	shalt  }
0x44: {  	_ =	shalt  }
0x45: {  	_ =	shalt  }
0x46: {  	_ =	shalt  }
0x47: {  	_ =	shalt  }
0x48: {  	_ =	shalt  }
0x49: {  	_ =	shalt  }
0x4a: {  	_ =	shalt  }
0x4b: {  	_ =	shalt  }
0x4c: {  	_ =	shalt  }
0x4d: {  	_ =	shalt  }
0x4e: {  	_ =	shalt  }
0x4f: {  	_ =	shalt  }
0x50: {  	_ =	shalt  }
0x51: {  	_ =	shalt  }
0x52: {  	_ =	shalt  }
0x53: {  	_ =	shalt  }
0x54: {  	_ =	shalt  }
0x55: {  	_ =	shalt  }
0x56: {  	_ =	shalt  }
0x57: {  	_ =	shalt  }
0x58: {  	_ =	shalt  }
0x59: {  	_ =	shalt  }
0x5a: {  	_ =	shalt  }
0x5b: {  	_ =	shalt  }
0x5c: {  	_ =	shalt  }
0x5d: {  	_ =	shalt  }
0x5e: {  	_ =	shalt  }
0x5f: {  	_ =	shalt  }
0x60: {  	_ =	shalt  }
0x61: {  	_ =	shalt  }
0x62: {  	_ =	shalt  }
0x63: {  	_ =	shalt  }
0x64: {  	_ =	shalt  }
0x65: {  	_ =	shalt  }
0x66: {  	_ =	shalt  }
0x67: {  	_ =	shalt  }
0x68: {  	_ =	shalt  }
0x69: {  	_ =	shalt  }
0x6a: {  	_ =	shalt  }
0x6b: {  	_ =	shalt  }
0x6c: {  	_ =	shalt  }
0x6d: {  	_ =	shalt  }
0x6e: {  	_ =	shalt  }
0x6f: {  	_ =	shalt  }
0x70: {  	_ =	shalt  }
0x71: {  	_ =	shalt  }
0x72: {  	_ =	shalt  }
0x73: {  	_ =	shalt  }
0x74: {  	_ =	shalt  }
0x75: {  	_ =	shalt  }
0x76: {  	_ =	shalt  }
0x77: {  	_ =	shalt  }
0x78: {  	_ =	shalt  }
0x79: {  	_ =	shalt  }
0x7a: {  	_ =	shalt  }
0x7b: {  	_ =	shalt  }
0x7c: {  	_ =	shalt  }
0x7d: {  	_ =	shalt  }
0x7e: {  	_ =	shalt  }
0x7f: {  	_ =	shalt  }
0x80: {  	_ =	shalt  }
0x81: {  	_ =	shalt  }
0x82: {  	_ =	shalt  }
0x83: {  	_ =	shalt  }
0x84: {  	_ =	shalt  }
0x85: {  	_ =	shalt  }
0x86: {  	_ =	shalt  }
0x87: {  	_ =	shalt  }
.Lfunc_end0:
.L_simem_size_0:
called_computation_lowered:
.L_overlay_start_0:
0x88: {  	s2 =	sld [smem:$0x3FD9]  }
0x89: {  	s3 =	sld [smem:$0x3FFE];
	_ =	sdelay $0x1  }
0x8a: {  	s1 =	srdreg.scid  }
0x8b: {  	s0 =	sand.u32 $0x1, s1  }
0x8c: {  	s17 =	sshll.u32 s0, $0xA;
	s2 =	sadd.s32 s3, s2  }
0x8d: {  	s2 =	sadd.s32 s2, s17  }
0x8e: {  	[smem:$0x3FBA] =	sst s2  }
0x8f: {  	_ = 	snop  }
0x90: {  	s2 =	sld [smem:$0x3FD0];
	(tm) =	ssettm $0x1  }
0x91: {  	s18 =	sld [smem:$0x3FFB];
	_ =	sdelay $0x3  }
0x92: {  	_ =	strace s18  }
0x93: {  	s3 =	sld [smem:$0x3FFC];
	_ =	sdelay $0x3  }
0x94: {  	_ =	strace s3  }
0x95: {  	s3 =	sld [smem:$0x3FFD];
	_ =	sdelay $0x3  }
0x96: {  	_ =	strace s3  }
0x97: {  	_ =	strace $0x8FFFFFFF  }
0x98: {  	s19 =	sld [smem:$0x3FDB];
	_ =	sdelay $0x1  }
0x99: {  	s4 =	simm.s32 $_scs_section_size  }
0x9a: {  	s5 =	simm.s32 $_size__tile_overlayer_lowered;
	s6 =	simm.s32 $_tile_overlayer_lowered  }
0x9b: {  	s22 =	simm.s32 $0x1BFF;
	s21 =	sshll.u32 s6, $0x1;
	s3 =	sadd.s32 s4, s19  }
0x9c: {  	s7 =	simm.s32 $0x0;
	s20 =	sshll.u32 s5, $0x1;
	s5 =	sadd.s32 s21, s3  }
0x9d: {  	[timem:s7], [sflag:s22] =	dma.local [hbm:s5], s20  }
0x9e: {  	_ =	swait.ge [sflag:s22], s20  }
0x9f: {  	s4 =	ssub.s32 $0x0, s20;
	[sflag:s22] =	ssyncset.done $0x0  }
0xa0: {  	[sflag:s22] =	ssyncadd.s32 s4;
	_ =	sdelay $0x1  }
0xa1: {  	s23 =	simm.s32 $0x1B8B  }
0xa2: {  	_ =	swait.ge [sflag:s23], $0x1  }
0xa3: {  	[sflag:s23] =	ssyncset.done $0x0  }
0xa4: {  	s25 =	simm.s32 $0x1B8E;
	s24 =	sld [smem:$0x3FFE];
	[sflag:s23] =	ssyncadd.s32 $0xFFFFFFFF  }
0xa5: {  	s26 =	simm.s32 $execute0_lowered;
	[smem:$0x3FD2] =	sst s25  }
0xa6: {  	s5 =	sshll.u32 s26, $0x1;
	_ =	strace $0x80000046;
	[dreg:$0x1] =	wrdreg $0xFFFFFFFF  }
0xa7: {  	s28 =	simm.s32 $_size_execute0_lowered;
	s3 =	sadd.s32 s3, s5;
	[dreg:$0x0] =	wrdreg $0x0  }
0xa8: {  	s5 =	sshll.u32 s28, $0x1;
	[dreg:$0x2] =	wrdreg s3  }
0xa9: {  	[dreg:$0x3] =	wrdreg s5  }
0xaa: {  	[dreg:$0x4] =	wrdreg $0xC0  }
0xab: {  	_ =	task [dreg:s7], $0x5FFFF  }
0xac: {  	[dreg:$0x1] =	wrdreg $0xFFFFFFFF  }
0xad: {  	[dreg:$0x0] =	wrdreg $0x60  }
0xae: {  	[dreg:$0x2] =	wrdreg s24  }
0xaf: {  	[dreg:$0x3] =	wrdreg s2  }
0xb0: {  	[dreg:$0x4] =	wrdreg $0x0  }
0xb1: {  	[dreg:$0x5] =	wrdreg $0x9  }
0xb2: {  	_ =	task.clear_ibuf [dreg:s7], $0x6FFFF;
	_ =	strace $0x90000046  }
0xb3: {  	s29 =	simm.s32 $0x9;
	_ =	strace $0x80000048  }
0xb4: {  	_ =	swait.ge [sflag:s29], $0x1  }
0xb5: {  	[sflag:s29] =	ssyncadd.s32 $0xFFFFFFFF  }
0xb6: {  	_ =	strace $0x90000048  }
0xb7: {  	_ =	sfence  }
0xb8: {  	s30 =	sld [smem:$0x0];
	_ =	sdelay $0x2  }
0xb9: {  	s31 =	sshll.u32 s1, $0xD;
	s1 =	sshrl.u32 s1, $0x2  }
0xba: {  	s3 =	sand.u32 $0x4000, s31;
	s1 =	sadd.s32 s1, s30  }
0xbb: {  	s0 =	sor.u32 s3, s0;
	s1 =	sshll.u32 s1, $0x11  }
0xbc: {  	s0 =	sor.u32 s1, s0  }
0xbd: {  	s0 =	sadd.s32 $0x8F2B, s0  }
0xbe: {  	[sflag:s0] =	ssyncadd.remote.s32 $0x1  }
0xbf: {  	_ =	sfence.sel $0xFFFF  }
0xc0: {  	[dreg:$0x0] =	wrdreg $0xFFFFFFFF;
	(pc) =	sbr.abs _section_cstart, $3  }
0xc1: {  	[dreg:$0x1] =	wrdreg $0xFFFFFFFF  }
0xc2: {  	_ =	task.clear_ibuf [dreg:s7], $0x2FFFF;
	_ =	strace $0x9FFFFFFF  }
0xc3: {  	(tm) =	ssettm $0x7FFFFFFF  }
tec
execute0_lowered:
.L_overlay_start_1:
0x0: {  	(tag) =	ssettag $0x1  }
0x1: {  	s0 =	rddreg [dreg:$0x0]  }
0x2: {  	s1 =	rddreg [dreg:$0x1]  }
0x3: {  	s2 =	rddreg [dreg:$0x2]  }
0x4: {  	s4 =	simm.s32 $0x0;
	v0 =	vimm.s32 $0xFEDCBA98;
	s14 =	stileid.u32;
	s8 =	srdreg.scid;
	v1 =	vimm.s32 $0x76543210  }
0x5: {  	v2 =	vimm.s32 $0xBA98FEDC;
	v3 =	vimm.s32 $0x32107654;
	s19 =	simm.s32 $0x5;
	s28 =	simm.s32 $0x1AFE0;
	s29 =	simm.s32 $0x1B010  }
0x6: {  	v4 =	vimm.s32 $0xDCFE98BA;
	s30 =	simm.s32 $0x1B040;
	s31 =	simm.s32 $0x1C840;
	[smem:$0x7FF] =	sst s4  }
0x7: {  	v5 =	vimm.s32 $0x54761032;
	s5 =	sadd.s32 $0x2A00, s0;
	s3 =	smul.u32 $0x16380, s14;
	s6 =	sadd.s32 $0x29C00, s0  }
0x8: {  	v6 =	vimm.s32 $0xEFCDAB89;
	v7 =	vimm.s32 $0x67452301;
	s7 =	sadd.s32 $0x51400, s0;
	s8 =	sand.u32 $0x1, s8;
	s9 =	sadd.s32 $0x2600, s0  }
0x9: {  	v0 =	vunpack.c.l.s4.s8 v0;
	v1 =	vunpack.c.l.s4.s8 v1;
	s11 =	sadd.s32 $0x2800, s0;
	v2 =	vunpack.c.l.s4.s8 v2;
	_ =	strace $0x80000047;
	[dreg:$0x4] =	wrdreg s9  }
0xa: {  	v3 =	vunpack.c.l.s4.s8 v3;
	v4 =	vunpack.c.l.s4.s8 v4;
	v5 =	vunpack.c.l.s4.s8 v5;
	s22 =	sshll.u32 s14, $0x6;
	s10 =	smul.u32 $0x163800, s8;
	[dreg:$0x5] =	wrdreg s11  }
0xb: {  	v6 =	vunpack.c.l.s4.s8 v6;
	v7 =	vunpack.c.l.s4.s8 v7;
	s21 =	sshll.u32 s8, $0x4;
	s8 =	ssub.s32 $0x2, s8;
	v0 =	vunpack.c.0.s8.s32 v0;
	s20 =	sshrl.u32 s3, $0x3  }
0xc: {  	v1 =	vunpack.c.0.s8.s32 v1;
	s11 =	sor.u32 s14, s21;
	s12 =	sshrl.u32 s8, $0x1;
	v2 =	vunpack.c.0.s8.s32 v2;
	v3 =	vunpack.c.0.s8.s32 v3;
	s21 =	simm.s32 $0x1E040  }
0xd: {  	v4 =	vunpack.c.0.s8.s32 v4;
	v5 =	vunpack.c.0.s8.s32 v5;
	s9 =	sadd.s32 s20, s0;
	s10 =	sadd.s32 s3, s10;
	s13 =	smul.u32 $0x2760, s11;
	v0 =	vand.u32 $0xF, v0  }
0xe: {  	s8 =	ssub.s32 s8, s12;
	s3 =	sadd.s32 s3, s2;
	s11 =	sor.u32 $0x1C05, s22;
	v0 =	vcombine.low v0, v1;
	v1 =	vunpack.c.0.s8.s32 v6;
	v6 =	vunpack.c.0.s8.s32 v7  }
0xf: {  	s20 =	simm.s32 $0x3;
	s10 =	sshrl.u32 s10, $0x3;
	s9 =	sadd.s32 $0x5B200, s9;
	v2 =	vcombine.low v3, v2  }
0x10: {  	v3 =	vcombine.low v5, v4;
	s26 =	smax.u32 s8, $0x1;
	s18 =	sshrl.u32 s3, $0x3;
	s3 =	simm.s32 $0x194E0;
	v4 =	vcombine.low v6, v1;
	v1 =	vimm.s32 $0xE6A2C480  }
0x11: {  	vm0 =	vcmask $0x2F20;
	s8 =	simm.s32 $0x0;
	[dreg:$0x6] =	wrdreg s9;
	s23 =	sshrl.u32 s13, $0x3;
	v1 =	vunpack.c.l.s4.s8 v1  }
0x12: {  	vm1 =	vcmask $0xF00;
	vm2 =	vcmask $0x1710;
	vm3 =	vcmask $0x700;
	s0 =	sadd.s32 s10, s0;
	[dreg:$0xa] =	wrdreg s26;
	s24 =	sadd.s32 s1, s23  }
0x13: {  	vm0 =	vmor vm1, vm0;
	s14 =	sadd.s32 $0x30, s13;
	s25 =	sadd.s32 s7, s23;
	v60 =	vand.u32 $0xF, v3;
	[dreg:$0x7] =	wrdreg s24;
	v5 =	vunpack.c.0.s8.s32 v1  }
0x14: {  	vm1 =	vmor vm3, vm2;
	vm2 =	vcmask $0x2720;
	s15 =	sadd.s32 $0x60, s13;
	s0 =	sadd.s32 $0x87A00, s0;
	[dreg:$0x8] =	wrdreg s25;
	[tilespmem:$0x1FFF0] =	vst v60;
	v3 =	vand.u32 $0xF, v4  }
0x15: {  	vm1 =	vmor vm1, vm2;
	vm2 =	vcmask $0x3730;
	s26 =	simm.s32 $0x4;
	s23 =	simm.s32 $0x164B0;
	[dreg:$0x9] =	wrdreg s0;
	[tilespmem:$0x1FFD0] =	vst v3;
	v4 =	vand.u32 $0xF, v5  }
0x16: {  	vm1 =	vmor vm1, vm2;
	vm2 =	vmmov $0xff;
	s24 =	simm.s32 $0x30;
	s0 =	simm.s32 $0x1;
	s25 =	simm.s32 $0x2;
	v1 =	vand.u32 $0xF, v2;
	[tilespmem:$0x1FFE0] =	vst v4  }
.LBB2_1:
0x17: {  	s9 =	rddreg [dreg:$0x6]  }
0x18: {  	[spmem:s18], [sflag:s11] =	dma.local [hbm:s9], $0x2C70  }
0x19: {  	_ =	swait.ge [sflag:s19], $0x2C70  }
0x1a: {  	[sflag:s19] =	ssyncset.done $0x0  }
0x1b: {  	s10 =	simm.s32 $0x16380;
	s16 =	rddreg [dreg:$0x4];
	[sflag:s19] =	ssyncadd.s32 $0xFFFFD390  }
0x1c: {  	[tilespmem:s10], [sflag:$0x5] =	stream.linear.gather [hbm4b:s16+s4], $0x80, $0x38;
	[tilespmem:$0x1FB40] =	vst v63  }
0x1d: {  	_ =	swait.ge [sflag:s19], $0x80  }
0x1e: {  	[sflag:s19] =	ssyncset.done $0x0  }
0x1f: {  	s22 =	simm.s32 $0x16400;
	s17 =	rddreg [dreg:$0x5];
	[sflag:s19] =	ssyncadd.s32 $0xFFFFFF80  }
0x20: {  	[tilespmem:s22], [sflag:$0x5] =	stream.linear.gather [hbm4b:s17+s4], $0x80, $0x38;
	[tilespmem:$0x1FB40] =	vst v63  }
0x21: {  	_ =	swait.ge [sflag:s19], $0x80  }
0x22: {  	[sflag:s19] =	ssyncset.done $0x0  }
0x23: {  	[sflag:s19] =	ssyncadd.s32 $0xFFFFFF80  }
0x24: {  	[bflag:$0x0] =	sbarrier.arrive $0xFFFF  }
0x25: {  	v8 =	vld [tilespmem:$0x16380]  }
0x26: {  	v9 =	vld [tilespmem:$0x16390]  }
0x27: {  	v10 =	vld [tilespmem:$0x163A0]  }
0x28: {  	v11 =	vld [tilespmem:$0x163B0]  }
0x29: {  	v12 =	vld [tilespmem:$0x163C0]  }
0x2a: {  	v13 =	vld [tilespmem:$0x163D0]  }
0x2b: {  	v14 =	vld [tilespmem:$0x163E0]  }
0x2c: {  	v15 =	vld [tilespmem:$0x163F0]  }
0x2d: {  	v16 =	vld [tilespmem:$0x16400]  }
0x2e: {  	v17 =	vld [tilespmem:$0x16410]  }
0x2f: {  	v18 =	vld [tilespmem:$0x16420]  }
0x30: {  	v19 =	vld [tilespmem:$0x16430]  }
0x31: {  	v2 =	vld [tilespmem:$0x16440]  }
0x32: {  	v7 =	vld [tilespmem:$0x16450]  }
0x33: {  	s13 =	simm.s32 $0x16480;
	v5 =	vld [tilespmem:$0x16460];
	s12 =	rddreg [dreg:$0x7]  }
0x34: {  	v6 =	vld [tilespmem:$0x16470];
	[tilespmem:s13], [sflag:$0x5] =	stream.linear.gather [hbm4b:s12+s4], $0x30, $0x38  }
0x35: {  	_ =	swait.ge [sflag:s19], $0x30  }
0x36: {  	[sflag:s19] =	ssyncset.done $0x0  }
0x37: {  	s16 =	rddreg [dreg:$0x8];
	[sflag:s19] =	ssyncadd.s32 $0xFFFFFFD0  }
0x38: {  	[tilespmem:s23], [sflag:$0x5] =	stream.linear.gather [hbm4b:s16+s4], $0x30, $0x38;
	[tilespmem:$0x1FB40] =	vst v63  }
0x39: {  	_ =	swait.ge [sflag:s19], $0x30  }
0x3a: {  	[tilespmem:$0x1FED0] =	vst v5  }
0x3b: {  	[tilespmem:$0x1FEE0] =	vst v6  }
0x3c: {  	[tilespmem:$0x1FEF0] =	vst v8  }
0x3d: {  	[tilespmem:$0x1FF00] =	vst v9  }
0x3e: {  	[tilespmem:$0x1FF10] =	vst v10  }
0x3f: {  	[tilespmem:$0x1FF20] =	vst v11  }
0x40: {  	[tilespmem:$0x1FF30] =	vst v12  }
0x41: {  	[tilespmem:$0x1FF40] =	vst v13  }
0x42: {  	[tilespmem:$0x1FF50] =	vst v14  }
0x43: {  	[tilespmem:$0x1FF60] =	vst v15  }
0x44: {  	[tilespmem:$0x1FF70] =	vst v16  }
0x45: {  	[tilespmem:$0x1FF80] =	vst v17  }
0x46: {  	[tilespmem:$0x1FF90] =	vst v18  }
0x47: {  	[sflag:s19] =	ssyncset.done $0x0;
	[tilespmem:$0x1FFA0] =	vst v19  }
0x48: {  	s17 =	simm.s32 $0x164E0;
	[tilespmem:$0x1FFB0] =	vst v2;
	[sflag:s19] =	ssyncadd.s32 $0xFFFFFFD0  }
0x49: {  	[tilespmem:s17], [sflag:$0x1] =	stream.indirect.gather [hbm4b:s5+s24], $0x80, s13, s24, $0xb8;
	[tilespmem:$0x1FB40] =	vst v63  }
0x4a: {  	s9 =	simm.s32 $0x0;
	s22 =	simm.s32 $0x17CE0;
	[tilespmem:$0x1FFC0] =	vst v7  }
0x4b: {  	[tilespmem:s22], [sflag:$0x1] =	stream.indirect.gather [hbm4b:s6+s24], $0x80, s23, s24, $0xb8;
	[tilespmem:$0x1FB40] =	vst v63  }
.LBB2_2:
0x4c: {  	p0 =	seq.s32 s9, $0x0;
	s22 =	smul.u32 $0x60, s9  }
0x4d: {  	s10 =	simm.s32 @!p0 $0x4  }
0x4e: {  	_ =	swait.ge @!p0 [sflag:s10], $0x1B00;
	s12 =	sadd.s32 s22, s14  }
0x4f: {  	[sflag:s10] =	ssyncset.done @!p0 $0x0;
	s12 =	sshrl.u32 s12, $0x3  }
0x50: {  	[sflag:s10] =	ssyncadd.s32 @!p0 $0xFFFFE500;
	s17 =	sadd.s32 s1, s12  }
0x51: {  	[tilespmem:s28], [sflag:$0x5] =	stream.linear.gather [hbm4b:s17+s4], $0x30, $0x38;
	[tilespmem:$0x1FB40] =	vst v63  }
0x52: {  	_ =	swait.ge [sflag:s19], $0x30  }
0x53: {  	[sflag:s19] =	ssyncset.done $0x0  }
0x54: {  	s12 =	sadd.s32 s7, s12;
	[sflag:s19] =	ssyncadd.s32 $0xFFFFFFD0  }
0x55: {  	[tilespmem:s29], [sflag:$0x5] =	stream.linear.gather [hbm4b:s12+s4], $0x30, $0x38;
	[tilespmem:$0x1FB40] =	vst v63  }
0x56: {  	_ =	swait.ge [sflag:s19], $0x30  }
0x57: {  	[sflag:s19] =	ssyncset.done $0x0  }
0x58: {  	[sflag:s19] =	ssyncadd.s32 $0xFFFFFFD0  }
0x59: {  	[tilespmem:s30], [sflag:$0x3] =	stream.indirect.gather [hbm4b:s5+s24], $0x80, s28, s24, $0xb8;
	[tilespmem:$0x1FB40] =	vst v63  }
0x5a: {  	_ = 	snop  }
0x5b: {  	[tilespmem:s31], [sflag:$0x3] =	stream.indirect.gather [hbm4b:s6+s24], $0x80, s29, s24, $0xb8;
	[tilespmem:$0x1FB40] =	vst v63  }
0x5c: {  	_ =	swait.ge [sflag:s0], $0x1800  }
0x5d: {  	[sflag:s0] =	ssyncset.done $0x0  }
0x5e: {  	[sflag:s0] =	ssyncadd.s32 $0xFFFFE800  }
0x5f: {  	_ =	swait.ge [sflag:s0], $0x1800  }
0x60: {  	[sflag:s0] =	ssyncset.done $0x0  }
0x61: {  	s13 =	simm.s32 $0x17D60;
	[sflag:s0] =	ssyncadd.s32 $0xFFFFE800  }
0x62: {  	v21 =	vld [tilespmem:s13+$0x0]  }
0x63: {  	v22 =	vld [tilespmem:s13+$0x10]  }
0x64: {  	s16 =	simm.s32 $0x16560;
	v23 =	vld [tilespmem:s13+$0x20]  }
0x65: {  	v30 =	vld [tilespmem:s16+$0x20]  }
0x66: {  	v24 =	vld [tilespmem:s13+$0x30]  }
0x67: {  	v25 =	vld [tilespmem:s13+$0x40]  }
0x68: {  	v26 =	vld [tilespmem:s13+$0x50]  }
0x69: {  	v46 =	vld [tilespmem:s16+$0x0]  }
0x6a: {  	v47 =	vld [tilespmem:s16+$0x10];
	[tilespmem:$0x1FE70] =	vst v30  }
0x6b: {  	v32 =	vld [tilespmem:s16+$0x30];
	_ =	sdelay $0x4  }
0x6c: {  	[tilespmem:$0x1FE80] =	vst v32  }
0x6d: {  	v34 =	vld [tilespmem:s16+$0x40];
	_ =	sdelay $0x4  }
0x6e: {  	[tilespmem:$0x1FE90] =	vst v34  }
0x6f: {  	v20 =	vld [tilespmem:s16+$0x50];
	_ =	sdelay $0x2  }
0x70: {  	v27 =	vmul.f32 v46, v8  }
0x71: {  	v30 =	vmul.f32 v30, v10  }
0x72: {  	v21 =	vadd.f32 v21, v27;
	v33 =	vmul.f32 v34, v12;
	[tilespmem:$0x1FEA0] =	vst v20  }
0x73: {  	v28 =	vmul.f32 v47, v9;
	v23 =	vadd.f32 v23, v30;
	v35 =	vld [tilespmem:s16+$0x60]  }
0x74: {  	v30 =	vmul.f32 $6.000000240e-01, v21;
	v21 =	vand.u32 $0x7FFFFFFF, v21;
	v25 =	vadd.f32 v25, v33  }
0x75: {  	v22 =	vadd.f32 v22, v28;
	v21 =	vmul.f32 v21, v16  }
0x76: {  	v32 =	vmul.f32 v32, v11;
	v58 =	vmul.f32 $6.000000240e-01, v25;
	v25 =	vand.u32 $0x7FFFFFFF, v25  }
0x77: {  	v30 =	vadd.f32 v21, v30;
	v21 =	vmul.f32 v25, v2;
	v27 =	vmul.f32 v20, v13  }
0x78: {  	v56 =	vmul.f32 $6.000000240e-01, v22;
	v24 =	vadd.f32 v24, v32;
	[tilespmem:$0x1FEB0] =	vst v35  }
0x79: {  	v22 =	vand.u32 $0x7FFFFFFF, v22;
	v61 =	vadd.f32 v21, v58;
	v26 =	vadd.f32 v26, v27;
	v29 =	vld [tilespmem:s16+$0x70]  }
0x7a: {  	v22 =	vmul.f32 v22, v17;
	v57 =	vmul.f32 $6.000000240e-01, v24;
	v24 =	vand.u32 $0x7FFFFFFF, v24;
	v31 =	vld [tilespmem:s13+$0x60]  }
0x7b: {  	v39 =	vperm.xlane v61, v0;
	v59 =	vmul.f32 $6.000000240e-01, v26;
	v26 =	vand.u32 $0x7FFFFFFF, v26  }
0x7c: {  	v24 =	vmul.f32 v24, v19;
	v25 =	vmul.f32 v26, v7;
	v55 =	vld [tilespmem:s13+$0x70]  }
0x7d: {  	v26 =	vadd.f32 v22, v56;
	v32 =	vadd.f32 v39, v61;
	v28 =	vmul.f32 v35, v14;
	v20 =	vld [tilespmem:s16+$0xFFFFFFC0]  }
0x7e: {  	v62 =	vadd.f32 v25, v59;
	v25 =	vperm.xlane v30, v0;
	v27 =	vmul.f32 v29, v15  }
0x7f: {  	v28 =	vadd.f32 v31, v28;
	v31 =	vmul.f32 $6.000000240e-01, v23;
	v23 =	vand.u32 $0x7FFFFFFF, v23  }
0x80: {  	v40 =	vperm.xlane v62, v0;
	v30 =	vadd.f32 v25, v30;
	v23 =	vmul.f32 v23, v18  }
0x81: {  	v21 =	vld [tilespmem:s16+$0xFFFFFF90];
	v27 =	vadd.f32 v55, v27;
	v36 =	vmul.f32 $6.000000240e-01, v28;
	v28 =	vand.u32 $0x7FFFFFFF, v28  }
0x82: {  	v22 =	vld [tilespmem:s16+$0xFFFFFFA0];
	v50 =	vmul.f32 v20, v12;
	v31 =	vadd.f32 v23, v31;
	v23 =	vmul.f32 v28, v5  }
0x83: {  	v52 =	vld [tilespmem:s13+$0xFFFFFF80];
	v28 =	vadd.f32 v24, v57;
	v37 =	vmul.f32 $6.000000240e-01, v27;
	v27 =	vand.u32 $0x7FFFFFFF, v27  }
0x84: {  	v53 =	vld [tilespmem:s13+$0xFFFFFF90];
	v24 =	vmul.f32 v27, v6;
	v27 =	vperm.xlane v26, v0;
	v63 =	vadd.f32 v23, v36  }
0x85: {  	v59 =	vld [tilespmem:s13+$0xFFFFFFB0];
	v33 =	vadd.f32 v40, v62;
	v44 =	vperm.xlane v31, v0;
	v45 =	vperm.xlane v28, v0  }
0x86: {  	v37 =	vadd.f32 v24, v37;
	v41 =	vadd.f32 v27, v26;
	v48 =	vperm.xlane v63, v0;
	v26 =	vld [tilespmem:s16+$0xFFFFFF80]  }
0x87: {  	v25 =	vld [tilespmem:s16+$0xFFFFFFE0];
	v31 =	vadd.f32 v44, v31;
	v28 =	vadd.f32 v45, v28;
	v45 =	vmul.f32 v22, v10  }
0x88: {  	v23 =	vld [tilespmem:s16+$0xFFFFFFB0];
	v51 =	vperm.xlane v37, v0;
	v34 =	vadd.f32 v48, v63;
	v30 =	vsel vm2, v30, v41  }
0x89: {  	v24 =	vld [tilespmem:s16+$0xFFFFFFD0];
	v28 =	vsel vm2, v31, v28;
	v31 =	vsel vm2, v32, v33;
	v63 =	vmul.f32 v21, v9  }
0x8a: {  	v44 =	vld [tilespmem:s13+$0xFFFFFFC0];
	v55 =	vperm.xlane v30, v1;
	v56 =	vperm.xlane v28, v1;
	v35 =	vadd.f32 v51, v37  }
0x8b: {  	v57 =	vperm.xlane v31, v1;
	v32 =	vadd.f32 v53, v63;
	v61 =	vmul.f32 v26, v8  }
0x8c: {  	v37 =	vld [tilespmem:s13+$0xFFFFFFA0];
	v30 =	vadd.f32 v55, v30;
	v62 =	vadd.f32 v56, v28;
	v54 =	vsel vm2, v34, v35  }
0x8d: {  	v49 =	vld [tilespmem:s13+$0xFFFFFFD0];
	v31 =	vadd.f32 v57, v31;
	v56 =	vmul.f32 v23, v11;
	v58 =	vperm.xlane v54, v1  }
0x8e: {  	v28 =	vld [tilespmem:s16+$0xFFFFFFF0];
	v36 =	vadd.f32 v52, v61;
	v30 =	vsel vm0, v30, v62;
	v52 =	vmul.f32 v24, v13  }
0x8f: {  	v40 =	vadd.f32 v59, v56;
	v59 =	vmul.f32 v25, v14;
	v61 =	vadd.f32 v44, v50  }
0x90: {  	v44 =	vand.u32 $0x7FFFFFFF, v32;
	v32 =	vmul.f32 $6.000000240e-01, v32;
	v34 =	vperm.xlane v30, v60  }
0x91: {  	[tilespmem:$0x1FE40] =	vst v20;
	v48 =	vmul.f32 v44, v17;
	v33 =	vadd.f32 v58, v54;
	v37 =	vadd.f32 v37, v45  }
0x92: {  	v51 =	vld [tilespmem:s13+$0xFFFFFFF0];
	v63 =	vand.u32 $0x7FFFFFFF, v36;
	v49 =	vadd.f32 v49, v52;
	v55 =	vand.u32 $0x7FFFFFFF, v40  }
0x93: {  	v56 =	vand.u32 $0x7FFFFFFF, v61;
	v36 =	vmul.f32 $6.000000240e-01, v36;
	v62 =	vmul.f32 v28, v15  }
0x94: {  	v39 =	vmul.f32 v63, v16;
	v50 =	vmul.f32 v55, v19;
	v31 =	vsel vm0, v31, v33  }
0x95: {  	v57 =	vld [tilespmem:s13+$0xFFFFFFE0];
	v30 =	vadd.f32 v34, v30;
	v34 =	vmul.f32 $6.000000240e-01, v61;
	v58 =	vperm.xlane v31, v60  }
0x96: {  	v32 =	vadd.f32 v48, v32;
	v45 =	vand.u32 $0x7FFFFFFF, v37;
	v37 =	vmul.f32 $6.000000240e-01, v37  }
0x97: {  	v61 =	vmul.f32 $6.000000240e-01, v49;
	v35 =	vadd.f32 v51, v62;
	v31 =	vadd.f32 v58, v31  }
0x98: {  	v33 =	vmul.f32 v45, v18;
	v51 =	vmul.f32 v56, v2  }
0x99: {  	v44 =	vperm.xlane v32, v0;
	v53 =	vand.u32 $0x7FFFFFFF, v35;
	v30 =	vsel vm1, v30, v31  }
0x9a: {  	v35 =	vmul.f32 $6.000000240e-01, v35;
	v31 =	vadd.f32 v57, v59;
	v54 =	vperm.xlane v30, v3  }
0x9b: {  	v34 =	vadd.f32 v51, v34;
	v53 =	vmul.f32 v53, v6;
	v57 =	vand.u32 $0x7FFFFFFF, v49  }
0x9c: {  	v41 =	vmul.f32 v57, v7;
	v58 =	vand.u32 $0x7FFFFFFF, v31;
	v30 =	vadd.f32 v30, v54  }
0x9d: {  	v35 =	vadd.f32 v53, v35;
	v31 =	vmul.f32 $6.000000240e-01, v31;
	v52 =	vmul.f32 v58, v5  }
0x9e: {  	v33 =	vadd.f32 v33, v37;
	v53 =	vperm.xlane v34, v0;
	v30 =	vperm.xlane v30, v4  }
0x9f: {  	v62 =	vadd.f32 v41, v61;
	v56 =	vperm.xlane v35, v0;
	v31 =	vadd.f32 v52, v31  }
0xa0: {  	v59 =	vmul.f32 $6.000000240e-01, v40;
	v34 =	vadd.f32 v53, v34;
	v30 =	vmul.f32 $1.442695020e+00, v30  }
0xa1: {  	v54 =	vperm.xlane v62, v0;
	v57 =	vadd.f32 v56, v35;
	v55 =	vperm.xlane v31, v0  }
0xa2: {  	[tilespmem:$0x1FE50] =	vst v24;
	(erf) = vpow2.f32 v30;
	v30 =	vadd.f32 v39, v36;
	v36 =	vadd.f32 v50, v59  }
0xa3: {  	s17 =	simm.s32 $0x17E60;
	[tilespmem:$0x1FE60] =	vst v25;
	v45 =	vperm.xlane v33, v0;
	v37 =	vadd.f32 v54, v62;
	v31 =	vadd.f32 v55, v31  }
0xa4: {  	s10 =	simm.s32 $0x16660;
	v43 =	vld [tilespmem:s17+$0x10];
	v32 =	vadd.f32 v44, v32;
	v63 =	vperm.xlane v30, v0;
	v52 =	vperm.xlane v36, v0  }
0xa5: {  	v24 =	vld [tilespmem:s10+$0x70];
	v33 =	vadd.f32 v45, v33;
	v34 =	vsel vm2, v34, v37;
	v31 =	vsel vm2, v31, v57  }
0xa6: {  	v44 =	vld [tilespmem:s17+$0x0];
	v62 =	vperm.xlane v31, v1;
	v30 =	vadd.f32 v63, v30;
	v36 =	vadd.f32 v52, v36  }
0xa7: {  	v35 =	vld [tilespmem:s10+$0x40];
	v61 =	vperm.xlane v34, v1  }
0xa8: {  	v63 =	vadd.f32 v62, v31;
	v31 =	vld [tilespmem:s10+$0x0];
	v30 =	vsel vm2, v30, v32;
	v33 =	vsel vm2, v33, v36  }
0xa9: {  	v32 =	vadd.f32 v61, v34;
	v34 =	vld [tilespmem:s10+$0x30];
	v58 =	vperm.xlane v30, v1;
	v59 =	vperm.xlane v33, v1  }
0xaa: {  	v41 =	vld [tilespmem:s17+$0x30]  }
0xab: {  	v38 =	vsel vm0, v32, v63;
	v32 =	vld [tilespmem:s10+$0x10];
	v30 =	vadd.f32 v58, v30;
	v33 =	vadd.f32 v59, v33  }
0xac: {  	v40 =	vld [tilespmem:s17+$0x40];
	v53 =	vpop (erf);
	v39 =	vperm.xlane v38, v60;
	v58 =	vmul.f32 v35, v12  }
0xad: {  	v36 =	vbroadcast v53, $0x7;
	v48 =	vbroadcast v53, $0x0;
	v30 =	vsel vm0, v30, v33;
	v33 =	vld [tilespmem:s10+$0x20]  }
0xae: {  	v61 =	vmul.f32 v31, v8;
	v45 =	vadd.f32 v39, v38;
	v50 =	vmul.f32 v34, v11;
	v39 =	vld [tilespmem:s17+$0x70]  }
0xaf: {  	v37 =	vperm.xlane v30, v60;
	v25 =	vmul.f32 v36, v29;
	v29 =	vld [tilespmem:s10+$0x50]  }
0xb0: {  	v44 =	vadd.f32 v44, v61;
	v62 =	vmul.f32 v32, v9;
	v36 =	vadd.f32 v41, v50  }
0xb1: {  	v42 =	vld [tilespmem:s17+$0x20];
	v30 =	vadd.f32 v37, v30;
	v37 =	vadd.f32 v40, v58;
	v58 =	vmul.f32 v24, v15  }
0xb2: {  	v61 =	vmul.f32 $6.000000240e-01, v44;
	v44 =	vand.u32 $0x7FFFFFFF, v44;
	v43 =	vadd.f32 v43, v62  }
0xb3: {  	v60 =	vld [tilespmem:s17+$0x50];
	v40 =	vmul.f32 v44, v16;
	v57 =	vsel vm1, v30, v45;
	v63 =	vmul.f32 v33, v10  }
0xb4: {  	v30 =	vld [tilespmem:s10+$0x60];
	v39 =	vadd.f32 v39, v58;
	v59 =	vperm.xlane v57, v3;
	v45 =	vmul.f32 v29, v13  }
0xb5: {  	v62 =	vmul.f32 $6.000000240e-01, v43;
	v40 =	vadd.f32 v40, v61;
	v43 =	vand.u32 $0x7FFFFFFF, v43  }
0xb6: {  	v38 =	vld [tilespmem:s17+$0x60];
	v42 =	vadd.f32 v42, v63;
	v63 =	vmul.f32 $6.000000240e-01, v36;
	v61 =	vmul.f32 $6.000000240e-01, v39  }
0xb7: {  	v36 =	vand.u32 $0x7FFFFFFF, v36;
	v43 =	vmul.f32 v43, v17;
	v39 =	vand.u32 $0x7FFFFFFF, v39  }
0xb8: {  	v60 =	vadd.f32 v60, v45;
	v45 =	vadd.f32 v57, v59;
	v36 =	vmul.f32 v36, v19  }
0xb9: {  	v41 =	vmul.f32 $6.000000240e-01, v42;
	v42 =	vand.u32 $0x7FFFFFFF, v42;
	v50 =	vmul.f32 v30, v14  }
0xba: {  	v59 =	vmul.f32 $6.000000240e-01, v60;
	v60 =	vand.u32 $0x7FFFFFFF, v60;
	v42 =	vmul.f32 v42, v18  }
0xbb: {  	v38 =	vadd.f32 v38, v50;
	v50 =	vmul.f32 $6.000000240e-01, v37;
	v37 =	vand.u32 $0x7FFFFFFF, v37  }
0xbc: {  	v43 =	vadd.f32 v43, v62;
	v60 =	vmul.f32 v60, v7;
	v37 =	vmul.f32 v37, v2  }
0xbd: {  	v41 =	vadd.f32 v42, v41;
	v44 =	vmul.f32 $6.000000240e-01, v38;
	v38 =	vand.u32 $0x7FFFFFFF, v38  }
0xbe: {  	v42 =	vadd.f32 v36, v63;
	v38 =	vmul.f32 v38, v5;
	v57 =	vadd.f32 v37, v50  }
0xbf: {  	v50 =	vmul.f32 v39, v6;
	v39 =	vadd.f32 v60, v59;
	v37 =	vperm.xlane v40, v0  }
0xc0: {  	v20 =	vld [tilespmem:$0x1FE70];
	v59 =	vperm.xlane v43, v0;
	v60 =	vperm.xlane v42, v0  }
0xc1: {  	v36 =	vld [tilespmem:s10+$0xFFFFFF90];
	v38 =	vadd.f32 v38, v44;
	v61 =	vadd.f32 v50, v61;
	v50 =	vperm.xlane v39, v0  }
0xc2: {  	v44 =	vperm.xlane v41, v0;
	v40 =	vadd.f32 v37, v40;
	v43 =	vadd.f32 v59, v43;
	v37 =	vld [tilespmem:s10+$0xFFFFFFA0]  }
0xc3: {  	v51 =	vbroadcast v53, $0x2;
	v59 =	vperm.xlane v38, v0;
	v50 =	vadd.f32 v50, v39;
	v39 =	vld [tilespmem:s10+$0xFFFFFFB0]  }
0xc4: {  	v42 =	vadd.f32 v60, v42;
	v41 =	vadd.f32 v44, v41;
	v43 =	vsel vm2, v40, v43;
	v40 =	vld [tilespmem:s10+$0xFFFFFFD0]  }
0xc5: {  	v27 =	vmov v28;
	v28 =	vmul.f32 v48, v46;
	v48 =	vadd.f32 v59, v38;
	v38 =	vld [tilespmem:s10+$0xFFFFFFC0]  }
0xc6: {  	v20 =	vmul.f32 v51, v20;
	v59 =	vsel vm2, v41, v42;
	v41 =	vld [tilespmem:s10+$0xFFFFFFE0]  }
0xc7: {  	v42 =	vld [tilespmem:s10+$0xFFFFFFF0]  }
0xc8: {  	[tilespmem:$0x1FEC0] =	vst v20;
	v20 =	vld [tilespmem:$0x1FE80];
	_ =	sdelay $0x2  }
0xc9: {  	v52 =	vbroadcast v53, $0x3  }
0xca: {  	v44 =	vperm.xlane v61, v0;
	v46 =	vperm.xlane v43, v1  }
0xcb: {  	v54 =	vbroadcast v53, $0x1;
	v52 =	vmul.f32 v52, v20;
	v20 =	vld [tilespmem:$0x1FE90]  }
0xcc: {  	v62 =	vperm.xlane v57, v0;
	v44 =	vadd.f32 v44, v61;
	v46 =	vadd.f32 v46, v43;
	v43 =	vld [tilespmem:s10+$0xFFFFFF80]  }
0xcd: {  	v55 =	vbroadcast v53, $0x4  }
0xce: {  	v58 =	vmul.f32 v54, v47;
	v57 =	vadd.f32 v62, v57;
	v44 =	vsel vm2, v48, v44  }
0xcf: {  	v45 =	vperm.xlane v45, v4;
	v54 =	vld [tilespmem:s17+$0xFFFFFFA0];
	v48 =	vperm.xlane v44, v1  }
0xd0: {  	v57 =	vsel vm2, v57, v50;
	v50 =	vperm.xlane v59, v1;
	v55 =	vmul.f32 v55, v20;
	v20 =	vld [tilespmem:$0x1FFF0]  }
0xd1: {  	v44 =	vadd.f32 v48, v44;
	v48 =	vmul.f32 $1.442695020e+00, v45;
	v45 =	vmul.f32 v43, v8  }
0xd2: {  	v50 =	vadd.f32 v50, v59;
	v59 =	vld [tilespmem:s17+$0xFFFFFF80];
	v8 =	vmul.f32 v36, v9;
	v9 =	vmul.f32 v37, v10  }
0xd3: {  	v61 =	vperm.xlane v57, v1  }
0xd4: {  	v60 =	vld [tilespmem:s17+$0xFFFFFF90];
	v46 =	vsel vm0, v46, v50;
	v54 =	vadd.f32 v54, v9  }
0xd5: {  	v57 =	vadd.f32 v61, v57;
	v50 =	vperm.xlane v46, v20;
	v20 =	vld [tilespmem:$0x1FFF0]  }
0xd6: {  	v61 =	vld [tilespmem:s17+$0xFFFFFFE0];
	(erf) = vpow2.f32 v48;
	v9 =	vmul.f32 v41, v14;
	v14 =	vand.u32 $0x7FFFFFFF, v54  }
0xd7: {  	v48 =	vadd.f32 v59, v45;
	v54 =	vmul.f32 $6.000000240e-01, v54;
	v59 =	vmul.f32 v14, v18;
	_ =	sdelay $0x1  }
0xd8: {  	v44 =	vsel vm0, v57, v44;
	v54 =	vadd.f32 v59, v54;
	v46 =	vadd.f32 v50, v46;
	v50 =	vld [tilespmem:s17+$0xFFFFFFD0]  }
0xd9: {  	v57 =	vadd.f32 v60, v8;
	v51 =	vperm.xlane v44, v20;
	v20 =	vld [tilespmem:$0x1FEA0]  }
0xda: {  	v62 =	vld [tilespmem:s17+$0xFFFFFFB0];
	v8 =	vmul.f32 v40, v13;
	v13 =	vadd.f32 v61, v9;
	v59 =	vperm.xlane v54, v0  }
0xdb: {  	v56 =	vbroadcast v53, $0x5;
	v49 =	vbroadcast v53, $0x6;
	v63 =	vld [tilespmem:s17+$0xFFFFFFC0]  }
0xdc: {  	v10 =	vmul.f32 v39, v11;
	v9 =	vand.u32 $0x7FFFFFFF, v13;
	v54 =	vadd.f32 v59, v54  }
0xdd: {  	v44 =	vadd.f32 v51, v44;
	v51 =	vmul.f32 v38, v12;
	v12 =	vand.u32 $0x7FFFFFFF, v57  }
0xde: {  	v47 =	vadd.f32 v50, v8;
	v57 =	vmul.f32 $6.000000240e-01, v57;
	v56 =	vmul.f32 v56, v20;
	v20 =	vld [tilespmem:$0x1FEB0]  }
0xdf: {  	v50 =	vmul.f32 $6.000000240e-01, v13;
	v44 =	vsel vm1, v46, v44;
	v46 =	vadd.f32 v62, v10  }
0xe0: {  	v51 =	vadd.f32 v63, v51;
	v10 =	vmul.f32 v42, v15;
	v63 =	vmul.f32 v12, v17  }
0xe1: {  	v8 =	vand.u32 $0x7FFFFFFF, v47;
	v47 =	vmul.f32 $6.000000240e-01, v47;
	v11 =	vperm.xlane v44, v3  }
0xe2: {  	v45 =	vmul.f32 v8, v7;
	v15 =	vand.u32 $0x7FFFFFFF, v46;
	v57 =	vadd.f32 v63, v57  }
0xe3: {  	v46 =	vmul.f32 $6.000000240e-01, v46;
	v44 =	vadd.f32 v44, v11;
	v20 =	vmul.f32 v49, v20;
	v49 =	vld [tilespmem:s17+$0xFFFFFFF0]  }
0xe4: {  	v11 =	vand.u32 $0x7FFFFFFF, v48;
	v48 =	vmul.f32 $6.000000240e-01, v48;
	v60 =	vmul.f32 v15, v19  }
0xe5: {  	v45 =	vadd.f32 v45, v47;
	v16 =	vmul.f32 v11, v16;
	v12 =	vperm.xlane v57, v0  }
0xe6: {  	v44 =	vperm.xlane v44, v4;
	v4 =	vand.u32 $0x7FFFFFFF, v51;
	v51 =	vmul.f32 $6.000000240e-01, v51  }
0xe7: {  	v46 =	vadd.f32 v60, v46;
	v62 =	vmul.f32 v4, v2;
	v48 =	vadd.f32 v16, v48  }
0xe8: {  	s12 =	simm.s32 $0x19570;
	v16 =	vperm.xlane v45, v0;
	v44 =	vmul.f32 $1.442695020e+00, v44;
	v49 =	vadd.f32 v49, v10  }
0xe9: {  	[tilespmem:s12+$0x70] =	vst v25;
	v13 =	vperm.xlane v46, v0;
	v51 =	vadd.f32 v62, v51;
	v11 =	vperm.xlane v48, v0  }
0xea: {  	[tilespmem:s12+$0x80] =	vst v53;
	(erf) = vpow2.f32 v44;
	v44 =	vmul.f32 v9, v5;
	v10 =	vand.u32 $0x7FFFFFFF, v49  }
0xeb: {  	[tilespmem:s12+$0x0] =	vst v28;
	v47 =	vadd.f32 v11, v48;
	v49 =	vmul.f32 $6.000000240e-01, v49;
	v61 =	vmul.f32 v10, v6  }
0xec: {  	v3 =	vld [tilespmem:$0x1FFF0];
	[tilespmem:s12+$0x10] =	vst v58;
	v15 =	vpop (erf);
	v14 =	vperm.xlane v51, v0;
	v48 =	vadd.f32 v13, v46;
	v44 =	vadd.f32 v44, v50  }
0xed: {  	v2 =	vld [tilespmem:$0x1FEC0];
	[tilespmem:s12+$0x30] =	vst v52;
	v52 =	vbroadcast v15, $0x1;
	v50 =	vadd.f32 v12, v57;
	v49 =	vadd.f32 v61, v49  }
0xee: {  	v45 =	vadd.f32 v16, v45;
	v51 =	vadd.f32 v14, v51;
	v48 =	vsel vm2, v54, v48  }
0xef: {  	v17 =	vperm.xlane v44, v0;
	v47 =	vsel vm2, v47, v50;
	v18 =	vperm.xlane v49, v0  }
0xf0: {  	v58 =	vperm.xlane v48, v1;
	v57 =	vperm.xlane v47, v1  }
0xf1: {  	v45 =	vsel vm2, v51, v45;
	v44 =	vadd.f32 v17, v44;
	v49 =	vadd.f32 v18, v49  }
0xf2: {  	v51 =	vbroadcast v15, $0x0;
	v60 =	vperm.xlane v45, v1  }
0xf3: {  	[tilespmem:s12+$0x40] =	vst v55;
	v48 =	vadd.f32 v58, v48;
	v47 =	vadd.f32 v57, v47;
	v46 =	vpop (erf);
	v49 =	vsel vm2, v44, v49  }
0xf4: {  	[tilespmem:s12+$0x50] =	vst v56;
	v19 =	vbroadcast v46, $0x7;
	v61 =	vperm.xlane v49, v1  }
0xf5: {  	[tilespmem:s12+$0xFFFFFFF0] =	vst v15;
	v45 =	vadd.f32 v60, v45;
	v62 =	vsel vm0, v47, v48;
	v48 =	vbroadcast v15, $0x4  }
0xf6: {  	[tilespmem:s12+$0x60] =	vst v20;
	v47 =	vbroadcast v15, $0x6;
	v50 =	vmul.f32 v19, v24;
	v53 =	vadd.f32 v61, v49  }
0xf7: {  	s13 =	simm.s32 $0x19690;
	[tilespmem:s12+$0x20] =	vst v2;
	v63 =	vperm.xlane v62, v3;
	v44 =	vbroadcast v15, $0x2  }
0xf8: {  	[tilespmem:s13+$0x70] =	vst v50;
	v50 =	vbroadcast v15, $0x5;
	v49 =	vbroadcast v15, $0x3;
	v54 =	vsel vm0, v45, v53  }
0xf9: {  	s16 =	simm.s32 $0x2;
	s17 =	simm.s32 $0x17F60;
	[tilespmem:s13+$0x80] =	vst v46;
	v53 =	vadd.f32 v63, v62;
	v45 =	vbroadcast v15, $0x7;
	v55 =	vperm.xlane v54, v3  }
.LBB2_3:
0xfa: {  	v56 =	vld [tilespmem:s17+$0x0]  }
0xfb: {  	v59 =	vld [tilespmem:s17+$0x10]  }
0xfc: {  	v61 =	vld [tilespmem:s17+$0x20]  }
0xfd: {  	v3 =	vld [tilespmem:s17+$0x30]  }
0xfe: {  	v28 =	vmov v43;
	v43 =	vld [tilespmem:s17+$0x40]  }
0xff: {  	v2 =	vld [tilespmem:$0x1FFD0]  }
0x100: {  	v4 =	vld [tilespmem:s17+$0x50]  }
0x101: {  	v5 =	vld [tilespmem:$0x1FE40]  }
0x102: {  	v11 =	vld [tilespmem:$0x1FE60]  }
0x103: {  	v7 =	vld [tilespmem:$0x1FFE0]  }
0x104: {  	v10 =	vld [tilespmem:$0x1FEF0]  }
0x105: {  	s10 =	sadd.s32 $0x100, s10;
	v20 =	vld [tilespmem:$0x1FF90]  }
0x106: {  	v25 =	vmov v37;
	v37 =	vld [tilespmem:s10+$0x0]  }
0x107: {  	v13 =	vld [tilespmem:s10+$0x20]  }
0x108: {  	v57 =	vbroadcast v46, $0x0;
	v58 =	vbroadcast v46, $0x1;
	v16 =	vld [tilespmem:s10+$0x30]  }
0x109: {  	v60 =	vbroadcast v46, $0x3;
	v15 =	vmov v41;
	v17 =	vmul.f32 v44, v22;
	v44 =	vld [tilespmem:s10+$0x70]  }
0x10a: {  	v62 =	vbroadcast v46, $0x4;
	v52 =	vmul.f32 v52, v21;
	[tilespmem:$0x1FE60] =	vst v15;
	v15 =	vld [tilespmem:$0x1FF40]  }
0x10b: {  	v63 =	vbroadcast v46, $0x5;
	v51 =	vmul.f32 v51, v26;
	v21 =	vld [tilespmem:$0x1FFA0]  }
0x10c: {  	v54 =	vadd.f32 v55, v54;
	v55 =	vbroadcast v46, $0x2;
	v46 =	vbroadcast v46, $0x6;
	[tilespmem:s12+$0xFFFFFF80] =	vst v52;
	v52 =	vld [tilespmem:$0x1FE50]  }
0x10d: {  	[tilespmem:s12+$0xFFFFFF70] =	vst v51;
	v51 =	vmul.f32 v63, v29;
	v29 =	vld [tilespmem:s10+$0x50]  }
0x10e: {  	v18 =	vmul.f32 v49, v23;
	v46 =	vmul.f32 v46, v30;
	v30 =	vld [tilespmem:s10+$0x60]  }
0x10f: {  	v53 =	vsel vm1, v53, v54;
	v12 =	vmul.f32 v47, v11;
	v11 =	vld [tilespmem:$0x1FF00]  }
0x110: {  	[tilespmem:s12+$0xFFFFFFA0] =	vst v18;
	v18 =	vmul.f32 v55, v33;
	v54 =	vperm.xlane v53, v2;
	v33 =	vmov v13;
	v13 =	vld [tilespmem:$0x1FF20]  }
0x111: {  	v55 =	vmul.f32 v60, v34;
	v34 =	vmov v16;
	v16 =	vld [tilespmem:$0x1FF50]  }
0x112: {  	v45 =	vmul.f32 v45, v27;
	v19 =	vadd.f32 v53, v54;
	[tilespmem:s12+$0xFFFFFFD0] =	vst v12;
	v12 =	vld [tilespmem:$0x1FF10]  }
0x113: {  	v14 =	vmul.f32 v57, v31;
	[tilespmem:s12+$0xFFFFFF90] =	vst v17;
	v53 =	vmul.f32 v50, v52;
	v50 =	vld [tilespmem:s10+$0x10]  }
0x114: {  	v26 =	vmov v39;
	[tilespmem:s12+$0xFFFFFFE0] =	vst v45;
	v48 =	vmul.f32 v48, v5;
	v39 =	vperm.xlane v19, v7;
	v19 =	vld [tilespmem:s10+$0x40]  }
0x115: {  	v17 =	vmul.f32 v58, v32;
	v31 =	vmov v37;
	[tilespmem:s13+$0x0] =	vst v14;
	v14 =	vld [tilespmem:$0x1FF30]  }
0x116: {  	[tilespmem:s12+$0xFFFFFFB0] =	vst v48;
	v37 =	vmul.f32 v31, v10;
	v9 =	vld [tilespmem:s17+$0x60]  }
0x117: {  	v8 =	vmov v38;
	[tilespmem:s13+$0x10] =	vst v17;
	v17 =	vld [tilespmem:$0x1FF60]  }
0x118: {  	v49 =	vmul.f32 v62, v35;
	v60 =	vmul.f32 v29, v15;
	v47 =	vadd.f32 v56, v37;
	[tilespmem:s12+$0xFFFFFFC0] =	vst v53;
	v58 =	vld [tilespmem:s17+$0x70]  }
0x119: {  	[tilespmem:$0x1FE40] =	vst v8;
	v54 =	vmul.f32 $1.442695020e+00, v39;
	v41 =	vmul.f32 v34, v13;
	v37 =	vld [tilespmem:s10+$0xFFFFFFA0]  }
0x11a: {  	v6 =	vmovc v40;
	v4 =	vadd.f32 v4, v60;
	v63 =	vmul.f32 v30, v16;
	v39 =	vld [tilespmem:s10+$0xFFFFFFB0];
	[tilespmem:s13+$0x50] =	vst v51;
	v51 =	vmul.f32 $6.000000240e-01, v47  }
0x11b: {  	[tilespmem:s13+$0x20] =	vst v18;
	v18 =	vld [tilespmem:$0x1FF70];
	v8 =	vmul.f32 v33, v12;
	(erf) = vpow2.f32 v54;
	v32 =	vmovc v50;
	v3 =	vadd.f32 v3, v41  }
0x11c: {  	[tilespmem:$0x1FE50] =	vst v6;
	v38 =	vld [tilespmem:s10+$0xFFFFFFC0];
	v47 =	vand.u32 $0x7FFFFFFF, v47;
	v6 =	vmul.f32 v32, v11;
	v57 =	vmul.f32 v19, v14  }
0x11d: {  	[tilespmem:s13+$0x30] =	vst v55;
	v40 =	vld [tilespmem:s10+$0xFFFFFFD0];
	v62 =	vadd.f32 v61, v8;
	v8 =	vadd.f32 v9, v63;
	v55 =	vmul.f32 $6.000000240e-01, v3  }
0x11e: {  	v23 =	vld [tilespmem:$0x1FFC0];
	v3 =	vand.u32 $0x7FFFFFFF, v3;
	v48 =	vadd.f32 v59, v6;
	v6 =	vmul.f32 v44, v17  }
0x11f: {  	[tilespmem:s13+$0x40] =	vst v49;
	v49 =	vadd.f32 v43, v57;
	v9 =	vmul.f32 $6.000000240e-01, v62;
	v57 =	vmul.f32 $6.000000240e-01, v4  }
0x120: {  	v47 =	vmul.f32 v47, v18;
	v3 =	vmul.f32 v3, v21  }
0x121: {  	v22 =	vld [tilespmem:$0x1FFB0];
	v52 =	vand.u32 $0x7FFFFFFF, v62;
	v12 =	vmul.f32 v37, v12;
	v13 =	vmul.f32 v39, v13  }
0x122: {  	v35 =	vmovc v19;
	v19 =	vld [tilespmem:$0x1FF80];
	v4 =	vand.u32 $0x7FFFFFFF, v4;
	v14 =	vmul.f32 v38, v14;
	v15 =	vmul.f32 v40, v15  }
0x123: {  	v54 =	vand.u32 $0x7FFFFFFF, v8;
	v52 =	vmul.f32 v52, v20;
	v4 =	vmul.f32 v4, v23  }
0x124: {  	v53 =	vmul.f32 $6.000000240e-01, v48;
	v50 =	vadd.f32 v58, v6;
	v56 =	vmul.f32 $6.000000240e-01, v49  }
0x125: {  	v58 =	vmul.f32 $6.000000240e-01, v8;
	v48 =	vand.u32 $0x7FFFFFFF, v48;
	v47 =	vadd.f32 v47, v51;
	v8 =	vld [tilespmem:$0x1FED0]  }
0x126: {  	v24 =	vmovc v36;
	[tilespmem:s13+$0x60] =	vst v46;
	v49 =	vand.u32 $0x7FFFFFFF, v49;
	v3 =	vadd.f32 v3, v55;
	v46 =	vadd.f32 v52, v9;
	v9 =	vld [tilespmem:$0x1FEE0]  }
0x127: {  	v27 =	vmovc v42;
	v36 =	vld [tilespmem:s10+$0xFFFFFF90];
	v48 =	vmul.f32 v48, v19;
	v49 =	vmul.f32 v49, v22;
	v4 =	vadd.f32 v4, v57  }
0x128: {  	v42 =	vld [tilespmem:s10+$0xFFFFFFF0];
	v59 =	vmul.f32 $6.000000240e-01, v50;
	v50 =	vand.u32 $0x7FFFFFFF, v50;
	v55 =	vperm.xlane v47, v0;
	v45 =	vpop (erf)  }
0x129: {  	v41 =	vld [tilespmem:s10+$0xFFFFFFE0];
	v5 =	vperm.xlane v3, v0;
	v48 =	vadd.f32 v48, v53;
	v49 =	vadd.f32 v49, v56;
	[tilespmem:s13+$0xFFFFFFF0] =	vst v45  }
0x12a: {  	v6 =	vperm.xlane v4, v0;
	v47 =	vadd.f32 v55, v47;
	v52 =	vmul.f32 v54, v8;
	v43 =	vld [tilespmem:s10+$0xFFFFFF80]  }
0x12b: {  	v3 =	vadd.f32 v5, v3;
	v56 =	vperm.xlane v48, v0;
	v60 =	vld [tilespmem:s17+$0xFFFFFF80];
	v50 =	vmul.f32 v50, v9  }
0x12c: {  	v4 =	vadd.f32 v6, v4;
	v61 =	vld [tilespmem:s17+$0xFFFFFF90];
	v52 =	vadd.f32 v52, v58;
	v58 =	vperm.xlane v46, v0  }
0x12d: {  	v51 =	vld [tilespmem:s17+$0xFFFFFFC0];
	v48 =	vadd.f32 v56, v48;
	v50 =	vadd.f32 v50, v59;
	v59 =	vperm.xlane v49, v0  }
0x12e: {  	v63 =	vld [tilespmem:s17+$0xFFFFFFB0];
	v55 =	vperm.xlane v52, v0;
	v46 =	vadd.f32 v58, v46;
	v58 =	vmul.f32 v36, v11  }
0x12f: {  	v53 =	vld [tilespmem:s17+$0xFFFFFFD0];
	v47 =	vsel vm2, v47, v48;
	v5 =	vperm.xlane v50, v0;
	v49 =	vadd.f32 v59, v49  }
0x130: {  	v59 =	vperm.xlane v47, v1;
	v56 =	vmul.f32 v43, v10;
	v52 =	vadd.f32 v55, v52  }
0x131: {  	v3 =	vsel vm2, v46, v3;
	v6 =	vadd.f32 v61, v58;
	v61 =	vmul.f32 v41, v16  }
0x132: {  	v48 =	vadd.f32 v51, v14;
	v5 =	vadd.f32 v5, v50;
	v4 =	vsel vm2, v49, v4  }
0x133: {  	v10 =	vperm.xlane v3, v1;
	v46 =	vadd.f32 v59, v47;
	v47 =	vadd.f32 v63, v13  }
0x134: {  	v62 =	vld [tilespmem:s17+$0xFFFFFFA0];
	v50 =	vadd.f32 v53, v15;
	v49 =	vadd.f32 v60, v56;
	v5 =	vsel vm2, v52, v5  }
0x135: {  	v60 =	vld [tilespmem:$0x1FFF0];
	v11 =	vperm.xlane v4, v1;
	v14 =	vand.u32 $0x7FFFFFFF, v48;
	v52 =	vperm.xlane v5, v1  }
0x136: {  	v57 =	vld [tilespmem:s17+$0xFFFFFFF0];
	v48 =	vmul.f32 $6.000000240e-01, v48;
	v3 =	vadd.f32 v10, v3;
	v10 =	vmul.f32 v42, v17  }
0x137: {  	v13 =	vand.u32 $0x7FFFFFFF, v47;
	v4 =	vadd.f32 v11, v4;
	v5 =	vadd.f32 v52, v5  }
0x138: {  	v54 =	vld [tilespmem:s17+$0xFFFFFFE0];
	v16 =	vand.u32 $0x7FFFFFFF, v50;
	v47 =	vmul.f32 $6.000000240e-01, v47;
	v56 =	vand.u32 $0x7FFFFFFF, v49  }
0x139: {  	v11 =	vand.u32 $0x7FFFFFFF, v6;
	v3 =	vsel vm0, v46, v3;
	v4 =	vsel vm0, v4, v5  }
0x13a: {  	v46 =	vperm.xlane v3, v60;
	v5 =	vadd.f32 v62, v12;
	v62 =	vperm.xlane v4, v60  }
0x13b: {  	v49 =	vmul.f32 $6.000000240e-01, v49;
	v6 =	vmul.f32 $6.000000240e-01, v6;
	v51 =	vadd.f32 v57, v10  }
0x13c: {  	v56 =	vmul.f32 v56, v18;
	v3 =	vadd.f32 v46, v3;
	v4 =	vadd.f32 v62, v4  }
0x13d: {  	v10 =	vmul.f32 $6.000000240e-01, v50;
	v52 =	vadd.f32 v54, v61;
	v61 =	vand.u32 $0x7FFFFFFF, v51  }
0x13e: {  	v54 =	vmul.f32 v14, v22;
	v9 =	vmul.f32 v61, v9;
	v3 =	vsel vm1, v3, v4  }
0x13f: {  	v17 =	vand.u32 $0x7FFFFFFF, v52;
	v46 =	vmul.f32 v11, v19;
	v15 =	vperm.xlane v3, v2  }
0x140: {  	v48 =	vadd.f32 v54, v48;
	v63 =	vmul.f32 v17, v8;
	v11 =	vmul.f32 $6.000000240e-01, v52  }
0x141: {  	v12 =	vand.u32 $0x7FFFFFFF, v5;
	v5 =	vmul.f32 $6.000000240e-01, v5;
	v3 =	vadd.f32 v3, v15  }
0x142: {  	v53 =	vmul.f32 v12, v20;
	v62 =	vmul.f32 v16, v23  }
0x143: {  	v6 =	vadd.f32 v46, v6;
	v16 =	vperm.xlane v48, v0;
	v3 =	vperm.xlane v3, v7  }
0x144: {  	v12 =	vmul.f32 $6.000000240e-01, v51;
	v4 =	vmul.f32 v13, v21;
	v5 =	vadd.f32 v53, v5  }
0x145: {  	v50 =	vadd.f32 v62, v10;
	v48 =	vadd.f32 v16, v48;
	v3 =	vmul.f32 $1.442695020e+00, v3  }
0x146: {  	v14 =	vperm.xlane v6, v0;
	v4 =	vadd.f32 v4, v47;
	v47 =	vadd.f32 v9, v12  }
0x147: {  	v2 =	vperm.xlane v5, v0;
	(erf) = vpow2.f32 v3;
	v3 =	vadd.f32 v56, v49  }
0x148: {  	v17 =	vperm.xlane v50, v0;
	v15 =	vperm.xlane v4, v0;
	v49 =	vadd.f32 v63, v11  }
0x149: {  	v6 =	vadd.f32 v14, v6;
	v19 =	vperm.xlane v47, v0;
	v13 =	vperm.xlane v3, v0  }
0x14a: {  	v5 =	vadd.f32 v2, v5;
	v4 =	vadd.f32 v15, v4;
	v18 =	vperm.xlane v49, v0  }
0x14b: {  	v52 =	vbroadcast v45, $0x1;
	v47 =	vadd.f32 v19, v47;
	v3 =	vadd.f32 v13, v3  }
0x14c: {  	v4 =	vsel vm2, v5, v4;
	v56 =	vadd.f32 v17, v50;
	v49 =	vadd.f32 v18, v49  }
0x14d: {  	v51 =	vbroadcast v45, $0x0;
	v59 =	vperm.xlane v4, v1;
	v3 =	vsel vm2, v3, v6  }
0x14e: {  	v6 =	vsel vm2, v48, v56;
	v47 =	vsel vm2, v49, v47;
	v58 =	vperm.xlane v3, v1  }
0x14f: {  	s16 =	sadd.s32 $0x2, s16;
	v61 =	vperm.xlane v6, v1;
	v62 =	vperm.xlane v47, v1  }
0x150: {  	p0 =	slt.u32 s16, $0x2E;
	v50 =	vbroadcast v45, $0x5;
	v4 =	vadd.f32 v59, v4;
	v46 =	vpop (erf);
	v3 =	vadd.f32 v58, v3  }
.Ltmp0:
0x151: {  	v5 =	vadd.f32 v61, v6;
	v63 =	vadd.f32 v62, v47;
	v57 =	vbroadcast v46, $0x7;
	(pc) =	sbr.rel @p0 .LBB2_3-.Ltmp0, $4  }
0x152: {  	v49 =	vbroadcast v45, $0x3;
	v48 =	vbroadcast v45, $0x4;
	v3 =	vsel vm0, v3, v4  }
0x153: {  	s12 =	smov.u32 s13;
	s13 =	sadd.s32 $0x120, s13;
	v54 =	vsel vm0, v5, v63;
	v44 =	vmul.f32 v57, v44;
	v4 =	vperm.xlane v3, v60  }
0x154: {  	v22 =	vmovc v25;
	v23 =	vmov v26;
	v47 =	vbroadcast v45, $0x6;
	[tilespmem:s13+$0x80] =	vst v46;
	v55 =	vperm.xlane v54, v60  }
0x155: {  	s17 =	sadd.s32 $0x100, s17;
	v26 =	vmovc v28;
	v21 =	vmovc v24;
	[tilespmem:s13+$0x70] =	vst v44;
	v44 =	vbroadcast v45, $0x2;
	v53 =	vadd.f32 v4, v3;
	v45 =	vbroadcast v45, $0x7  }
0x156: {  	v3 =	vadd.f32 v55, v54;
	_ =	sdelay $0x1  }
0x157: {  	v3 =	vsel vm1, v53, v3;
	v53 =	vld [tilespmem:$0x1FFD0]  }
0x158: {  	v62 =	vmul.f32 v51, v26  }
0x159: {  	v5 =	vmul.f32 v52, v21  }
0x15a: {  	v51 =	vld [tilespmem:$0x1FFE0];
	[tilespmem:s12+$0xFFFFFF70] =	vst v62  }
0x15b: {  	[tilespmem:s12+$0xFFFFFF80] =	vst v5  }
0x15c: {  	v2 =	vld [tilespmem:$0x1FE40];
	v4 =	vperm.xlane v3, v53;
	_ =	sdelay $0x1  }
0x15d: {  	v63 =	vmul.f32 v44, v22;
	v3 =	vadd.f32 v3, v4;
	_ =	sdelay $0x1  }
0x15e: {  	[tilespmem:s12+$0xFFFFFF90] =	vst v63;
	v3 =	vperm.xlane v3, v51  }
0x15f: {  	v9 =	vmul.f32 v48, v2;
	v2 =	vld [tilespmem:$0x1FE50]  }
0x160: {  	v3 =	vmul.f32 $1.442695020e+00, v3  }
0x161: {  	v6 =	vmul.f32 v49, v23  }
0x162: {  	v10 =	vbroadcast v46, $0x0;
	(erf) = vpow2.f32 v3  }
0x163: {  	v12 =	vbroadcast v46, $0x1;
	v21 =	vmul.f32 v45, v27;
	[tilespmem:s12+$0xFFFFFFA0] =	vst v6  }
0x164: {  	v4 =	vmul.f32 v10, v31;
	v3 =	vmul.f32 v50, v2;
	v2 =	vld [tilespmem:$0x1FE60];
	[tilespmem:s12+$0xFFFFFFB0] =	vst v9  }
0x165: {  	v13 =	vbroadcast v46, $0x3;
	[tilespmem:s12+$0xFFFFFFE0] =	vst v21  }
0x166: {  	v15 =	vbroadcast v46, $0x6;
	v5 =	vmul.f32 v12, v32;
	[tilespmem:s13+$0x0] =	vst v4  }
0x167: {  	v6 =	vmul.f32 v13, v34;
	[tilespmem:s12+$0xFFFFFFC0] =	vst v3;
	v3 =	vbroadcast v46, $0x2  }
0x168: {  	v21 =	vbroadcast v46, $0x4;
	[tilespmem:s13+$0x10] =	vst v5;
	v5 =	vmul.f32 v15, v30  }
0x169: {  	v14 =	vbroadcast v46, $0x5;
	[tilespmem:s13+$0x30] =	vst v6;
	v3 =	vmul.f32 v3, v33  }
0x16a: {  	v21 =	vmul.f32 v21, v35;
	[tilespmem:s13+$0x60] =	vst v5  }
0x16b: {  	[tilespmem:s13+$0x20] =	vst v3;
	v3 =	vmul.f32 v14, v29;
	v16 =	vpop (erf)  }
0x16c: {  	[tilespmem:s13+$0x40] =	vst v21;
	v11 =	vmul.f32 v47, v2;
	v17 =	vbroadcast v16, $0x0  }
0x16d: {  	[tilespmem:s13+$0x50] =	vst v3;
	v3 =	vbroadcast v16, $0x1  }
0x16e: {  	[tilespmem:s12+$0xFFFFFFD0] =	vst v11;
	v18 =	vbroadcast v16, $0x2;
	v6 =	vmul.f32 v17, v43  }
0x16f: {  	[tilespmem:s13+$0xFFFFFFF0] =	vst v16;
	v21 =	vbroadcast v16, $0x3;
	v3 =	vmul.f32 v3, v36  }
0x170: {  	v22 =	vbroadcast v16, $0x4;
	v5 =	vmul.f32 v18, v37;
	[tilespmem:s13+$0xFFFFFF70] =	vst v6  }
0x171: {  	v19 =	vbroadcast v16, $0x5;
	v21 =	vmul.f32 v21, v39;
	[tilespmem:s13+$0xFFFFFF80] =	vst v3  }
0x172: {  	v4 =	vbroadcast v16, $0x7;
	v22 =	vmul.f32 v22, v38;
	[tilespmem:s13+$0xFFFFFF90] =	vst v5  }
0x173: {  	v32 =	vmul.f32 v19, v40;
	v3 =	vbroadcast v16, $0x6;
	[tilespmem:s13+$0xFFFFFFA0] =	vst v21  }
0x174: {  	v4 =	vmul.f32 v4, v42;
	[tilespmem:s13+$0xFFFFFFB0] =	vst v22  }
0x175: {  	[tilespmem:s13+$0xFFFFFFC0] =	vst v32;
	v3 =	vmul.f32 v3, v41  }
0x176: {  	p0 =	seq.s32 s9, $0x68;
	[tilespmem:s13+$0xFFFFFFE0] =	vst v4  }
0x177: {  	s10 =	simm.s32 @!p0 $0x2;
	[tilespmem:s13+$0xFFFFFFD0] =	vst v3  }
0x178: {  	[spmem:s2] =	stream.indirect.scatter.add.f32 [tilespmem:s3], [sflag:$0x2], $0x90, s23, s24, $0xb8;
	[tilespmem:$0x1FB40] =	vst v63  }
0x179: {  	_ =	swait.ge @!p0 [sflag:s10], $0x1B00  }
0x17a: {  	s12 =	sadd.s32 @!p0 s22, s15;
	[sflag:s10] =	ssyncset.done @!p0 $0x0  }
0x17b: {  	[sflag:s10] =	ssyncadd.s32 @!p0 $0xFFFFE500;
	s10 =	sshrl.u32 @!p0 s12, $0x3  }
0x17c: {  	s16 =	simm.s32 @!p0 $0x16480;
	s13 =	simm.s32 @!p0 $0x0;
	s12 =	sadd.s32 @!p0 s1, s10  }
0x17d: {  	[tilespmem:s16], [sflag:$0x5] =	stream.linear.gather @!p0 [hbm4b:s12+s13], $0x30, $0x38;
	[tilespmem:$0x1FB40] =	vst v63  }
0x17e: {  	s12 =	simm.s32 @!p0 $0x5  }
0x17f: {  	_ =	swait.ge @!p0 [sflag:s12], $0x30  }
0x180: {  	[sflag:s12] =	ssyncset.done @!p0 $0x0  }
0x181: {  	s17 =	simm.s32 @!p0 $0x164B0;
	s10 =	sadd.s32 @!p0 s7, s10;
	[sflag:s12] =	ssyncadd.s32 @!p0 $0xFFFFFFD0  }
0x182: {  	[tilespmem:s17], [sflag:$0x5] =	stream.linear.gather @!p0 [hbm4b:s10+s13], $0x30, $0x38;
	[tilespmem:$0x1FB40] =	vst v63  }
0x183: {  	_ =	swait.ge @!p0 [sflag:s12], $0x30  }
0x184: {  	[sflag:s12] =	ssyncset.done @!p0 $0x0  }
0x185: {  	s10 =	simm.s32 @!p0 $0x30;
	[sflag:s12] =	ssyncadd.s32 @!p0 $0xFFFFFFD0;
	s12 =	simm.s32 @!p0 $0x164E0  }
0x186: {  	[tilespmem:s12], [sflag:$0x1] =	stream.indirect.gather @!p0 [hbm4b:s5+s10], $0x80, s16, s10, $0xb8;
	[tilespmem:$0x1FB40] =	vst v63  }
0x187: {  	s12 =	simm.s32 @!p0 $0x17CE0  }
0x188: {  	[tilespmem:s12], [sflag:$0x1] =	stream.indirect.gather @!p0 [hbm4b:s6+s10], $0x80, s17, s10, $0xb8;
	[tilespmem:$0x1FB40] =	vst v63  }
0x189: {  	_ =	swait.ge [sflag:s20], $0x1800  }
0x18a: {  	[sflag:s20] =	ssyncset.done $0x0  }
0x18b: {  	[sflag:s20] =	ssyncadd.s32 $0xFFFFE800  }
0x18c: {  	_ =	swait.ge [sflag:s20], $0x1800  }
0x18d: {  	v9 =	vld [tilespmem:$0x1FEF0]  }
0x18e: {  	v10 =	vld [tilespmem:$0x1FF00]  }
0x18f: {  	v11 =	vld [tilespmem:$0x1FF10]  }
0x190: {  	v12 =	vld [tilespmem:$0x1FF20]  }
0x191: {  	v13 =	vld [tilespmem:$0x1FF30]  }
0x192: {  	v14 =	vld [tilespmem:$0x1FF40]  }
0x193: {  	v15 =	vld [tilespmem:$0x1FF50]  }
0x194: {  	v16 =	vld [tilespmem:$0x1FF60]  }
0x195: {  	[sflag:s20] =	ssyncset.done $0x0;
	v17 =	vld [tilespmem:$0x1FF70]  }
0x196: {  	s16 =	simm.s32 $0x1C8C0;
	v18 =	vld [tilespmem:$0x1FF80];
	[sflag:s20] =	ssyncadd.s32 $0xFFFFE800  }
0x197: {  	v3 =	vld [tilespmem:s16+$0x0]  }
0x198: {  	v33 =	vld [tilespmem:s16+$0x10]  }
0x199: {  	s17 =	simm.s32 $0x1B0C0;
	v34 =	vld [tilespmem:s16+$0x20]  }
0x19a: {  	v38 =	vld [tilespmem:s17+$0x0]  }
0x19b: {  	v42 =	vld [tilespmem:s17+$0x10]  }
0x19c: {  	v43 =	vld [tilespmem:s17+$0x20]  }
0x19d: {  	v47 =	vld [tilespmem:s17+$0x30]  }
0x19e: {  	v46 =	vld [tilespmem:s17+$0x40]  }
0x19f: {  	v2 =	vld [tilespmem:s17+$0x50]  }
0x1a0: {  	v35 =	vld [tilespmem:s16+$0x30]  }
0x1a1: {  	v21 =	vld [tilespmem:s16+$0x40]  }
0x1a2: {  	v22 =	vld [tilespmem:s16+$0x50];
	v23 =	vmul.f32 v38, v9  }
0x1a3: {  	v20 =	vld [tilespmem:$0x1FFA0];
	v24 =	vmul.f32 v42, v10;
	v25 =	vmul.f32 v43, v11  }
0x1a4: {  	v50 =	vld [tilespmem:$0x1FFC0];
	[tilespmem:$0x1FE20] =	vst v2;
	v27 =	vmul.f32 v47, v12;
	v28 =	vmul.f32 v46, v13;
	v3 =	vadd.f32 v3, v23  }
0x1a5: {  	v45 =	vld [tilespmem:s17+$0x60];
	v4 =	vadd.f32 v33, v24;
	v23 =	vmul.f32 v2, v14;
	v5 =	vadd.f32 v34, v25  }
0x1a6: {  	v29 =	vld [tilespmem:s17+$0x70];
	v6 =	vadd.f32 v35, v27;
	v21 =	vadd.f32 v21, v28  }
0x1a7: {  	v26 =	vld [tilespmem:s16+$0x60];
	v22 =	vadd.f32 v22, v23;
	v25 =	vmul.f32 $6.000000240e-01, v3;
	v27 =	vmul.f32 $6.000000240e-01, v4  }
0x1a8: {  	v30 =	vld [tilespmem:s16+$0x70];
	v28 =	vmul.f32 $6.000000240e-01, v6;
	v3 =	vand.u32 $0x7FFFFFFF, v3;
	v4 =	vand.u32 $0x7FFFFFFF, v4  }
0x1a9: {  	v19 =	vld [tilespmem:$0x1FF90];
	v6 =	vand.u32 $0x7FFFFFFF, v6;
	v3 =	vmul.f32 v3, v17;
	v4 =	vmul.f32 v4, v18  }
0x1aa: {  	v2 =	vld [tilespmem:$0x1FFB0];
	v6 =	vmul.f32 v6, v20;
	v24 =	vmul.f32 v45, v15  }
0x1ab: {  	v23 =	vmul.f32 v29, v16;
	v31 =	vmul.f32 $6.000000240e-01, v22;
	v22 =	vand.u32 $0x7FFFFFFF, v22  }
0x1ac: {  	v3 =	vadd.f32 v3, v25;
	v22 =	vmul.f32 v22, v50;
	v6 =	vadd.f32 v6, v28  }
0x1ad: {  	v7 =	vld [tilespmem:$0x1FED0];
	v24 =	vadd.f32 v26, v24;
	v26 =	vmul.f32 $6.000000240e-01, v5;
	v23 =	vadd.f32 v30, v23  }
0x1ae: {  	v8 =	vld [tilespmem:$0x1FEE0];
	v30 =	vmul.f32 $6.000000240e-01, v21;
	v5 =	vand.u32 $0x7FFFFFFF, v5;
	v21 =	vand.u32 $0x7FFFFFFF, v21  }
0x1af: {  	v4 =	vadd.f32 v4, v27;
	v5 =	vmul.f32 v5, v19;
	v21 =	vmul.f32 v21, v2  }
0x1b0: {  	v28 =	vadd.f32 v22, v31;
	v27 =	vperm.xlane v3, v0;
	v54 =	vperm.xlane v6, v0  }
0x1b1: {  	v41 =	vmul.f32 $6.000000240e-01, v24;
	v44 =	vmul.f32 $6.000000240e-01, v23;
	v24 =	vand.u32 $0x7FFFFFFF, v24  }
0x1b2: {  	v59 =	vld [tilespmem:s16+$0xFFFFFF80];
	v23 =	vand.u32 $0x7FFFFFFF, v23;
	v5 =	vadd.f32 v5, v26;
	v24 =	vmul.f32 v24, v7  }
0x1b3: {  	v22 =	vld [tilespmem:s17+$0xFFFFFFA0];
	v26 =	vadd.f32 v21, v30;
	v25 =	vmul.f32 v23, v8;
	v30 =	vperm.xlane v4, v0  }
0x1b4: {  	v56 =	vperm.xlane v28, v0;
	v3 =	vadd.f32 v27, v3;
	v6 =	vadd.f32 v54, v6;
	v27 =	vld [tilespmem:s17+$0xFFFFFF80]  }
0x1b5: {  	v21 =	vld [tilespmem:s17+$0xFFFFFFB0];
	v31 =	vadd.f32 v24, v41;
	v52 =	vperm.xlane v5, v0;
	v33 =	vadd.f32 v25, v44  }
0x1b6: {  	v63 =	vld [tilespmem:s16+$0xFFFFFF90];
	v55 =	vperm.xlane v26, v0;
	v4 =	vadd.f32 v30, v4;
	v28 =	vadd.f32 v56, v28  }
0x1b7: {  	v36 =	vld [tilespmem:s16+$0xFFFFFFB0];
	v30 =	vperm.xlane v31, v0;
	v5 =	vadd.f32 v52, v5;
	v57 =	vperm.xlane v33, v0  }
0x1b8: {  	v23 =	vld [tilespmem:s17+$0xFFFFFF90];
	v58 =	vadd.f32 v55, v26;
	v3 =	vsel vm2, v3, v4;
	v55 =	vmul.f32 v22, v11  }
0x1b9: {  	v26 =	vld [tilespmem:s17+$0xFFFFFFE0];
	v49 =	vmul.f32 v27, v9;
	v30 =	vadd.f32 v30, v31;
	v31 =	vadd.f32 v57, v33  }
0x1ba: {  	v25 =	vmovc v21;
	v21 =	vld [tilespmem:s17+$0xFFFFFFC0];
	v61 =	vsel vm2, v5, v6;
	v62 =	vsel vm2, v58, v28;
	v28 =	vperm.xlane v3, v1  }
0x1bb: {  	v33 =	vld [tilespmem:s16+$0xFFFFFFA0];
	v56 =	vmul.f32 v25, v12;
	v34 =	vperm.xlane v62, v1;
	v32 =	vadd.f32 v59, v49  }
0x1bc: {  	v24 =	vld [tilespmem:s17+$0xFFFFFFD0];
	v30 =	vsel vm2, v30, v31;
	v31 =	vperm.xlane v61, v1;
	v3 =	vadd.f32 v28, v3  }
0x1bd: {  	[tilespmem:$0x1FDF0] =	vst v27;
	v35 =	vadd.f32 v36, v56;
	v48 =	vperm.xlane v30, v1;
	v5 =	vadd.f32 v34, v62  }
0x1be: {  	v57 =	vld [tilespmem:s16+$0xFFFFFFD0];
	v49 =	vmul.f32 v26, v15;
	v4 =	vadd.f32 v31, v61;
	v31 =	vmul.f32 v23, v10  }
0x1bf: {  	v54 =	vld [tilespmem:s16+$0xFFFFFFC0];
	v58 =	vmul.f32 v21, v13;
	v44 =	vmul.f32 $6.000000240e-01, v35;
	v30 =	vadd.f32 v48, v30  }
0x1c0: {  	v52 =	vld [tilespmem:s17+$0xFFFFFFF0];
	[tilespmem:$0x1FE00] =	vst v21;
	v33 =	vadd.f32 v33, v55;
	v3 =	vsel vm0, v3, v4;
	v6 =	vadd.f32 v63, v31  }
0x1c1: {  	v61 =	vld [tilespmem:s16+$0xFFFFFFE0];
	v63 =	vmul.f32 v24, v14;
	v59 =	vsel vm0, v5, v30;
	v30 =	vperm.xlane v3, v60  }
0x1c2: {  	v56 =	vand.u32 $0x7FFFFFFF, v33;
	v33 =	vmul.f32 $6.000000240e-01, v33;
	v31 =	vperm.xlane v59, v60  }
0x1c3: {  	v39 =	vadd.f32 v57, v63;
	v5 =	vmul.f32 v56, v19;
	v3 =	vadd.f32 v30, v3  }
0x1c4: {  	v30 =	vadd.f32 v54, v58;
	v54 =	vand.u32 $0x7FFFFFFF, v6;
	v58 =	vand.u32 $0x7FFFFFFF, v35  }
0x1c5: {  	v62 =	vld [tilespmem:s16+$0xFFFFFFF0];
	v6 =	vmul.f32 $6.000000240e-01, v6;
	v4 =	vadd.f32 v31, v59;
	v31 =	vmul.f32 v52, v16  }
0x1c6: {  	v28 =	vmovc v52;
	v52 =	vand.u32 $0x7FFFFFFF, v32;
	v55 =	vadd.f32 v61, v49;
	v37 =	vmul.f32 v54, v18  }
0x1c7: {  	v61 =	vand.u32 $0x7FFFFFFF, v39;
	v40 =	vmul.f32 v58, v20;
	v32 =	vmul.f32 $6.000000240e-01, v32  }
0x1c8: {  	v5 =	vadd.f32 v5, v33;
	v36 =	vmul.f32 v61, v50;
	v3 =	vsel vm1, v3, v4  }
0x1c9: {  	v59 =	vand.u32 $0x7FFFFFFF, v30;
	v30 =	vmul.f32 $6.000000240e-01, v30;
	v57 =	vperm.xlane v3, v53  }
0x1ca: {  	v31 =	vadd.f32 v62, v31;
	v62 =	vand.u32 $0x7FFFFFFF, v55;
	v41 =	vmul.f32 v59, v2  }
0x1cb: {  	v6 =	vadd.f32 v37, v6;
	v4 =	vmul.f32 $6.000000240e-01, v55;
	v3 =	vadd.f32 v3, v57  }
0x1cc: {  	v55 =	vperm.xlane v5, v0;
	v48 =	vmul.f32 v62, v7;
	v63 =	vand.u32 $0x7FFFFFFF, v31  }
0x1cd: {  	v31 =	vmul.f32 $6.000000240e-01, v31;
	v30 =	vadd.f32 v41, v30;
	v3 =	vperm.xlane v3, v51  }
0x1ce: {  	v54 =	vperm.xlane v6, v0;
	v5 =	vadd.f32 v55, v5;
	v49 =	vmul.f32 v63, v8  }
0x1cf: {  	[tilespmem:$0x1FE10] =	vst v24;
	v24 =	vmovc v51;
	v4 =	vadd.f32 v48, v4;
	v51 =	vmul.f32 $6.000000240e-01, v39;
	v3 =	vmul.f32 $1.442695020e+00, v3  }
0x1d0: {  	v34 =	vmul.f32 v52, v17;
	v6 =	vadd.f32 v54, v6;
	v31 =	vadd.f32 v49, v31  }
0x1d1: {  	v59 =	vperm.xlane v4, v0;
	v52 =	vadd.f32 v36, v51;
	(erf) = vpow2.f32 v3  }
0x1d2: {  	v61 =	vperm.xlane v31, v0;
	v3 =	vadd.f32 v34, v32;
	v32 =	vadd.f32 v40, v44  }
0x1d3: {  	v57 =	vperm.xlane v30, v0;
	v4 =	vadd.f32 v59, v4;
	v58 =	vperm.xlane v52, v0  }
0x1d4: {  	v21 =	vmovc v53;
	v62 =	vadd.f32 v61, v31;
	v53 =	vperm.xlane v3, v0;
	v56 =	vperm.xlane v32, v0  }
0x1d5: {  	v30 =	vadd.f32 v57, v30;
	v33 =	vadd.f32 v58, v52  }
0x1d6: {  	v4 =	vsel vm2, v4, v62;
	v3 =	vadd.f32 v53, v3;
	v32 =	vadd.f32 v56, v32  }
0x1d7: {  	s22 =	simm.s32 $0x1C9C0;
	v63 =	vperm.xlane v4, v1;
	v30 =	vsel vm2, v30, v33  }
0x1d8: {  	v37 =	vld [tilespmem:s22+$0x20];
	v33 =	vperm.xlane v30, v1;
	v3 =	vsel vm2, v3, v6;
	v5 =	vsel vm2, v5, v32  }
0x1d9: {  	v39 =	vld [tilespmem:s22+$0x30];
	v31 =	vperm.xlane v3, v1;
	v32 =	vperm.xlane v5, v1  }
0x1da: {  	v36 =	vld [tilespmem:s22+$0x0];
	v4 =	vadd.f32 v63, v4;
	v30 =	vadd.f32 v33, v30;
	v48 =	vpop (erf)  }
0x1db: {  	v40 =	vld [tilespmem:s22+$0x40];
	v3 =	vadd.f32 v31, v3;
	v5 =	vadd.f32 v32, v5;
	v41 =	vbroadcast v48, $0x7  }
0x1dc: {  	s10 =	simm.s32 $0x1B1C0;
	v6 =	vld [tilespmem:s22+$0x10]  }
0x1dd: {  	v33 =	vld [tilespmem:s10+$0x20];
	v4 =	vsel vm0, v30, v4;
	v3 =	vsel vm0, v3, v5;
	v5 =	vmul.f32 v41, v29  }
0x1de: {  	v31 =	vld [tilespmem:s10+$0x0];
	v30 =	vperm.xlane v4, v60  }
0x1df: {  	v32 =	vld [tilespmem:s10+$0x10];
	v51 =	vbroadcast v48, $0x1;
	v52 =	vbroadcast v48, $0x2;
	[tilespmem:$0x1FE30] =	vst v5  }
0x1e0: {  	v53 =	vbroadcast v48, $0x3;
	v44 =	vperm.xlane v3, v60;
	v34 =	vld [tilespmem:s10+$0x30]  }
0x1e1: {  	v54 =	vbroadcast v48, $0x4;
	v55 =	vbroadcast v48, $0x5;
	v4 =	vadd.f32 v30, v4;
	v35 =	vld [tilespmem:s10+$0x40]  }
0x1e2: {  	v59 =	vmul.f32 v33, v11;
	v51 =	vmul.f32 v51, v42;
	v3 =	vadd.f32 v44, v3;
	v29 =	vld [tilespmem:s10+$0x50]  }
0x1e3: {  	v52 =	vmul.f32 v52, v43;
	v47 =	vmul.f32 v53, v47;
	v30 =	vld [tilespmem:s10+$0x60]  }
0x1e4: {  	v54 =	vmul.f32 v54, v46;
	v5 =	vbroadcast v48, $0x0;
	v56 =	vld [tilespmem:s22+$0x50];
	v3 =	vsel vm1, v3, v4  }
0x1e5: {  	v27 =	vmovc v26;
	v26 =	vmov v21;
	v57 =	vmul.f32 v31, v9;
	v41 =	vperm.xlane v3, v21;
	v21 =	vld [tilespmem:s10+$0x70]  }
0x1e6: {  	v44 =	vbroadcast v48, $0x6;
	v58 =	vmul.f32 v32, v10;
	v60 =	vld [tilespmem:s22+$0x60]  }
0x1e7: {  	v37 =	vadd.f32 v37, v59;
	v36 =	vadd.f32 v36, v57;
	v61 =	vmul.f32 v34, v12  }
0x1e8: {  	v6 =	vadd.f32 v6, v58;
	v62 =	vmul.f32 v35, v13;
	v57 =	vmul.f32 v29, v14  }
0x1e9: {  	v45 =	vmul.f32 v44, v45;
	v49 =	vmul.f32 v30, v15;
	v39 =	vadd.f32 v39, v61  }
0x1ea: {  	v63 =	vld [tilespmem:s22+$0x70];
	v40 =	vadd.f32 v40, v62;
	v4 =	vmul.f32 v21, v16;
	v56 =	vadd.f32 v56, v57  }
0x1eb: {  	v57 =	vmul.f32 $6.000000240e-01, v36;
	v61 =	vmul.f32 $6.000000240e-01, v6;
	v58 =	vadd.f32 v60, v49  }
0x1ec: {  	v60 =	vmul.f32 $6.000000240e-01, v37;
	v36 =	vand.u32 $0x7FFFFFFF, v36;
	v6 =	vand.u32 $0x7FFFFFFF, v6  }
0x1ed: {  	v37 =	vand.u32 $0x7FFFFFFF, v37;
	v36 =	vmul.f32 v36, v17;
	v6 =	vmul.f32 v6, v18  }
0x1ee: {  	v37 =	vmul.f32 v37, v19;
	v62 =	vmul.f32 $6.000000240e-01, v39  }
0x1ef: {  	v59 =	vadd.f32 v63, v4;
	v4 =	vadd.f32 v3, v41;
	v49 =	vmul.f32 $6.000000240e-01, v40  }
0x1f0: {  	v63 =	vmul.f32 $6.000000240e-01, v56;
	v3 =	vmul.f32 $6.000000240e-01, v58;
	v39 =	vand.u32 $0x7FFFFFFF, v39  }
0x1f1: {  	v40 =	vand.u32 $0x7FFFFFFF, v40;
	v56 =	vand.u32 $0x7FFFFFFF, v56;
	v58 =	vand.u32 $0x7FFFFFFF, v58  }
0x1f2: {  	v36 =	vadd.f32 v36, v57;
	v39 =	vmul.f32 v39, v20;
	v40 =	vmul.f32 v40, v2  }
0x1f3: {  	v56 =	vmul.f32 v56, v50;
	v6 =	vadd.f32 v6, v61;
	v37 =	vadd.f32 v37, v60  }
0x1f4: {  	v42 =	vld [tilespmem:s10+$0xFFFFFFF0];
	v58 =	vmul.f32 v58, v7;
	v57 =	vmul.f32 $6.000000240e-01, v59;
	v59 =	vand.u32 $0x7FFFFFFF, v59  }
0x1f5: {  	v43 =	vld [tilespmem:s10+$0xFFFFFF80];
	v4 =	vperm.xlane v4, v24;
	v39 =	vadd.f32 v39, v62;
	v40 =	vadd.f32 v40, v49  }
0x1f6: {  	v53 =	vld [tilespmem:s22+$0xFFFFFF80];
	v49 =	vmul.f32 v59, v8;
	v56 =	vadd.f32 v56, v63;
	v59 =	vperm.xlane v36, v0  }
0x1f7: {  	v46 =	vld [tilespmem:s22+$0xFFFFFF90];
	v60 =	vperm.xlane v6, v0;
	v3 =	vadd.f32 v58, v3;
	v58 =	vperm.xlane v37, v0  }
0x1f8: {  	v44 =	vld [tilespmem:s22+$0xFFFFFFB0];
	v4 =	vmul.f32 $1.442695020e+00, v4;
	v61 =	vperm.xlane v39, v0  }
0x1f9: {  	v62 =	vld [tilespmem:$0x1FFF0];
	v41 =	vadd.f32 v49, v57;
	v57 =	vperm.xlane v40, v0;
	v49 =	vperm.xlane v56, v0  }
0x1fa: {  	v59 =	vadd.f32 v59, v36;
	v6 =	vadd.f32 v60, v6;
	v60 =	vperm.xlane v3, v0;
	v36 =	vld [tilespmem:s10+$0xFFFFFF90]  }
0x1fb: {  	v58 =	vadd.f32 v58, v37;
	v37 =	vld [tilespmem:s10+$0xFFFFFFA0];
	v61 =	vadd.f32 v61, v39;
	v63 =	vperm.xlane v41, v0  }
0x1fc: {  	v40 =	vadd.f32 v57, v40;
	v56 =	vadd.f32 v49, v56;
	v49 =	vmul.f32 v5, v38;
	v39 =	vld [tilespmem:s10+$0xFFFFFFB0]  }
0x1fd: {  	v3 =	vadd.f32 v60, v3;
	v38 =	vld [tilespmem:s10+$0xFFFFFFC0];
	v6 =	vsel vm2, v59, v6;
	v41 =	vadd.f32 v63, v41  }
0x1fe: {  	v5 =	vperm.xlane v6, v1;
	v57 =	vsel vm2, v58, v61;
	v56 =	vsel vm2, v40, v56;
	v40 =	vld [tilespmem:s10+$0xFFFFFFD0]  }
0x1ff: {  	v63 =	vld [tilespmem:$0x1FE20];
	v59 =	vperm.xlane v57, v1;
	v60 =	vperm.xlane v56, v1;
	v3 =	vsel vm2, v3, v41  }
0x200: {  	(erf) = vpow2.f32 v4;
	v4 =	vld [tilespmem:s22+$0xFFFFFFD0];
	v6 =	vadd.f32 v5, v6;
	v61 =	vperm.xlane v3, v1  }
0x201: {  	v41 =	vld [tilespmem:s10+$0xFFFFFFE0];
	v57 =	vadd.f32 v59, v57;
	v56 =	vadd.f32 v60, v56;
	v60 =	vmul.f32 v43, v9  }
0x202: {  	v9 =	vmul.f32 v36, v10;
	v10 =	vmul.f32 v37, v11;
	v3 =	vadd.f32 v61, v3;
	v61 =	vld [tilespmem:$0x1FFF0]  }
0x203: {  	v11 =	vmul.f32 v39, v12;
	v13 =	vmul.f32 v38, v13  }
0x204: {  	v59 =	vld [tilespmem:s22+$0xFFFFFFC0];
	v6 =	vsel vm0, v6, v57;
	v55 =	vmul.f32 v55, v63;
	v14 =	vmul.f32 v40, v14  }
0x205: {  	v46 =	vadd.f32 v46, v9;
	v44 =	vadd.f32 v44, v11;
	v3 =	vsel vm0, v56, v3;
	v56 =	vld [tilespmem:s22+$0xFFFFFFA0]  }
0x206: {  	v11 =	vmul.f32 v42, v16;
	v9 =	vmul.f32 v41, v15;
	v14 =	vadd.f32 v4, v14  }
0x207: {  	v53 =	vadd.f32 v53, v60;
	v58 =	vperm.xlane v3, v62;
	v57 =	vperm.xlane v6, v61  }
0x208: {  	v16 =	vand.u32 $0x7FFFFFFF, v44;
	v44 =	vmul.f32 $6.000000240e-01, v44;
	v4 =	vand.u32 $0x7FFFFFFF, v14  }
0x209: {  	v5 =	vmul.f32 $6.000000240e-01, v14;
	v3 =	vadd.f32 v58, v3;
	v6 =	vadd.f32 v57, v6  }
0x20a: {  	v4 =	vmul.f32 v4, v50;
	v56 =	vadd.f32 v56, v10;
	v10 =	vadd.f32 v59, v13  }
0x20b: {  	v13 =	vand.u32 $0x7FFFFFFF, v46;
	v59 =	vmul.f32 v16, v20;
	v46 =	vmul.f32 $6.000000240e-01, v46  }
0x20c: {  	v4 =	vadd.f32 v4, v5;
	v62 =	vmul.f32 v13, v18;
	v3 =	vsel vm1, v6, v3  }
0x20d: {  	v15 =	vand.u32 $0x7FFFFFFF, v56;
	v56 =	vmul.f32 $6.000000240e-01, v56;
	v12 =	vperm.xlane v3, v26  }
0x20e: {  	v6 =	vld [tilespmem:s22+$0xFFFFFFF0];
	v57 =	vmul.f32 $6.000000240e-01, v10;
	v44 =	vadd.f32 v59, v44;
	v60 =	vmul.f32 v15, v19  }
0x20f: {  	v58 =	vld [tilespmem:s22+$0xFFFFFFE0];
	v46 =	vadd.f32 v62, v46;
	v15 =	vperm.xlane v4, v0;
	v3 =	vadd.f32 v3, v12  }
0x210: {  	v12 =	vand.u32 $0x7FFFFFFF, v53;
	v53 =	vmul.f32 $6.000000240e-01, v53;
	v56 =	vadd.f32 v60, v56  }
0x211: {  	v61 =	vmul.f32 v12, v17;
	v17 =	vand.u32 $0x7FFFFFFF, v10;
	v10 =	vperm.xlane v46, v0  }
0x212: {  	v12 =	vperm.xlane v44, v0;
	v3 =	vperm.xlane v3, v24  }
0x213: {  	s12 =	simm.s32 $0x1E0D0;
	v14 =	vpop (erf);
	v6 =	vadd.f32 v6, v11;
	v63 =	vmul.f32 v17, v2;
	v11 =	vperm.xlane v56, v0  }
0x214: {  	v58 =	vadd.f32 v58, v9;
	v2 =	vld [tilespmem:$0x1FE30];
	[tilespmem:s12+$0x0] =	vst v49;
	v49 =	vbroadcast v14, $0x3;
	v3 =	vmul.f32 $1.442695020e+00, v3  }
0x215: {  	v53 =	vadd.f32 v61, v53;
	v50 =	vand.u32 $0x7FFFFFFF, v6;
	v6 =	vmul.f32 $6.000000240e-01, v6  }
0x216: {  	v61 =	vmul.f32 v50, v8;
	(erf) = vpow2.f32 v3;
	v3 =	vand.u32 $0x7FFFFFFF, v58  }
0x217: {  	v4 =	vadd.f32 v15, v4;
	v58 =	vmul.f32 $6.000000240e-01, v58;
	v3 =	vmul.f32 v3, v7  }
0x218: {  	[tilespmem:s12+$0x80] =	vst v48;
	v48 =	vbroadcast v14, $0x4;
	v46 =	vadd.f32 v10, v46;
	v57 =	vadd.f32 v63, v57  }
0x219: {  	v9 =	vperm.xlane v53, v0;
	v6 =	vadd.f32 v61, v6;
	v3 =	vadd.f32 v3, v58  }
0x21a: {  	v44 =	vadd.f32 v12, v44;
	v56 =	vadd.f32 v11, v56;
	v13 =	vperm.xlane v57, v0  }
0x21b: {  	v5 =	vadd.f32 v9, v53;
	v18 =	vperm.xlane v6, v0;
	v16 =	vperm.xlane v3, v0  }
0x21c: {  	v50 =	vbroadcast v14, $0x5;
	v44 =	vsel vm2, v56, v44;
	[tilespmem:s12+$0x70] =	vst v2;
	v17 =	vadd.f32 v13, v57  }
0x21d: {  	v2 =	vld [tilespmem:$0x1FFF0];
	[tilespmem:s12+$0x10] =	vst v51;
	v5 =	vsel vm2, v5, v46;
	v6 =	vadd.f32 v18, v6;
	v3 =	vadd.f32 v16, v3  }
0x21e: {  	[tilespmem:s12+$0x20] =	vst v52;
	v58 =	vperm.xlane v44, v1;
	v56 =	vperm.xlane v5, v1;
	v4 =	vsel vm2, v17, v4  }
0x21f: {  	[tilespmem:s12+$0x30] =	vst v47;
	v51 =	vbroadcast v14, $0x0;
	v60 =	vperm.xlane v4, v1;
	v3 =	vsel vm2, v3, v6  }
0x220: {  	[tilespmem:s12+$0x40] =	vst v54;
	v61 =	vadd.f32 v58, v44;
	v5 =	vadd.f32 v56, v5;
	v46 =	vpop (erf);
	v62 =	vperm.xlane v3, v1  }
0x221: {  	[tilespmem:s12+$0x50] =	vst v55;
	v52 =	vbroadcast v14, $0x1;
	v19 =	vbroadcast v46, $0x7  }
0x222: {  	[tilespmem:s12+$0x60] =	vst v45;
	v4 =	vadd.f32 v60, v4;
	v5 =	vsel vm0, v5, v61;
	v3 =	vadd.f32 v62, v3  }
0x223: {  	s13 =	simm.s32 $0x1E1F0;
	[tilespmem:s12+$0xFFFFFFF0] =	vst v14;
	v63 =	vperm.xlane v5, v2;
	v57 =	vmul.f32 v19, v21  }
0x224: {  	v47 =	vbroadcast v14, $0x6;
	v45 =	vbroadcast v14, $0x7;
	[tilespmem:s13+$0x80] =	vst v46;
	v54 =	vsel vm0, v4, v3  }
0x225: {  	s17 =	simm.s32 $0x1CAC0;
	s16 =	simm.s32 $0x2;
	v44 =	vbroadcast v14, $0x2;
	v53 =	vadd.f32 v63, v5;
	[tilespmem:s13+$0x70] =	vst v57;
	v55 =	vperm.xlane v54, v2  }
.LBB2_5:
0x226: {  	v3 =	vld [tilespmem:s17+$0x0]  }
0x227: {  	v6 =	vld [tilespmem:s17+$0x10]  }
0x228: {  	v57 =	vld [tilespmem:s17+$0x20]  }
0x229: {  	v60 =	vld [tilespmem:s17+$0x30]  }
0x22a: {  	v2 =	vld [tilespmem:$0x1FDF0]  }
0x22b: {  	v61 =	vld [tilespmem:s17+$0x50]  }
0x22c: {  	v7 =	vld [tilespmem:$0x1FE00]  }
0x22d: {  	v11 =	vld [tilespmem:$0x1FE10]  }
0x22e: {  	v10 =	vld [tilespmem:$0x1FEF0]  }
0x22f: {  	v20 =	vld [tilespmem:$0x1FF90]  }
0x230: {  	s10 =	sadd.s32 $0x100, s10;
	v21 =	vld [tilespmem:$0x1FFA0]  }
0x231: {  	v26 =	vmov v37;
	v37 =	vld [tilespmem:s10+$0x0]  }
0x232: {  	v4 =	vbroadcast v46, $0x0;
	v5 =	vbroadcast v46, $0x1;
	v13 =	vld [tilespmem:s10+$0x10]  }
0x233: {  	v18 =	vbroadcast v46, $0x2;
	v56 =	vbroadcast v46, $0x3;
	v16 =	vld [tilespmem:s10+$0x20]  }
0x234: {  	v58 =	vbroadcast v46, $0x4;
	v59 =	vbroadcast v46, $0x5;
	v17 =	vld [tilespmem:s10+$0x30]  }
0x235: {  	v46 =	vbroadcast v46, $0x6;
	v15 =	vmov v40;
	v19 =	vmul.f32 v44, v22;
	v44 =	vld [tilespmem:s10+$0x70]  }
0x236: {  	[tilespmem:$0x1FE10] =	vst v15;
	v15 =	vld [tilespmem:$0x1FF40]  }
0x237: {  	v14 =	vmul.f32 v47, v27;
	v46 =	vmul.f32 v46, v30;
	v30 =	vld [tilespmem:s10+$0x60]  }
0x238: {  	[tilespmem:s12+$0xFFFFFF90] =	vst v19;
	v19 =	vld [tilespmem:s10+$0x40]  }
0x239: {  	[tilespmem:s12+$0xFFFFFFD0] =	vst v14;
	v14 =	vld [tilespmem:$0x1FF30]  }
0x23a: {  	v51 =	vmul.f32 v51, v2;
	v2 =	vmov v43;
	v43 =	vld [tilespmem:s17+$0x40];
	v12 =	vmul.f32 v50, v11  }
0x23b: {  	[tilespmem:$0x1FDF0] =	vst v2;
	v2 =	vld [tilespmem:$0x1FFD0]  }
0x23c: {  	v8 =	vmov v38;
	v52 =	vmul.f32 v52, v23;
	v62 =	vmul.f32 v49, v25;
	[tilespmem:s12+$0xFFFFFFC0] =	vst v12;
	v12 =	vld [tilespmem:$0x1FF10]  }
0x23d: {  	v54 =	vadd.f32 v55, v54;
	v45 =	vmul.f32 v45, v28;
	[tilespmem:$0x1FE00] =	vst v8;
	v4 =	vmul.f32 v4, v31;
	v11 =	vld [tilespmem:$0x1FF00]  }
0x23e: {  	v5 =	vmul.f32 v5, v32;
	v18 =	vmul.f32 v18, v33;
	[tilespmem:s12+$0xFFFFFF80] =	vst v52;
	v31 =	vmovc v37;
	v32 =	vmov v13;
	v13 =	vld [tilespmem:$0x1FF20]  }
0x23f: {  	v53 =	vsel vm1, v53, v54;
	[tilespmem:s12+$0xFFFFFFA0] =	vst v62;
	v48 =	vmul.f32 v48, v7;
	v7 =	vld [tilespmem:$0x1FFE0];
	v37 =	vmul.f32 v31, v10  }
0x240: {  	v62 =	vmul.f32 v58, v35;
	v33 =	vmov v16;
	v16 =	vld [tilespmem:$0x1FF50];
	[tilespmem:s12+$0xFFFFFF70] =	vst v51;
	v54 =	vperm.xlane v53, v2  }
0x241: {  	v22 =	vld [tilespmem:$0x1FFB0];
	v55 =	vmul.f32 v19, v14;
	v35 =	vmovc v19;
	v3 =	vadd.f32 v3, v37;
	v38 =	vmul.f32 v33, v12  }
0x242: {  	v19 =	vld [tilespmem:$0x1FF80];
	v8 =	vmul.f32 v32, v11;
	v63 =	vadd.f32 v53, v54;
	v53 =	vmul.f32 v56, v34;
	v34 =	vmovc v17  }
0x243: {  	v25 =	vmovc v39;
	[tilespmem:s12+$0xFFFFFFB0] =	vst v48;
	v48 =	vmul.f32 $6.000000240e-01, v3;
	v17 =	vld [tilespmem:$0x1FF60];
	v54 =	vmul.f32 v34, v13;
	v50 =	vadd.f32 v57, v38  }
0x244: {  	v39 =	vperm.xlane v63, v7;
	v63 =	vmul.f32 v59, v29;
	v29 =	vld [tilespmem:s10+$0x50];
	[tilespmem:s13+$0x0] =	vst v4;
	v4 =	vadd.f32 v6, v8  }
0x245: {  	v59 =	vmul.f32 v30, v16;
	v9 =	vld [tilespmem:s17+$0x60];
	[tilespmem:s13+$0x10] =	vst v5;
	v5 =	vadd.f32 v60, v54;
	v60 =	vadd.f32 v43, v55  }
0x246: {  	v52 =	vmul.f32 $1.442695020e+00, v39;
	v51 =	vmul.f32 $6.000000240e-01, v4;
	v4 =	vand.u32 $0x7FFFFFFF, v4  }
0x247: {  	v56 =	vld [tilespmem:s17+$0x70];
	[tilespmem:s13+$0x30] =	vst v53;
	v53 =	vmul.f32 $6.000000240e-01, v5;
	v54 =	vmul.f32 $6.000000240e-01, v60;
	v5 =	vand.u32 $0x7FFFFFFF, v5  }
0x248: {  	[tilespmem:s12+$0xFFFFFFE0] =	vst v45;
	v47 =	vand.u32 $0x7FFFFFFF, v60;
	v4 =	vmul.f32 v4, v19;
	(erf) = vpow2.f32 v52  }
0x249: {  	[tilespmem:s13+$0x20] =	vst v18;
	v18 =	vld [tilespmem:$0x1FF70];
	v5 =	vmul.f32 v5, v21;
	v47 =	vmul.f32 v47, v22  }
0x24a: {  	v23 =	vld [tilespmem:$0x1FFC0];
	[tilespmem:s13+$0x50] =	vst v63;
	v63 =	vadd.f32 v9, v59;
	v9 =	vmul.f32 $6.000000240e-01, v50;
	v50 =	vand.u32 $0x7FFFFFFF, v50  }
0x24b: {  	v24 =	vmovc v36;
	v36 =	vld [tilespmem:s10+$0xFFFFFF90];
	v58 =	vmul.f32 v29, v15;
	v4 =	vadd.f32 v4, v51;
	v50 =	vmul.f32 v50, v20  }
0x24c: {  	v8 =	vld [tilespmem:$0x1FED0];
	[tilespmem:s13+$0x40] =	vst v62;
	v62 =	vmul.f32 v44, v17;
	v5 =	vadd.f32 v5, v53;
	v47 =	vadd.f32 v47, v54  }
0x24d: {  	v3 =	vand.u32 $0x7FFFFFFF, v3;
	[tilespmem:s13+$0x60] =	vst v46;
	v6 =	vadd.f32 v61, v58;
	v46 =	vadd.f32 v50, v9;
	v9 =	vld [tilespmem:$0x1FEE0]  }
0x24e: {  	v40 =	vld [tilespmem:s10+$0xFFFFFFD0];
	v49 =	vadd.f32 v56, v62;
	v3 =	vmul.f32 v3, v18;
	v54 =	vperm.xlane v4, v0  }
0x24f: {  	v27 =	vmovc v41;
	v41 =	vld [tilespmem:s10+$0xFFFFFFE0];
	v56 =	vmul.f32 $6.000000240e-01, v63;
	v52 =	vand.u32 $0x7FFFFFFF, v63;
	v55 =	vmul.f32 $6.000000240e-01, v6  }
0x250: {  	v28 =	vmovc v42;
	v42 =	vld [tilespmem:s10+$0xFFFFFFF0];
	v57 =	vmul.f32 $6.000000240e-01, v49;
	v6 =	vand.u32 $0x7FFFFFFF, v6;
	v49 =	vand.u32 $0x7FFFFFFF, v49  }
0x251: {  	v37 =	vld [tilespmem:s10+$0xFFFFFFA0];
	v3 =	vadd.f32 v3, v48;
	v63 =	vmul.f32 v52, v8;
	v6 =	vmul.f32 v6, v23  }
0x252: {  	v38 =	vld [tilespmem:s10+$0xFFFFFFC0];
	v62 =	vperm.xlane v5, v0;
	v4 =	vadd.f32 v54, v4;
	v45 =	vpop (erf);
	v49 =	vmul.f32 v49, v9  }
0x253: {  	v39 =	vld [tilespmem:s10+$0xFFFFFFB0];
	v53 =	vperm.xlane v3, v0;
	v50 =	vadd.f32 v63, v56;
	v6 =	vadd.f32 v6, v55;
	[tilespmem:s13+$0xFFFFFFF0] =	vst v45  }
0x254: {  	v5 =	vadd.f32 v62, v5;
	v56 =	vperm.xlane v46, v0;
	v43 =	vld [tilespmem:s10+$0xFFFFFF80];
	v49 =	vadd.f32 v49, v57  }
0x255: {  	v3 =	vadd.f32 v53, v3;
	v53 =	vperm.xlane v50, v0;
	v63 =	vperm.xlane v6, v0  }
0x256: {  	v46 =	vadd.f32 v56, v46;
	v58 =	vld [tilespmem:s17+$0xFFFFFF80];
	v57 =	vperm.xlane v47, v0;
	v54 =	vperm.xlane v49, v0  }
0x257: {  	v59 =	vld [tilespmem:s17+$0xFFFFFF90];
	v50 =	vadd.f32 v53, v50;
	v3 =	vsel vm2, v3, v4;
	v6 =	vadd.f32 v63, v6  }
0x258: {  	v60 =	vld [tilespmem:s17+$0xFFFFFFA0];
	v63 =	vmul.f32 v37, v12;
	v47 =	vadd.f32 v57, v47;
	v49 =	vadd.f32 v54, v49  }
0x259: {  	v61 =	vld [tilespmem:s17+$0xFFFFFFB0];
	v4 =	vsel vm2, v46, v5;
	v57 =	vmul.f32 v36, v11;
	v62 =	vmul.f32 v43, v10  }
0x25a: {  	v48 =	vld [tilespmem:s17+$0xFFFFFFC0];
	v11 =	vperm.xlane v4, v1;
	v5 =	vsel vm2, v47, v6;
	v6 =	vsel vm2, v50, v49  }
0x25b: {  	v51 =	vld [tilespmem:s17+$0xFFFFFFD0];
	v49 =	vadd.f32 v58, v62;
	v58 =	vperm.xlane v5, v1;
	v62 =	vperm.xlane v6, v1  }
0x25c: {  	v52 =	vld [tilespmem:s17+$0xFFFFFFE0];
	v10 =	vperm.xlane v3, v1;
	v4 =	vadd.f32 v11, v4;
	v47 =	vadd.f32 v59, v57  }
0x25d: {  	v12 =	vmul.f32 v40, v15;
	v5 =	vadd.f32 v58, v5;
	v6 =	vadd.f32 v62, v6  }
0x25e: {  	v11 =	vmul.f32 v38, v14;
	v3 =	vadd.f32 v10, v3;
	v10 =	vmul.f32 v39, v13  }
0x25f: {  	v13 =	vmul.f32 v41, v16;
	v14 =	vsel vm0, v5, v6;
	v5 =	vadd.f32 v60, v63;
	v60 =	vld [tilespmem:$0x1FFF0]  }
0x260: {  	v55 =	vld [tilespmem:s17+$0xFFFFFFF0];
	v51 =	vadd.f32 v51, v12;
	v48 =	vadd.f32 v48, v11  }
0x261: {  	v46 =	vadd.f32 v61, v10;
	v10 =	vand.u32 $0x7FFFFFFF, v47;
	v52 =	vadd.f32 v52, v13  }
0x262: {  	v13 =	vand.u32 $0x7FFFFFFF, v48;
	v47 =	vmul.f32 $6.000000240e-01, v47;
	v48 =	vmul.f32 $6.000000240e-01, v48  }
0x263: {  	v3 =	vsel vm0, v3, v4;
	v62 =	vmul.f32 v42, v17;
	v54 =	vmul.f32 v13, v22  }
0x264: {  	v12 =	vand.u32 $0x7FFFFFFF, v46;
	v15 =	vperm.xlane v3, v60;
	v16 =	vperm.xlane v14, v60  }
0x265: {  	v46 =	vmul.f32 $6.000000240e-01, v46;
	v63 =	vand.u32 $0x7FFFFFFF, v49;
	v50 =	vadd.f32 v55, v62  }
0x266: {  	v11 =	vand.u32 $0x7FFFFFFF, v5;
	v3 =	vadd.f32 v15, v3;
	v4 =	vadd.f32 v16, v14  }
0x267: {  	v57 =	vmul.f32 v63, v18;
	v17 =	vand.u32 $0x7FFFFFFF, v50;
	v53 =	vmul.f32 v11, v20  }
0x268: {  	v63 =	vmul.f32 v17, v9;
	v11 =	vmul.f32 $6.000000240e-01, v50;
	v3 =	vsel vm1, v3, v4  }
0x269: {  	v6 =	vmul.f32 v10, v19;
	v14 =	vperm.xlane v3, v2  }
0x26a: {  	v49 =	vmul.f32 $6.000000240e-01, v49;
	v5 =	vmul.f32 $6.000000240e-01, v5;
	v13 =	vadd.f32 v63, v11  }
0x26b: {  	v10 =	vmul.f32 $6.000000240e-01, v52;
	v9 =	vmul.f32 $6.000000240e-01, v51;
	v3 =	vadd.f32 v3, v14  }
0x26c: {  	v5 =	vadd.f32 v53, v5;
	v15 =	vand.u32 $0x7FFFFFFF, v51;
	v19 =	vperm.xlane v13, v0  }
0x26d: {  	v16 =	vand.u32 $0x7FFFFFFF, v52;
	v61 =	vmul.f32 v15, v23;
	v3 =	vperm.xlane v3, v7  }
0x26e: {  	v48 =	vadd.f32 v54, v48;
	v62 =	vmul.f32 v16, v8;
	v4 =	vmul.f32 v12, v21  }
0x26f: {  	v6 =	vadd.f32 v6, v47;
	v15 =	vperm.xlane v5, v0;
	v3 =	vmul.f32 $1.442695020e+00, v3  }
0x270: {  	v47 =	vadd.f32 v61, v9;
	v2 =	vperm.xlane v48, v0;
	v4 =	vadd.f32 v4, v46  }
0x271: {  	v5 =	vadd.f32 v15, v5;
	(erf) = vpow2.f32 v3;
	v3 =	vadd.f32 v57, v49  }
0x272: {  	v14 =	vperm.xlane v6, v0;
	v16 =	vperm.xlane v4, v0;
	v49 =	vadd.f32 v62, v10  }
0x273: {  	v17 =	vperm.xlane v47, v0;
	v48 =	vadd.f32 v2, v48;
	v12 =	vperm.xlane v3, v0  }
0x274: {  	v6 =	vadd.f32 v14, v6;
	v4 =	vadd.f32 v16, v4;
	v18 =	vperm.xlane v49, v0  }
0x275: {  	v50 =	vbroadcast v45, $0x5;
	v53 =	vadd.f32 v17, v47;
	v3 =	vadd.f32 v12, v3  }
0x276: {  	v4 =	vsel vm2, v5, v4;
	v57 =	vadd.f32 v19, v13;
	v55 =	vadd.f32 v18, v49  }
0x277: {  	v51 =	vbroadcast v45, $0x0;
	v59 =	vperm.xlane v4, v1;
	v3 =	vsel vm2, v3, v6  }
0x278: {  	v6 =	vsel vm2, v48, v53;
	v47 =	vsel vm2, v55, v57;
	v58 =	vperm.xlane v3, v1  }
0x279: {  	s16 =	sadd.s32 $0x2, s16;
	v61 =	vperm.xlane v6, v1;
	v62 =	vperm.xlane v47, v1  }
0x27a: {  	p0 =	slt.u32 s16, $0x2E;
	v52 =	vbroadcast v45, $0x1;
	v4 =	vadd.f32 v59, v4;
	v46 =	vpop (erf);
	v3 =	vadd.f32 v58, v3  }
.Ltmp1:
0x27b: {  	v5 =	vadd.f32 v61, v6;
	v63 =	vadd.f32 v62, v47;
	v56 =	vbroadcast v46, $0x7;
	(pc) =	sbr.rel @p0 .LBB2_5-.Ltmp1, $4  }
0x27c: {  	v49 =	vbroadcast v45, $0x3;
	v48 =	vbroadcast v45, $0x4;
	v3 =	vsel vm0, v3, v4  }
0x27d: {  	s12 =	smov.u32 s13;
	s13 =	sadd.s32 $0x120, s13;
	v54 =	vsel vm0, v5, v63;
	v44 =	vmul.f32 v56, v44;
	v4 =	vperm.xlane v3, v60  }
0x27e: {  	v47 =	vbroadcast v45, $0x6;
	[tilespmem:s13+$0x80] =	vst v46;
	v55 =	vperm.xlane v54, v60  }
0x27f: {  	s17 =	sadd.s32 $0x100, s17;
	v22 =	vmovc v26;
	v23 =	vmovc v24;
	[tilespmem:s13+$0x70] =	vst v44;
	v44 =	vbroadcast v45, $0x2;
	v53 =	vadd.f32 v4, v3;
	v45 =	vbroadcast v45, $0x7  }
0x280: {  	v59 =	vld [tilespmem:$0x1FFD0];
	_ =	sdelay $0x1  }
0x281: {  	v3 =	vadd.f32 v55, v54;
	v2 =	vld [tilespmem:$0x1FDF0];
	_ =	sdelay $0x1  }
0x282: {  	v3 =	vsel vm1, v53, v3  }
0x283: {  	v4 =	vperm.xlane v3, v59;
	_ =	sdelay $0x1  }
0x284: {  	v3 =	vadd.f32 v3, v4;
	v4 =	vmul.f32 v51, v2;
	v2 =	vld [tilespmem:$0x1FFE0];
	_ =	sdelay $0x2  }
0x285: {  	v5 =	vmul.f32 v52, v23;
	_ =	sdelay $0x1  }
0x286: {  	[tilespmem:s12+$0xFFFFFF80] =	vst v5;
	v3 =	vperm.xlane v3, v2  }
0x287: {  	[tilespmem:s12+$0xFFFFFF70] =	vst v4;
	v4 =	vmul.f32 v44, v22  }
0x288: {  	v5 =	vld [tilespmem:$0x1FE00];
	v3 =	vmul.f32 $1.442695020e+00, v3  }
0x289: {  	[tilespmem:s12+$0xFFFFFF90] =	vst v4  }
0x28a: {  	(erf) = vpow2.f32 v3;
	v3 =	vld [tilespmem:$0x1FE10]  }
0x28b: {  	v6 =	vmul.f32 v49, v25  }
0x28c: {  	v21 =	vmul.f32 v45, v28;
	v4 =	vbroadcast v46, $0x0  }
0x28d: {  	v5 =	vmul.f32 v48, v5;
	[tilespmem:s12+$0xFFFFFFA0] =	vst v6  }
0x28e: {  	v61 =	vbroadcast v46, $0x4;
	v4 =	vmul.f32 v4, v31;
	[tilespmem:s12+$0xFFFFFFE0] =	vst v21  }
0x28f: {  	[tilespmem:s12+$0xFFFFFFB0] =	vst v5;
	v5 =	vbroadcast v46, $0x1;
	v3 =	vmul.f32 v50, v3  }
0x290: {  	v6 =	vmul.f32 v47, v27;
	[tilespmem:s13+$0x0] =	vst v4;
	v4 =	vbroadcast v46, $0x5  }
0x291: {  	v5 =	vmul.f32 v5, v32;
	[tilespmem:s12+$0xFFFFFFC0] =	vst v3;
	v3 =	vbroadcast v46, $0x2  }
0x292: {  	v21 =	vmul.f32 v61, v35;
	[tilespmem:s12+$0xFFFFFFD0] =	vst v6;
	v6 =	vbroadcast v46, $0x3  }
0x293: {  	[tilespmem:s13+$0x10] =	vst v5;
	v5 =	vbroadcast v46, $0x6;
	v3 =	vmul.f32 v3, v33  }
0x294: {  	[tilespmem:s13+$0x40] =	vst v21;
	v6 =	vmul.f32 v6, v34  }
0x295: {  	v5 =	vmul.f32 v5, v30;
	[tilespmem:s13+$0x20] =	vst v3;
	v3 =	vmul.f32 v4, v29;
	v4 =	vpop (erf)  }
0x296: {  	[tilespmem:s13+$0x30] =	vst v6;
	v6 =	vbroadcast v4, $0x0  }
0x297: {  	[tilespmem:s13+$0x60] =	vst v5;
	v5 =	vbroadcast v4, $0x2  }
0x298: {  	[tilespmem:s13+$0x50] =	vst v3;
	v3 =	vbroadcast v4, $0x1;
	v6 =	vmul.f32 v6, v43  }
0x299: {  	[tilespmem:s13+$0xFFFFFFF0] =	vst v4;
	v62 =	vbroadcast v4, $0x3;
	v5 =	vmul.f32 v5, v37  }
0x29a: {  	v63 =	vbroadcast v4, $0x4;
	v3 =	vmul.f32 v3, v36;
	[tilespmem:s13+$0xFFFFFF70] =	vst v6  }
0x29b: {  	v21 =	vmul.f32 v62, v39;
	v6 =	vbroadcast v4, $0x5;
	[tilespmem:s13+$0xFFFFFF90] =	vst v5  }
0x29c: {  	v22 =	vmul.f32 v63, v38;
	[tilespmem:s13+$0xFFFFFF80] =	vst v3;
	v3 =	vbroadcast v4, $0x6  }
0x29d: {  	[tilespmem:s13+$0xFFFFFFA0] =	vst v21;
	v4 =	vbroadcast v4, $0x7;
	v5 =	vmul.f32 v6, v40  }
0x29e: {  	[tilespmem:s13+$0xFFFFFFB0] =	vst v22;
	v3 =	vmul.f32 v3, v41  }
0x29f: {  	v4 =	vmul.f32 v4, v42;
	[tilespmem:s13+$0xFFFFFFC0] =	vst v5  }
0x2a0: {  	[tilespmem:s13+$0xFFFFFFD0] =	vst v3  }
0x2a1: {  	[tilespmem:s13+$0xFFFFFFE0] =	vst v4  }
0x2a2: {  	v8 =	vld [tilespmem:$0x1FEF0]  }
0x2a3: {  	v9 =	vld [tilespmem:$0x1FF00]  }
0x2a4: {  	v10 =	vld [tilespmem:$0x1FF10]  }
0x2a5: {  	v11 =	vld [tilespmem:$0x1FF20]  }
0x2a6: {  	v12 =	vld [tilespmem:$0x1FF30]  }
0x2a7: {  	v13 =	vld [tilespmem:$0x1FF40]  }
0x2a8: {  	v14 =	vld [tilespmem:$0x1FF50]  }
0x2a9: {  	v15 =	vld [tilespmem:$0x1FF60]  }
0x2aa: {  	v16 =	vld [tilespmem:$0x1FF70]  }
0x2ab: {  	s9 =	sadd.s32 $0x1, s9;
	v17 =	vld [tilespmem:$0x1FF80]  }
0x2ac: {  	p0 =	sne.s32 s9, $0x69;
	v18 =	vld [tilespmem:$0x1FF90]  }
.Ltmp2:
0x2ad: {  	v19 =	vld [tilespmem:$0x1FFA0];
	(pc) =	sbr.rel @p0 .LBB2_2-.Ltmp2, $4  }
0x2ae: {  	v7 =	vld [tilespmem:$0x1FFC0]  }
0x2af: {  	v5 =	vld [tilespmem:$0x1FED0]  }
0x2b0: {  	v6 =	vld [tilespmem:$0x1FEE0]  }
0x2b1: {  	[spmem:s2] =	stream.indirect.scatter.add.f32 [tilespmem:s21], [sflag:$0x4], $0x90, s29, s24, $0xb8;
	v3 =	vmov v59;
	v4 =	vmov v2;
	v2 =	vld [tilespmem:$0x1FFB0]  }
0x2b2: {  	_ =	swait.ge [sflag:s25], $0x1B00  }
0x2b3: {  	[sflag:s25] =	ssyncset.done $0x0  }
0x2b4: {  	[sflag:s25] =	ssyncadd.s32 $0xFFFFE500  }
0x2b5: {  	_ =	swait.ge [sflag:s26], $0x1B00  }
0x2b6: {  	[sflag:s26] =	ssyncset.done $0x0  }
0x2b7: {  	[sflag:s26] =	ssyncadd.s32 $0xFFFFE500  }
0x2b8: {  	[bflag:$0x0] =	sbarrier.arrive $0xFFFF  }
0x2b9: {  	s9 =	rddreg [dreg:$0x9]  }
0x2ba: {  	[hbm:s9], [sflag:s11] =	dma.local [spmem:s18], $0x2C70  }
0x2bb: {  	_ =	swait.ge [sflag:s19], $0x2C70  }
0x2bc: {  	s8 =	sadd.s32 $0x1, s8;
	s22 =	rddreg [dreg:$0xa]  }
0x2bd: {  	p0 =	sne.s32 s8, s22  }
.Ltmp3:
0x2be: {  	_ = 	snop;
	(pc) =	sbr.rel @p0 .LBB2_1-.Ltmp3, $3  }
0x2bf: {  	_ =	sdelay $0x1  }
0x2c0: {  	[sflag:s19] =	ssyncset.done $0x0  }
0x2c1: {  	[sflag:s19] =	ssyncadd.s32 $0xFFFFD390  }
0x2c2: {  	_ =	sfence.sel $0x180000  }
0x2c3: {  	[bflag:$0x0] =	sbarrier.arrive $0xFFFF  }
0x2c4: {  	_ =	strace $0x90000047  }
0x2c5: {  	s0 =	stileid.u32;
	[bflag:$0x2] =	sbarrier.arrive $0xFFFF  }
0x2c6: {  	p0 =	sne.s32 s0, $0x0;
	s0 =	rddreg [dreg:$0x3]  }
0x2c7: {  	s0 =	sadd.s32 @!p0 $0x100000, s0  }
0x2c8: {  	[sflag:s0] =	ssyncadd.tile.s32 @!p0 $0x1;
	_ =	shalt  }
.Lfunc_end2:
_tile_overlayer_lowered:
.L_overlay_start_2:
0x2c9: {  	(tag) =	ssettag $0x2  }
0x2ca: {  	s0 =	rddreg [dreg:$0x0];
	s2 =	stileid.u32  }
0x2cb: {  	s1 =	rddreg [dreg:$0x1];
	p0 =	sne.s32 s2, $0x0  }
0x2cc: {  	s3 =	rddreg [dreg:$0x2];
	[bflag:$0x3] =	sbarrier.arrive $0xFFFF;
	s2 =	simm.s32 @!p0 $0x1C05  }
0x2cd: {  	[timem:s3], [sflag:s2] =	dma.local @!p0 [hbm:s0], s1  }
0x2ce: {  	s0 =	simm.s32 @!p0 $0x5  }
0x2cf: {  	_ =	swait.ge @!p0 [sflag:s0], s1  }
0x2d0: {  	s1 =	ssub.s32 @!p0 $0x0, s1;
	[sflag:s0] =	ssyncset.done @!p0 $0x0  }
0x2d1: {  	[sflag:s0] =	ssyncadd.s32 @!p0 s1  }
0x2d2: {  	[bflag:$0x3] =	sbarrier.arrive $0xFFFF  }
0x2d3: {  	_ =	shalt  }

</sc_bundles>
